<compile_context>
chip_gen: v7x
topology: tpu7x:2x2x1
jax: 0.10.2.dev20260603
libtpu: 0.0.44.dev20260713+nightly
codegen_flags: <defaults>
</compile_context>

<pallas_src>
import functools

import jax
import jax.numpy as jnp
from jax import lax
from jax.experimental import pallas as pl
from jax.experimental.pallas import tpu as pltpu
from jax.experimental.pallas import tpu_sc as plsc

F32 = jnp.float32
I32 = jnp.int32

B = 8
S0 = 512 * 512
S1 = 256 * 256
LBL = 32
LANES = 16
NTILES = 32
TPB = NTILES // B
BLK = 8192
NB0 = S0 // (TPB * BLK)
NB1 = S1 // (TPB * BLK)

MVAR = 0.1
MDIST = 1.5
VAR_W = 1.0
DIST_W = 1.0

_MESH = plsc.VectorSubcoreMesh(core_axis_name="c", subcore_axis_name="s")
_SC_PARAMS = pltpu.CompilerParams(needs_layout_passes=False)


def _wid():
    return lax.axis_index("s") * 2 + lax.axis_index("c")


@functools.partial(
    pl.kernel,
    out_type=jax.ShapeDtypeStruct((NTILES, 4, LBL), F32),
    mesh=_MESH,
    compiler_params=_SC_PARAMS,
    scratch_types=[
        pltpu.VMEM((BLK,), F32),
        pltpu.VMEM((BLK,), I32),
        pltpu.VMEM((LBL * LANES,), F32),
        pltpu.VMEM((LBL * LANES,), F32),
        pltpu.VMEM((LBL * LANES,), F32),
        pltpu.VMEM((LBL * LANES,), F32),
        pltpu.VMEM((LBL,), F32),
    ],
)
def _sc_bins(f0, g0, f1, g1, out, fbuf, gbuf, cnt0, sum0, cnt1, sum1, obuf):
    wid = _wid()
    b = wid // TPB
    q = wid % TPB
    lane = lax.iota(I32, LANES)
    ones = jnp.ones((LANES,), F32)
    zeros = jnp.zeros((LANES,), F32)

    for r in range(LBL):
        o = r * LANES
        cnt0[pl.ds(o, LANES)] = zeros
        sum0[pl.ds(o, LANES)] = zeros
        cnt1[pl.ds(o, LANES)] = zeros
        sum1[pl.ds(o, LANES)] = zeros

    def make_body(cnt, ssum):
        def body(i, _):
            o = pl.multiple_of(i * LANES, LANES)
            fv = fbuf[pl.ds(o, LANES)]
            gv = gbuf[pl.ds(o, LANES)]
            idx = gv * LANES + lane
            plsc.addupdate_scatter(ssum, [idx], fv)
            plsc.addupdate_scatter(cnt, [idx], ones)
            return 0
        return body

    body0 = make_body(cnt0, sum0)
    body1 = make_body(cnt1, sum1)

    for blk in range(NB0):
        off = q * (S0 // TPB) + blk * BLK
        pltpu.sync_copy(f0.at[b, pl.ds(off, BLK)], fbuf)
        pltpu.sync_copy(g0.at[b, pl.ds(off, BLK)], gbuf)
        lax.fori_loop(0, BLK // LANES, body0, 0)
    for blk in range(NB1):
        off = q * (S1 // TPB) + blk * BLK
        pltpu.sync_copy(f1.at[b, pl.ds(off, BLK)], fbuf)
        pltpu.sync_copy(g1.at[b, pl.ds(off, BLK)], gbuf)
        lax.fori_loop(0, BLK // LANES, body1, 0)

    for k, ref in enumerate((cnt0, sum0, cnt1, sum1)):
        for half in range(LBL // LANES):
            acc = zeros
            base = (lane + half * LANES) * LANES
            for j in range(LANES):
                acc = acc + plsc.load_gather(ref, [base + j])
            obuf[pl.ds(half * LANES, LANES)] = acc
        pltpu.sync_copy(obuf, out.at[wid, k])


def _tc_tables_body(bins_ref, tbl_ref):
    xl = bins_ref[...]
    ys = [jnp.sum(xl[b * TPB:(b + 1) * TPB], axis=0) for b in range(B)]
    c0 = jnp.concatenate([y[0:1] for y in ys], axis=0)
    s0 = jnp.concatenate([y[1:2] for y in ys], axis=0)
    c1 = jnp.concatenate([y[2:3] for y in ys], axis=0)
    s1 = jnp.concatenate([y[3:4] for y in ys], axis=0)

    total = c0 + c1
    mean = (s0 + s1) / jnp.maximum(total, 1.0)
    lbl = lax.broadcasted_iota(I32, (B, LBL), 1)
    labmask = (lbl >= 1) & (lbl <= 16)
    cmax = jnp.max(jnp.where((c0 > 0) & labmask, lbl, 0))
    valid = (total > 0) & (lbl <= cmax) & labmask
    w0 = jnp.where(valid & (c0 > 0), 1.0 / jnp.maximum(c0, 1.0), 0.0)
    w1 = jnp.where(valid & (c1 > 0), 1.0 / jnp.maximum(c1, 1.0), 0.0)
    pull_count = jnp.sum(valid.astype(F32))

    vf = valid.astype(F32)
    mi = lax.broadcast_in_dim(mean, (B, LBL, LBL), (0, 1))
    mj = lax.broadcast_in_dim(mean, (B, LBL, LBL), (0, 2))
    vi = lax.broadcast_in_dim(vf, (B, LBL, LBL), (0, 1))
    vj = lax.broadcast_in_dim(vf, (B, LBL, LBL), (0, 2))
    ii = lax.broadcasted_iota(I32, (B, LBL, LBL), 1)
    jj = lax.broadcasted_iota(I32, (B, LBL, LBL), 2)
    pv = vi * vj * (ii != jj).astype(F32)
    il = jnp.maximum(2.0 * MDIST - jnp.abs(mi - mj), 0.0) ** 2
    push_sum = jnp.sum(il * pv)
    push_count = jnp.sum(pv)
    push_loss = jnp.where(push_count > 0, push_sum / push_count * DIST_W, 0.0)

    ir = lax.broadcasted_iota(I32, (1, LBL), 1)
    misc = jnp.where(ir == 0, push_loss, jnp.where(ir == 1, pull_count, 0.0))
    tbl_ref[0] = mean
    tbl_ref[1] = w0
    tbl_ref[2] = w1
    tbl_ref[3] = jnp.broadcast_to(misc, (B, LBL))


_tc_tables = pl.pallas_call(
    _tc_tables_body,
    out_shape=jax.ShapeDtypeStruct((4, B, LBL), F32),
)


@functools.partial(
    pl.kernel,
    out_type=jax.ShapeDtypeStruct((NTILES, LANES), F32),
    mesh=_MESH,
    compiler_params=_SC_PARAMS,
    scratch_types=[
        pltpu.VMEM((BLK,), F32),
        pltpu.VMEM((BLK,), I32),
        pltpu.VMEM((LBL,), F32),
        pltpu.VMEM((LBL,), F32),
        pltpu.VMEM((LBL,), F32),
        pltpu.VMEM((LANES,), F32),
    ],
)
def _sc_pull(f0, g0, f1, g1, tbl, out, fbuf, gbuf, mv, w0v, w1v, accbuf):
    wid = _wid()
    b = wid // TPB
    q = wid % TPB

    pltpu.sync_copy(tbl.at[0, b], mv)
    pltpu.sync_copy(tbl.at[1, b], w0v)
    pltpu.sync_copy(tbl.at[2, b], w1v)

    def make_body(wv):
        def body(i, acc):
            o = pl.multiple_of(i * LANES, LANES)
            fv = fbuf[pl.ds(o, LANES)]
            gv = gbuf[pl.ds(o, LANES)]
            m = plsc.load_gather(mv, [gv])
            w = plsc.load_gather(wv, [gv])
            t = jnp.maximum(jnp.abs(fv - m) - MVAR, 0.0)
            return acc + t * t * w
        return body

    body0 = make_body(w0v)
    body1 = make_body(w1v)

    acc = jnp.zeros((LANES,), F32)
    for blk in range(NB0):
        off = q * (S0 // TPB) + blk * BLK
        pltpu.sync_copy(f0.at[b, pl.ds(off, BLK)], fbuf)
        pltpu.sync_copy(g0.at[b, pl.ds(off, BLK)], gbuf)
        acc = lax.fori_loop(0, BLK // LANES, body0, acc)
    for blk in range(NB1):
        off = q * (S1 // TPB) + blk * BLK
        pltpu.sync_copy(f1.at[b, pl.ds(off, BLK)], fbuf)
        pltpu.sync_copy(g1.at[b, pl.ds(off, BLK)], gbuf)
        acc = lax.fori_loop(0, BLK // LANES, body1, acc)

    accbuf[...] = acc
    pltpu.sync_copy(accbuf, out.at[wid])


def _tc_final_body(part_ref, tbl_ref, out_ref):
    ps = jnp.sum(part_ref[...])
    row = tbl_ref[3, 0:1, :]
    ir = lax.broadcasted_iota(I32, (1, LBL), 1)
    push_loss = jnp.sum(jnp.where(ir == 0, row, 0.0))
    pc = jnp.sum(jnp.where(ir == 1, row, 0.0))
    pull = jnp.where(pc > 0, ps / pc * VAR_W, 0.0)
    out_ref[...] = jnp.reshape(push_loss + pull, (1, 1))


_tc_final = pl.pallas_call(
    _tc_final_body,
    out_shape=jax.ShapeDtypeStruct((1, 1), F32),
)


@jax.jit
def kernel(featmap_s0, featmap_s1, gt_s0, gt_s1):
    f0 = featmap_s0.reshape(B, S0).astype(F32)
    f1 = featmap_s1.reshape(B, S1).astype(F32)
    g0 = gt_s0.reshape(B, S0).astype(I32)
    g1 = gt_s1.reshape(B, S1).astype(I32)

    bins = _sc_bins(f0, g0, f1, g1)
    tbl = _tc_tables(bins)
    partials = _sc_pull(f0, g0, f1, g1, tbl)
    out = _tc_final(partials, tbl)
    return out.reshape(())

# --- scband reference (transcript-rebuilt; emitter-appended) ---
"""Pipeline reference for scband-mspush-pull-loss-1022202216836 (READ-ONLY COPY).

The authoritative reference and input builder live on the scoring server;
editing this copy changes nothing except your own understanding.
"""

import jax, jax.numpy as jnp
import numpy as np

VAR_WEIGHT = 1.0
DIST_WEIGHT = 1.0
MARGIN_VAR = 0.1
MARGIN_DIST = 1.5
IGNORE_LABEL = 255
MAX_LABEL = 16


def setup_inputs(seed: int = 0):
    key = jax.random.key(seed)
    k1, k2, k3, k4 = jax.random.split(key, 4)
    return {
        'featmap_s0': jax.random.normal(k1, (8, 1, 512, 512), dtype=jnp.float32),
        'featmap_s1': jax.random.normal(k2, (8, 1, 256, 256), dtype=jnp.float32),
        'gt_s0': jax.random.randint(k3, (8, 1, 512, 512), 0, 17),
        'gt_s1': jax.random.randint(k4, (8, 1, 256, 256), 0, 17),
    }


def _fake_loss(featmaps):
    return sum(jnp.mean(f) for f in featmaps) * 0.0


def _ms_push_pull_loss(featmaps, gts):
    # C = max valid label in the finest-scale gt
    C = jnp.max(jnp.where(gts[0] < IGNORE_LABEL, gts[0], 0))
    batch_size = featmaps[0].shape[0]
    pull_vals = []
    pull_valid = []
    push_vals = []
    push_valid = []
    for b in range(batch_size):
        bfeats = [fm[b] for fm in featmaps]
        bgts = [gt[b] for gt in gts]
        instance_means = []
        instance_valid = []
        for i in range(1, MAX_LABEL + 1):
            instance_masks = [(bgt == i) for bgt in bgts]
            counts = [m.sum() for m in instance_masks]
            total = sum(counts)
            valid = (total > 0) & (i <= C)
            # mean over concatenated masked features across scales
            s = sum(jnp.sum(jnp.where(m, f, 0.0)) for f, m in zip(bfeats, instance_masks))
            total_safe = jnp.where(total > 0, total, 1).astype(jnp.float32)
            instance_mean = s / total_safe
            instance_means.append(instance_mean)
            instance_valid.append(valid)
            scale_instance_loss = 0.0
            for f, m, c in zip(bfeats, instance_masks, counts):
                d = jnp.maximum(jnp.abs(f - instance_mean) - MARGIN_VAR, 0.0) ** 2
                c_safe = jnp.where(c > 0, c, 1).astype(jnp.float32)
                term = jnp.sum(jnp.where(m, d, 0.0)) / c_safe
                scale_instance_loss = scale_instance_loss + jnp.where(c > 0, term, 0.0)
            pull_vals.append(jnp.where(valid, scale_instance_loss, 0.0))
            pull_valid.append(valid)
        for i in range(MAX_LABEL):
            for j in range(MAX_LABEL):
                if i == j:
                    continue
                pair_valid = instance_valid[i] & instance_valid[j]
                il = jnp.maximum(2.0 * MARGIN_DIST - jnp.abs(instance_means[i] - instance_means[j]), 0.0) ** 2
                push_vals.append(jnp.where(pair_valid, il, 0.0))
                push_valid.append(pair_valid)
    pull_count = sum(v.astype(jnp.float32) for v in pull_valid)
    push_count = sum(v.astype(jnp.float32) for v in push_valid)
    pull_sum = sum(pull_vals)
    push_sum = sum(push_vals)
    pull_empty = 0.0 * _fake_loss(featmaps)
    push_empty = 0.0 * _fake_loss(featmaps)
    pull = jnp.where(pull_count > 0,
                     (pull_sum / jnp.where(pull_count > 0, pull_count, 1.0)) * VAR_WEIGHT,
                     pull_empty)
    push = jnp.where(push_count > 0,
                     (push_sum / jnp.where(push_count > 0, push_count, 1.0)) * DIST_WEIGHT,
                     push_empty)
    return push + pull + _fake_loss(featmaps) * 0.0


def reference(featmap_s0, featmap_s1, gt_s0, gt_s1):
    return _ms_push_pull_loss([featmap_s0, featmap_s1], [gt_s0, gt_s1])

if __name__ == "__main__":
    import jax
    _d = setup_inputs()
    print(jax.jit(kernel)(*tuple(_d.values())))

</pallas_src>

<mosaic_0001>
#map = affine_map<(d0, d1) -> (0, 0)>
#map1 = affine_map<(d0, d1) -> (0, 0, 0)>
module attributes {stable_mosaic.version = 14 : i64} {
  func.func @_sc_bins(%arg0: i32, %arg1: i32, %arg2: memref<8x262144xf32, #tpu.memory_space<hbm>>, %arg3: memref<8x262144xi32, #tpu.memory_space<hbm>>, %arg4: memref<8x65536xf32, #tpu.memory_space<hbm>>, %arg5: memref<8x65536xi32, #tpu.memory_space<hbm>>, %arg6: memref<32x4x32xf32, #tpu.memory_space<hbm>>, %arg7: memref<8192xf32, #tpu.memory_space<vmem>>, %arg8: memref<8192xi32, #tpu.memory_space<vmem>>, %arg9: memref<512xf32, #tpu.memory_space<vmem>>, %arg10: memref<512xf32, #tpu.memory_space<vmem>>, %arg11: memref<512xf32, #tpu.memory_space<vmem>>, %arg12: memref<512xf32, #tpu.memory_space<vmem>>, %arg13: memref<32xf32, #tpu.memory_space<vmem>>) attributes {dimension_semantics = [#tpu.dimension_semantics<core_parallel>, #tpu.dimension_semantics<subcore_parallel>], iteration_bounds = array<i64: 2, 16>, scalar_prefetch = 0 : i64, scratch_operands = 7 : i64, tpu.core_type = #tpu.core_type<sc_vector_subcore>, window_params = [{transform_indices = #map}, {transform_indices = #map}, {transform_indices = #map}, {transform_indices = #map}, {transform_indices = #map1}]} {
    %mul3A = arith.constant 2 : i32
    %mul3A_0 = arith.muli %arg1, %mul3A : i32
    %add3A = arith.addi %mul3A_0, %arg0 : i32
    %jit3A = arith.constant 4 : i32
    %div3A = arith.divsi %add3A, %jit3A : i32
    %sign3A = arith.constant 0 : i32
    %sign3A_1 = arith.cmpi sgt, %add3A, %sign3A : i32
    %sign3A_2 = arith.extui %sign3A_1 : i1 to i32
    %sign3A_3 = arith.constant 0 : i32
    %sign3A_4 = arith.cmpi slt, %add3A, %sign3A_3 : i32
    %sign3A_5 = arith.extui %sign3A_4 : i1 to i32
    %sign3A_6 = arith.subi %sign3A_2, %sign3A_5 : i32
    %sign3A_7 = arith.constant 0 : i32
    %sign3A_8 = arith.cmpi sgt, %jit3A, %sign3A_7 : i32
    %sign3A_9 = arith.extui %sign3A_8 : i1 to i32
    %sign3A_10 = arith.constant 0 : i32
    %sign3A_11 = arith.cmpi slt, %jit3A, %sign3A_10 : i32
    %sign3A_12 = arith.extui %sign3A_11 : i1 to i32
    %sign3A_13 = arith.subi %sign3A_9, %sign3A_12 : i32
    %ne3A = arith.cmpi ne, %sign3A_6, %sign3A_13 : i32
    %rem3A = arith.remsi %add3A, %jit3A : i32
    %ne3A_14 = arith.constant 0 : i32
    %ne3A_15 = arith.cmpi ne, %rem3A, %ne3A_14 : i32
    %and3A = arith.andi %ne3A, %ne3A_15 : i1
    %sub3A = arith.constant 1 : i32
    %sub3A_16 = arith.subi %div3A, %sub3A : i32
    %select_n3A = arith.select %and3A, %sub3A_16, %div3A : i32
    %jit3A_17 = arith.constant 4 : i32
    %eq3A = arith.constant 0 : i32
    %eq3A_18 = arith.cmpi eq, %jit3A_17, %eq3A : i32
    %jit3A_19 = arith.constant 1 : i32
    %select_n3A_20 = arith.select %eq3A_18, %jit3A_19, %jit3A_17 : i32
    %rem3A_21 = arith.remsi %add3A, %select_n3A_20 : i32
    %ne3A_22 = arith.constant 0 : i32
    %ne3A_23 = arith.cmpi ne, %rem3A_21, %ne3A_22 : i32
    %lt3A = arith.constant 0 : i32
    %lt3A_24 = arith.cmpi slt, %rem3A_21, %lt3A : i32
    %lt3A_25 = arith.constant 0 : i32
    %lt3A_26 = arith.cmpi slt, %select_n3A_20, %lt3A_25 : i32
    %ne3A_27 = arith.xori %lt3A_24, %lt3A_26 : i1
    %and3A_28 = arith.andi %ne3A_27, %ne3A_23 : i1
    %add3A_29 = arith.addi %rem3A_21, %select_n3A_20 : i32
    %select_n3A_30 = arith.select %and3A_28, %add3A_29, %rem3A_21 : i32
    %iota3A = tpu.iota {dimensions = array<i32: 0>} : vector<16xi32>
    %broadcast_in_dim3A = arith.constant 1.000000e+00 : f32
    %broadcast_in_dim3A_31 = vector.broadcast %broadcast_in_dim3A : f32 to vector<16xf32>
    %broadcast_in_dim3A_32 = arith.constant 0.000000e+00 : f32
    %broadcast_in_dim3A_33 = vector.broadcast %broadcast_in_dim3A_32 : f32 to vector<16xf32>
    %swap3A = arith.constant 0 : index
    %swap3A_34 = tpu.vector_load %arg9[%swap3A] {strides = array<i32>} : memref<512xf32, #tpu.memory_space<vmem>>, vector<16xf32>,
    tpu.vector_store %arg9[%swap3A], %broadcast_in_dim3A_33 {strides = array<i32>} : memref<512xf32, #tpu.memory_space<vmem>>, vector<16xf32>,
    %swap3A_35 = arith.constant 0 : index
    %swap3A_36 = tpu.vector_load %arg10[%swap3A_35] {strides = array<i32>} : memref<512xf32, #tpu.memory_space<vmem>>, vector<16xf32>,
    tpu.vector_store %arg10[%swap3A_35], %broadcast_in_dim3A_33 {strides = array<i32>} : memref<512xf32, #tpu.memory_space<vmem>>, vector<16xf32>,
    %swap3A_37 = arith.constant 0 : index
    %swap3A_38 = tpu.vector_load %arg11[%swap3A_37] {strides = array<i32>} : memref<512xf32, #tpu.memory_space<vmem>>, vector<16xf32>,
    tpu.vector_store %arg11[%swap3A_37], %broadcast_in_dim3A_33 {strides = array<i32>} : memref<512xf32, #tpu.memory_space<vmem>>, vector<16xf32>,
    %swap3A_39 = arith.constant 0 : index
    %swap3A_40 = tpu.vector_load %arg12[%swap3A_39] {strides = array<i32>} : memref<512xf32, #tpu.memory_space<vmem>>, vector<16xf32>,
    tpu.vector_store %arg12[%swap3A_39], %broadcast_in_dim3A_33 {strides = array<i32>} : memref<512xf32, #tpu.memory_space<vmem>>, vector<16xf32>,
    %swap3A_41 = arith.constant 16 : index
    %swap3A_42 = tpu.vector_load %arg9[%swap3A_41] {strides = array<i32>} : memref<512xf32, #tpu.memory_space<vmem>>, vector<16xf32>,
    tpu.vector_store %arg9[%swap3A_41], %broadcast_in_dim3A_33 {strides = array<i32>} : memref<512xf32, #tpu.memory_space<vmem>>, vector<16xf32>,
    %swap3A_43 = arith.constant 16 : index
    %swap3A_44 = tpu.vector_load %arg10[%swap3A_43] {strides = array<i32>} : memref<512xf32, #tpu.memory_space<vmem>>, vector<16xf32>,
    tpu.vector_store %arg10[%swap3A_43], %broadcast_in_dim3A_33 {strides = array<i32>} : memref<512xf32, #tpu.memory_space<vmem>>, vector<16xf32>,
    %swap3A_45 = arith.constant 16 : index
    %swap3A_46 = tpu.vector_load %arg11[%swap3A_45] {strides = array<i32>} : memref<512xf32, #tpu.memory_space<vmem>>, vector<16xf32>,
    tpu.vector_store %arg11[%swap3A_45], %broadcast_in_dim3A_33 {strides = array<i32>} : memref<512xf32, #tpu.memory_space<vmem>>, vector<16xf32>,
    %swap3A_47 = arith.constant 16 : index
    %swap3A_48 = tpu.vector_load %arg12[%swap3A_47] {strides = array<i32>} : memref<512xf32, #tpu.memory_space<vmem>>, vector<16xf32>,
    tpu.vector_store %arg12[%swap3A_47], %broadcast_in_dim3A_33 {strides = array<i32>} : memref<512xf32, #tpu.memory_space<vmem>>, vector<16xf32>,
    %swap3A_49 = arith.constant 32 : index
    %swap3A_50 = tpu.vector_load %arg9[%swap3A_49] {strides = array<i32>} : memref<512xf32, #tpu.memory_space<vmem>>, vector<16xf32>,
    tpu.vector_store %arg9[%swap3A_49], %broadcast_in_dim3A_33 {strides = array<i32>} : memref<512xf32, #tpu.memory_space<vmem>>, vector<16xf32>,
    %swap3A_51 = arith.constant 32 : index
    %swap3A_52 = tpu.vector_load %arg10[%swap3A_51] {strides = array<i32>} : memref<512xf32, #tpu.memory_space<vmem>>, vector<16xf32>,
    tpu.vector_store %arg10[%swap3A_51], %broadcast_in_dim3A_33 {strides = array<i32>} : memref<512xf32, #tpu.memory_space<vmem>>, vector<16xf32>,
    %swap3A_53 = arith.constant 32 : index
    %swap3A_54 = tpu.vector_load %arg11[%swap3A_53] {strides = array<i32>} : memref<512xf32, #tpu.memory_space<vmem>>, vector<16xf32>,
    tpu.vector_store %arg11[%swap3A_53], %broadcast_in_dim3A_33 {strides = array<i32>} : memref<512xf32, #tpu.memory_space<vmem>>, vector<16xf32>,
    %swap3A_55 = arith.constant 32 : index
    %swap3A_56 = tpu.vector_load %arg12[%swap3A_55] {strides = array<i32>} : memref<512xf32, #tpu.memory_space<vmem>>, vector<16xf32>,
    tpu.vector_store %arg12[%swap3A_55], %broadcast_in_dim3A_33 {strides = array<i32>} : memref<512xf32, #tpu.memory_space<vmem>>, vector<16xf32>,
    %swap3A_57 = arith.constant 48 : index
    %swap3A_58 = tpu.vector_load %arg9[%swap3A_57] {strides = array<i32>} : memref<512xf32, #tpu.memory_space<vmem>>, vector<16xf32>,
    tpu.vector_store %arg9[%swap3A_57], %broadcast_in_dim3A_33 {strides = array<i32>} : memref<512xf32, #tpu.memory_space<vmem>>, vector<16xf32>,
    %swap3A_59 = arith.constant 48 : index
    %swap3A_60 = tpu.vector_load %arg10[%swap3A_59] {strides = array<i32>} : memref<512xf32, #tpu.memory_space<vmem>>, vector<16xf32>,
    tpu.vector_store %arg10[%swap3A_59], %broadcast_in_dim3A_33 {strides = array<i32>} : memref<512xf32, #tpu.memory_space<vmem>>, vector<16xf32>,
    %swap3A_61 = arith.constant 48 : index
    %swap3A_62 = tpu.vector_load %arg11[%swap3A_61] {strides = array<i32>} : memref<512xf32, #tpu.memory_space<vmem>>, vector<16xf32>,
    tpu.vector_store %arg11[%swap3A_61], %broadcast_in_dim3A_33 {strides = array<i32>} : memref<512xf32, #tpu.memory_space<vmem>>, vector<16xf32>,
    %swap3A_63 = arith.constant 48 : index
    %swap3A_64 = tpu.vector_load %arg12[%swap3A_63] {strides = array<i32>} : memref<512xf32, #tpu.memory_space<vmem>>, vector<16xf32>,
    tpu.vector_store %arg12[%swap3A_63], %broadcast_in_dim3A_33 {strides = array<i32>} : memref<512xf32, #tpu.memory_space<vmem>>, vector<16xf32>,
    %swap3A_65 = arith.constant 64 : index
    %swap3A_66 = tpu.vector_load %arg9[%swap3A_65] {strides = array<i32>} : memref<512xf32, #tpu.memory_space<vmem>>, vector<16xf32>,
    tpu.vector_store %arg9[%swap3A_65], %broadcast_in_dim3A_33 {strides = array<i32>} : memref<512xf32, #tpu.memory_space<vmem>>, vector<16xf32>,
    %swap3A_67 = arith.constant 64 : index
    %swap3A_68 = tpu.vector_load %arg10[%swap3A_67] {strides = array<i32>} : memref<512xf32, #tpu.memory_space<vmem>>, vector<16xf32>,
    tpu.vector_store %arg10[%swap3A_67], %broadcast_in_dim3A_33 {strides = array<i32>} : memref<512xf32, #tpu.memory_space<vmem>>, vector<16xf32>,
    %swap3A_69 = arith.constant 64 : index
    %swap3A_70 = tpu.vector_load %arg11[%swap3A_69] {strides = array<i32>} : memref<512xf32, #tpu.memory_space<vmem>>, vector<16xf32>,
    tpu.vector_store %arg11[%swap3A_69], %broadcast_in_dim3A_33 {strides = array<i32>} : memref<512xf32, #tpu.memory_space<vmem>>, vector<16xf32>,
    %swap3A_71 = arith.constant 64 : index
    %swap3A_72 = tpu.vector_load %arg12[%swap3A_71] {strides = array<i32>} : memref<512xf32, #tpu.memory_space<vmem>>, vector<16xf32>,
    tpu.vector_store %arg12[%swap3A_71], %broadcast_in_dim3A_33 {strides = array<i32>} : memref<512xf32, #tpu.memory_space<vmem>>, vector<16xf32>,
    %swap3A_73 = arith.constant 80 : index
    %swap3A_74 = tpu.vector_load %arg9[%swap3A_73] {strides = array<i32>} : memref<512xf32, #tpu.memory_space<vmem>>, vector<16xf32>,
    tpu.vector_store %arg9[%swap3A_73], %broadcast_in_dim3A_33 {strides = array<i32>} : memref<512xf32, #tpu.memory_space<vmem>>, vector<16xf32>,
    %swap3A_75 = arith.constant 80 : index
    %swap3A_76 = tpu.vector_load %arg10[%swap3A_75] {strides = array<i32>} : memref<512xf32, #tpu.memory_space<vmem>>, vector<16xf32>,
    tpu.vector_store %arg10[%swap3A_75], %broadcast_in_dim3A_33 {strides = array<i32>} : memref<512xf32, #tpu.memory_space<vmem>>, vector<16xf32>,
    %swap3A_77 = arith.constant 80 : index
    %swap3A_78 = tpu.vector_load %arg11[%swap3A_77] {strides = array<i32>} : memref<512xf32, #tpu.memory_space<vmem>>, vector<16xf32>,
    tpu.vector_store %arg11[%swap3A_77], %broadcast_in_dim3A_33 {strides = array<i32>} : memref<512xf32, #tpu.memory_space<vmem>>, vector<16xf32>,
    %swap3A_79 = arith.constant 80 : index
    %swap3A_80 = tpu.vector_load %arg12[%swap3A_79] {strides = array<i32>} : memref<512xf32, #tpu.memory_space<vmem>>, vector<16xf32>,
    tpu.vector_store %arg12[%swap3A_79], %broadcast_in_dim3A_33 {strides = array<i32>} : memref<512xf32, #tpu.memory_space<vmem>>, vector<16xf32>,
    %swap3A_81 = arith.constant 96 : index
    %swap3A_82 = tpu.vector_load %arg9[%swap3A_81] {strides = array<i32>} : memref<512xf32, #tpu.memory_space<vmem>>, vector<16xf32>,
    tpu.vector_store %arg9[%swap3A_81], %broadcast_in_dim3A_33 {strides = array<i32>} : memref<512xf32, #tpu.memory_space<vmem>>, vector<16xf32>,
    %swap3A_83 = arith.constant 96 : index
    %swap3A_84 = tpu.vector_load %arg10[%swap3A_83] {strides = array<i32>} : memref<512xf32, #tpu.memory_space<vmem>>, vector<16xf32>,
    tpu.vector_store %arg10[%swap3A_83], %broadcast_in_dim3A_33 {strides = array<i32>} : memref<512xf32, #tpu.memory_space<vmem>>, vector<16xf32>,
    %swap3A_85 = arith.constant 96 : index
    %swap3A_86 = tpu.vector_load %arg11[%swap3A_85] {strides = array<i32>} : memref<512xf32, #tpu.memory_space<vmem>>, vector<16xf32>,
    tpu.vector_store %arg11[%swap3A_85], %broadcast_in_dim3A_33 {strides = array<i32>} : memref<512xf32, #tpu.memory_space<vmem>>, vector<16xf32>,
    %swap3A_87 = arith.constant 96 : index
    %swap3A_88 = tpu.vector_load %arg12[%swap3A_87] {strides = array<i32>} : memref<512xf32, #tpu.memory_space<vmem>>, vector<16xf32>,
    tpu.vector_store %arg12[%swap3A_87], %broadcast_in_dim3A_33 {strides = array<i32>} : memref<512xf32, #tpu.memory_space<vmem>>, vector<16xf32>,
    %swap3A_89 = arith.constant 112 : index
    %swap3A_90 = tpu.vector_load %arg9[%swap3A_89] {strides = array<i32>} : memref<512xf32, #tpu.memory_space<vmem>>, vector<16xf32>,
    tpu.vector_store %arg9[%swap3A_89], %broadcast_in_dim3A_33 {strides = array<i32>} : memref<512xf32, #tpu.memory_space<vmem>>, vector<16xf32>,
    %swap3A_91 = arith.constant 112 : index
    %swap3A_92 = tpu.vector_load %arg10[%swap3A_91] {strides = array<i32>} : memref<512xf32, #tpu.memory_space<vmem>>, vector<16xf32>,
    tpu.vector_store %arg10[%swap3A_91], %broadcast_in_dim3A_33 {strides = array<i32>} : memref<512xf32, #tpu.memory_space<vmem>>, vector<16xf32>,
    %swap3A_93 = arith.constant 112 : index
    %swap3A_94 = tpu.vector_load %arg11[%swap3A_93] {strides = array<i32>} : memref<512xf32, #tpu.memory_space<vmem>>, vector<16xf32>,
    tpu.vector_store %arg11[%swap3A_93], %broadcast_in_dim3A_33 {strides = array<i32>} : memref<512xf32, #tpu.memory_space<vmem>>, vector<16xf32>,
    %swap3A_95 = arith.constant 112 : index
    %swap3A_96 = tpu.vector_load %arg12[%swap3A_95] {strides = array<i32>} : memref<512xf32, #tpu.memory_space<vmem>>, vector<16xf32>,
    tpu.vector_store %arg12[%swap3A_95], %broadcast_in_dim3A_33 {strides = array<i32>} : memref<512xf32, #tpu.memory_space<vmem>>, vector<16xf32>,
    %swap3A_97 = arith.constant 128 : index
    %swap3A_98 = tpu.vector_load %arg9[%swap3A_97] {strides = array<i32>} : memref<512xf32, #tpu.memory_space<vmem>>, vector<16xf32>,
    tpu.vector_store %arg9[%swap3A_97], %broadcast_in_dim3A_33 {strides = array<i32>} : memref<512xf32, #tpu.memory_space<vmem>>, vector<16xf32>,
    %swap3A_99 = arith.constant 128 : index
    %swap3A_100 = tpu.vector_load %arg10[%swap3A_99] {strides = array<i32>} : memref<512xf32, #tpu.memory_space<vmem>>, vector<16xf32>,
    tpu.vector_store %arg10[%swap3A_99], %broadcast_in_dim3A_33 {strides = array<i32>} : memref<512xf32, #tpu.memory_space<vmem>>, vector<16xf32>,
    %swap3A_101 = arith.constant 128 : index
    %swap3A_102 = tpu.vector_load %arg11[%swap3A_101] {strides = array<i32>} : memref<512xf32, #tpu.memory_space<vmem>>, vector<16xf32>,
    tpu.vector_store %arg11[%swap3A_101], %broadcast_in_dim3A_33 {strides = array<i32>} : memref<512xf32, #tpu.memory_space<vmem>>, vector<16xf32>,
    %swap3A_103 = arith.constant 128 : index
    %swap3A_104 = tpu.vector_load %arg12[%swap3A_103] {strides = array<i32>} : memref<512xf32, #tpu.memory_space<vmem>>, vector<16xf32>,
    tpu.vector_store %arg12[%swap3A_103], %broadcast_in_dim3A_33 {strides = array<i32>} : memref<512xf32, #tpu.memory_space<vmem>>, vector<16xf32>,
    %swap3A_105 = arith.constant 144 : index
    %swap3A_106 = tpu.vector_load %arg9[%swap3A_105] {strides = array<i32>} : memref<512xf32, #tpu.memory_space<vmem>>, vector<16xf32>,
    tpu.vector_store %arg9[%swap3A_105], %broadcast_in_dim3A_33 {strides = array<i32>} : memref<512xf32, #tpu.memory_space<vmem>>, vector<16xf32>,
    %swap3A_107 = arith.constant 144 : index
    %swap3A_108 = tpu.vector_load %arg10[%swap3A_107] {strides = array<i32>} : memref<512xf32, #tpu.memory_space<vmem>>, vector<16xf32>,
    tpu.vector_store %arg10[%swap3A_107], %broadcast_in_dim3A_33 {strides = array<i32>} : memref<512xf32, #tpu.memory_space<vmem>>, vector<16xf32>,
    %swap3A_109 = arith.constant 144 : index
    %swap3A_110 = tpu.vector_load %arg11[%swap3A_109] {strides = array<i32>} : memref<512xf32, #tpu.memory_space<vmem>>, vector<16xf32>,
    tpu.vector_store %arg11[%swap3A_109], %broadcast_in_dim3A_33 {strides = array<i32>} : memref<512xf32, #tpu.memory_space<vmem>>, vector<16xf32>,
    %swap3A_111 = arith.constant 144 : index
    %swap3A_112 = tpu.vector_load %arg12[%swap3A_111] {strides = array<i32>} : memref<512xf32, #tpu.memory_space<vmem>>, vector<16xf32>,
    tpu.vector_store %arg12[%swap3A_111], %broadcast_in_dim3A_33 {strides = array<i32>} : memref<512xf32, #tpu.memory_space<vmem>>, vector<16xf32>,
    %swap3A_113 = arith.constant 160 : index
    %swap3A_114 = tpu.vector_load %arg9[%swap3A_113] {strides = array<i32>} : memref<512xf32, #tpu.memory_space<vmem>>, vector<16xf32>,
    tpu.vector_store %arg9[%swap3A_113], %broadcast_in_dim3A_33 {strides = array<i32>} : memref<512xf32, #tpu.memory_space<vmem>>, vector<16xf32>,
    %swap3A_115 = arith.constant 160 : index
    %swap3A_116 = tpu.vector_load %arg10[%swap3A_115] {strides = array<i32>} : memref<512xf32, #tpu.memory_space<vmem>>, vector<16xf32>,
    tpu.vector_store %arg10[%swap3A_115], %broadcast_in_dim3A_33 {strides = array<i32>} : memref<512xf32, #tpu.memory_space<vmem>>, vector<16xf32>,
    %swap3A_117 = arith.constant 160 : index
    %swap3A_118 = tpu.vector_load %arg11[%swap3A_117] {strides = array<i32>} : memref<512xf32, #tpu.memory_space<vmem>>, vector<16xf32>,
    tpu.vector_store %arg11[%swap3A_117], %broadcast_in_dim3A_33 {strides = array<i32>} : memref<512xf32, #tpu.memory_space<vmem>>, vector<16xf32>,
    %swap3A_119 = arith.constant 160 : index
    %swap3A_120 = tpu.vector_load %arg12[%swap3A_119] {strides = array<i32>} : memref<512xf32, #tpu.memory_space<vmem>>, vector<16xf32>,
    tpu.vector_store %arg12[%swap3A_119], %broadcast_in_dim3A_33 {strides = array<i32>} : memref<512xf32, #tpu.memory_space<vmem>>, vector<16xf32>,
    %swap3A_121 = arith.constant 176 : index
    %swap3A_122 = tpu.vector_load %arg9[%swap3A_121] {strides = array<i32>} : memref<512xf32, #tpu.memory_space<vmem>>, vector<16xf32>,
    tpu.vector_store %arg9[%swap3A_121], %broadcast_in_dim3A_33 {strides = array<i32>} : memref<512xf32, #tpu.memory_space<vmem>>, vector<16xf32>,
    %swap3A_123 = arith.constant 176 : index
    %swap3A_124 = tpu.vector_load %arg10[%swap3A_123] {strides = array<i32>} : memref<512xf32, #tpu.memory_space<vmem>>, vector<16xf32>,
    tpu.vector_store %arg10[%swap3A_123], %broadcast_in_dim3A_33 {strides = array<i32>} : memref<512xf32, #tpu.memory_space<vmem>>, vector<16xf32>,
    %swap3A_125 = arith.constant 176 : index
    %swap3A_126 = tpu.vector_load %arg11[%swap3A_125] {strides = array<i32>} : memref<512xf32, #tpu.memory_space<vmem>>, vector<16xf32>,
    tpu.vector_store %arg11[%swap3A_125], %broadcast_in_dim3A_33 {strides = array<i32>} : memref<512xf32, #tpu.memory_space<vmem>>, vector<16xf32>,
    %swap3A_127 = arith.constant 176 : index
    %swap3A_128 = tpu.vector_load %arg12[%swap3A_127] {strides = array<i32>} : memref<512xf32, #tpu.memory_space<vmem>>, vector<16xf32>,
    tpu.vector_store %arg12[%swap3A_127], %broadcast_in_dim3A_33 {strides = array<i32>} : memref<512xf32, #tpu.memory_space<vmem>>, vector<16xf32>,
    %swap3A_129 = arith.constant 192 : index
    %swap3A_130 = tpu.vector_load %arg9[%swap3A_129] {strides = array<i32>} : memref<512xf32, #tpu.memory_space<vmem>>, vector<16xf32>,
    tpu.vector_store %arg9[%swap3A_129], %broadcast_in_dim3A_33 {strides = array<i32>} : memref<512xf32, #tpu.memory_space<vmem>>, vector<16xf32>,
    %swap3A_131 = arith.constant 192 : index
    %swap3A_132 = tpu.vector_load %arg10[%swap3A_131] {strides = array<i32>} : memref<512xf32, #tpu.memory_space<vmem>>, vector<16xf32>,
    tpu.vector_store %arg10[%swap3A_131], %broadcast_in_dim3A_33 {strides = array<i32>} : memref<512xf32, #tpu.memory_space<vmem>>, vector<16xf32>,
    %swap3A_133 = arith.constant 192 : index
    %swap3A_134 = tpu.vector_load %arg11[%swap3A_133] {strides = array<i32>} : memref<512xf32, #tpu.memory_space<vmem>>, vector<16xf32>,
    tpu.vector_store %arg11[%swap3A_133], %broadcast_in_dim3A_33 {strides = array<i32>} : memref<512xf32, #tpu.memory_space<vmem>>, vector<16xf32>,
    %swap3A_135 = arith.constant 192 : index
    %swap3A_136 = tpu.vector_load %arg12[%swap3A_135] {strides = array<i32>} : memref<512xf32, #tpu.memory_space<vmem>>, vector<16xf32>,
    tpu.vector_store %arg12[%swap3A_135], %broadcast_in_dim3A_33 {strides = array<i32>} : memref<512xf32, #tpu.memory_space<vmem>>, vector<16xf32>,
    %swap3A_137 = arith.constant 208 : index
    %swap3A_138 = tpu.vector_load %arg9[%swap3A_137] {strides = array<i32>} : memref<512xf32, #tpu.memory_space<vmem>>, vector<16xf32>,
    tpu.vector_store %arg9[%swap3A_137], %broadcast_in_dim3A_33 {strides = array<i32>} : memref<512xf32, #tpu.memory_space<vmem>>, vector<16xf32>,
    %swap3A_139 = arith.constant 208 : index
    %swap3A_140 = tpu.vector_load %arg10[%swap3A_139] {strides = array<i32>} : memref<512xf32, #tpu.memory_space<vmem>>, vector<16xf32>,
    tpu.vector_store %arg10[%swap3A_139], %broadcast_in_dim3A_33 {strides = array<i32>} : memref<512xf32, #tpu.memory_space<vmem>>, vector<16xf32>,
    %swap3A_141 = arith.constant 208 : index
    %swap3A_142 = tpu.vector_load %arg11[%swap3A_141] {strides = array<i32>} : memref<512xf32, #tpu.memory_space<vmem>>, vector<16xf32>,
    tpu.vector_store %arg11[%swap3A_141], %broadcast_in_dim3A_33 {strides = array<i32>} : memref<512xf32, #tpu.memory_space<vmem>>, vector<16xf32>,
    %swap3A_143 = arith.constant 208 : index
    %swap3A_144 = tpu.vector_load %arg12[%swap3A_143] {strides = array<i32>} : memref<512xf32, #tpu.memory_space<vmem>>, vector<16xf32>,
    tpu.vector_store %arg12[%swap3A_143], %broadcast_in_dim3A_33 {strides = array<i32>} : memref<512xf32, #tpu.memory_space<vmem>>, vector<16xf32>,
    %swap3A_145 = arith.constant 224 : index
    %swap3A_146 = tpu.vector_load %arg9[%swap3A_145] {strides = array<i32>} : memref<512xf32, #tpu.memory_space<vmem>>, vector<16xf32>,
    tpu.vector_store %arg9[%swap3A_145], %broadcast_in_dim3A_33 {strides = array<i32>} : memref<512xf32, #tpu.memory_space<vmem>>, vector<16xf32>,
    %swap3A_147 = arith.constant 224 : index
    %swap3A_148 = tpu.vector_load %arg10[%swap3A_147] {strides = array<i32>} : memref<512xf32, #tpu.memory_space<vmem>>, vector<16xf32>,
    tpu.vector_store %arg10[%swap3A_147], %broadcast_in_dim3A_33 {strides = array<i32>} : memref<512xf32, #tpu.memory_space<vmem>>, vector<16xf32>,
    %swap3A_149 = arith.constant 224 : index
    %swap3A_150 = tpu.vector_load %arg11[%swap3A_149] {strides = array<i32>} : memref<512xf32, #tpu.memory_space<vmem>>, vector<16xf32>,
    tpu.vector_store %arg11[%swap3A_149], %broadcast_in_dim3A_33 {strides = array<i32>} : memref<512xf32, #tpu.memory_space<vmem>>, vector<16xf32>,
    %swap3A_151 = arith.constant 224 : index
    %swap3A_152 = tpu.vector_load %arg12[%swap3A_151] {strides = array<i32>} : memref<512xf32, #tpu.memory_space<vmem>>, vector<16xf32>,
    tpu.vector_store %arg12[%swap3A_151], %broadcast_in_dim3A_33 {strides = array<i32>} : memref<512xf32, #tpu.memory_space<vmem>>, vector<16xf32>,
    %swap3A_153 = arith.constant 240 : index
    %swap3A_154 = tpu.vector_load %arg9[%swap3A_153] {strides = array<i32>} : memref<512xf32, #tpu.memory_space<vmem>>, vector<16xf32>,
    tpu.vector_store %arg9[%swap3A_153], %broadcast_in_dim3A_33 {strides = array<i32>} : memref<512xf32, #tpu.memory_space<vmem>>, vector<16xf32>,
    %swap3A_155 = arith.constant 240 : index
    %swap3A_156 = tpu.vector_load %arg10[%swap3A_155] {strides = array<i32>} : memref<512xf32, #tpu.memory_space<vmem>>, vector<16xf32>,
    tpu.vector_store %arg10[%swap3A_155], %broadcast_in_dim3A_33 {strides = array<i32>} : memref<512xf32, #tpu.memory_space<vmem>>, vector<16xf32>,
    %swap3A_157 = arith.constant 240 : index
    %swap3A_158 = tpu.vector_load %arg11[%swap3A_157] {strides = array<i32>} : memref<512xf32, #tpu.memory_space<vmem>>, vector<16xf32>,
    tpu.vector_store %arg11[%swap3A_157], %broadcast_in_dim3A_33 {strides = array<i32>} : memref<512xf32, #tpu.memory_space<vmem>>, vector<16xf32>,
    %swap3A_159 = arith.constant 240 : index
    %swap3A_160 = tpu.vector_load %arg12[%swap3A_159] {strides = array<i32>} : memref<512xf32, #tpu.memory_space<vmem>>, vector<16xf32>,
    tpu.vector_store %arg12[%swap3A_159], %broadcast_in_dim3A_33 {strides = array<i32>} : memref<512xf32, #tpu.memory_space<vmem>>, vector<16xf32>,
    %swap3A_161 = arith.constant 256 : index
    %swap3A_162 = tpu.vector_load %arg9[%swap3A_161] {strides = array<i32>} : memref<512xf32, #tpu.memory_space<vmem>>, vector<16xf32>,
    tpu.vector_store %arg9[%swap3A_161], %broadcast_in_dim3A_33 {strides = array<i32>} : memref<512xf32, #tpu.memory_space<vmem>>, vector<16xf32>,
    %swap3A_163 = arith.constant 256 : index
    %swap3A_164 = tpu.vector_load %arg10[%swap3A_163] {strides = array<i32>} : memref<512xf32, #tpu.memory_space<vmem>>, vector<16xf32>,
    tpu.vector_store %arg10[%swap3A_163], %broadcast_in_dim3A_33 {strides = array<i32>} : memref<512xf32, #tpu.memory_space<vmem>>, vector<16xf32>,
    %swap3A_165 = arith.constant 256 : index
    %swap3A_166 = tpu.vector_load %arg11[%swap3A_165] {strides = array<i32>} : memref<512xf32, #tpu.memory_space<vmem>>, vector<16xf32>,
    tpu.vector_store %arg11[%swap3A_165], %broadcast_in_dim3A_33 {strides = array<i32>} : memref<512xf32, #tpu.memory_space<vmem>>, vector<16xf32>,
    %swap3A_167 = arith.constant 256 : index
    %swap3A_168 = tpu.vector_load %arg12[%swap3A_167] {strides = array<i32>} : memref<512xf32, #tpu.memory_space<vmem>>, vector<16xf32>,
    tpu.vector_store %arg12[%swap3A_167], %broadcast_in_dim3A_33 {strides = array<i32>} : memref<512xf32, #tpu.memory_space<vmem>>, vector<16xf32>,
    %swap3A_169 = arith.constant 272 : index
    %swap3A_170 = tpu.vector_load %arg9[%swap3A_169] {strides = array<i32>} : memref<512xf32, #tpu.memory_space<vmem>>, vector<16xf32>,
    tpu.vector_store %arg9[%swap3A_169], %broadcast_in_dim3A_33 {strides = array<i32>} : memref<512xf32, #tpu.memory_space<vmem>>, vector<16xf32>,
    %swap3A_171 = arith.constant 272 : index
    %swap3A_172 = tpu.vector_load %arg10[%swap3A_171] {strides = array<i32>} : memref<512xf32, #tpu.memory_space<vmem>>, vector<16xf32>,
    tpu.vector_store %arg10[%swap3A_171], %broadcast_in_dim3A_33 {strides = array<i32>} : memref<512xf32, #tpu.memory_space<vmem>>, vector<16xf32>,
    %swap3A_173 = arith.constant 272 : index
    %swap3A_174 = tpu.vector_load %arg11[%swap3A_173] {strides = array<i32>} : memref<512xf32, #tpu.memory_space<vmem>>, vector<16xf32>,
    tpu.vector_store %arg11[%swap3A_173], %broadcast_in_dim3A_33 {strides = array<i32>} : memref<512xf32, #tpu.memory_space<vmem>>, vector<16xf32>,
    %swap3A_175 = arith.constant 272 : index
    %swap3A_176 = tpu.vector_load %arg12[%swap3A_175] {strides = array<i32>} : memref<512xf32, #tpu.memory_space<vmem>>, vector<16xf32>,
    tpu.vector_store %arg12[%swap3A_175], %broadcast_in_dim3A_33 {strides = array<i32>} : memref<512xf32, #tpu.memory_space<vmem>>, vector<16xf32>,
    %swap3A_177 = arith.constant 288 : index
    %swap3A_178 = tpu.vector_load %arg9[%swap3A_177] {strides = array<i32>} : memref<512xf32, #tpu.memory_space<vmem>>, vector<16xf32>,
    tpu.vector_store %arg9[%swap3A_177], %broadcast_in_dim3A_33 {strides = array<i32>} : memref<512xf32, #tpu.memory_space<vmem>>, vector<16xf32>,
    %swap3A_179 = arith.constant 288 : index
    %swap3A_180 = tpu.vector_load %arg10[%swap3A_179] {strides = array<i32>} : memref<512xf32, #tpu.memory_space<vmem>>, vector<16xf32>,
    tpu.vector_store %arg10[%swap3A_179], %broadcast_in_dim3A_33 {strides = array<i32>} : memref<512xf32, #tpu.memory_space<vmem>>, vector<16xf32>,
    %swap3A_181 = arith.constant 288 : index
    %swap3A_182 = tpu.vector_load %arg11[%swap3A_181] {strides = array<i32>} : memref<512xf32, #tpu.memory_space<vmem>>, vector<16xf32>,
    tpu.vector_store %arg11[%swap3A_181], %broadcast_in_dim3A_33 {strides = array<i32>} : memref<512xf32, #tpu.memory_space<vmem>>, vector<16xf32>,
    %swap3A_183 = arith.constant 288 : index
    %swap3A_184 = tpu.vector_load %arg12[%swap3A_183] {strides = array<i32>} : memref<512xf32, #tpu.memory_space<vmem>>, vector<16xf32>,
    tpu.vector_store %arg12[%swap3A_183], %broadcast_in_dim3A_33 {strides = array<i32>} : memref<512xf32, #tpu.memory_space<vmem>>, vector<16xf32>,
    %swap3A_185 = arith.constant 304 : index
    %swap3A_186 = tpu.vector_load %arg9[%swap3A_185] {strides = array<i32>} : memref<512xf32, #tpu.memory_space<vmem>>, vector<16xf32>,
    tpu.vector_store %arg9[%swap3A_185], %broadcast_in_dim3A_33 {strides = array<i32>} : memref<512xf32, #tpu.memory_space<vmem>>, vector<16xf32>,
    %swap3A_187 = arith.constant 304 : index
    %swap3A_188 = tpu.vector_load %arg10[%swap3A_187] {strides = array<i32>} : memref<512xf32, #tpu.memory_space<vmem>>, vector<16xf32>,
    tpu.vector_store %arg10[%swap3A_187], %broadcast_in_dim3A_33 {strides = array<i32>} : memref<512xf32, #tpu.memory_space<vmem>>, vector<16xf32>,
    %swap3A_189 = arith.constant 304 : index
    %swap3A_190 = tpu.vector_load %arg11[%swap3A_189] {strides = array<i32>} : memref<512xf32, #tpu.memory_space<vmem>>, vector<16xf32>,
    tpu.vector_store %arg11[%swap3A_189], %broadcast_in_dim3A_33 {strides = array<i32>} : memref<512xf32, #tpu.memory_space<vmem>>, vector<16xf32>,
    %swap3A_191 = arith.constant 304 : index
    %swap3A_192 = tpu.vector_load %arg12[%swap3A_191] {strides = array<i32>} : memref<512xf32, #tpu.memory_space<vmem>>, vector<16xf32>,
    tpu.vector_store %arg12[%swap3A_191], %broadcast_in_dim3A_33 {strides = array<i32>} : memref<512xf32, #tpu.memory_space<vmem>>, vector<16xf32>,
    %swap3A_193 = arith.constant 320 : index
    %swap3A_194 = tpu.vector_load %arg9[%swap3A_193] {strides = array<i32>} : memref<512xf32, #tpu.memory_space<vmem>>, vector<16xf32>,
    tpu.vector_store %arg9[%swap3A_193], %broadcast_in_dim3A_33 {strides = array<i32>} : memref<512xf32, #tpu.memory_space<vmem>>, vector<16xf32>,
    %swap3A_195 = arith.constant 320 : index
    %swap3A_196 = tpu.vector_load %arg10[%swap3A_195] {strides = array<i32>} : memref<512xf32, #tpu.memory_space<vmem>>, vector<16xf32>,
    tpu.vector_store %arg10[%swap3A_195], %broadcast_in_dim3A_33 {strides = array<i32>} : memref<512xf32, #tpu.memory_space<vmem>>, vector<16xf32>,
    %swap3A_197 = arith.constant 320 : index
    %swap3A_198 = tpu.vector_load %arg11[%swap3A_197] {strides = array<i32>} : memref<512xf32, #tpu.memory_space<vmem>>, vector<16xf32>,
    tpu.vector_store %arg11[%swap3A_197], %broadcast_in_dim3A_33 {strides = array<i32>} : memref<512xf32, #tpu.memory_space<vmem>>, vector<16xf32>,
    %swap3A_199 = arith.constant 320 : index
    %swap3A_200 = tpu.vector_load %arg12[%swap3A_199] {strides = array<i32>} : memref<512xf32, #tpu.memory_space<vmem>>, vector<16xf32>,
    tpu.vector_store %arg12[%swap3A_199], %broadcast_in_dim3A_33 {strides = array<i32>} : memref<512xf32, #tpu.memory_space<vmem>>, vector<16xf32>,
    %swap3A_201 = arith.constant 336 : index
    %swap3A_202 = tpu.vector_load %arg9[%swap3A_201] {strides = array<i32>} : memref<512xf32, #tpu.memory_space<vmem>>, vector<16xf32>,
    tpu.vector_store %arg9[%swap3A_201], %broadcast_in_dim3A_33 {strides = array<i32>} : memref<512xf32, #tpu.memory_space<vmem>>, vector<16xf32>,
    %swap3A_203 = arith.constant 336 : index
    %swap3A_204 = tpu.vector_load %arg10[%swap3A_203] {strides = array<i32>} : memref<512xf32, #tpu.memory_space<vmem>>, vector<16xf32>,
    tpu.vector_store %arg10[%swap3A_203], %broadcast_in_dim3A_33 {strides = array<i32>} : memref<512xf32, #tpu.memory_space<vmem>>, vector<16xf32>,
    %swap3A_205 = arith.constant 336 : index
    %swap3A_206 = tpu.vector_load %arg11[%swap3A_205] {strides = array<i32>} : memref<512xf32, #tpu.memory_space<vmem>>, vector<16xf32>,
    tpu.vector_store %arg11[%swap3A_205], %broadcast_in_dim3A_33 {strides = array<i32>} : memref<512xf32, #tpu.memory_space<vmem>>, vector<16xf32>,
    %swap3A_207 = arith.constant 336 : index
    %swap3A_208 = tpu.vector_load %arg12[%swap3A_207] {strides = array<i32>} : memref<512xf32, #tpu.memory_space<vmem>>, vector<16xf32>,
    tpu.vector_store %arg12[%swap3A_207], %broadcast_in_dim3A_33 {strides = array<i32>} : memref<512xf32, #tpu.memory_space<vmem>>, vector<16xf32>,
    %swap3A_209 = arith.constant 352 : index
    %swap3A_210 = tpu.vector_load %arg9[%swap3A_209] {strides = array<i32>} : memref<512xf32, #tpu.memory_space<vmem>>, vector<16xf32>,
    tpu.vector_store %arg9[%swap3A_209], %broadcast_in_dim3A_33 {strides = array<i32>} : memref<512xf32, #tpu.memory_space<vmem>>, vector<16xf32>,
    %swap3A_211 = arith.constant 352 : index
    %swap3A_212 = tpu.vector_load %arg10[%swap3A_211] {strides = array<i32>} : memref<512xf32, #tpu.memory_space<vmem>>, vector<16xf32>,
    tpu.vector_store %arg10[%swap3A_211], %broadcast_in_dim3A_33 {strides = array<i32>} : memref<512xf32, #tpu.memory_space<vmem>>, vector<16xf32>,
    %swap3A_213 = arith.constant 352 : index
    %swap3A_214 = tpu.vector_load %arg11[%swap3A_213] {strides = array<i32>} : memref<512xf32, #tpu.memory_space<vmem>>, vector<16xf32>,
    tpu.vector_store %arg11[%swap3A_213], %broadcast_in_dim3A_33 {strides = array<i32>} : memref<512xf32, #tpu.memory_space<vmem>>, vector<16xf32>,
    %swap3A_215 = arith.constant 352 : index
    %swap3A_216 = tpu.vector_load %arg12[%swap3A_215] {strides = array<i32>} : memref<512xf32, #tpu.memory_space<vmem>>, vector<16xf32>,
    tpu.vector_store %arg12[%swap3A_215], %broadcast_in_dim3A_33 {strides = array<i32>} : memref<512xf32, #tpu.memory_space<vmem>>, vector<16xf32>,
    %swap3A_217 = arith.constant 368 : index
    %swap3A_218 = tpu.vector_load %arg9[%swap3A_217] {strides = array<i32>} : memref<512xf32, #tpu.memory_space<vmem>>, vector<16xf32>,
    tpu.vector_store %arg9[%swap3A_217], %broadcast_in_dim3A_33 {strides = array<i32>} : memref<512xf32, #tpu.memory_space<vmem>>, vector<16xf32>,
    %swap3A_219 = arith.constant 368 : index
    %swap3A_220 = tpu.vector_load %arg10[%swap3A_219] {strides = array<i32>} : memref<512xf32, #tpu.memory_space<vmem>>, vector<16xf32>,
    tpu.vector_store %arg10[%swap3A_219], %broadcast_in_dim3A_33 {strides = array<i32>} : memref<512xf32, #tpu.memory_space<vmem>>, vector<16xf32>,
    %swap3A_221 = arith.constant 368 : index
    %swap3A_222 = tpu.vector_load %arg11[%swap3A_221] {strides = array<i32>} : memref<512xf32, #tpu.memory_space<vmem>>, vector<16xf32>,
    tpu.vector_store %arg11[%swap3A_221], %broadcast_in_dim3A_33 {strides = array<i32>} : memref<512xf32, #tpu.memory_space<vmem>>, vector<16xf32>,
    %swap3A_223 = arith.constant 368 : index
    %swap3A_224 = tpu.vector_load %arg12[%swap3A_223] {strides = array<i32>} : memref<512xf32, #tpu.memory_space<vmem>>, vector<16xf32>,
    tpu.vector_store %arg12[%swap3A_223], %broadcast_in_dim3A_33 {strides = array<i32>} : memref<512xf32, #tpu.memory_space<vmem>>, vector<16xf32>,
    %swap3A_225 = arith.constant 384 : index
    %swap3A_226 = tpu.vector_load %arg9[%swap3A_225] {strides = array<i32>} : memref<512xf32, #tpu.memory_space<vmem>>, vector<16xf32>,
    tpu.vector_store %arg9[%swap3A_225], %broadcast_in_dim3A_33 {strides = array<i32>} : memref<512xf32, #tpu.memory_space<vmem>>, vector<16xf32>,
    %swap3A_227 = arith.constant 384 : index
    %swap3A_228 = tpu.vector_load %arg10[%swap3A_227] {strides = array<i32>} : memref<512xf32, #tpu.memory_space<vmem>>, vector<16xf32>,
    tpu.vector_store %arg10[%swap3A_227], %broadcast_in_dim3A_33 {strides = array<i32>} : memref<512xf32, #tpu.memory_space<vmem>>, vector<16xf32>,
    %swap3A_229 = arith.constant 384 : index
    %swap3A_230 = tpu.vector_load %arg11[%swap3A_229] {strides = array<i32>} : memref<512xf32, #tpu.memory_space<vmem>>, vector<16xf32>,
    tpu.vector_store %arg11[%swap3A_229], %broadcast_in_dim3A_33 {strides = array<i32>} : memref<512xf32, #tpu.memory_space<vmem>>, vector<16xf32>,
    %swap3A_231 = arith.constant 384 : index
    %swap3A_232 = tpu.vector_load %arg12[%swap3A_231] {strides = array<i32>} : memref<512xf32, #tpu.memory_space<vmem>>, vector<16xf32>,
    tpu.vector_store %arg12[%swap3A_231], %broadcast_in_dim3A_33 {strides = array<i32>} : memref<512xf32, #tpu.memory_space<vmem>>, vector<16xf32>,
    %swap3A_233 = arith.constant 400 : index
    %swap3A_234 = tpu.vector_load %arg9[%swap3A_233] {strides = array<i32>} : memref<512xf32, #tpu.memory_space<vmem>>, vector<16xf32>,
    tpu.vector_store %arg9[%swap3A_233], %broadcast_in_dim3A_33 {strides = array<i32>} : memref<512xf32, #tpu.memory_space<vmem>>, vector<16xf32>,
    %swap3A_235 = arith.constant 400 : index
    %swap3A_236 = tpu.vector_load %arg10[%swap3A_235] {strides = array<i32>} : memref<512xf32, #tpu.memory_space<vmem>>, vector<16xf32>,
    tpu.vector_store %arg10[%swap3A_235], %broadcast_in_dim3A_33 {strides = array<i32>} : memref<512xf32, #tpu.memory_space<vmem>>, vector<16xf32>,
    %swap3A_237 = arith.constant 400 : index
    %swap3A_238 = tpu.vector_load %arg11[%swap3A_237] {strides = array<i32>} : memref<512xf32, #tpu.memory_space<vmem>>, vector<16xf32>,
    tpu.vector_store %arg11[%swap3A_237], %broadcast_in_dim3A_33 {strides = array<i32>} : memref<512xf32, #tpu.memory_space<vmem>>, vector<16xf32>,
    %swap3A_239 = arith.constant 400 : index
    %swap3A_240 = tpu.vector_load %arg12[%swap3A_239] {strides = array<i32>} : memref<512xf32, #tpu.memory_space<vmem>>, vector<16xf32>,
    tpu.vector_store %arg12[%swap3A_239], %broadcast_in_dim3A_33 {strides = array<i32>} : memref<512xf32, #tpu.memory_space<vmem>>, vector<16xf32>,
    %swap3A_241 = arith.constant 416 : index
    %swap3A_242 = tpu.vector_load %arg9[%swap3A_241] {strides = array<i32>} : memref<512xf32, #tpu.memory_space<vmem>>, vector<16xf32>,
    tpu.vector_store %arg9[%swap3A_241], %broadcast_in_dim3A_33 {strides = array<i32>} : memref<512xf32, #tpu.memory_space<vmem>>, vector<16xf32>,
    %swap3A_243 = arith.constant 416 : index
    %swap3A_244 = tpu.vector_load %arg10[%swap3A_243] {strides = array<i32>} : memref<512xf32, #tpu.memory_space<vmem>>, vector<16xf32>,
    tpu.vector_store %arg10[%swap3A_243], %broadcast_in_dim3A_33 {strides = array<i32>} : memref<512xf32, #tpu.memory_space<vmem>>, vector<16xf32>,
    %swap3A_245 = arith.constant 416 : index
    %swap3A_246 = tpu.vector_load %arg11[%swap3A_245] {strides = array<i32>} : memref<512xf32, #tpu.memory_space<vmem>>, vector<16xf32>,
    tpu.vector_store %arg11[%swap3A_245], %broadcast_in_dim3A_33 {strides = array<i32>} : memref<512xf32, #tpu.memory_space<vmem>>, vector<16xf32>,
    %swap3A_247 = arith.constant 416 : index
    %swap3A_248 = tpu.vector_load %arg12[%swap3A_247] {strides = array<i32>} : memref<512xf32, #tpu.memory_space<vmem>>, vector<16xf32>,
    tpu.vector_store %arg12[%swap3A_247], %broadcast_in_dim3A_33 {strides = array<i32>} : memref<512xf32, #tpu.memory_space<vmem>>, vector<16xf32>,
    %swap3A_249 = arith.constant 432 : index
    %swap3A_250 = tpu.vector_load %arg9[%swap3A_249] {strides = array<i32>} : memref<512xf32, #tpu.memory_space<vmem>>, vector<16xf32>,
    tpu.vector_store %arg9[%swap3A_249], %broadcast_in_dim3A_33 {strides = array<i32>} : memref<512xf32, #tpu.memory_space<vmem>>, vector<16xf32>,
    %swap3A_251 = arith.constant 432 : index
    %swap3A_252 = tpu.vector_load %arg10[%swap3A_251] {strides = array<i32>} : memref<512xf32, #tpu.memory_space<vmem>>, vector<16xf32>,
    tpu.vector_store %arg10[%swap3A_251], %broadcast_in_dim3A_33 {strides = array<i32>} : memref<512xf32, #tpu.memory_space<vmem>>, vector<16xf32>,
    %swap3A_253 = arith.constant 432 : index
    %swap3A_254 = tpu.vector_load %arg11[%swap3A_253] {strides = array<i32>} : memref<512xf32, #tpu.memory_space<vmem>>, vector<16xf32>,
    tpu.vector_store %arg11[%swap3A_253], %broadcast_in_dim3A_33 {strides = array<i32>} : memref<512xf32, #tpu.memory_space<vmem>>, vector<16xf32>,
    %swap3A_255 = arith.constant 432 : index
    %swap3A_256 = tpu.vector_load %arg12[%swap3A_255] {strides = array<i32>} : memref<512xf32, #tpu.memory_space<vmem>>, vector<16xf32>,
    tpu.vector_store %arg12[%swap3A_255], %broadcast_in_dim3A_33 {strides = array<i32>} : memref<512xf32, #tpu.memory_space<vmem>>, vector<16xf32>,
    %swap3A_257 = arith.constant 448 : index
    %swap3A_258 = tpu.vector_load %arg9[%swap3A_257] {strides = array<i32>} : memref<512xf32, #tpu.memory_space<vmem>>, vector<16xf32>,
    tpu.vector_store %arg9[%swap3A_257], %broadcast_in_dim3A_33 {strides = array<i32>} : memref<512xf32, #tpu.memory_space<vmem>>, vector<16xf32>,
    %swap3A_259 = arith.constant 448 : index
    %swap3A_260 = tpu.vector_load %arg10[%swap3A_259] {strides = array<i32>} : memref<512xf32, #tpu.memory_space<vmem>>, vector<16xf32>,
    tpu.vector_store %arg10[%swap3A_259], %broadcast_in_dim3A_33 {strides = array<i32>} : memref<512xf32, #tpu.memory_space<vmem>>, vector<16xf32>,
    %swap3A_261 = arith.constant 448 : index
    %swap3A_262 = tpu.vector_load %arg11[%swap3A_261] {strides = array<i32>} : memref<512xf32, #tpu.memory_space<vmem>>, vector<16xf32>,
    tpu.vector_store %arg11[%swap3A_261], %broadcast_in_dim3A_33 {strides = array<i32>} : memref<512xf32, #tpu.memory_space<vmem>>, vector<16xf32>,
    %swap3A_263 = arith.constant 448 : index
    %swap3A_264 = tpu.vector_load %arg12[%swap3A_263] {strides = array<i32>} : memref<512xf32, #tpu.memory_space<vmem>>, vector<16xf32>,
    tpu.vector_store %arg12[%swap3A_263], %broadcast_in_dim3A_33 {strides = array<i32>} : memref<512xf32, #tpu.memory_space<vmem>>, vector<16xf32>,
    %swap3A_265 = arith.constant 464 : index
    %swap3A_266 = tpu.vector_load %arg9[%swap3A_265] {strides = array<i32>} : memref<512xf32, #tpu.memory_space<vmem>>, vector<16xf32>,
    tpu.vector_store %arg9[%swap3A_265], %broadcast_in_dim3A_33 {strides = array<i32>} : memref<512xf32, #tpu.memory_space<vmem>>, vector<16xf32>,
    %swap3A_267 = arith.constant 464 : index
    %swap3A_268 = tpu.vector_load %arg10[%swap3A_267] {strides = array<i32>} : memref<512xf32, #tpu.memory_space<vmem>>, vector<16xf32>,
    tpu.vector_store %arg10[%swap3A_267], %broadcast_in_dim3A_33 {strides = array<i32>} : memref<512xf32, #tpu.memory_space<vmem>>, vector<16xf32>,
    %swap3A_269 = arith.constant 464 : index
    %swap3A_270 = tpu.vector_load %arg11[%swap3A_269] {strides = array<i32>} : memref<512xf32, #tpu.memory_space<vmem>>, vector<16xf32>,
    tpu.vector_store %arg11[%swap3A_269], %broadcast_in_dim3A_33 {strides = array<i32>} : memref<512xf32, #tpu.memory_space<vmem>>, vector<16xf32>,
    %swap3A_271 = arith.constant 464 : index
    %swap3A_272 = tpu.vector_load %arg12[%swap3A_271] {strides = array<i32>} : memref<512xf32, #tpu.memory_space<vmem>>, vector<16xf32>,
    tpu.vector_store %arg12[%swap3A_271], %broadcast_in_dim3A_33 {strides = array<i32>} : memref<512xf32, #tpu.memory_space<vmem>>, vector<16xf32>,
    %swap3A_273 = arith.constant 480 : index
    %swap3A_274 = tpu.vector_load %arg9[%swap3A_273] {strides = array<i32>} : memref<512xf32, #tpu.memory_space<vmem>>, vector<16xf32>,
    tpu.vector_store %arg9[%swap3A_273], %broadcast_in_dim3A_33 {strides = array<i32>} : memref<512xf32, #tpu.memory_space<vmem>>, vector<16xf32>,
    %swap3A_275 = arith.constant 480 : index
    %swap3A_276 = tpu.vector_load %arg10[%swap3A_275] {strides = array<i32>} : memref<512xf32, #tpu.memory_space<vmem>>, vector<16xf32>,
    tpu.vector_store %arg10[%swap3A_275], %broadcast_in_dim3A_33 {strides = array<i32>} : memref<512xf32, #tpu.memory_space<vmem>>, vector<16xf32>,
    %swap3A_277 = arith.constant 480 : index
    %swap3A_278 = tpu.vector_load %arg11[%swap3A_277] {strides = array<i32>} : memref<512xf32, #tpu.memory_space<vmem>>, vector<16xf32>,
    tpu.vector_store %arg11[%swap3A_277], %broadcast_in_dim3A_33 {strides = array<i32>} : memref<512xf32, #tpu.memory_space<vmem>>, vector<16xf32>,
    %swap3A_279 = arith.constant 480 : index
    %swap3A_280 = tpu.vector_load %arg12[%swap3A_279] {strides = array<i32>} : memref<512xf32, #tpu.memory_space<vmem>>, vector<16xf32>,
    tpu.vector_store %arg12[%swap3A_279], %broadcast_in_dim3A_33 {strides = array<i32>} : memref<512xf32, #tpu.memory_space<vmem>>, vector<16xf32>,
    %swap3A_281 = arith.constant 496 : index
    %swap3A_282 = tpu.vector_load %arg9[%swap3A_281] {strides = array<i32>} : memref<512xf32, #tpu.memory_space<vmem>>, vector<16xf32>,
    tpu.vector_store %arg9[%swap3A_281], %broadcast_in_dim3A_33 {strides = array<i32>} : memref<512xf32, #tpu.memory_space<vmem>>, vector<16xf32>,
    %swap3A_283 = arith.constant 496 : index
    %swap3A_284 = tpu.vector_load %arg10[%swap3A_283] {strides = array<i32>} : memref<512xf32, #tpu.memory_space<vmem>>, vector<16xf32>,
    tpu.vector_store %arg10[%swap3A_283], %broadcast_in_dim3A_33 {strides = array<i32>} : memref<512xf32, #tpu.memory_space<vmem>>, vector<16xf32>,
    %swap3A_285 = arith.constant 496 : index
    %swap3A_286 = tpu.vector_load %arg11[%swap3A_285] {strides = array<i32>} : memref<512xf32, #tpu.memory_space<vmem>>, vector<16xf32>,
    tpu.vector_store %arg11[%swap3A_285], %broadcast_in_dim3A_33 {strides = array<i32>} : memref<512xf32, #tpu.memory_space<vmem>>, vector<16xf32>,
    %swap3A_287 = arith.constant 496 : index
    %swap3A_288 = tpu.vector_load %arg12[%swap3A_287] {strides = array<i32>} : memref<512xf32, #tpu.memory_space<vmem>>, vector<16xf32>,
    tpu.vector_store %arg12[%swap3A_287], %broadcast_in_dim3A_33 {strides = array<i32>} : memref<512xf32, #tpu.memory_space<vmem>>, vector<16xf32>,
    %mul3A_289 = arith.constant 65536 : i32
    %mul3A_290 = arith.muli %select_n3A_30, %mul3A_289 : i32
    %add3A_291 = arith.constant 0 : i32
    %add3A_292 = arith.addi %mul3A_290, %add3A_291 : i32
    "tpu.region"() ({
      %run_scoped3A_1104 = tpu.sem_alloc : memref<!tpu.dma_semaphore, #tpu.memory_space<semaphore_mem>>
      %dma_start3A = tpu.memref_slice %arg2[%select_n3A, %add3A_292] : memref<8x262144xf32, #tpu.memory_space<hbm>> -> memref<1x8192xf32, #tpu.memory_space<hbm>>
      %dma_start3A_1105 = tpu.memref_squeeze %dma_start3A : memref<1x8192xf32, #tpu.memory_space<hbm>> -> memref<8192xf32, #tpu.memory_space<hbm>>
      %dma_start3A_1106 = tpu.memref_slice %arg2[%select_n3A, %add3A_292] : memref<8x262144xf32, #tpu.memory_space<hbm>> -> memref<1x8192xf32, #tpu.memory_space<hbm>>
      %dma_start3A_1107 = tpu.memref_squeeze %dma_start3A_1106 : memref<1x8192xf32, #tpu.memory_space<hbm>> -> memref<8192xf32, #tpu.memory_space<hbm>>
      tpu.enqueue_dma source(%dma_start3A_1107 : memref<8192xf32, #tpu.memory_space<hbm>>) target(%arg7 : memref<8192xf32, #tpu.memory_space<vmem>>) target_semaphore(%run_scoped3A_1104 : memref<!tpu.dma_semaphore, #tpu.memory_space<semaphore_mem>>)
      %dma_wait3A = tpu.memref_slice %arg2[%select_n3A, %add3A_292] : memref<8x262144xf32, #tpu.memory_space<hbm>> -> memref<1x8192xf32, #tpu.memory_space<hbm>>
      %dma_wait3A_1108 = tpu.memref_squeeze %dma_wait3A : memref<1x8192xf32, #tpu.memory_space<hbm>> -> memref<8192xf32, #tpu.memory_space<hbm>>
      %dma_wait3A_1109 = tpu.memref_slice %arg2[%select_n3A, %add3A_292] : memref<8x262144xf32, #tpu.memory_space<hbm>> -> memref<1x8192xf32, #tpu.memory_space<hbm>>
      %dma_wait3A_1110 = tpu.memref_squeeze %dma_wait3A_1109 : memref<1x8192xf32, #tpu.memory_space<hbm>> -> memref<8192xf32, #tpu.memory_space<hbm>>
      tpu.wait_dma2 semaphore(%run_scoped3A_1104 : memref<!tpu.dma_semaphore, #tpu.memory_space<semaphore_mem>>) src(%dma_wait3A_1110 : memref<8192xf32, #tpu.memory_space<hbm>>) dst(%arg7 : memref<8192xf32, #tpu.memory_space<vmem>>)
      tpu.yield
    }) : () -> ()
    "tpu.region"() ({
      %run_scoped3A_1104 = tpu.sem_alloc : memref<!tpu.dma_semaphore, #tpu.memory_space<semaphore_mem>>
      %dma_start3A = tpu.memref_slice %arg3[%select_n3A, %add3A_292] : memref<8x262144xi32, #tpu.memory_space<hbm>> -> memref<1x8192xi32, #tpu.memory_space<hbm>>
      %dma_start3A_1105 = tpu.memref_squeeze %dma_start3A : memref<1x8192xi32, #tpu.memory_space<hbm>> -> memref<8192xi32, #tpu.memory_space<hbm>>
      %dma_start3A_1106 = tpu.memref_slice %arg3[%select_n3A, %add3A_292] : memref<8x262144xi32, #tpu.memory_space<hbm>> -> memref<1x8192xi32, #tpu.memory_space<hbm>>
      %dma_start3A_1107 = tpu.memref_squeeze %dma_start3A_1106 : memref<1x8192xi32, #tpu.memory_space<hbm>> -> memref<8192xi32, #tpu.memory_space<hbm>>
      tpu.enqueue_dma source(%dma_start3A_1107 : memref<8192xi32, #tpu.memory_space<hbm>>) target(%arg8 : memref<8192xi32, #tpu.memory_space<vmem>>) target_semaphore(%run_scoped3A_1104 : memref<!tpu.dma_semaphore, #tpu.memory_space<semaphore_mem>>)
      %dma_wait3A = tpu.memref_slice %arg3[%select_n3A, %add3A_292] : memref<8x262144xi32, #tpu.memory_space<hbm>> -> memref<1x8192xi32, #tpu.memory_space<hbm>>
      %dma_wait3A_1108 = tpu.memref_squeeze %dma_wait3A : memref<1x8192xi32, #tpu.memory_space<hbm>> -> memref<8192xi32, #tpu.memory_space<hbm>>
      %dma_wait3A_1109 = tpu.memref_slice %arg3[%select_n3A, %add3A_292] : memref<8x262144xi32, #tpu.memory_space<hbm>> -> memref<1x8192xi32, #tpu.memory_space<hbm>>
      %dma_wait3A_1110 = tpu.memref_squeeze %dma_wait3A_1109 : memref<1x8192xi32, #tpu.memory_space<hbm>> -> memref<8192xi32, #tpu.memory_space<hbm>>
      tpu.wait_dma2 semaphore(%run_scoped3A_1104 : memref<!tpu.dma_semaphore, #tpu.memory_space<semaphore_mem>>) src(%dma_wait3A_1110 : memref<8192xi32, #tpu.memory_space<hbm>>) dst(%arg8 : memref<8192xi32, #tpu.memory_space<vmem>>)
      tpu.yield
    }) : () -> ()
    %scan3A = arith.constant 0 : i32
    %scan3A_293 = arith.constant 0 : i32
    %scan3A_294 = arith.constant 512 : i32
    %scan3A_295 = arith.addi %scan3A_293, %scan3A_294 : i32
    %scan3A_296 = arith.constant 1 : i32
    %scan3A_297 = scf.for %scan3A_1104 = %scan3A_293 to %scan3A_295 step %scan3A_296 iter_args(%scan3A_1105 = %scan3A) -> (i32)  : i32 {
      %mul3A_1106 = arith.constant 16 : i32
      %mul3A_1107 = arith.muli %scan3A_1104, %mul3A_1106 : i32
      %multiple_of3A = tpu.assume_multiple %mul3A_1107, 16 : i32
      %get3A = arith.index_cast %multiple_of3A : i32 to index
      %get3A_1108 = tpu.vector_load %arg7[%get3A] {strides = array<i32>} : memref<8192xf32, #tpu.memory_space<vmem>>, vector<16xf32>,
      %get3A_1109 = arith.index_cast %multiple_of3A : i32 to index
      %get3A_1110 = tpu.vector_load %arg8[%get3A_1109] {strides = array<i32>} : memref<8192xi32, #tpu.memory_space<vmem>>, vector<16xi32>,
      %mul3A_1111 = arith.constant 16 : i32
      %mul3A_1112 = vector.broadcast %mul3A_1111 : i32 to vector<16xi32>
      %mul3A_1113 = arith.muli %get3A_1110, %mul3A_1112 : vector<16xi32>
      %add3A_1114 = arith.addi %mul3A_1113, %iota3A : vector<16xi32>
      tpu.vector_store_idx %arg10[%add3A_1114], %get3A_1108 {add = true} : memref<512xf32, #tpu.memory_space<vmem>>[vector<16xi32>], vector<16xf32>,
      tpu.vector_store_idx %arg9[%add3A_1114], %broadcast_in_dim3A_31 {add = true} : memref<512xf32, #tpu.memory_space<vmem>>[vector<16xi32>], vector<16xf32>,
      %scan3A_1115 = arith.constant 0 : i32
      scf.yield %scan3A_1115 : i32
    }
    %scan3A_298 = arith.constant 512 : i32
    %mul3A_299 = arith.constant 65536 : i32
    %mul3A_300 = arith.muli %select_n3A_30, %mul3A_299 : i32
    %add3A_301 = arith.constant 8192 : i32
    %add3A_302 = arith.addi %mul3A_300, %add3A_301 : i32
    "tpu.region"() ({
      %run_scoped3A_1104 = tpu.sem_alloc : memref<!tpu.dma_semaphore, #tpu.memory_space<semaphore_mem>>
      %dma_start3A = tpu.memref_slice %arg2[%select_n3A, %add3A_302] : memref<8x262144xf32, #tpu.memory_space<hbm>> -> memref<1x8192xf32, #tpu.memory_space<hbm>>
      %dma_start3A_1105 = tpu.memref_squeeze %dma_start3A : memref<1x8192xf32, #tpu.memory_space<hbm>> -> memref<8192xf32, #tpu.memory_space<hbm>>
      %dma_start3A_1106 = tpu.memref_slice %arg2[%select_n3A, %add3A_302] : memref<8x262144xf32, #tpu.memory_space<hbm>> -> memref<1x8192xf32, #tpu.memory_space<hbm>>
      %dma_start3A_1107 = tpu.memref_squeeze %dma_start3A_1106 : memref<1x8192xf32, #tpu.memory_space<hbm>> -> memref<8192xf32, #tpu.memory_space<hbm>>
      tpu.enqueue_dma source(%dma_start3A_1107 : memref<8192xf32, #tpu.memory_space<hbm>>) target(%arg7 : memref<8192xf32, #tpu.memory_space<vmem>>) target_semaphore(%run_scoped3A_1104 : memref<!tpu.dma_semaphore, #tpu.memory_space<semaphore_mem>>)
      %dma_wait3A = tpu.memref_slice %arg2[%select_n3A, %add3A_302] : memref<8x262144xf32, #tpu.memory_space<hbm>> -> memref<1x8192xf32, #tpu.memory_space<hbm>>
      %dma_wait3A_1108 = tpu.memref_squeeze %dma_wait3A : memref<1x8192xf32, #tpu.memory_space<hbm>> -> memref<8192xf32, #tpu.memory_space<hbm>>
      %dma_wait3A_1109 = tpu.memref_slice %arg2[%select_n3A, %add3A_302] : memref<8x262144xf32, #tpu.memory_space<hbm>> -> memref<1x8192xf32, #tpu.memory_space<hbm>>
      %dma_wait3A_1110 = tpu.memref_squeeze %dma_wait3A_1109 : memref<1x8192xf32, #tpu.memory_space<hbm>> -> memref<8192xf32, #tpu.memory_space<hbm>>
      tpu.wait_dma2 semaphore(%run_scoped3A_1104 : memref<!tpu.dma_semaphore, #tpu.memory_space<semaphore_mem>>) src(%dma_wait3A_1110 : memref<8192xf32, #tpu.memory_space<hbm>>) dst(%arg7 : memref<8192xf32, #tpu.memory_space<vmem>>)
      tpu.yield
    }) : () -> ()
    "tpu.region"() ({
      %run_scoped3A_1104 = tpu.sem_alloc : memref<!tpu.dma_semaphore, #tpu.memory_space<semaphore_mem>>
      %dma_start3A = tpu.memref_slice %arg3[%select_n3A, %add3A_302] : memref<8x262144xi32, #tpu.memory_space<hbm>> -> memref<1x8192xi32, #tpu.memory_space<hbm>>
      %dma_start3A_1105 = tpu.memref_squeeze %dma_start3A : memref<1x8192xi32, #tpu.memory_space<hbm>> -> memref<8192xi32, #tpu.memory_space<hbm>>
      %dma_start3A_1106 = tpu.memref_slice %arg3[%select_n3A, %add3A_302] : memref<8x262144xi32, #tpu.memory_space<hbm>> -> memref<1x8192xi32, #tpu.memory_space<hbm>>
      %dma_start3A_1107 = tpu.memref_squeeze %dma_start3A_1106 : memref<1x8192xi32, #tpu.memory_space<hbm>> -> memref<8192xi32, #tpu.memory_space<hbm>>
      tpu.enqueue_dma source(%dma_start3A_1107 : memref<8192xi32, #tpu.memory_space<hbm>>) target(%arg8 : memref<8192xi32, #tpu.memory_space<vmem>>) target_semaphore(%run_scoped3A_1104 : memref<!tpu.dma_semaphore, #tpu.memory_space<semaphore_mem>>)
      %dma_wait3A = tpu.memref_slice %arg3[%select_n3A, %add3A_302] : memref<8x262144xi32, #tpu.memory_space<hbm>> -> memref<1x8192xi32, #tpu.memory_space<hbm>>
      %dma_wait3A_1108 = tpu.memref_squeeze %dma_wait3A : memref<1x8192xi32, #tpu.memory_space<hbm>> -> memref<8192xi32, #tpu.memory_space<hbm>>
      %dma_wait3A_1109 = tpu.memref_slice %arg3[%select_n3A, %add3A_302] : memref<8x262144xi32, #tpu.memory_space<hbm>> -> memref<1x8192xi32, #tpu.memory_space<hbm>>
      %dma_wait3A_1110 = tpu.memref_squeeze %dma_wait3A_1109 : memref<1x8192xi32, #tpu.memory_space<hbm>> -> memref<8192xi32, #tpu.memory_space<hbm>>
      tpu.wait_dma2 semaphore(%run_scoped3A_1104 : memref<!tpu.dma_semaphore, #tpu.memory_space<semaphore_mem>>) src(%dma_wait3A_1110 : memref<8192xi32, #tpu.memory_space<hbm>>) dst(%arg8 : memref<8192xi32, #tpu.memory_space<vmem>>)
      tpu.yield
    }) : () -> ()
    %scan3A_303 = arith.constant 0 : i32
    %scan3A_304 = arith.constant 0 : i32
    %scan3A_305 = arith.constant 512 : i32
    %scan3A_306 = arith.addi %scan3A_304, %scan3A_305 : i32
    %scan3A_307 = arith.constant 1 : i32
    %scan3A_308 = scf.for %scan3A_1104 = %scan3A_304 to %scan3A_306 step %scan3A_307 iter_args(%scan3A_1105 = %scan3A_303) -> (i32)  : i32 {
      %mul3A_1106 = arith.constant 16 : i32
      %mul3A_1107 = arith.muli %scan3A_1104, %mul3A_1106 : i32
      %multiple_of3A = tpu.assume_multiple %mul3A_1107, 16 : i32
      %get3A = arith.index_cast %multiple_of3A : i32 to index
      %get3A_1108 = tpu.vector_load %arg7[%get3A] {strides = array<i32>} : memref<8192xf32, #tpu.memory_space<vmem>>, vector<16xf32>,
      %get3A_1109 = arith.index_cast %multiple_of3A : i32 to index
      %get3A_1110 = tpu.vector_load %arg8[%get3A_1109] {strides = array<i32>} : memref<8192xi32, #tpu.memory_space<vmem>>, vector<16xi32>,
      %mul3A_1111 = arith.constant 16 : i32
      %mul3A_1112 = vector.broadcast %mul3A_1111 : i32 to vector<16xi32>
      %mul3A_1113 = arith.muli %get3A_1110, %mul3A_1112 : vector<16xi32>
      %add3A_1114 = arith.addi %mul3A_1113, %iota3A : vector<16xi32>
      tpu.vector_store_idx %arg10[%add3A_1114], %get3A_1108 {add = true} : memref<512xf32, #tpu.memory_space<vmem>>[vector<16xi32>], vector<16xf32>,
      tpu.vector_store_idx %arg9[%add3A_1114], %broadcast_in_dim3A_31 {add = true} : memref<512xf32, #tpu.memory_space<vmem>>[vector<16xi32>], vector<16xf32>,
      %scan3A_1115 = arith.constant 0 : i32
      scf.yield %scan3A_1115 : i32
    }
    %scan3A_309 = arith.constant 512 : i32
    %mul3A_310 = arith.constant 65536 : i32
    %mul3A_311 = arith.muli %select_n3A_30, %mul3A_310 : i32
    %add3A_312 = arith.constant 16384 : i32
    %add3A_313 = arith.addi %mul3A_311, %add3A_312 : i32
    "tpu.region"() ({
      %run_scoped3A_1104 = tpu.sem_alloc : memref<!tpu.dma_semaphore, #tpu.memory_space<semaphore_mem>>
      %dma_start3A = tpu.memref_slice %arg2[%select_n3A, %add3A_313] : memref<8x262144xf32, #tpu.memory_space<hbm>> -> memref<1x8192xf32, #tpu.memory_space<hbm>>
      %dma_start3A_1105 = tpu.memref_squeeze %dma_start3A : memref<1x8192xf32, #tpu.memory_space<hbm>> -> memref<8192xf32, #tpu.memory_space<hbm>>
      %dma_start3A_1106 = tpu.memref_slice %arg2[%select_n3A, %add3A_313] : memref<8x262144xf32, #tpu.memory_space<hbm>> -> memref<1x8192xf32, #tpu.memory_space<hbm>>
      %dma_start3A_1107 = tpu.memref_squeeze %dma_start3A_1106 : memref<1x8192xf32, #tpu.memory_space<hbm>> -> memref<8192xf32, #tpu.memory_space<hbm>>
      tpu.enqueue_dma source(%dma_start3A_1107 : memref<8192xf32, #tpu.memory_space<hbm>>) target(%arg7 : memref<8192xf32, #tpu.memory_space<vmem>>) target_semaphore(%run_scoped3A_1104 : memref<!tpu.dma_semaphore, #tpu.memory_space<semaphore_mem>>)
      %dma_wait3A = tpu.memref_slice %arg2[%select_n3A, %add3A_313] : memref<8x262144xf32, #tpu.memory_space<hbm>> -> memref<1x8192xf32, #tpu.memory_space<hbm>>
      %dma_wait3A_1108 = tpu.memref_squeeze %dma_wait3A : memref<1x8192xf32, #tpu.memory_space<hbm>> -> memref<8192xf32, #tpu.memory_space<hbm>>
      %dma_wait3A_1109 = tpu.memref_slice %arg2[%select_n3A, %add3A_313] : memref<8x262144xf32, #tpu.memory_space<hbm>> -> memref<1x8192xf32, #tpu.memory_space<hbm>>
      %dma_wait3A_1110 = tpu.memref_squeeze %dma_wait3A_1109 : memref<1x8192xf32, #tpu.memory_space<hbm>> -> memref<8192xf32, #tpu.memory_space<hbm>>
      tpu.wait_dma2 semaphore(%run_scoped3A_1104 : memref<!tpu.dma_semaphore, #tpu.memory_space<semaphore_mem>>) src(%dma_wait3A_1110 : memref<8192xf32, #tpu.memory_space<hbm>>) dst(%arg7 : memref<8192xf32, #tpu.memory_space<vmem>>)
      tpu.yield
    }) : () -> ()
    "tpu.region"() ({
      %run_scoped3A_1104 = tpu.sem_alloc : memref<!tpu.dma_semaphore, #tpu.memory_space<semaphore_mem>>
      %dma_start3A = tpu.memref_slice %arg3[%select_n3A, %add3A_313] : memref<8x262144xi32, #tpu.memory_space<hbm>> -> memref<1x8192xi32, #tpu.memory_space<hbm>>
      %dma_start3A_1105 = tpu.memref_squeeze %dma_start3A : memref<1x8192xi32, #tpu.memory_space<hbm>> -> memref<8192xi32, #tpu.memory_space<hbm>>
      %dma_start3A_1106 = tpu.memref_slice %arg3[%select_n3A, %add3A_313] : memref<8x262144xi32, #tpu.memory_space<hbm>> -> memref<1x8192xi32, #tpu.memory_space<hbm>>
      %dma_start3A_1107 = tpu.memref_squeeze %dma_start3A_1106 : memref<1x8192xi32, #tpu.memory_space<hbm>> -> memref<8192xi32, #tpu.memory_space<hbm>>
      tpu.enqueue_dma source(%dma_start3A_1107 : memref<8192xi32, #tpu.memory_space<hbm>>) target(%arg8 : memref<8192xi32, #tpu.memory_space<vmem>>) target_semaphore(%run_scoped3A_1104 : memref<!tpu.dma_semaphore, #tpu.memory_space<semaphore_mem>>)
      %dma_wait3A = tpu.memref_slice %arg3[%select_n3A, %add3A_313] : memref<8x262144xi32, #tpu.memory_space<hbm>> -> memref<1x8192xi32, #tpu.memory_space<hbm>>
      %dma_wait3A_1108 = tpu.memref_squeeze %dma_wait3A : memref<1x8192xi32, #tpu.memory_space<hbm>> -> memref<8192xi32, #tpu.memory_space<hbm>>
      %dma_wait3A_1109 = tpu.memref_slice %arg3[%select_n3A, %add3A_313] : memref<8x262144xi32, #tpu.memory_space<hbm>> -> memref<1x8192xi32, #tpu.memory_space<hbm>>
      %dma_wait3A_1110 = tpu.memref_squeeze %dma_wait3A_1109 : memref<1x8192xi32, #tpu.memory_space<hbm>> -> memref<8192xi32, #tpu.memory_space<hbm>>
      tpu.wait_dma2 semaphore(%run_scoped3A_1104 : memref<!tpu.dma_semaphore, #tpu.memory_space<semaphore_mem>>) src(%dma_wait3A_1110 : memref<8192xi32, #tpu.memory_space<hbm>>) dst(%arg8 : memref<8192xi32, #tpu.memory_space<vmem>>)
      tpu.yield
    }) : () -> ()
    %scan3A_314 = arith.constant 0 : i32
    %scan3A_315 = arith.constant 0 : i32
    %scan3A_316 = arith.constant 512 : i32
    %scan3A_317 = arith.addi %scan3A_315, %scan3A_316 : i32
    %scan3A_318 = arith.constant 1 : i32
    %scan3A_319 = scf.for %scan3A_1104 = %scan3A_315 to %scan3A_317 step %scan3A_318 iter_args(%scan3A_1105 = %scan3A_314) -> (i32)  : i32 {
      %mul3A_1106 = arith.constant 16 : i32
      %mul3A_1107 = arith.muli %scan3A_1104, %mul3A_1106 : i32
      %multiple_of3A = tpu.assume_multiple %mul3A_1107, 16 : i32
      %get3A = arith.index_cast %multiple_of3A : i32 to index
      %get3A_1108 = tpu.vector_load %arg7[%get3A] {strides = array<i32>} : memref<8192xf32, #tpu.memory_space<vmem>>, vector<16xf32>,
      %get3A_1109 = arith.index_cast %multiple_of3A : i32 to index
      %get3A_1110 = tpu.vector_load %arg8[%get3A_1109] {strides = array<i32>} : memref<8192xi32, #tpu.memory_space<vmem>>, vector<16xi32>,
      %mul3A_1111 = arith.constant 16 : i32
      %mul3A_1112 = vector.broadcast %mul3A_1111 : i32 to vector<16xi32>
      %mul3A_1113 = arith.muli %get3A_1110, %mul3A_1112 : vector<16xi32>
      %add3A_1114 = arith.addi %mul3A_1113, %iota3A : vector<16xi32>
      tpu.vector_store_idx %arg10[%add3A_1114], %get3A_1108 {add = true} : memref<512xf32, #tpu.memory_space<vmem>>[vector<16xi32>], vector<16xf32>,
      tpu.vector_store_idx %arg9[%add3A_1114], %broadcast_in_dim3A_31 {add = true} : memref<512xf32, #tpu.memory_space<vmem>>[vector<16xi32>], vector<16xf32>,
      %scan3A_1115 = arith.constant 0 : i32
      scf.yield %scan3A_1115 : i32
    }
    %scan3A_320 = arith.constant 512 : i32
    %mul3A_321 = arith.constant 65536 : i32
    %mul3A_322 = arith.muli %select_n3A_30, %mul3A_321 : i32
    %add3A_323 = arith.constant 24576 : i32
    %add3A_324 = arith.addi %mul3A_322, %add3A_323 : i32
    "tpu.region"() ({
      %run_scoped3A_1104 = tpu.sem_alloc : memref<!tpu.dma_semaphore, #tpu.memory_space<semaphore_mem>>
      %dma_start3A = tpu.memref_slice %arg2[%select_n3A, %add3A_324] : memref<8x262144xf32, #tpu.memory_space<hbm>> -> memref<1x8192xf32, #tpu.memory_space<hbm>>
      %dma_start3A_1105 = tpu.memref_squeeze %dma_start3A : memref<1x8192xf32, #tpu.memory_space<hbm>> -> memref<8192xf32, #tpu.memory_space<hbm>>
      %dma_start3A_1106 = tpu.memref_slice %arg2[%select_n3A, %add3A_324] : memref<8x262144xf32, #tpu.memory_space<hbm>> -> memref<1x8192xf32, #tpu.memory_space<hbm>>
      %dma_start3A_1107 = tpu.memref_squeeze %dma_start3A_1106 : memref<1x8192xf32, #tpu.memory_space<hbm>> -> memref<8192xf32, #tpu.memory_space<hbm>>
      tpu.enqueue_dma source(%dma_start3A_1107 : memref<8192xf32, #tpu.memory_space<hbm>>) target(%arg7 : memref<8192xf32, #tpu.memory_space<vmem>>) target_semaphore(%run_scoped3A_1104 : memref<!tpu.dma_semaphore, #tpu.memory_space<semaphore_mem>>)
      %dma_wait3A = tpu.memref_slice %arg2[%select_n3A, %add3A_324] : memref<8x262144xf32, #tpu.memory_space<hbm>> -> memref<1x8192xf32, #tpu.memory_space<hbm>>
      %dma_wait3A_1108 = tpu.memref_squeeze %dma_wait3A : memref<1x8192xf32, #tpu.memory_space<hbm>> -> memref<8192xf32, #tpu.memory_space<hbm>>
      %dma_wait3A_1109 = tpu.memref_slice %arg2[%select_n3A, %add3A_324] : memref<8x262144xf32, #tpu.memory_space<hbm>> -> memref<1x8192xf32, #tpu.memory_space<hbm>>
      %dma_wait3A_1110 = tpu.memref_squeeze %dma_wait3A_1109 : memref<1x8192xf32, #tpu.memory_space<hbm>> -> memref<8192xf32, #tpu.memory_space<hbm>>
      tpu.wait_dma2 semaphore(%run_scoped3A_1104 : memref<!tpu.dma_semaphore, #tpu.memory_space<semaphore_mem>>) src(%dma_wait3A_1110 : memref<8192xf32, #tpu.memory_space<hbm>>) dst(%arg7 : memref<8192xf32, #tpu.memory_space<vmem>>)
      tpu.yield
    }) : () -> ()
    "tpu.region"() ({
      %run_scoped3A_1104 = tpu.sem_alloc : memref<!tpu.dma_semaphore, #tpu.memory_space<semaphore_mem>>
      %dma_start3A = tpu.memref_slice %arg3[%select_n3A, %add3A_324] : memref<8x262144xi32, #tpu.memory_space<hbm>> -> memref<1x8192xi32, #tpu.memory_space<hbm>>
      %dma_start3A_1105 = tpu.memref_squeeze %dma_start3A : memref<1x8192xi32, #tpu.memory_space<hbm>> -> memref<8192xi32, #tpu.memory_space<hbm>>
      %dma_start3A_1106 = tpu.memref_slice %arg3[%select_n3A, %add3A_324] : memref<8x262144xi32, #tpu.memory_space<hbm>> -> memref<1x8192xi32, #tpu.memory_space<hbm>>
      %dma_start3A_1107 = tpu.memref_squeeze %dma_start3A_1106 : memref<1x8192xi32, #tpu.memory_space<hbm>> -> memref<8192xi32, #tpu.memory_space<hbm>>
      tpu.enqueue_dma source(%dma_start3A_1107 : memref<8192xi32, #tpu.memory_space<hbm>>) target(%arg8 : memref<8192xi32, #tpu.memory_space<vmem>>) target_semaphore(%run_scoped3A_1104 : memref<!tpu.dma_semaphore, #tpu.memory_space<semaphore_mem>>)
      %dma_wait3A = tpu.memref_slice %arg3[%select_n3A, %add3A_324] : memref<8x262144xi32, #tpu.memory_space<hbm>> -> memref<1x8192xi32, #tpu.memory_space<hbm>>
      %dma_wait3A_1108 = tpu.memref_squeeze %dma_wait3A : memref<1x8192xi32, #tpu.memory_space<hbm>> -> memref<8192xi32, #tpu.memory_space<hbm>>
      %dma_wait3A_1109 = tpu.memref_slice %arg3[%select_n3A, %add3A_324] : memref<8x262144xi32, #tpu.memory_space<hbm>> -> memref<1x8192xi32, #tpu.memory_space<hbm>>
      %dma_wait3A_1110 = tpu.memref_squeeze %dma_wait3A_1109 : memref<1x8192xi32, #tpu.memory_space<hbm>> -> memref<8192xi32, #tpu.memory_space<hbm>>
      tpu.wait_dma2 semaphore(%run_scoped3A_1104 : memref<!tpu.dma_semaphore, #tpu.memory_space<semaphore_mem>>) src(%dma_wait3A_1110 : memref<8192xi32, #tpu.memory_space<hbm>>) dst(%arg8 : memref<8192xi32, #tpu.memory_space<vmem>>)
      tpu.yield
    }) : () -> ()
    %scan3A_325 = arith.constant 0 : i32
    %scan3A_326 = arith.constant 0 : i32
    %scan3A_327 = arith.constant 512 : i32
    %scan3A_328 = arith.addi %scan3A_326, %scan3A_327 : i32
    %scan3A_329 = arith.constant 1 : i32
    %scan3A_330 = scf.for %scan3A_1104 = %scan3A_326 to %scan3A_328 step %scan3A_329 iter_args(%scan3A_1105 = %scan3A_325) -> (i32)  : i32 {
      %mul3A_1106 = arith.constant 16 : i32
      %mul3A_1107 = arith.muli %scan3A_1104, %mul3A_1106 : i32
      %multiple_of3A = tpu.assume_multiple %mul3A_1107, 16 : i32
      %get3A = arith.index_cast %multiple_of3A : i32 to index
      %get3A_1108 = tpu.vector_load %arg7[%get3A] {strides = array<i32>} : memref<8192xf32, #tpu.memory_space<vmem>>, vector<16xf32>,
      %get3A_1109 = arith.index_cast %multiple_of3A : i32 to index
      %get3A_1110 = tpu.vector_load %arg8[%get3A_1109] {strides = array<i32>} : memref<8192xi32, #tpu.memory_space<vmem>>, vector<16xi32>,
      %mul3A_1111 = arith.constant 16 : i32
      %mul3A_1112 = vector.broadcast %mul3A_1111 : i32 to vector<16xi32>
      %mul3A_1113 = arith.muli %get3A_1110, %mul3A_1112 : vector<16xi32>
      %add3A_1114 = arith.addi %mul3A_1113, %iota3A : vector<16xi32>
      tpu.vector_store_idx %arg10[%add3A_1114], %get3A_1108 {add = true} : memref<512xf32, #tpu.memory_space<vmem>>[vector<16xi32>], vector<16xf32>,
      tpu.vector_store_idx %arg9[%add3A_1114], %broadcast_in_dim3A_31 {add = true} : memref<512xf32, #tpu.memory_space<vmem>>[vector<16xi32>], vector<16xf32>,
      %scan3A_1115 = arith.constant 0 : i32
      scf.yield %scan3A_1115 : i32
    }
    %scan3A_331 = arith.constant 512 : i32
    %mul3A_332 = arith.constant 65536 : i32
    %mul3A_333 = arith.muli %select_n3A_30, %mul3A_332 : i32
    %add3A_334 = arith.constant 32768 : i32
    %add3A_335 = arith.addi %mul3A_333, %add3A_334 : i32
    "tpu.region"() ({
      %run_scoped3A_1104 = tpu.sem_alloc : memref<!tpu.dma_semaphore, #tpu.memory_space<semaphore_mem>>
      %dma_start3A = tpu.memref_slice %arg2[%select_n3A, %add3A_335] : memref<8x262144xf32, #tpu.memory_space<hbm>> -> memref<1x8192xf32, #tpu.memory_space<hbm>>
      %dma_start3A_1105 = tpu.memref_squeeze %dma_start3A : memref<1x8192xf32, #tpu.memory_space<hbm>> -> memref<8192xf32, #tpu.memory_space<hbm>>
      %dma_start3A_1106 = tpu.memref_slice %arg2[%select_n3A, %add3A_335] : memref<8x262144xf32, #tpu.memory_space<hbm>> -> memref<1x8192xf32, #tpu.memory_space<hbm>>
      %dma_start3A_1107 = tpu.memref_squeeze %dma_start3A_1106 : memref<1x8192xf32, #tpu.memory_space<hbm>> -> memref<8192xf32, #tpu.memory_space<hbm>>
      tpu.enqueue_dma source(%dma_start3A_1107 : memref<8192xf32, #tpu.memory_space<hbm>>) target(%arg7 : memref<8192xf32, #tpu.memory_space<vmem>>) target_semaphore(%run_scoped3A_1104 : memref<!tpu.dma_semaphore, #tpu.memory_space<semaphore_mem>>)
      %dma_wait3A = tpu.memref_slice %arg2[%select_n3A, %add3A_335] : memref<8x262144xf32, #tpu.memory_space<hbm>> -> memref<1x8192xf32, #tpu.memory_space<hbm>>
      %dma_wait3A_1108 = tpu.memref_squeeze %dma_wait3A : memref<1x8192xf32, #tpu.memory_space<hbm>> -> memref<8192xf32, #tpu.memory_space<hbm>>
      %dma_wait3A_1109 = tpu.memref_slice %arg2[%select_n3A, %add3A_335] : memref<8x262144xf32, #tpu.memory_space<hbm>> -> memref<1x8192xf32, #tpu.memory_space<hbm>>
      %dma_wait3A_1110 = tpu.memref_squeeze %dma_wait3A_1109 : memref<1x8192xf32, #tpu.memory_space<hbm>> -> memref<8192xf32, #tpu.memory_space<hbm>>
      tpu.wait_dma2 semaphore(%run_scoped3A_1104 : memref<!tpu.dma_semaphore, #tpu.memory_space<semaphore_mem>>) src(%dma_wait3A_1110 : memref<8192xf32, #tpu.memory_space<hbm>>) dst(%arg7 : memref<8192xf32, #tpu.memory_space<vmem>>)
      tpu.yield
    }) : () -> ()
    "tpu.region"() ({
      %run_scoped3A_1104 = tpu.sem_alloc : memref<!tpu.dma_semaphore, #tpu.memory_space<semaphore_mem>>
      %dma_start3A = tpu.memref_slice %arg3[%select_n3A, %add3A_335] : memref<8x262144xi32, #tpu.memory_space<hbm>> -> memref<1x8192xi32, #tpu.memory_space<hbm>>
      %dma_start3A_1105 = tpu.memref_squeeze %dma_start3A : memref<1x8192xi32, #tpu.memory_space<hbm>> -> memref<8192xi32, #tpu.memory_space<hbm>>
      %dma_start3A_1106 = tpu.memref_slice %arg3[%select_n3A, %add3A_335] : memref<8x262144xi32, #tpu.memory_space<hbm>> -> memref<1x8192xi32, #tpu.memory_space<hbm>>
      %dma_start3A_1107 = tpu.memref_squeeze %dma_start3A_1106 : memref<1x8192xi32, #tpu.memory_space<hbm>> -> memref<8192xi32, #tpu.memory_space<hbm>>
      tpu.enqueue_dma source(%dma_start3A_1107 : memref<8192xi32, #tpu.memory_space<hbm>>) target(%arg8 : memref<8192xi32, #tpu.memory_space<vmem>>) target_semaphore(%run_scoped3A_1104 : memref<!tpu.dma_semaphore, #tpu.memory_space<semaphore_mem>>)
      %dma_wait3A = tpu.memref_slice %arg3[%select_n3A, %add3A_335] : memref<8x262144xi32, #tpu.memory_space<hbm>> -> memref<1x8192xi32, #tpu.memory_space<hbm>>
      %dma_wait3A_1108 = tpu.memref_squeeze %dma_wait3A : memref<1x8192xi32, #tpu.memory_space<hbm>> -> memref<8192xi32, #tpu.memory_space<hbm>>
      %dma_wait3A_1109 = tpu.memref_slice %arg3[%select_n3A, %add3A_335] : memref<8x262144xi32, #tpu.memory_space<hbm>> -> memref<1x8192xi32, #tpu.memory_space<hbm>>
      %dma_wait3A_1110 = tpu.memref_squeeze %dma_wait3A_1109 : memref<1x8192xi32, #tpu.memory_space<hbm>> -> memref<8192xi32, #tpu.memory_space<hbm>>
      tpu.wait_dma2 semaphore(%run_scoped3A_1104 : memref<!tpu.dma_semaphore, #tpu.memory_space<semaphore_mem>>) src(%dma_wait3A_1110 : memref<8192xi32, #tpu.memory_space<hbm>>) dst(%arg8 : memref<8192xi32, #tpu.memory_space<vmem>>)
      tpu.yield
    }) : () -> ()
    %scan3A_336 = arith.constant 0 : i32
    %scan3A_337 = arith.constant 0 : i32
    %scan3A_338 = arith.constant 512 : i32
    %scan3A_339 = arith.addi %scan3A_337, %scan3A_338 : i32
    %scan3A_340 = arith.constant 1 : i32
    %scan3A_341 = scf.for %scan3A_1104 = %scan3A_337 to %scan3A_339 step %scan3A_340 iter_args(%scan3A_1105 = %scan3A_336) -> (i32)  : i32 {
      %mul3A_1106 = arith.constant 16 : i32
      %mul3A_1107 = arith.muli %scan3A_1104, %mul3A_1106 : i32
      %multiple_of3A = tpu.assume_multiple %mul3A_1107, 16 : i32
      %get3A = arith.index_cast %multiple_of3A : i32 to index
      %get3A_1108 = tpu.vector_load %arg7[%get3A] {strides = array<i32>} : memref<8192xf32, #tpu.memory_space<vmem>>, vector<16xf32>,
      %get3A_1109 = arith.index_cast %multiple_of3A : i32 to index
      %get3A_1110 = tpu.vector_load %arg8[%get3A_1109] {strides = array<i32>} : memref<8192xi32, #tpu.memory_space<vmem>>, vector<16xi32>,
      %mul3A_1111 = arith.constant 16 : i32
      %mul3A_1112 = vector.broadcast %mul3A_1111 : i32 to vector<16xi32>
      %mul3A_1113 = arith.muli %get3A_1110, %mul3A_1112 : vector<16xi32>
      %add3A_1114 = arith.addi %mul3A_1113, %iota3A : vector<16xi32>
      tpu.vector_store_idx %arg10[%add3A_1114], %get3A_1108 {add = true} : memref<512xf32, #tpu.memory_space<vmem>>[vector<16xi32>], vector<16xf32>,
      tpu.vector_store_idx %arg9[%add3A_1114], %broadcast_in_dim3A_31 {add = true} : memref<512xf32, #tpu.memory_space<vmem>>[vector<16xi32>], vector<16xf32>,
      %scan3A_1115 = arith.constant 0 : i32
      scf.yield %scan3A_1115 : i32
    }
    %scan3A_342 = arith.constant 512 : i32
    %mul3A_343 = arith.constant 65536 : i32
    %mul3A_344 = arith.muli %select_n3A_30, %mul3A_343 : i32
    %add3A_345 = arith.constant 40960 : i32
    %add3A_346 = arith.addi %mul3A_344, %add3A_345 : i32
    "tpu.region"() ({
      %run_scoped3A_1104 = tpu.sem_alloc : memref<!tpu.dma_semaphore, #tpu.memory_space<semaphore_mem>>
      %dma_start3A = tpu.memref_slice %arg2[%select_n3A, %add3A_346] : memref<8x262144xf32, #tpu.memory_space<hbm>> -> memref<1x8192xf32, #tpu.memory_space<hbm>>
      %dma_start3A_1105 = tpu.memref_squeeze %dma_start3A : memref<1x8192xf32, #tpu.memory_space<hbm>> -> memref<8192xf32, #tpu.memory_space<hbm>>
      %dma_start3A_1106 = tpu.memref_slice %arg2[%select_n3A, %add3A_346] : memref<8x262144xf32, #tpu.memory_space<hbm>> -> memref<1x8192xf32, #tpu.memory_space<hbm>>
      %dma_start3A_1107 = tpu.memref_squeeze %dma_start3A_1106 : memref<1x8192xf32, #tpu.memory_space<hbm>> -> memref<8192xf32, #tpu.memory_space<hbm>>
      tpu.enqueue_dma source(%dma_start3A_1107 : memref<8192xf32, #tpu.memory_space<hbm>>) target(%arg7 : memref<8192xf32, #tpu.memory_space<vmem>>) target_semaphore(%run_scoped3A_1104 : memref<!tpu.dma_semaphore, #tpu.memory_space<semaphore_mem>>)
      %dma_wait3A = tpu.memref_slice %arg2[%select_n3A, %add3A_346] : memref<8x262144xf32, #tpu.memory_space<hbm>> -> memref<1x8192xf32, #tpu.memory_space<hbm>>
      %dma_wait3A_1108 = tpu.memref_squeeze %dma_wait3A : memref<1x8192xf32, #tpu.memory_space<hbm>> -> memref<8192xf32, #tpu.memory_space<hbm>>
      %dma_wait3A_1109 = tpu.memref_slice %arg2[%select_n3A, %add3A_346] : memref<8x262144xf32, #tpu.memory_space<hbm>> -> memref<1x8192xf32, #tpu.memory_space<hbm>>
      %dma_wait3A_1110 = tpu.memref_squeeze %dma_wait3A_1109 : memref<1x8192xf32, #tpu.memory_space<hbm>> -> memref<8192xf32, #tpu.memory_space<hbm>>
      tpu.wait_dma2 semaphore(%run_scoped3A_1104 : memref<!tpu.dma_semaphore, #tpu.memory_space<semaphore_mem>>) src(%dma_wait3A_1110 : memref<8192xf32, #tpu.memory_space<hbm>>) dst(%arg7 : memref<8192xf32, #tpu.memory_space<vmem>>)
      tpu.yield
    }) : () -> ()
    "tpu.region"() ({
      %run_scoped3A_1104 = tpu.sem_alloc : memref<!tpu.dma_semaphore, #tpu.memory_space<semaphore_mem>>
      %dma_start3A = tpu.memref_slice %arg3[%select_n3A, %add3A_346] : memref<8x262144xi32, #tpu.memory_space<hbm>> -> memref<1x8192xi32, #tpu.memory_space<hbm>>
      %dma_start3A_1105 = tpu.memref_squeeze %dma_start3A : memref<1x8192xi32, #tpu.memory_space<hbm>> -> memref<8192xi32, #tpu.memory_space<hbm>>
      %dma_start3A_1106 = tpu.memref_slice %arg3[%select_n3A, %add3A_346] : memref<8x262144xi32, #tpu.memory_space<hbm>> -> memref<1x8192xi32, #tpu.memory_space<hbm>>
      %dma_start3A_1107 = tpu.memref_squeeze %dma_start3A_1106 : memref<1x8192xi32, #tpu.memory_space<hbm>> -> memref<8192xi32, #tpu.memory_space<hbm>>
      tpu.enqueue_dma source(%dma_start3A_1107 : memref<8192xi32, #tpu.memory_space<hbm>>) target(%arg8 : memref<8192xi32, #tpu.memory_space<vmem>>) target_semaphore(%run_scoped3A_1104 : memref<!tpu.dma_semaphore, #tpu.memory_space<semaphore_mem>>)
      %dma_wait3A = tpu.memref_slice %arg3[%select_n3A, %add3A_346] : memref<8x262144xi32, #tpu.memory_space<hbm>> -> memref<1x8192xi32, #tpu.memory_space<hbm>>
      %dma_wait3A_1108 = tpu.memref_squeeze %dma_wait3A : memref<1x8192xi32, #tpu.memory_space<hbm>> -> memref<8192xi32, #tpu.memory_space<hbm>>
      %dma_wait3A_1109 = tpu.memref_slice %arg3[%select_n3A, %add3A_346] : memref<8x262144xi32, #tpu.memory_space<hbm>> -> memref<1x8192xi32, #tpu.memory_space<hbm>>
      %dma_wait3A_1110 = tpu.memref_squeeze %dma_wait3A_1109 : memref<1x8192xi32, #tpu.memory_space<hbm>> -> memref<8192xi32, #tpu.memory_space<hbm>>
      tpu.wait_dma2 semaphore(%run_scoped3A_1104 : memref<!tpu.dma_semaphore, #tpu.memory_space<semaphore_mem>>) src(%dma_wait3A_1110 : memref<8192xi32, #tpu.memory_space<hbm>>) dst(%arg8 : memref<8192xi32, #tpu.memory_space<vmem>>)
      tpu.yield
    }) : () -> ()
    %scan3A_347 = arith.constant 0 : i32
    %scan3A_348 = arith.constant 0 : i32
    %scan3A_349 = arith.constant 512 : i32
    %scan3A_350 = arith.addi %scan3A_348, %scan3A_349 : i32
    %scan3A_351 = arith.constant 1 : i32
    %scan3A_352 = scf.for %scan3A_1104 = %scan3A_348 to %scan3A_350 step %scan3A_351 iter_args(%scan3A_1105 = %scan3A_347) -> (i32)  : i32 {
      %mul3A_1106 = arith.constant 16 : i32
      %mul3A_1107 = arith.muli %scan3A_1104, %mul3A_1106 : i32
      %multiple_of3A = tpu.assume_multiple %mul3A_1107, 16 : i32
      %get3A = arith.index_cast %multiple_of3A : i32 to index
      %get3A_1108 = tpu.vector_load %arg7[%get3A] {strides = array<i32>} : memref<8192xf32, #tpu.memory_space<vmem>>, vector<16xf32>,
      %get3A_1109 = arith.index_cast %multiple_of3A : i32 to index
      %get3A_1110 = tpu.vector_load %arg8[%get3A_1109] {strides = array<i32>} : memref<8192xi32, #tpu.memory_space<vmem>>, vector<16xi32>,
      %mul3A_1111 = arith.constant 16 : i32
      %mul3A_1112 = vector.broadcast %mul3A_1111 : i32 to vector<16xi32>
      %mul3A_1113 = arith.muli %get3A_1110, %mul3A_1112 : vector<16xi32>
      %add3A_1114 = arith.addi %mul3A_1113, %iota3A : vector<16xi32>
      tpu.vector_store_idx %arg10[%add3A_1114], %get3A_1108 {add = true} : memref<512xf32, #tpu.memory_space<vmem>>[vector<16xi32>], vector<16xf32>,
      tpu.vector_store_idx %arg9[%add3A_1114], %broadcast_in_dim3A_31 {add = true} : memref<512xf32, #tpu.memory_space<vmem>>[vector<16xi32>], vector<16xf32>,
      %scan3A_1115 = arith.constant 0 : i32
      scf.yield %scan3A_1115 : i32
    }
    %scan3A_353 = arith.constant 512 : i32
    %mul3A_354 = arith.constant 65536 : i32
    %mul3A_355 = arith.muli %select_n3A_30, %mul3A_354 : i32
    %add3A_356 = arith.constant 49152 : i32
    %add3A_357 = arith.addi %mul3A_355, %add3A_356 : i32
    "tpu.region"() ({
      %run_scoped3A_1104 = tpu.sem_alloc : memref<!tpu.dma_semaphore, #tpu.memory_space<semaphore_mem>>
      %dma_start3A = tpu.memref_slice %arg2[%select_n3A, %add3A_357] : memref<8x262144xf32, #tpu.memory_space<hbm>> -> memref<1x8192xf32, #tpu.memory_space<hbm>>
      %dma_start3A_1105 = tpu.memref_squeeze %dma_start3A : memref<1x8192xf32, #tpu.memory_space<hbm>> -> memref<8192xf32, #tpu.memory_space<hbm>>
      %dma_start3A_1106 = tpu.memref_slice %arg2[%select_n3A, %add3A_357] : memref<8x262144xf32, #tpu.memory_space<hbm>> -> memref<1x8192xf32, #tpu.memory_space<hbm>>
      %dma_start3A_1107 = tpu.memref_squeeze %dma_start3A_1106 : memref<1x8192xf32, #tpu.memory_space<hbm>> -> memref<8192xf32, #tpu.memory_space<hbm>>
      tpu.enqueue_dma source(%dma_start3A_1107 : memref<8192xf32, #tpu.memory_space<hbm>>) target(%arg7 : memref<8192xf32, #tpu.memory_space<vmem>>) target_semaphore(%run_scoped3A_1104 : memref<!tpu.dma_semaphore, #tpu.memory_space<semaphore_mem>>)
      %dma_wait3A = tpu.memref_slice %arg2[%select_n3A, %add3A_357] : memref<8x262144xf32, #tpu.memory_space<hbm>> -> memref<1x8192xf32, #tpu.memory_space<hbm>>
      %dma_wait3A_1108 = tpu.memref_squeeze %dma_wait3A : memref<1x8192xf32, #tpu.memory_space<hbm>> -> memref<8192xf32, #tpu.memory_space<hbm>>
      %dma_wait3A_1109 = tpu.memref_slice %arg2[%select_n3A, %add3A_357] : memref<8x262144xf32, #tpu.memory_space<hbm>> -> memref<1x8192xf32, #tpu.memory_space<hbm>>
      %dma_wait3A_1110 = tpu.memref_squeeze %dma_wait3A_1109 : memref<1x8192xf32, #tpu.memory_space<hbm>> -> memref<8192xf32, #tpu.memory_space<hbm>>
      tpu.wait_dma2 semaphore(%run_scoped3A_1104 : memref<!tpu.dma_semaphore, #tpu.memory_space<semaphore_mem>>) src(%dma_wait3A_1110 : memref<8192xf32, #tpu.memory_space<hbm>>) dst(%arg7 : memref<8192xf32, #tpu.memory_space<vmem>>)
      tpu.yield
    }) : () -> ()
    "tpu.region"() ({
      %run_scoped3A_1104 = tpu.sem_alloc : memref<!tpu.dma_semaphore, #tpu.memory_space<semaphore_mem>>
      %dma_start3A = tpu.memref_slice %arg3[%select_n3A, %add3A_357] : memref<8x262144xi32, #tpu.memory_space<hbm>> -> memref<1x8192xi32, #tpu.memory_space<hbm>>
      %dma_start3A_1105 = tpu.memref_squeeze %dma_start3A : memref<1x8192xi32, #tpu.memory_space<hbm>> -> memref<8192xi32, #tpu.memory_space<hbm>>
      %dma_start3A_1106 = tpu.memref_slice %arg3[%select_n3A, %add3A_357] : memref<8x262144xi32, #tpu.memory_space<hbm>> -> memref<1x8192xi32, #tpu.memory_space<hbm>>
      %dma_start3A_1107 = tpu.memref_squeeze %dma_start3A_1106 : memref<1x8192xi32, #tpu.memory_space<hbm>> -> memref<8192xi32, #tpu.memory_space<hbm>>
      tpu.enqueue_dma source(%dma_start3A_1107 : memref<8192xi32, #tpu.memory_space<hbm>>) target(%arg8 : memref<8192xi32, #tpu.memory_space<vmem>>) target_semaphore(%run_scoped3A_1104 : memref<!tpu.dma_semaphore, #tpu.memory_space<semaphore_mem>>)
      %dma_wait3A = tpu.memref_slice %arg3[%select_n3A, %add3A_357] : memref<8x262144xi32, #tpu.memory_space<hbm>> -> memref<1x8192xi32, #tpu.memory_space<hbm>>
      %dma_wait3A_1108 = tpu.memref_squeeze %dma_wait3A : memref<1x8192xi32, #tpu.memory_space<hbm>> -> memref<8192xi32, #tpu.memory_space<hbm>>
      %dma_wait3A_1109 = tpu.memref_slice %arg3[%select_n3A, %add3A_357] : memref<8x262144xi32, #tpu.memory_space<hbm>> -> memref<1x8192xi32, #tpu.memory_space<hbm>>
      %dma_wait3A_1110 = tpu.memref_squeeze %dma_wait3A_1109 : memref<1x8192xi32, #tpu.memory_space<hbm>> -> memref<8192xi32, #tpu.memory_space<hbm>>
      tpu.wait_dma2 semaphore(%run_scoped3A_1104 : memref<!tpu.dma_semaphore, #tpu.memory_space<semaphore_mem>>) src(%dma_wait3A_1110 : memref<8192xi32, #tpu.memory_space<hbm>>) dst(%arg8 : memref<8192xi32, #tpu.memory_space<vmem>>)
      tpu.yield
    }) : () -> ()
    %scan3A_358 = arith.constant 0 : i32
    %scan3A_359 = arith.constant 0 : i32
    %scan3A_360 = arith.constant 512 : i32
    %scan3A_361 = arith.addi %scan3A_359, %scan3A_360 : i32
    %scan3A_362 = arith.constant 1 : i32
    %scan3A_363 = scf.for %scan3A_1104 = %scan3A_359 to %scan3A_361 step %scan3A_362 iter_args(%scan3A_1105 = %scan3A_358) -> (i32)  : i32 {
      %mul3A_1106 = arith.constant 16 : i32
      %mul3A_1107 = arith.muli %scan3A_1104, %mul3A_1106 : i32
      %multiple_of3A = tpu.assume_multiple %mul3A_1107, 16 : i32
      %get3A = arith.index_cast %multiple_of3A : i32 to index
      %get3A_1108 = tpu.vector_load %arg7[%get3A] {strides = array<i32>} : memref<8192xf32, #tpu.memory_space<vmem>>, vector<16xf32>,
      %get3A_1109 = arith.index_cast %multiple_of3A : i32 to index
      %get3A_1110 = tpu.vector_load %arg8[%get3A_1109] {strides = array<i32>} : memref<8192xi32, #tpu.memory_space<vmem>>, vector<16xi32>,
      %mul3A_1111 = arith.constant 16 : i32
      %mul3A_1112 = vector.broadcast %mul3A_1111 : i32 to vector<16xi32>
      %mul3A_1113 = arith.muli %get3A_1110, %mul3A_1112 : vector<16xi32>
      %add3A_1114 = arith.addi %mul3A_1113, %iota3A : vector<16xi32>
      tpu.vector_store_idx %arg10[%add3A_1114], %get3A_1108 {add = true} : memref<512xf32, #tpu.memory_space<vmem>>[vector<16xi32>], vector<16xf32>,
      tpu.vector_store_idx %arg9[%add3A_1114], %broadcast_in_dim3A_31 {add = true} : memref<512xf32, #tpu.memory_space<vmem>>[vector<16xi32>], vector<16xf32>,
      %scan3A_1115 = arith.constant 0 : i32
      scf.yield %scan3A_1115 : i32
    }
    %scan3A_364 = arith.constant 512 : i32
    %mul3A_365 = arith.constant 65536 : i32
    %mul3A_366 = arith.muli %select_n3A_30, %mul3A_365 : i32
    %add3A_367 = arith.constant 57344 : i32
    %add3A_368 = arith.addi %mul3A_366, %add3A_367 : i32
    "tpu.region"() ({
      %run_scoped3A_1104 = tpu.sem_alloc : memref<!tpu.dma_semaphore, #tpu.memory_space<semaphore_mem>>
      %dma_start3A = tpu.memref_slice %arg2[%select_n3A, %add3A_368] : memref<8x262144xf32, #tpu.memory_space<hbm>> -> memref<1x8192xf32, #tpu.memory_space<hbm>>
      %dma_start3A_1105 = tpu.memref_squeeze %dma_start3A : memref<1x8192xf32, #tpu.memory_space<hbm>> -> memref<8192xf32, #tpu.memory_space<hbm>>
      %dma_start3A_1106 = tpu.memref_slice %arg2[%select_n3A, %add3A_368] : memref<8x262144xf32, #tpu.memory_space<hbm>> -> memref<1x8192xf32, #tpu.memory_space<hbm>>
      %dma_start3A_1107 = tpu.memref_squeeze %dma_start3A_1106 : memref<1x8192xf32, #tpu.memory_space<hbm>> -> memref<8192xf32, #tpu.memory_space<hbm>>
      tpu.enqueue_dma source(%dma_start3A_1107 : memref<8192xf32, #tpu.memory_space<hbm>>) target(%arg7 : memref<8192xf32, #tpu.memory_space<vmem>>) target_semaphore(%run_scoped3A_1104 : memref<!tpu.dma_semaphore, #tpu.memory_space<semaphore_mem>>)
      %dma_wait3A = tpu.memref_slice %arg2[%select_n3A, %add3A_368] : memref<8x262144xf32, #tpu.memory_space<hbm>> -> memref<1x8192xf32, #tpu.memory_space<hbm>>
      %dma_wait3A_1108 = tpu.memref_squeeze %dma_wait3A : memref<1x8192xf32, #tpu.memory_space<hbm>> -> memref<8192xf32, #tpu.memory_space<hbm>>
      %dma_wait3A_1109 = tpu.memref_slice %arg2[%select_n3A, %add3A_368] : memref<8x262144xf32, #tpu.memory_space<hbm>> -> memref<1x8192xf32, #tpu.memory_space<hbm>>
      %dma_wait3A_1110 = tpu.memref_squeeze %dma_wait3A_1109 : memref<1x8192xf32, #tpu.memory_space<hbm>> -> memref<8192xf32, #tpu.memory_space<hbm>>
      tpu.wait_dma2 semaphore(%run_scoped3A_1104 : memref<!tpu.dma_semaphore, #tpu.memory_space<semaphore_mem>>) src(%dma_wait3A_1110 : memref<8192xf32, #tpu.memory_space<hbm>>) dst(%arg7 : memref<8192xf32, #tpu.memory_space<vmem>>)
      tpu.yield
    }) : () -> ()
    "tpu.region"() ({
      %run_scoped3A_1104 = tpu.sem_alloc : memref<!tpu.dma_semaphore, #tpu.memory_space<semaphore_mem>>
      %dma_start3A = tpu.memref_slice %arg3[%select_n3A, %add3A_368] : memref<8x262144xi32, #tpu.memory_space<hbm>> -> memref<1x8192xi32, #tpu.memory_space<hbm>>
      %dma_start3A_1105 = tpu.memref_squeeze %dma_start3A : memref<1x8192xi32, #tpu.memory_space<hbm>> -> memref<8192xi32, #tpu.memory_space<hbm>>
      %dma_start3A_1106 = tpu.memref_slice %arg3[%select_n3A, %add3A_368] : memref<8x262144xi32, #tpu.memory_space<hbm>> -> memref<1x8192xi32, #tpu.memory_space<hbm>>
      %dma_start3A_1107 = tpu.memref_squeeze %dma_start3A_1106 : memref<1x8192xi32, #tpu.memory_space<hbm>> -> memref<8192xi32, #tpu.memory_space<hbm>>
      tpu.enqueue_dma source(%dma_start3A_1107 : memref<8192xi32, #tpu.memory_space<hbm>>) target(%arg8 : memref<8192xi32, #tpu.memory_space<vmem>>) target_semaphore(%run_scoped3A_1104 : memref<!tpu.dma_semaphore, #tpu.memory_space<semaphore_mem>>)
      %dma_wait3A = tpu.memref_slice %arg3[%select_n3A, %add3A_368] : memref<8x262144xi32, #tpu.memory_space<hbm>> -> memref<1x8192xi32, #tpu.memory_space<hbm>>
      %dma_wait3A_1108 = tpu.memref_squeeze %dma_wait3A : memref<1x8192xi32, #tpu.memory_space<hbm>> -> memref<8192xi32, #tpu.memory_space<hbm>>
      %dma_wait3A_1109 = tpu.memref_slice %arg3[%select_n3A, %add3A_368] : memref<8x262144xi32, #tpu.memory_space<hbm>> -> memref<1x8192xi32, #tpu.memory_space<hbm>>
      %dma_wait3A_1110 = tpu.memref_squeeze %dma_wait3A_1109 : memref<1x8192xi32, #tpu.memory_space<hbm>> -> memref<8192xi32, #tpu.memory_space<hbm>>
      tpu.wait_dma2 semaphore(%run_scoped3A_1104 : memref<!tpu.dma_semaphore, #tpu.memory_space<semaphore_mem>>) src(%dma_wait3A_1110 : memref<8192xi32, #tpu.memory_space<hbm>>) dst(%arg8 : memref<8192xi32, #tpu.memory_space<vmem>>)
      tpu.yield
    }) : () -> ()
    %scan3A_369 = arith.constant 0 : i32
    %scan3A_370 = arith.constant 0 : i32
    %scan3A_371 = arith.constant 512 : i32
    %scan3A_372 = arith.addi %scan3A_370, %scan3A_371 : i32
    %scan3A_373 = arith.constant 1 : i32
    %scan3A_374 = scf.for %scan3A_1104 = %scan3A_370 to %scan3A_372 step %scan3A_373 iter_args(%scan3A_1105 = %scan3A_369) -> (i32)  : i32 {
      %mul3A_1106 = arith.constant 16 : i32
      %mul3A_1107 = arith.muli %scan3A_1104, %mul3A_1106 : i32
      %multiple_of3A = tpu.assume_multiple %mul3A_1107, 16 : i32
      %get3A = arith.index_cast %multiple_of3A : i32 to index
      %get3A_1108 = tpu.vector_load %arg7[%get3A] {strides = array<i32>} : memref<8192xf32, #tpu.memory_space<vmem>>, vector<16xf32>,
      %get3A_1109 = arith.index_cast %multiple_of3A : i32 to index
      %get3A_1110 = tpu.vector_load %arg8[%get3A_1109] {strides = array<i32>} : memref<8192xi32, #tpu.memory_space<vmem>>, vector<16xi32>,
      %mul3A_1111 = arith.constant 16 : i32
      %mul3A_1112 = vector.broadcast %mul3A_1111 : i32 to vector<16xi32>
      %mul3A_1113 = arith.muli %get3A_1110, %mul3A_1112 : vector<16xi32>
      %add3A_1114 = arith.addi %mul3A_1113, %iota3A : vector<16xi32>
      tpu.vector_store_idx %arg10[%add3A_1114], %get3A_1108 {add = true} : memref<512xf32, #tpu.memory_space<vmem>>[vector<16xi32>], vector<16xf32>,
      tpu.vector_store_idx %arg9[%add3A_1114], %broadcast_in_dim3A_31 {add = true} : memref<512xf32, #tpu.memory_space<vmem>>[vector<16xi32>], vector<16xf32>,
      %scan3A_1115 = arith.constant 0 : i32
      scf.yield %scan3A_1115 : i32
    }
    %scan3A_375 = arith.constant 512 : i32
    %mul3A_376 = arith.constant 16384 : i32
    %mul3A_377 = arith.muli %select_n3A_30, %mul3A_376 : i32
    %add3A_378 = arith.constant 0 : i32
    %add3A_379 = arith.addi %mul3A_377, %add3A_378 : i32
    "tpu.region"() ({
      %run_scoped3A_1104 = tpu.sem_alloc : memref<!tpu.dma_semaphore, #tpu.memory_space<semaphore_mem>>
      %dma_start3A = tpu.memref_slice %arg4[%select_n3A, %add3A_379] : memref<8x65536xf32, #tpu.memory_space<hbm>> -> memref<1x8192xf32, #tpu.memory_space<hbm>>
      %dma_start3A_1105 = tpu.memref_squeeze %dma_start3A : memref<1x8192xf32, #tpu.memory_space<hbm>> -> memref<8192xf32, #tpu.memory_space<hbm>>
      %dma_start3A_1106 = tpu.memref_slice %arg4[%select_n3A, %add3A_379] : memref<8x65536xf32, #tpu.memory_space<hbm>> -> memref<1x8192xf32, #tpu.memory_space<hbm>>
      %dma_start3A_1107 = tpu.memref_squeeze %dma_start3A_1106 : memref<1x8192xf32, #tpu.memory_space<hbm>> -> memref<8192xf32, #tpu.memory_space<hbm>>
      tpu.enqueue_dma source(%dma_start3A_1107 : memref<8192xf32, #tpu.memory_space<hbm>>) target(%arg7 : memref<8192xf32, #tpu.memory_space<vmem>>) target_semaphore(%run_scoped3A_1104 : memref<!tpu.dma_semaphore, #tpu.memory_space<semaphore_mem>>)
      %dma_wait3A = tpu.memref_slice %arg4[%select_n3A, %add3A_379] : memref<8x65536xf32, #tpu.memory_space<hbm>> -> memref<1x8192xf32, #tpu.memory_space<hbm>>
      %dma_wait3A_1108 = tpu.memref_squeeze %dma_wait3A : memref<1x8192xf32, #tpu.memory_space<hbm>> -> memref<8192xf32, #tpu.memory_space<hbm>>
      %dma_wait3A_1109 = tpu.memref_slice %arg4[%select_n3A, %add3A_379] : memref<8x65536xf32, #tpu.memory_space<hbm>> -> memref<1x8192xf32, #tpu.memory_space<hbm>>
      %dma_wait3A_1110 = tpu.memref_squeeze %dma_wait3A_1109 : memref<1x8192xf32, #tpu.memory_space<hbm>> -> memref<8192xf32, #tpu.memory_space<hbm>>
      tpu.wait_dma2 semaphore(%run_scoped3A_1104 : memref<!tpu.dma_semaphore, #tpu.memory_space<semaphore_mem>>) src(%dma_wait3A_1110 : memref<8192xf32, #tpu.memory_space<hbm>>) dst(%arg7 : memref<8192xf32, #tpu.memory_space<vmem>>)
      tpu.yield
    }) : () -> ()
    "tpu.region"() ({
      %run_scoped3A_1104 = tpu.sem_alloc : memref<!tpu.dma_semaphore, #tpu.memory_space<semaphore_mem>>
      %dma_start3A = tpu.memref_slice %arg5[%select_n3A, %add3A_379] : memref<8x65536xi32, #tpu.memory_space<hbm>> -> memref<1x8192xi32, #tpu.memory_space<hbm>>
      %dma_start3A_1105 = tpu.memref_squeeze %dma_start3A : memref<1x8192xi32, #tpu.memory_space<hbm>> -> memref<8192xi32, #tpu.memory_space<hbm>>
      %dma_start3A_1106 = tpu.memref_slice %arg5[%select_n3A, %add3A_379] : memref<8x65536xi32, #tpu.memory_space<hbm>> -> memref<1x8192xi32, #tpu.memory_space<hbm>>
      %dma_start3A_1107 = tpu.memref_squeeze %dma_start3A_1106 : memref<1x8192xi32, #tpu.memory_space<hbm>> -> memref<8192xi32, #tpu.memory_space<hbm>>
      tpu.enqueue_dma source(%dma_start3A_1107 : memref<8192xi32, #tpu.memory_space<hbm>>) target(%arg8 : memref<8192xi32, #tpu.memory_space<vmem>>) target_semaphore(%run_scoped3A_1104 : memref<!tpu.dma_semaphore, #tpu.memory_space<semaphore_mem>>)
      %dma_wait3A = tpu.memref_slice %arg5[%select_n3A, %add3A_379] : memref<8x65536xi32, #tpu.memory_space<hbm>> -> memref<1x8192xi32, #tpu.memory_space<hbm>>
      %dma_wait3A_1108 = tpu.memref_squeeze %dma_wait3A : memref<1x8192xi32, #tpu.memory_space<hbm>> -> memref<8192xi32, #tpu.memory_space<hbm>>
      %dma_wait3A_1109 = tpu.memref_slice %arg5[%select_n3A, %add3A_379] : memref<8x65536xi32, #tpu.memory_space<hbm>> -> memref<1x8192xi32, #tpu.memory_space<hbm>>
      %dma_wait3A_1110 = tpu.memref_squeeze %dma_wait3A_1109 : memref<1x8192xi32, #tpu.memory_space<hbm>> -> memref<8192xi32, #tpu.memory_space<hbm>>
      tpu.wait_dma2 semaphore(%run_scoped3A_1104 : memref<!tpu.dma_semaphore, #tpu.memory_space<semaphore_mem>>) src(%dma_wait3A_1110 : memref<8192xi32, #tpu.memory_space<hbm>>) dst(%arg8 : memref<8192xi32, #tpu.memory_space<vmem>>)
      tpu.yield
    }) : () -> ()
    %scan3A_380 = arith.constant 0 : i32
    %scan3A_381 = arith.constant 0 : i32
    %scan3A_382 = arith.constant 512 : i32
    %scan3A_383 = arith.addi %scan3A_381, %scan3A_382 : i32
    %scan3A_384 = arith.constant 1 : i32
    %scan3A_385 = scf.for %scan3A_1104 = %scan3A_381 to %scan3A_383 step %scan3A_384 iter_args(%scan3A_1105 = %scan3A_380) -> (i32)  : i32 {
      %mul3A_1106 = arith.constant 16 : i32
      %mul3A_1107 = arith.muli %scan3A_1104, %mul3A_1106 : i32
      %multiple_of3A = tpu.assume_multiple %mul3A_1107, 16 : i32
      %get3A = arith.index_cast %multiple_of3A : i32 to index
      %get3A_1108 = tpu.vector_load %arg7[%get3A] {strides = array<i32>} : memref<8192xf32, #tpu.memory_space<vmem>>, vector<16xf32>,
      %get3A_1109 = arith.index_cast %multiple_of3A : i32 to index
      %get3A_1110 = tpu.vector_load %arg8[%get3A_1109] {strides = array<i32>} : memref<8192xi32, #tpu.memory_space<vmem>>, vector<16xi32>,
      %mul3A_1111 = arith.constant 16 : i32
      %mul3A_1112 = vector.broadcast %mul3A_1111 : i32 to vector<16xi32>
      %mul3A_1113 = arith.muli %get3A_1110, %mul3A_1112 : vector<16xi32>
      %add3A_1114 = arith.addi %mul3A_1113, %iota3A : vector<16xi32>
      tpu.vector_store_idx %arg12[%add3A_1114], %get3A_1108 {add = true} : memref<512xf32, #tpu.memory_space<vmem>>[vector<16xi32>], vector<16xf32>,
      tpu.vector_store_idx %arg11[%add3A_1114], %broadcast_in_dim3A_31 {add = true} : memref<512xf32, #tpu.memory_space<vmem>>[vector<16xi32>], vector<16xf32>,
      %scan3A_1115 = arith.constant 0 : i32
      scf.yield %scan3A_1115 : i32
    }
    %scan3A_386 = arith.constant 512 : i32
    %mul3A_387 = arith.constant 16384 : i32
    %mul3A_388 = arith.muli %select_n3A_30, %mul3A_387 : i32
    %add3A_389 = arith.constant 8192 : i32
    %add3A_390 = arith.addi %mul3A_388, %add3A_389 : i32
    "tpu.region"() ({
      %run_scoped3A_1104 = tpu.sem_alloc : memref<!tpu.dma_semaphore, #tpu.memory_space<semaphore_mem>>
      %dma_start3A = tpu.memref_slice %arg4[%select_n3A, %add3A_390] : memref<8x65536xf32, #tpu.memory_space<hbm>> -> memref<1x8192xf32, #tpu.memory_space<hbm>>
      %dma_start3A_1105 = tpu.memref_squeeze %dma_start3A : memref<1x8192xf32, #tpu.memory_space<hbm>> -> memref<8192xf32, #tpu.memory_space<hbm>>
      %dma_start3A_1106 = tpu.memref_slice %arg4[%select_n3A, %add3A_390] : memref<8x65536xf32, #tpu.memory_space<hbm>> -> memref<1x8192xf32, #tpu.memory_space<hbm>>
      %dma_start3A_1107 = tpu.memref_squeeze %dma_start3A_1106 : memref<1x8192xf32, #tpu.memory_space<hbm>> -> memref<8192xf32, #tpu.memory_space<hbm>>
      tpu.enqueue_dma source(%dma_start3A_1107 : memref<8192xf32, #tpu.memory_space<hbm>>) target(%arg7 : memref<8192xf32, #tpu.memory_space<vmem>>) target_semaphore(%run_scoped3A_1104 : memref<!tpu.dma_semaphore, #tpu.memory_space<semaphore_mem>>)
      %dma_wait3A = tpu.memref_slice %arg4[%select_n3A, %add3A_390] : memref<8x65536xf32, #tpu.memory_space<hbm>> -> memref<1x8192xf32, #tpu.memory_space<hbm>>
      %dma_wait3A_1108 = tpu.memref_squeeze %dma_wait3A : memref<1x8192xf32, #tpu.memory_space<hbm>> -> memref<8192xf32, #tpu.memory_space<hbm>>
      %dma_wait3A_1109 = tpu.memref_slice %arg4[%select_n3A, %add3A_390] : memref<8x65536xf32, #tpu.memory_space<hbm>> -> memref<1x8192xf32, #tpu.memory_space<hbm>>
      %dma_wait3A_1110 = tpu.memref_squeeze %dma_wait3A_1109 : memref<1x8192xf32, #tpu.memory_space<hbm>> -> memref<8192xf32, #tpu.memory_space<hbm>>
      tpu.wait_dma2 semaphore(%run_scoped3A_1104 : memref<!tpu.dma_semaphore, #tpu.memory_space<semaphore_mem>>) src(%dma_wait3A_1110 : memref<8192xf32, #tpu.memory_space<hbm>>) dst(%arg7 : memref<8192xf32, #tpu.memory_space<vmem>>)
      tpu.yield
    }) : () -> ()
    "tpu.region"() ({
      %run_scoped3A_1104 = tpu.sem_alloc : memref<!tpu.dma_semaphore, #tpu.memory_space<semaphore_mem>>
      %dma_start3A = tpu.memref_slice %arg5[%select_n3A, %add3A_390] : memref<8x65536xi32, #tpu.memory_space<hbm>> -> memref<1x8192xi32, #tpu.memory_space<hbm>>
      %dma_start3A_1105 = tpu.memref_squeeze %dma_start3A : memref<1x8192xi32, #tpu.memory_space<hbm>> -> memref<8192xi32, #tpu.memory_space<hbm>>
      %dma_start3A_1106 = tpu.memref_slice %arg5[%select_n3A, %add3A_390] : memref<8x65536xi32, #tpu.memory_space<hbm>> -> memref<1x8192xi32, #tpu.memory_space<hbm>>
      %dma_start3A_1107 = tpu.memref_squeeze %dma_start3A_1106 : memref<1x8192xi32, #tpu.memory_space<hbm>> -> memref<8192xi32, #tpu.memory_space<hbm>>
      tpu.enqueue_dma source(%dma_start3A_1107 : memref<8192xi32, #tpu.memory_space<hbm>>) target(%arg8 : memref<8192xi32, #tpu.memory_space<vmem>>) target_semaphore(%run_scoped3A_1104 : memref<!tpu.dma_semaphore, #tpu.memory_space<semaphore_mem>>)
      %dma_wait3A = tpu.memref_slice %arg5[%select_n3A, %add3A_390] : memref<8x65536xi32, #tpu.memory_space<hbm>> -> memref<1x8192xi32, #tpu.memory_space<hbm>>
      %dma_wait3A_1108 = tpu.memref_squeeze %dma_wait3A : memref<1x8192xi32, #tpu.memory_space<hbm>> -> memref<8192xi32, #tpu.memory_space<hbm>>
      %dma_wait3A_1109 = tpu.memref_slice %arg5[%select_n3A, %add3A_390] : memref<8x65536xi32, #tpu.memory_space<hbm>> -> memref<1x8192xi32, #tpu.memory_space<hbm>>
      %dma_wait3A_1110 = tpu.memref_squeeze %dma_wait3A_1109 : memref<1x8192xi32, #tpu.memory_space<hbm>> -> memref<8192xi32, #tpu.memory_space<hbm>>
      tpu.wait_dma2 semaphore(%run_scoped3A_1104 : memref<!tpu.dma_semaphore, #tpu.memory_space<semaphore_mem>>) src(%dma_wait3A_1110 : memref<8192xi32, #tpu.memory_space<hbm>>) dst(%arg8 : memref<8192xi32, #tpu.memory_space<vmem>>)
      tpu.yield
    }) : () -> ()
    %scan3A_391 = arith.constant 0 : i32
    %scan3A_392 = arith.constant 0 : i32
    %scan3A_393 = arith.constant 512 : i32
    %scan3A_394 = arith.addi %scan3A_392, %scan3A_393 : i32
    %scan3A_395 = arith.constant 1 : i32
    %scan3A_396 = scf.for %scan3A_1104 = %scan3A_392 to %scan3A_394 step %scan3A_395 iter_args(%scan3A_1105 = %scan3A_391) -> (i32)  : i32 {
      %mul3A_1106 = arith.constant 16 : i32
      %mul3A_1107 = arith.muli %scan3A_1104, %mul3A_1106 : i32
      %multiple_of3A = tpu.assume_multiple %mul3A_1107, 16 : i32
      %get3A = arith.index_cast %multiple_of3A : i32 to index
      %get3A_1108 = tpu.vector_load %arg7[%get3A] {strides = array<i32>} : memref<8192xf32, #tpu.memory_space<vmem>>, vector<16xf32>,
      %get3A_1109 = arith.index_cast %multiple_of3A : i32 to index
      %get3A_1110 = tpu.vector_load %arg8[%get3A_1109] {strides = array<i32>} : memref<8192xi32, #tpu.memory_space<vmem>>, vector<16xi32>,
      %mul3A_1111 = arith.constant 16 : i32
      %mul3A_1112 = vector.broadcast %mul3A_1111 : i32 to vector<16xi32>
      %mul3A_1113 = arith.muli %get3A_1110, %mul3A_1112 : vector<16xi32>
      %add3A_1114 = arith.addi %mul3A_1113, %iota3A : vector<16xi32>
      tpu.vector_store_idx %arg12[%add3A_1114], %get3A_1108 {add = true} : memref<512xf32, #tpu.memory_space<vmem>>[vector<16xi32>], vector<16xf32>,
      tpu.vector_store_idx %arg11[%add3A_1114], %broadcast_in_dim3A_31 {add = true} : memref<512xf32, #tpu.memory_space<vmem>>[vector<16xi32>], vector<16xf32>,
      %scan3A_1115 = arith.constant 0 : i32
      scf.yield %scan3A_1115 : i32
    }
    %scan3A_397 = arith.constant 512 : i32
    %add3A_398 = arith.constant 0 : i32
    %add3A_399 = vector.broadcast %add3A_398 : i32 to vector<16xi32>
    %add3A_400 = arith.addi %iota3A, %add3A_399 : vector<16xi32>
    %mul3A_401 = arith.constant 16 : i32
    %mul3A_402 = vector.broadcast %mul3A_401 : i32 to vector<16xi32>
    %mul3A_403 = arith.muli %add3A_400, %mul3A_402 : vector<16xi32>
    %add3A_404 = arith.constant 0 : i32
    %add3A_405 = vector.broadcast %add3A_404 : i32 to vector<16xi32>
    %add3A_406 = arith.addi %mul3A_403, %add3A_405 : vector<16xi32>
    %gather3A = tpu.vector_load_idx %arg9[%add3A_406] : memref<512xf32, #tpu.memory_space<vmem>>[vector<16xi32>], vector<16xf32>,
    %add3A_407 = arith.addf %broadcast_in_dim3A_33, %gather3A : vector<16xf32>
    %add3A_408 = arith.constant 1 : i32
    %add3A_409 = vector.broadcast %add3A_408 : i32 to vector<16xi32>
    %add3A_410 = arith.addi %mul3A_403, %add3A_409 : vector<16xi32>
    %gather3A_411 = tpu.vector_load_idx %arg9[%add3A_410] : memref<512xf32, #tpu.memory_space<vmem>>[vector<16xi32>], vector<16xf32>,
    %add3A_412 = arith.addf %add3A_407, %gather3A_411 : vector<16xf32>
    %add3A_413 = arith.constant 2 : i32
    %add3A_414 = vector.broadcast %add3A_413 : i32 to vector<16xi32>
    %add3A_415 = arith.addi %mul3A_403, %add3A_414 : vector<16xi32>
    %gather3A_416 = tpu.vector_load_idx %arg9[%add3A_415] : memref<512xf32, #tpu.memory_space<vmem>>[vector<16xi32>], vector<16xf32>,
    %add3A_417 = arith.addf %add3A_412, %gather3A_416 : vector<16xf32>
    %add3A_418 = arith.constant 3 : i32
    %add3A_419 = vector.broadcast %add3A_418 : i32 to vector<16xi32>
    %add3A_420 = arith.addi %mul3A_403, %add3A_419 : vector<16xi32>
    %gather3A_421 = tpu.vector_load_idx %arg9[%add3A_420] : memref<512xf32, #tpu.memory_space<vmem>>[vector<16xi32>], vector<16xf32>,
    %add3A_422 = arith.addf %add3A_417, %gather3A_421 : vector<16xf32>
    %add3A_423 = arith.constant 4 : i32
    %add3A_424 = vector.broadcast %add3A_423 : i32 to vector<16xi32>
    %add3A_425 = arith.addi %mul3A_403, %add3A_424 : vector<16xi32>
    %gather3A_426 = tpu.vector_load_idx %arg9[%add3A_425] : memref<512xf32, #tpu.memory_space<vmem>>[vector<16xi32>], vector<16xf32>,
    %add3A_427 = arith.addf %add3A_422, %gather3A_426 : vector<16xf32>
    %add3A_428 = arith.constant 5 : i32
    %add3A_429 = vector.broadcast %add3A_428 : i32 to vector<16xi32>
    %add3A_430 = arith.addi %mul3A_403, %add3A_429 : vector<16xi32>
    %gather3A_431 = tpu.vector_load_idx %arg9[%add3A_430] : memref<512xf32, #tpu.memory_space<vmem>>[vector<16xi32>], vector<16xf32>,
    %add3A_432 = arith.addf %add3A_427, %gather3A_431 : vector<16xf32>
    %add3A_433 = arith.constant 6 : i32
    %add3A_434 = vector.broadcast %add3A_433 : i32 to vector<16xi32>
    %add3A_435 = arith.addi %mul3A_403, %add3A_434 : vector<16xi32>
    %gather3A_436 = tpu.vector_load_idx %arg9[%add3A_435] : memref<512xf32, #tpu.memory_space<vmem>>[vector<16xi32>], vector<16xf32>,
    %add3A_437 = arith.addf %add3A_432, %gather3A_436 : vector<16xf32>
    %add3A_438 = arith.constant 7 : i32
    %add3A_439 = vector.broadcast %add3A_438 : i32 to vector<16xi32>
    %add3A_440 = arith.addi %mul3A_403, %add3A_439 : vector<16xi32>
    %gather3A_441 = tpu.vector_load_idx %arg9[%add3A_440] : memref<512xf32, #tpu.memory_space<vmem>>[vector<16xi32>], vector<16xf32>,
    %add3A_442 = arith.addf %add3A_437, %gather3A_441 : vector<16xf32>
    %add3A_443 = arith.constant 8 : i32
    %add3A_444 = vector.broadcast %add3A_443 : i32 to vector<16xi32>
    %add3A_445 = arith.addi %mul3A_403, %add3A_444 : vector<16xi32>
    %gather3A_446 = tpu.vector_load_idx %arg9[%add3A_445] : memref<512xf32, #tpu.memory_space<vmem>>[vector<16xi32>], vector<16xf32>,
    %add3A_447 = arith.addf %add3A_442, %gather3A_446 : vector<16xf32>
    %add3A_448 = arith.constant 9 : i32
    %add3A_449 = vector.broadcast %add3A_448 : i32 to vector<16xi32>
    %add3A_450 = arith.addi %mul3A_403, %add3A_449 : vector<16xi32>
    %gather3A_451 = tpu.vector_load_idx %arg9[%add3A_450] : memref<512xf32, #tpu.memory_space<vmem>>[vector<16xi32>], vector<16xf32>,
    %add3A_452 = arith.addf %add3A_447, %gather3A_451 : vector<16xf32>
    %add3A_453 = arith.constant 10 : i32
    %add3A_454 = vector.broadcast %add3A_453 : i32 to vector<16xi32>
    %add3A_455 = arith.addi %mul3A_403, %add3A_454 : vector<16xi32>
    %gather3A_456 = tpu.vector_load_idx %arg9[%add3A_455] : memref<512xf32, #tpu.memory_space<vmem>>[vector<16xi32>], vector<16xf32>,
    %add3A_457 = arith.addf %add3A_452, %gather3A_456 : vector<16xf32>
    %add3A_458 = arith.constant 11 : i32
    %add3A_459 = vector.broadcast %add3A_458 : i32 to vector<16xi32>
    %add3A_460 = arith.addi %mul3A_403, %add3A_459 : vector<16xi32>
    %gather3A_461 = tpu.vector_load_idx %arg9[%add3A_460] : memref<512xf32, #tpu.memory_space<vmem>>[vector<16xi32>], vector<16xf32>,
    %add3A_462 = arith.addf %add3A_457, %gather3A_461 : vector<16xf32>
    %add3A_463 = arith.constant 12 : i32
    %add3A_464 = vector.broadcast %add3A_463 : i32 to vector<16xi32>
    %add3A_465 = arith.addi %mul3A_403, %add3A_464 : vector<16xi32>
    %gather3A_466 = tpu.vector_load_idx %arg9[%add3A_465] : memref<512xf32, #tpu.memory_space<vmem>>[vector<16xi32>], vector<16xf32>,
    %add3A_467 = arith.addf %add3A_462, %gather3A_466 : vector<16xf32>
    %add3A_468 = arith.constant 13 : i32
    %add3A_469 = vector.broadcast %add3A_468 : i32 to vector<16xi32>
    %add3A_470 = arith.addi %mul3A_403, %add3A_469 : vector<16xi32>
    %gather3A_471 = tpu.vector_load_idx %arg9[%add3A_470] : memref<512xf32, #tpu.memory_space<vmem>>[vector<16xi32>], vector<16xf32>,
    %add3A_472 = arith.addf %add3A_467, %gather3A_471 : vector<16xf32>
    %add3A_473 = arith.constant 14 : i32
    %add3A_474 = vector.broadcast %add3A_473 : i32 to vector<16xi32>
    %add3A_475 = arith.addi %mul3A_403, %add3A_474 : vector<16xi32>
    %gather3A_476 = tpu.vector_load_idx %arg9[%add3A_475] : memref<512xf32, #tpu.memory_space<vmem>>[vector<16xi32>], vector<16xf32>,
    %add3A_477 = arith.addf %add3A_472, %gather3A_476 : vector<16xf32>
    %add3A_478 = arith.constant 15 : i32
    %add3A_479 = vector.broadcast %add3A_478 : i32 to vector<16xi32>
    %add3A_480 = arith.addi %mul3A_403, %add3A_479 : vector<16xi32>
    %gather3A_481 = tpu.vector_load_idx %arg9[%add3A_480] : memref<512xf32, #tpu.memory_space<vmem>>[vector<16xi32>], vector<16xf32>,
    %add3A_482 = arith.addf %add3A_477, %gather3A_481 : vector<16xf32>
    %swap3A_483 = arith.constant 0 : index
    %swap3A_484 = tpu.vector_load %arg13[%swap3A_483] {strides = array<i32>} : memref<32xf32, #tpu.memory_space<vmem>>, vector<16xf32>,
    tpu.vector_store %arg13[%swap3A_483], %add3A_482 {strides = array<i32>} : memref<32xf32, #tpu.memory_space<vmem>>, vector<16xf32>,
    %add3A_485 = arith.constant 16 : i32
    %add3A_486 = vector.broadcast %add3A_485 : i32 to vector<16xi32>
    %add3A_487 = arith.addi %iota3A, %add3A_486 : vector<16xi32>
    %mul3A_488 = arith.constant 16 : i32
    %mul3A_489 = vector.broadcast %mul3A_488 : i32 to vector<16xi32>
    %mul3A_490 = arith.muli %add3A_487, %mul3A_489 : vector<16xi32>
    %add3A_491 = arith.constant 0 : i32
    %add3A_492 = vector.broadcast %add3A_491 : i32 to vector<16xi32>
    %add3A_493 = arith.addi %mul3A_490, %add3A_492 : vector<16xi32>
    %gather3A_494 = tpu.vector_load_idx %arg9[%add3A_493] : memref<512xf32, #tpu.memory_space<vmem>>[vector<16xi32>], vector<16xf32>,
    %add3A_495 = arith.addf %broadcast_in_dim3A_33, %gather3A_494 : vector<16xf32>
    %add3A_496 = arith.constant 1 : i32
    %add3A_497 = vector.broadcast %add3A_496 : i32 to vector<16xi32>
    %add3A_498 = arith.addi %mul3A_490, %add3A_497 : vector<16xi32>
    %gather3A_499 = tpu.vector_load_idx %arg9[%add3A_498] : memref<512xf32, #tpu.memory_space<vmem>>[vector<16xi32>], vector<16xf32>,
    %add3A_500 = arith.addf %add3A_495, %gather3A_499 : vector<16xf32>
    %add3A_501 = arith.constant 2 : i32
    %add3A_502 = vector.broadcast %add3A_501 : i32 to vector<16xi32>
    %add3A_503 = arith.addi %mul3A_490, %add3A_502 : vector<16xi32>
    %gather3A_504 = tpu.vector_load_idx %arg9[%add3A_503] : memref<512xf32, #tpu.memory_space<vmem>>[vector<16xi32>], vector<16xf32>,
    %add3A_505 = arith.addf %add3A_500, %gather3A_504 : vector<16xf32>
    %add3A_506 = arith.constant 3 : i32
    %add3A_507 = vector.broadcast %add3A_506 : i32 to vector<16xi32>
    %add3A_508 = arith.addi %mul3A_490, %add3A_507 : vector<16xi32>
    %gather3A_509 = tpu.vector_load_idx %arg9[%add3A_508] : memref<512xf32, #tpu.memory_space<vmem>>[vector<16xi32>], vector<16xf32>,
    %add3A_510 = arith.addf %add3A_505, %gather3A_509 : vector<16xf32>
    %add3A_511 = arith.constant 4 : i32
    %add3A_512 = vector.broadcast %add3A_511 : i32 to vector<16xi32>
    %add3A_513 = arith.addi %mul3A_490, %add3A_512 : vector<16xi32>
    %gather3A_514 = tpu.vector_load_idx %arg9[%add3A_513] : memref<512xf32, #tpu.memory_space<vmem>>[vector<16xi32>], vector<16xf32>,
    %add3A_515 = arith.addf %add3A_510, %gather3A_514 : vector<16xf32>
    %add3A_516 = arith.constant 5 : i32
    %add3A_517 = vector.broadcast %add3A_516 : i32 to vector<16xi32>
    %add3A_518 = arith.addi %mul3A_490, %add3A_517 : vector<16xi32>
    %gather3A_519 = tpu.vector_load_idx %arg9[%add3A_518] : memref<512xf32, #tpu.memory_space<vmem>>[vector<16xi32>], vector<16xf32>,
    %add3A_520 = arith.addf %add3A_515, %gather3A_519 : vector<16xf32>
    %add3A_521 = arith.constant 6 : i32
    %add3A_522 = vector.broadcast %add3A_521 : i32 to vector<16xi32>
    %add3A_523 = arith.addi %mul3A_490, %add3A_522 : vector<16xi32>
    %gather3A_524 = tpu.vector_load_idx %arg9[%add3A_523] : memref<512xf32, #tpu.memory_space<vmem>>[vector<16xi32>], vector<16xf32>,
    %add3A_525 = arith.addf %add3A_520, %gather3A_524 : vector<16xf32>
    %add3A_526 = arith.constant 7 : i32
    %add3A_527 = vector.broadcast %add3A_526 : i32 to vector<16xi32>
    %add3A_528 = arith.addi %mul3A_490, %add3A_527 : vector<16xi32>
    %gather3A_529 = tpu.vector_load_idx %arg9[%add3A_528] : memref<512xf32, #tpu.memory_space<vmem>>[vector<16xi32>], vector<16xf32>,
    %add3A_530 = arith.addf %add3A_525, %gather3A_529 : vector<16xf32>
    %add3A_531 = arith.constant 8 : i32
    %add3A_532 = vector.broadcast %add3A_531 : i32 to vector<16xi32>
    %add3A_533 = arith.addi %mul3A_490, %add3A_532 : vector<16xi32>
    %gather3A_534 = tpu.vector_load_idx %arg9[%add3A_533] : memref<512xf32, #tpu.memory_space<vmem>>[vector<16xi32>], vector<16xf32>,
    %add3A_535 = arith.addf %add3A_530, %gather3A_534 : vector<16xf32>
    %add3A_536 = arith.constant 9 : i32
    %add3A_537 = vector.broadcast %add3A_536 : i32 to vector<16xi32>
    %add3A_538 = arith.addi %mul3A_490, %add3A_537 : vector<16xi32>
    %gather3A_539 = tpu.vector_load_idx %arg9[%add3A_538] : memref<512xf32, #tpu.memory_space<vmem>>[vector<16xi32>], vector<16xf32>,
    %add3A_540 = arith.addf %add3A_535, %gather3A_539 : vector<16xf32>
    %add3A_541 = arith.constant 10 : i32
    %add3A_542 = vector.broadcast %add3A_541 : i32 to vector<16xi32>
    %add3A_543 = arith.addi %mul3A_490, %add3A_542 : vector<16xi32>
    %gather3A_544 = tpu.vector_load_idx %arg9[%add3A_543] : memref<512xf32, #tpu.memory_space<vmem>>[vector<16xi32>], vector<16xf32>,
    %add3A_545 = arith.addf %add3A_540, %gather3A_544 : vector<16xf32>
    %add3A_546 = arith.constant 11 : i32
    %add3A_547 = vector.broadcast %add3A_546 : i32 to vector<16xi32>
    %add3A_548 = arith.addi %mul3A_490, %add3A_547 : vector<16xi32>
    %gather3A_549 = tpu.vector_load_idx %arg9[%add3A_548] : memref<512xf32, #tpu.memory_space<vmem>>[vector<16xi32>], vector<16xf32>,
    %add3A_550 = arith.addf %add3A_545, %gather3A_549 : vector<16xf32>
    %add3A_551 = arith.constant 12 : i32
    %add3A_552 = vector.broadcast %add3A_551 : i32 to vector<16xi32>
    %add3A_553 = arith.addi %mul3A_490, %add3A_552 : vector<16xi32>
    %gather3A_554 = tpu.vector_load_idx %arg9[%add3A_553] : memref<512xf32, #tpu.memory_space<vmem>>[vector<16xi32>], vector<16xf32>,
    %add3A_555 = arith.addf %add3A_550, %gather3A_554 : vector<16xf32>
    %add3A_556 = arith.constant 13 : i32
    %add3A_557 = vector.broadcast %add3A_556 : i32 to vector<16xi32>
    %add3A_558 = arith.addi %mul3A_490, %add3A_557 : vector<16xi32>
    %gather3A_559 = tpu.vector_load_idx %arg9[%add3A_558] : memref<512xf32, #tpu.memory_space<vmem>>[vector<16xi32>], vector<16xf32>,
    %add3A_560 = arith.addf %add3A_555, %gather3A_559 : vector<16xf32>
    %add3A_561 = arith.constant 14 : i32
    %add3A_562 = vector.broadcast %add3A_561 : i32 to vector<16xi32>
    %add3A_563 = arith.addi %mul3A_490, %add3A_562 : vector<16xi32>
    %gather3A_564 = tpu.vector_load_idx %arg9[%add3A_563] : memref<512xf32, #tpu.memory_space<vmem>>[vector<16xi32>], vector<16xf32>,
    %add3A_565 = arith.addf %add3A_560, %gather3A_564 : vector<16xf32>
    %add3A_566 = arith.constant 15 : i32
    %add3A_567 = vector.broadcast %add3A_566 : i32 to vector<16xi32>
    %add3A_568 = arith.addi %mul3A_490, %add3A_567 : vector<16xi32>
    %gather3A_569 = tpu.vector_load_idx %arg9[%add3A_568] : memref<512xf32, #tpu.memory_space<vmem>>[vector<16xi32>], vector<16xf32>,
    %add3A_570 = arith.addf %add3A_565, %gather3A_569 : vector<16xf32>
    %swap3A_571 = arith.constant 16 : index
    %swap3A_572 = tpu.vector_load %arg13[%swap3A_571] {strides = array<i32>} : memref<32xf32, #tpu.memory_space<vmem>>, vector<16xf32>,
    tpu.vector_store %arg13[%swap3A_571], %add3A_570 {strides = array<i32>} : memref<32xf32, #tpu.memory_space<vmem>>, vector<16xf32>,
    %run_scoped3A = arith.constant 0 : i32
    "tpu.region"() ({
      %run_scoped3A_1104 = tpu.sem_alloc : memref<!tpu.dma_semaphore, #tpu.memory_space<semaphore_mem>>
      %dma_start3A = arith.constant 0 : i32
      %dma_start3A_1105 = tpu.memref_slice %arg6[%add3A, %run_scoped3A, %dma_start3A] : memref<32x4x32xf32, #tpu.memory_space<hbm>> -> memref<1x1x32xf32, #tpu.memory_space<hbm>>
      %dma_start3A_1106 = tpu.memref_squeeze %dma_start3A_1105 : memref<1x1x32xf32, #tpu.memory_space<hbm>> -> memref<32xf32, #tpu.memory_space<hbm>>
      %dma_start3A_1107 = arith.constant 0 : i32
      %dma_start3A_1108 = tpu.memref_slice %arg6[%add3A, %run_scoped3A, %dma_start3A_1107] : memref<32x4x32xf32, #tpu.memory_space<hbm>> -> memref<1x1x32xf32, #tpu.memory_space<hbm>>
      %dma_start3A_1109 = tpu.memref_squeeze %dma_start3A_1108 : memref<1x1x32xf32, #tpu.memory_space<hbm>> -> memref<32xf32, #tpu.memory_space<hbm>>
      tpu.enqueue_dma source(%arg13 : memref<32xf32, #tpu.memory_space<vmem>>) target(%dma_start3A_1109 : memref<32xf32, #tpu.memory_space<hbm>>) target_semaphore(%run_scoped3A_1104 : memref<!tpu.dma_semaphore, #tpu.memory_space<semaphore_mem>>)
      %dma_wait3A = arith.constant 0 : i32
      %dma_wait3A_1110 = tpu.memref_slice %arg6[%add3A, %run_scoped3A, %dma_wait3A] : memref<32x4x32xf32, #tpu.memory_space<hbm>> -> memref<1x1x32xf32, #tpu.memory_space<hbm>>
      %dma_wait3A_1111 = tpu.memref_squeeze %dma_wait3A_1110 : memref<1x1x32xf32, #tpu.memory_space<hbm>> -> memref<32xf32, #tpu.memory_space<hbm>>
      %dma_wait3A_1112 = arith.constant 0 : i32
      %dma_wait3A_1113 = tpu.memref_slice %arg6[%add3A, %run_scoped3A, %dma_wait3A_1112] : memref<32x4x32xf32, #tpu.memory_space<hbm>> -> memref<1x1x32xf32, #tpu.memory_space<hbm>>
      %dma_wait3A_1114 = tpu.memref_squeeze %dma_wait3A_1113 : memref<1x1x32xf32, #tpu.memory_space<hbm>> -> memref<32xf32, #tpu.memory_space<hbm>>
      tpu.wait_dma2 semaphore(%run_scoped3A_1104 : memref<!tpu.dma_semaphore, #tpu.memory_space<semaphore_mem>>) src(%arg13 : memref<32xf32, #tpu.memory_space<vmem>>) dst(%dma_wait3A_1114 : memref<32xf32, #tpu.memory_space<hbm>>)
      tpu.yield
    }) : () -> ()
    %add3A_573 = arith.constant 0 : i32
    %add3A_574 = vector.broadcast %add3A_573 : i32 to vector<16xi32>
    %add3A_575 = arith.addi %iota3A, %add3A_574 : vector<16xi32>
    %mul3A_576 = arith.constant 16 : i32
    %mul3A_577 = vector.broadcast %mul3A_576 : i32 to vector<16xi32>
    %mul3A_578 = arith.muli %add3A_575, %mul3A_577 : vector<16xi32>
    %add3A_579 = arith.constant 0 : i32
    %add3A_580 = vector.broadcast %add3A_579 : i32 to vector<16xi32>
    %add3A_581 = arith.addi %mul3A_578, %add3A_580 : vector<16xi32>
    %gather3A_582 = tpu.vector_load_idx %arg10[%add3A_581] : memref<512xf32, #tpu.memory_space<vmem>>[vector<16xi32>], vector<16xf32>,
    %add3A_583 = arith.addf %broadcast_in_dim3A_33, %gather3A_582 : vector<16xf32>
    %add3A_584 = arith.constant 1 : i32
    %add3A_585 = vector.broadcast %add3A_584 : i32 to vector<16xi32>
    %add3A_586 = arith.addi %mul3A_578, %add3A_585 : vector<16xi32>
    %gather3A_587 = tpu.vector_load_idx %arg10[%add3A_586] : memref<512xf32, #tpu.memory_space<vmem>>[vector<16xi32>], vector<16xf32>,
    %add3A_588 = arith.addf %add3A_583, %gather3A_587 : vector<16xf32>
    %add3A_589 = arith.constant 2 : i32
    %add3A_590 = vector.broadcast %add3A_589 : i32 to vector<16xi32>
    %add3A_591 = arith.addi %mul3A_578, %add3A_590 : vector<16xi32>
    %gather3A_592 = tpu.vector_load_idx %arg10[%add3A_591] : memref<512xf32, #tpu.memory_space<vmem>>[vector<16xi32>], vector<16xf32>,
    %add3A_593 = arith.addf %add3A_588, %gather3A_592 : vector<16xf32>
    %add3A_594 = arith.constant 3 : i32
    %add3A_595 = vector.broadcast %add3A_594 : i32 to vector<16xi32>
    %add3A_596 = arith.addi %mul3A_578, %add3A_595 : vector<16xi32>
    %gather3A_597 = tpu.vector_load_idx %arg10[%add3A_596] : memref<512xf32, #tpu.memory_space<vmem>>[vector<16xi32>], vector<16xf32>,
    %add3A_598 = arith.addf %add3A_593, %gather3A_597 : vector<16xf32>
    %add3A_599 = arith.constant 4 : i32
    %add3A_600 = vector.broadcast %add3A_599 : i32 to vector<16xi32>
    %add3A_601 = arith.addi %mul3A_578, %add3A_600 : vector<16xi32>
    %gather3A_602 = tpu.vector_load_idx %arg10[%add3A_601] : memref<512xf32, #tpu.memory_space<vmem>>[vector<16xi32>], vector<16xf32>,
    %add3A_603 = arith.addf %add3A_598, %gather3A_602 : vector<16xf32>
    %add3A_604 = arith.constant 5 : i32
    %add3A_605 = vector.broadcast %add3A_604 : i32 to vector<16xi32>
    %add3A_606 = arith.addi %mul3A_578, %add3A_605 : vector<16xi32>
    %gather3A_607 = tpu.vector_load_idx %arg10[%add3A_606] : memref<512xf32, #tpu.memory_space<vmem>>[vector<16xi32>], vector<16xf32>,
    %add3A_608 = arith.addf %add3A_603, %gather3A_607 : vector<16xf32>
    %add3A_609 = arith.constant 6 : i32
    %add3A_610 = vector.broadcast %add3A_609 : i32 to vector<16xi32>
    %add3A_611 = arith.addi %mul3A_578, %add3A_610 : vector<16xi32>
    %gather3A_612 = tpu.vector_load_idx %arg10[%add3A_611] : memref<512xf32, #tpu.memory_space<vmem>>[vector<16xi32>], vector<16xf32>,
    %add3A_613 = arith.addf %add3A_608, %gather3A_612 : vector<16xf32>
    %add3A_614 = arith.constant 7 : i32
    %add3A_615 = vector.broadcast %add3A_614 : i32 to vector<16xi32>
    %add3A_616 = arith.addi %mul3A_578, %add3A_615 : vector<16xi32>
    %gather3A_617 = tpu.vector_load_idx %arg10[%add3A_616] : memref<512xf32, #tpu.memory_space<vmem>>[vector<16xi32>], vector<16xf32>,
    %add3A_618 = arith.addf %add3A_613, %gather3A_617 : vector<16xf32>
    %add3A_619 = arith.constant 8 : i32
    %add3A_620 = vector.broadcast %add3A_619 : i32 to vector<16xi32>
    %add3A_621 = arith.addi %mul3A_578, %add3A_620 : vector<16xi32>
    %gather3A_622 = tpu.vector_load_idx %arg10[%add3A_621] : memref<512xf32, #tpu.memory_space<vmem>>[vector<16xi32>], vector<16xf32>,
    %add3A_623 = arith.addf %add3A_618, %gather3A_622 : vector<16xf32>
    %add3A_624 = arith.constant 9 : i32
    %add3A_625 = vector.broadcast %add3A_624 : i32 to vector<16xi32>
    %add3A_626 = arith.addi %mul3A_578, %add3A_625 : vector<16xi32>
    %gather3A_627 = tpu.vector_load_idx %arg10[%add3A_626] : memref<512xf32, #tpu.memory_space<vmem>>[vector<16xi32>], vector<16xf32>,
    %add3A_628 = arith.addf %add3A_623, %gather3A_627 : vector<16xf32>
    %add3A_629 = arith.constant 10 : i32
    %add3A_630 = vector.broadcast %add3A_629 : i32 to vector<16xi32>
    %add3A_631 = arith.addi %mul3A_578, %add3A_630 : vector<16xi32>
    %gather3A_632 = tpu.vector_load_idx %arg10[%add3A_631] : memref<512xf32, #tpu.memory_space<vmem>>[vector<16xi32>], vector<16xf32>,
    %add3A_633 = arith.addf %add3A_628, %gather3A_632 : vector<16xf32>
    %add3A_634 = arith.constant 11 : i32
    %add3A_635 = vector.broadcast %add3A_634 : i32 to vector<16xi32>
    %add3A_636 = arith.addi %mul3A_578, %add3A_635 : vector<16xi32>
    %gather3A_637 = tpu.vector_load_idx %arg10[%add3A_636] : memref<512xf32, #tpu.memory_space<vmem>>[vector<16xi32>], vector<16xf32>,
    %add3A_638 = arith.addf %add3A_633, %gather3A_637 : vector<16xf32>
    %add3A_639 = arith.constant 12 : i32
    %add3A_640 = vector.broadcast %add3A_639 : i32 to vector<16xi32>
    %add3A_641 = arith.addi %mul3A_578, %add3A_640 : vector<16xi32>
    %gather3A_642 = tpu.vector_load_idx %arg10[%add3A_641] : memref<512xf32, #tpu.memory_space<vmem>>[vector<16xi32>], vector<16xf32>,
    %add3A_643 = arith.addf %add3A_638, %gather3A_642 : vector<16xf32>
    %add3A_644 = arith.constant 13 : i32
    %add3A_645 = vector.broadcast %add3A_644 : i32 to vector<16xi32>
    %add3A_646 = arith.addi %mul3A_578, %add3A_645 : vector<16xi32>
    %gather3A_647 = tpu.vector_load_idx %arg10[%add3A_646] : memref<512xf32, #tpu.memory_space<vmem>>[vector<16xi32>], vector<16xf32>,
    %add3A_648 = arith.addf %add3A_643, %gather3A_647 : vector<16xf32>
    %add3A_649 = arith.constant 14 : i32
    %add3A_650 = vector.broadcast %add3A_649 : i32 to vector<16xi32>
    %add3A_651 = arith.addi %mul3A_578, %add3A_650 : vector<16xi32>
    %gather3A_652 = tpu.vector_load_idx %arg10[%add3A_651] : memref<512xf32, #tpu.memory_space<vmem>>[vector<16xi32>], vector<16xf32>,
    %add3A_653 = arith.addf %add3A_648, %gather3A_652 : vector<16xf32>
    %add3A_654 = arith.constant 15 : i32
    %add3A_655 = vector.broadcast %add3A_654 : i32 to vector<16xi32>
    %add3A_656 = arith.addi %mul3A_578, %add3A_655 : vector<16xi32>
    %gather3A_657 = tpu.vector_load_idx %arg10[%add3A_656] : memref<512xf32, #tpu.memory_space<vmem>>[vector<16xi32>], vector<16xf32>,
    %add3A_658 = arith.addf %add3A_653, %gather3A_657 : vector<16xf32>
    %swap3A_659 = arith.constant 0 : index
    %swap3A_660 = tpu.vector_load %arg13[%swap3A_659] {strides = array<i32>} : memref<32xf32, #tpu.memory_space<vmem>>, vector<16xf32>,
    tpu.vector_store %arg13[%swap3A_659], %add3A_658 {strides = array<i32>} : memref<32xf32, #tpu.memory_space<vmem>>, vector<16xf32>,
    %add3A_661 = arith.constant 16 : i32
    %add3A_662 = vector.broadcast %add3A_661 : i32 to vector<16xi32>
    %add3A_663 = arith.addi %iota3A, %add3A_662 : vector<16xi32>
    %mul3A_664 = arith.constant 16 : i32
    %mul3A_665 = vector.broadcast %mul3A_664 : i32 to vector<16xi32>
    %mul3A_666 = arith.muli %add3A_663, %mul3A_665 : vector<16xi32>
    %add3A_667 = arith.constant 0 : i32
    %add3A_668 = vector.broadcast %add3A_667 : i32 to vector<16xi32>
    %add3A_669 = arith.addi %mul3A_666, %add3A_668 : vector<16xi32>
    %gather3A_670 = tpu.vector_load_idx %arg10[%add3A_669] : memref<512xf32, #tpu.memory_space<vmem>>[vector<16xi32>], vector<16xf32>,
    %add3A_671 = arith.addf %broadcast_in_dim3A_33, %gather3A_670 : vector<16xf32>
    %add3A_672 = arith.constant 1 : i32
    %add3A_673 = vector.broadcast %add3A_672 : i32 to vector<16xi32>
    %add3A_674 = arith.addi %mul3A_666, %add3A_673 : vector<16xi32>
    %gather3A_675 = tpu.vector_load_idx %arg10[%add3A_674] : memref<512xf32, #tpu.memory_space<vmem>>[vector<16xi32>], vector<16xf32>,
    %add3A_676 = arith.addf %add3A_671, %gather3A_675 : vector<16xf32>
    %add3A_677 = arith.constant 2 : i32
    %add3A_678 = vector.broadcast %add3A_677 : i32 to vector<16xi32>
    %add3A_679 = arith.addi %mul3A_666, %add3A_678 : vector<16xi32>
    %gather3A_680 = tpu.vector_load_idx %arg10[%add3A_679] : memref<512xf32, #tpu.memory_space<vmem>>[vector<16xi32>], vector<16xf32>,
    %add3A_681 = arith.addf %add3A_676, %gather3A_680 : vector<16xf32>
    %add3A_682 = arith.constant 3 : i32
    %add3A_683 = vector.broadcast %add3A_682 : i32 to vector<16xi32>
    %add3A_684 = arith.addi %mul3A_666, %add3A_683 : vector<16xi32>
    %gather3A_685 = tpu.vector_load_idx %arg10[%add3A_684] : memref<512xf32, #tpu.memory_space<vmem>>[vector<16xi32>], vector<16xf32>,
    %add3A_686 = arith.addf %add3A_681, %gather3A_685 : vector<16xf32>
    %add3A_687 = arith.constant 4 : i32
    %add3A_688 = vector.broadcast %add3A_687 : i32 to vector<16xi32>
    %add3A_689 = arith.addi %mul3A_666, %add3A_688 : vector<16xi32>
    %gather3A_690 = tpu.vector_load_idx %arg10[%add3A_689] : memref<512xf32, #tpu.memory_space<vmem>>[vector<16xi32>], vector<16xf32>,
    %add3A_691 = arith.addf %add3A_686, %gather3A_690 : vector<16xf32>
    %add3A_692 = arith.constant 5 : i32
    %add3A_693 = vector.broadcast %add3A_692 : i32 to vector<16xi32>
    %add3A_694 = arith.addi %mul3A_666, %add3A_693 : vector<16xi32>
    %gather3A_695 = tpu.vector_load_idx %arg10[%add3A_694] : memref<512xf32, #tpu.memory_space<vmem>>[vector<16xi32>], vector<16xf32>,
    %add3A_696 = arith.addf %add3A_691, %gather3A_695 : vector<16xf32>
    %add3A_697 = arith.constant 6 : i32
    %add3A_698 = vector.broadcast %add3A_697 : i32 to vector<16xi32>
    %add3A_699 = arith.addi %mul3A_666, %add3A_698 : vector<16xi32>
    %gather3A_700 = tpu.vector_load_idx %arg10[%add3A_699] : memref<512xf32, #tpu.memory_space<vmem>>[vector<16xi32>], vector<16xf32>,
    %add3A_701 = arith.addf %add3A_696, %gather3A_700 : vector<16xf32>
    %add3A_702 = arith.constant 7 : i32
    %add3A_703 = vector.broadcast %add3A_702 : i32 to vector<16xi32>
    %add3A_704 = arith.addi %mul3A_666, %add3A_703 : vector<16xi32>
    %gather3A_705 = tpu.vector_load_idx %arg10[%add3A_704] : memref<512xf32, #tpu.memory_space<vmem>>[vector<16xi32>], vector<16xf32>,
    %add3A_706 = arith.addf %add3A_701, %gather3A_705 : vector<16xf32>
    %add3A_707 = arith.constant 8 : i32
    %add3A_708 = vector.broadcast %add3A_707 : i32 to vector<16xi32>
    %add3A_709 = arith.addi %mul3A_666, %add3A_708 : vector<16xi32>
    %gather3A_710 = tpu.vector_load_idx %arg10[%add3A_709] : memref<512xf32, #tpu.memory_space<vmem>>[vector<16xi32>], vector<16xf32>,
    %add3A_711 = arith.addf %add3A_706, %gather3A_710 : vector<16xf32>
    %add3A_712 = arith.constant 9 : i32
    %add3A_713 = vector.broadcast %add3A_712 : i32 to vector<16xi32>
    %add3A_714 = arith.addi %mul3A_666, %add3A_713 : vector<16xi32>
    %gather3A_715 = tpu.vector_load_idx %arg10[%add3A_714] : memref<512xf32, #tpu.memory_space<vmem>>[vector<16xi32>], vector<16xf32>,
    %add3A_716 = arith.addf %add3A_711, %gather3A_715 : vector<16xf32>
    %add3A_717 = arith.constant 10 : i32
    %add3A_718 = vector.broadcast %add3A_717 : i32 to vector<16xi32>
    %add3A_719 = arith.addi %mul3A_666, %add3A_718 : vector<16xi32>
    %gather3A_720 = tpu.vector_load_idx %arg10[%add3A_719] : memref<512xf32, #tpu.memory_space<vmem>>[vector<16xi32>], vector<16xf32>,
    %add3A_721 = arith.addf %add3A_716, %gather3A_720 : vector<16xf32>
    %add3A_722 = arith.constant 11 : i32
    %add3A_723 = vector.broadcast %add3A_722 : i32 to vector<16xi32>
    %add3A_724 = arith.addi %mul3A_666, %add3A_723 : vector<16xi32>
    %gather3A_725 = tpu.vector_load_idx %arg10[%add3A_724] : memref<512xf32, #tpu.memory_space<vmem>>[vector<16xi32>], vector<16xf32>,
    %add3A_726 = arith.addf %add3A_721, %gather3A_725 : vector<16xf32>
    %add3A_727 = arith.constant 12 : i32
    %add3A_728 = vector.broadcast %add3A_727 : i32 to vector<16xi32>
    %add3A_729 = arith.addi %mul3A_666, %add3A_728 : vector<16xi32>
    %gather3A_730 = tpu.vector_load_idx %arg10[%add3A_729] : memref<512xf32, #tpu.memory_space<vmem>>[vector<16xi32>], vector<16xf32>,
    %add3A_731 = arith.addf %add3A_726, %gather3A_730 : vector<16xf32>
    %add3A_732 = arith.constant 13 : i32
    %add3A_733 = vector.broadcast %add3A_732 : i32 to vector<16xi32>
    %add3A_734 = arith.addi %mul3A_666, %add3A_733 : vector<16xi32>
    %gather3A_735 = tpu.vector_load_idx %arg10[%add3A_734] : memref<512xf32, #tpu.memory_space<vmem>>[vector<16xi32>], vector<16xf32>,
    %add3A_736 = arith.addf %add3A_731, %gather3A_735 : vector<16xf32>
    %add3A_737 = arith.constant 14 : i32
    %add3A_738 = vector.broadcast %add3A_737 : i32 to vector<16xi32>
    %add3A_739 = arith.addi %mul3A_666, %add3A_738 : vector<16xi32>
    %gather3A_740 = tpu.vector_load_idx %arg10[%add3A_739] : memref<512xf32, #tpu.memory_space<vmem>>[vector<16xi32>], vector<16xf32>,
    %add3A_741 = arith.addf %add3A_736, %gather3A_740 : vector<16xf32>
    %add3A_742 = arith.constant 15 : i32
    %add3A_743 = vector.broadcast %add3A_742 : i32 to vector<16xi32>
    %add3A_744 = arith.addi %mul3A_666, %add3A_743 : vector<16xi32>
    %gather3A_745 = tpu.vector_load_idx %arg10[%add3A_744] : memref<512xf32, #tpu.memory_space<vmem>>[vector<16xi32>], vector<16xf32>,
    %add3A_746 = arith.addf %add3A_741, %gather3A_745 : vector<16xf32>
    %swap3A_747 = arith.constant 16 : index
    %swap3A_748 = tpu.vector_load %arg13[%swap3A_747] {strides = array<i32>} : memref<32xf32, #tpu.memory_space<vmem>>, vector<16xf32>,
    tpu.vector_store %arg13[%swap3A_747], %add3A_746 {strides = array<i32>} : memref<32xf32, #tpu.memory_space<vmem>>, vector<16xf32>,
    %run_scoped3A_749 = arith.constant 1 : i32
    "tpu.region"() ({
      %run_scoped3A_1104 = tpu.sem_alloc : memref<!tpu.dma_semaphore, #tpu.memory_space<semaphore_mem>>
      %dma_start3A = arith.constant 0 : i32
      %dma_start3A_1105 = tpu.memref_slice %arg6[%add3A, %run_scoped3A_749, %dma_start3A] : memref<32x4x32xf32, #tpu.memory_space<hbm>> -> memref<1x1x32xf32, #tpu.memory_space<hbm>>
      %dma_start3A_1106 = tpu.memref_squeeze %dma_start3A_1105 : memref<1x1x32xf32, #tpu.memory_space<hbm>> -> memref<32xf32, #tpu.memory_space<hbm>>
      %dma_start3A_1107 = arith.constant 0 : i32
      %dma_start3A_1108 = tpu.memref_slice %arg6[%add3A, %run_scoped3A_749, %dma_start3A_1107] : memref<32x4x32xf32, #tpu.memory_space<hbm>> -> memref<1x1x32xf32, #tpu.memory_space<hbm>>
      %dma_start3A_1109 = tpu.memref_squeeze %dma_start3A_1108 : memref<1x1x32xf32, #tpu.memory_space<hbm>> -> memref<32xf32, #tpu.memory_space<hbm>>
      tpu.enqueue_dma source(%arg13 : memref<32xf32, #tpu.memory_space<vmem>>) target(%dma_start3A_1109 : memref<32xf32, #tpu.memory_space<hbm>>) target_semaphore(%run_scoped3A_1104 : memref<!tpu.dma_semaphore, #tpu.memory_space<semaphore_mem>>)
      %dma_wait3A = arith.constant 0 : i32
      %dma_wait3A_1110 = tpu.memref_slice %arg6[%add3A, %run_scoped3A_749, %dma_wait3A] : memref<32x4x32xf32, #tpu.memory_space<hbm>> -> memref<1x1x32xf32, #tpu.memory_space<hbm>>
      %dma_wait3A_1111 = tpu.memref_squeeze %dma_wait3A_1110 : memref<1x1x32xf32, #tpu.memory_space<hbm>> -> memref<32xf32, #tpu.memory_space<hbm>>
      %dma_wait3A_1112 = arith.constant 0 : i32
      %dma_wait3A_1113 = tpu.memref_slice %arg6[%add3A, %run_scoped3A_749, %dma_wait3A_1112] : memref<32x4x32xf32, #tpu.memory_space<hbm>> -> memref<1x1x32xf32, #tpu.memory_space<hbm>>
      %dma_wait3A_1114 = tpu.memref_squeeze %dma_wait3A_1113 : memref<1x1x32xf32, #tpu.memory_space<hbm>> -> memref<32xf32, #tpu.memory_space<hbm>>
      tpu.wait_dma2 semaphore(%run_scoped3A_1104 : memref<!tpu.dma_semaphore, #tpu.memory_space<semaphore_mem>>) src(%arg13 : memref<32xf32, #tpu.memory_space<vmem>>) dst(%dma_wait3A_1114 : memref<32xf32, #tpu.memory_space<hbm>>)
      tpu.yield
    }) : () -> ()
    %add3A_750 = arith.constant 0 : i32
    %add3A_751 = vector.broadcast %add3A_750 : i32 to vector<16xi32>
    %add3A_752 = arith.addi %iota3A, %add3A_751 : vector<16xi32>
    %mul3A_753 = arith.constant 16 : i32
    %mul3A_754 = vector.broadcast %mul3A_753 : i32 to vector<16xi32>
    %mul3A_755 = arith.muli %add3A_752, %mul3A_754 : vector<16xi32>
    %add3A_756 = arith.constant 0 : i32
    %add3A_757 = vector.broadcast %add3A_756 : i32 to vector<16xi32>
    %add3A_758 = arith.addi %mul3A_755, %add3A_757 : vector<16xi32>
    %gather3A_759 = tpu.vector_load_idx %arg11[%add3A_758] : memref<512xf32, #tpu.memory_space<vmem>>[vector<16xi32>], vector<16xf32>,
    %add3A_760 = arith.addf %broadcast_in_dim3A_33, %gather3A_759 : vector<16xf32>
    %add3A_761 = arith.constant 1 : i32
    %add3A_762 = vector.broadcast %add3A_761 : i32 to vector<16xi32>
    %add3A_763 = arith.addi %mul3A_755, %add3A_762 : vector<16xi32>
    %gather3A_764 = tpu.vector_load_idx %arg11[%add3A_763] : memref<512xf32, #tpu.memory_space<vmem>>[vector<16xi32>], vector<16xf32>,
    %add3A_765 = arith.addf %add3A_760, %gather3A_764 : vector<16xf32>
    %add3A_766 = arith.constant 2 : i32
    %add3A_767 = vector.broadcast %add3A_766 : i32 to vector<16xi32>
    %add3A_768 = arith.addi %mul3A_755, %add3A_767 : vector<16xi32>
    %gather3A_769 = tpu.vector_load_idx %arg11[%add3A_768] : memref<512xf32, #tpu.memory_space<vmem>>[vector<16xi32>], vector<16xf32>,
    %add3A_770 = arith.addf %add3A_765, %gather3A_769 : vector<16xf32>
    %add3A_771 = arith.constant 3 : i32
    %add3A_772 = vector.broadcast %add3A_771 : i32 to vector<16xi32>
    %add3A_773 = arith.addi %mul3A_755, %add3A_772 : vector<16xi32>
    %gather3A_774 = tpu.vector_load_idx %arg11[%add3A_773] : memref<512xf32, #tpu.memory_space<vmem>>[vector<16xi32>], vector<16xf32>,
    %add3A_775 = arith.addf %add3A_770, %gather3A_774 : vector<16xf32>
    %add3A_776 = arith.constant 4 : i32
    %add3A_777 = vector.broadcast %add3A_776 : i32 to vector<16xi32>
    %add3A_778 = arith.addi %mul3A_755, %add3A_777 : vector<16xi32>
    %gather3A_779 = tpu.vector_load_idx %arg11[%add3A_778] : memref<512xf32, #tpu.memory_space<vmem>>[vector<16xi32>], vector<16xf32>,
    %add3A_780 = arith.addf %add3A_775, %gather3A_779 : vector<16xf32>
    %add3A_781 = arith.constant 5 : i32
    %add3A_782 = vector.broadcast %add3A_781 : i32 to vector<16xi32>
    %add3A_783 = arith.addi %mul3A_755, %add3A_782 : vector<16xi32>
    %gather3A_784 = tpu.vector_load_idx %arg11[%add3A_783] : memref<512xf32, #tpu.memory_space<vmem>>[vector<16xi32>], vector<16xf32>,
    %add3A_785 = arith.addf %add3A_780, %gather3A_784 : vector<16xf32>
    %add3A_786 = arith.constant 6 : i32
    %add3A_787 = vector.broadcast %add3A_786 : i32 to vector<16xi32>
    %add3A_788 = arith.addi %mul3A_755, %add3A_787 : vector<16xi32>
    %gather3A_789 = tpu.vector_load_idx %arg11[%add3A_788] : memref<512xf32, #tpu.memory_space<vmem>>[vector<16xi32>], vector<16xf32>,
    %add3A_790 = arith.addf %add3A_785, %gather3A_789 : vector<16xf32>
    %add3A_791 = arith.constant 7 : i32
    %add3A_792 = vector.broadcast %add3A_791 : i32 to vector<16xi32>
    %add3A_793 = arith.addi %mul3A_755, %add3A_792 : vector<16xi32>
    %gather3A_794 = tpu.vector_load_idx %arg11[%add3A_793] : memref<512xf32, #tpu.memory_space<vmem>>[vector<16xi32>], vector<16xf32>,
    %add3A_795 = arith.addf %add3A_790, %gather3A_794 : vector<16xf32>
    %add3A_796 = arith.constant 8 : i32
    %add3A_797 = vector.broadcast %add3A_796 : i32 to vector<16xi32>
    %add3A_798 = arith.addi %mul3A_755, %add3A_797 : vector<16xi32>
    %gather3A_799 = tpu.vector_load_idx %arg11[%add3A_798] : memref<512xf32, #tpu.memory_space<vmem>>[vector<16xi32>], vector<16xf32>,
    %add3A_800 = arith.addf %add3A_795, %gather3A_799 : vector<16xf32>
    %add3A_801 = arith.constant 9 : i32
    %add3A_802 = vector.broadcast %add3A_801 : i32 to vector<16xi32>
    %add3A_803 = arith.addi %mul3A_755, %add3A_802 : vector<16xi32>
    %gather3A_804 = tpu.vector_load_idx %arg11[%add3A_803] : memref<512xf32, #tpu.memory_space<vmem>>[vector<16xi32>], vector<16xf32>,
    %add3A_805 = arith.addf %add3A_800, %gather3A_804 : vector<16xf32>
    %add3A_806 = arith.constant 10 : i32
    %add3A_807 = vector.broadcast %add3A_806 : i32 to vector<16xi32>
    %add3A_808 = arith.addi %mul3A_755, %add3A_807 : vector<16xi32>
    %gather3A_809 = tpu.vector_load_idx %arg11[%add3A_808] : memref<512xf32, #tpu.memory_space<vmem>>[vector<16xi32>], vector<16xf32>,
    %add3A_810 = arith.addf %add3A_805, %gather3A_809 : vector<16xf32>
    %add3A_811 = arith.constant 11 : i32
    %add3A_812 = vector.broadcast %add3A_811 : i32 to vector<16xi32>
    %add3A_813 = arith.addi %mul3A_755, %add3A_812 : vector<16xi32>
    %gather3A_814 = tpu.vector_load_idx %arg11[%add3A_813] : memref<512xf32, #tpu.memory_space<vmem>>[vector<16xi32>], vector<16xf32>,
    %add3A_815 = arith.addf %add3A_810, %gather3A_814 : vector<16xf32>
    %add3A_816 = arith.constant 12 : i32
    %add3A_817 = vector.broadcast %add3A_816 : i32 to vector<16xi32>
    %add3A_818 = arith.addi %mul3A_755, %add3A_817 : vector<16xi32>
    %gather3A_819 = tpu.vector_load_idx %arg11[%add3A_818] : memref<512xf32, #tpu.memory_space<vmem>>[vector<16xi32>], vector<16xf32>,
    %add3A_820 = arith.addf %add3A_815, %gather3A_819 : vector<16xf32>
    %add3A_821 = arith.constant 13 : i32
    %add3A_822 = vector.broadcast %add3A_821 : i32 to vector<16xi32>
    %add3A_823 = arith.addi %mul3A_755, %add3A_822 : vector<16xi32>
    %gather3A_824 = tpu.vector_load_idx %arg11[%add3A_823] : memref<512xf32, #tpu.memory_space<vmem>>[vector<16xi32>], vector<16xf32>,
    %add3A_825 = arith.addf %add3A_820, %gather3A_824 : vector<16xf32>
    %add3A_826 = arith.constant 14 : i32
    %add3A_827 = vector.broadcast %add3A_826 : i32 to vector<16xi32>
    %add3A_828 = arith.addi %mul3A_755, %add3A_827 : vector<16xi32>
    %gather3A_829 = tpu.vector_load_idx %arg11[%add3A_828] : memref<512xf32, #tpu.memory_space<vmem>>[vector<16xi32>], vector<16xf32>,
    %add3A_830 = arith.addf %add3A_825, %gather3A_829 : vector<16xf32>
    %add3A_831 = arith.constant 15 : i32
    %add3A_832 = vector.broadcast %add3A_831 : i32 to vector<16xi32>
    %add3A_833 = arith.addi %mul3A_755, %add3A_832 : vector<16xi32>
    %gather3A_834 = tpu.vector_load_idx %arg11[%add3A_833] : memref<512xf32, #tpu.memory_space<vmem>>[vector<16xi32>], vector<16xf32>,
    %add3A_835 = arith.addf %add3A_830, %gather3A_834 : vector<16xf32>
    %swap3A_836 = arith.constant 0 : index
    %swap3A_837 = tpu.vector_load %arg13[%swap3A_836] {strides = array<i32>} : memref<32xf32, #tpu.memory_space<vmem>>, vector<16xf32>,
    tpu.vector_store %arg13[%swap3A_836], %add3A_835 {strides = array<i32>} : memref<32xf32, #tpu.memory_space<vmem>>, vector<16xf32>,
    %add3A_838 = arith.constant 16 : i32
    %add3A_839 = vector.broadcast %add3A_838 : i32 to vector<16xi32>
    %add3A_840 = arith.addi %iota3A, %add3A_839 : vector<16xi32>
    %mul3A_841 = arith.constant 16 : i32
    %mul3A_842 = vector.broadcast %mul3A_841 : i32 to vector<16xi32>
    %mul3A_843 = arith.muli %add3A_840, %mul3A_842 : vector<16xi32>
    %add3A_844 = arith.constant 0 : i32
    %add3A_845 = vector.broadcast %add3A_844 : i32 to vector<16xi32>
    %add3A_846 = arith.addi %mul3A_843, %add3A_845 : vector<16xi32>
    %gather3A_847 = tpu.vector_load_idx %arg11[%add3A_846] : memref<512xf32, #tpu.memory_space<vmem>>[vector<16xi32>], vector<16xf32>,
    %add3A_848 = arith.addf %broadcast_in_dim3A_33, %gather3A_847 : vector<16xf32>
    %add3A_849 = arith.constant 1 : i32
    %add3A_850 = vector.broadcast %add3A_849 : i32 to vector<16xi32>
    %add3A_851 = arith.addi %mul3A_843, %add3A_850 : vector<16xi32>
    %gather3A_852 = tpu.vector_load_idx %arg11[%add3A_851] : memref<512xf32, #tpu.memory_space<vmem>>[vector<16xi32>], vector<16xf32>,
    %add3A_853 = arith.addf %add3A_848, %gather3A_852 : vector<16xf32>
    %add3A_854 = arith.constant 2 : i32
    %add3A_855 = vector.broadcast %add3A_854 : i32 to vector<16xi32>
    %add3A_856 = arith.addi %mul3A_843, %add3A_855 : vector<16xi32>
    %gather3A_857 = tpu.vector_load_idx %arg11[%add3A_856] : memref<512xf32, #tpu.memory_space<vmem>>[vector<16xi32>], vector<16xf32>,
    %add3A_858 = arith.addf %add3A_853, %gather3A_857 : vector<16xf32>
    %add3A_859 = arith.constant 3 : i32
    %add3A_860 = vector.broadcast %add3A_859 : i32 to vector<16xi32>
    %add3A_861 = arith.addi %mul3A_843, %add3A_860 : vector<16xi32>
    %gather3A_862 = tpu.vector_load_idx %arg11[%add3A_861] : memref<512xf32, #tpu.memory_space<vmem>>[vector<16xi32>], vector<16xf32>,
    %add3A_863 = arith.addf %add3A_858, %gather3A_862 : vector<16xf32>
    %add3A_864 = arith.constant 4 : i32
    %add3A_865 = vector.broadcast %add3A_864 : i32 to vector<16xi32>
    %add3A_866 = arith.addi %mul3A_843, %add3A_865 : vector<16xi32>
    %gather3A_867 = tpu.vector_load_idx %arg11[%add3A_866] : memref<512xf32, #tpu.memory_space<vmem>>[vector<16xi32>], vector<16xf32>,
    %add3A_868 = arith.addf %add3A_863, %gather3A_867 : vector<16xf32>
    %add3A_869 = arith.constant 5 : i32
    %add3A_870 = vector.broadcast %add3A_869 : i32 to vector<16xi32>
    %add3A_871 = arith.addi %mul3A_843, %add3A_870 : vector<16xi32>
    %gather3A_872 = tpu.vector_load_idx %arg11[%add3A_871] : memref<512xf32, #tpu.memory_space<vmem>>[vector<16xi32>], vector<16xf32>,
    %add3A_873 = arith.addf %add3A_868, %gather3A_872 : vector<16xf32>
    %add3A_874 = arith.constant 6 : i32
    %add3A_875 = vector.broadcast %add3A_874 : i32 to vector<16xi32>
    %add3A_876 = arith.addi %mul3A_843, %add3A_875 : vector<16xi32>
    %gather3A_877 = tpu.vector_load_idx %arg11[%add3A_876] : memref<512xf32, #tpu.memory_space<vmem>>[vector<16xi32>], vector<16xf32>,
    %add3A_878 = arith.addf %add3A_873, %gather3A_877 : vector<16xf32>
    %add3A_879 = arith.constant 7 : i32
    %add3A_880 = vector.broadcast %add3A_879 : i32 to vector<16xi32>
    %add3A_881 = arith.addi %mul3A_843, %add3A_880 : vector<16xi32>
    %gather3A_882 = tpu.vector_load_idx %arg11[%add3A_881] : memref<512xf32, #tpu.memory_space<vmem>>[vector<16xi32>], vector<16xf32>,
    %add3A_883 = arith.addf %add3A_878, %gather3A_882 : vector<16xf32>
    %add3A_884 = arith.constant 8 : i32
    %add3A_885 = vector.broadcast %add3A_884 : i32 to vector<16xi32>
    %add3A_886 = arith.addi %mul3A_843, %add3A_885 : vector<16xi32>
    %gather3A_887 = tpu.vector_load_idx %arg11[%add3A_886] : memref<512xf32, #tpu.memory_space<vmem>>[vector<16xi32>], vector<16xf32>,
    %add3A_888 = arith.addf %add3A_883, %gather3A_887 : vector<16xf32>
    %add3A_889 = arith.constant 9 : i32
    %add3A_890 = vector.broadcast %add3A_889 : i32 to vector<16xi32>
    %add3A_891 = arith.addi %mul3A_843, %add3A_890 : vector<16xi32>
    %gather3A_892 = tpu.vector_load_idx %arg11[%add3A_891] : memref<512xf32, #tpu.memory_space<vmem>>[vector<16xi32>], vector<16xf32>,
    %add3A_893 = arith.addf %add3A_888, %gather3A_892 : vector<16xf32>
    %add3A_894 = arith.constant 10 : i32
    %add3A_895 = vector.broadcast %add3A_894 : i32 to vector<16xi32>
    %add3A_896 = arith.addi %mul3A_843, %add3A_895 : vector<16xi32>
    %gather3A_897 = tpu.vector_load_idx %arg11[%add3A_896] : memref<512xf32, #tpu.memory_space<vmem>>[vector<16xi32>], vector<16xf32>,
    %add3A_898 = arith.addf %add3A_893, %gather3A_897 : vector<16xf32>
    %add3A_899 = arith.constant 11 : i32
    %add3A_900 = vector.broadcast %add3A_899 : i32 to vector<16xi32>
    %add3A_901 = arith.addi %mul3A_843, %add3A_900 : vector<16xi32>
    %gather3A_902 = tpu.vector_load_idx %arg11[%add3A_901] : memref<512xf32, #tpu.memory_space<vmem>>[vector<16xi32>], vector<16xf32>,
    %add3A_903 = arith.addf %add3A_898, %gather3A_902 : vector<16xf32>
    %add3A_904 = arith.constant 12 : i32
    %add3A_905 = vector.broadcast %add3A_904 : i32 to vector<16xi32>
    %add3A_906 = arith.addi %mul3A_843, %add3A_905 : vector<16xi32>
    %gather3A_907 = tpu.vector_load_idx %arg11[%add3A_906] : memref<512xf32, #tpu.memory_space<vmem>>[vector<16xi32>], vector<16xf32>,
    %add3A_908 = arith.addf %add3A_903, %gather3A_907 : vector<16xf32>
    %add3A_909 = arith.constant 13 : i32
    %add3A_910 = vector.broadcast %add3A_909 : i32 to vector<16xi32>
    %add3A_911 = arith.addi %mul3A_843, %add3A_910 : vector<16xi32>
    %gather3A_912 = tpu.vector_load_idx %arg11[%add3A_911] : memref<512xf32, #tpu.memory_space<vmem>>[vector<16xi32>], vector<16xf32>,
    %add3A_913 = arith.addf %add3A_908, %gather3A_912 : vector<16xf32>
    %add3A_914 = arith.constant 14 : i32
    %add3A_915 = vector.broadcast %add3A_914 : i32 to vector<16xi32>
    %add3A_916 = arith.addi %mul3A_843, %add3A_915 : vector<16xi32>
    %gather3A_917 = tpu.vector_load_idx %arg11[%add3A_916] : memref<512xf32, #tpu.memory_space<vmem>>[vector<16xi32>], vector<16xf32>,
    %add3A_918 = arith.addf %add3A_913, %gather3A_917 : vector<16xf32>
    %add3A_919 = arith.constant 15 : i32
    %add3A_920 = vector.broadcast %add3A_919 : i32 to vector<16xi32>
    %add3A_921 = arith.addi %mul3A_843, %add3A_920 : vector<16xi32>
    %gather3A_922 = tpu.vector_load_idx %arg11[%add3A_921] : memref<512xf32, #tpu.memory_space<vmem>>[vector<16xi32>], vector<16xf32>,
    %add3A_923 = arith.addf %add3A_918, %gather3A_922 : vector<16xf32>
    %swap3A_924 = arith.constant 16 : index
    %swap3A_925 = tpu.vector_load %arg13[%swap3A_924] {strides = array<i32>} : memref<32xf32, #tpu.memory_space<vmem>>, vector<16xf32>,
    tpu.vector_store %arg13[%swap3A_924], %add3A_923 {strides = array<i32>} : memref<32xf32, #tpu.memory_space<vmem>>, vector<16xf32>,
    %run_scoped3A_926 = arith.constant 2 : i32
    "tpu.region"() ({
      %run_scoped3A_1104 = tpu.sem_alloc : memref<!tpu.dma_semaphore, #tpu.memory_space<semaphore_mem>>
      %dma_start3A = arith.constant 0 : i32
      %dma_start3A_1105 = tpu.memref_slice %arg6[%add3A, %run_scoped3A_926, %dma_start3A] : memref<32x4x32xf32, #tpu.memory_space<hbm>> -> memref<1x1x32xf32, #tpu.memory_space<hbm>>
      %dma_start3A_1106 = tpu.memref_squeeze %dma_start3A_1105 : memref<1x1x32xf32, #tpu.memory_space<hbm>> -> memref<32xf32, #tpu.memory_space<hbm>>
      %dma_start3A_1107 = arith.constant 0 : i32
      %dma_start3A_1108 = tpu.memref_slice %arg6[%add3A, %run_scoped3A_926, %dma_start3A_1107] : memref<32x4x32xf32, #tpu.memory_space<hbm>> -> memref<1x1x32xf32, #tpu.memory_space<hbm>>
      %dma_start3A_1109 = tpu.memref_squeeze %dma_start3A_1108 : memref<1x1x32xf32, #tpu.memory_space<hbm>> -> memref<32xf32, #tpu.memory_space<hbm>>
      tpu.enqueue_dma source(%arg13 : memref<32xf32, #tpu.memory_space<vmem>>) target(%dma_start3A_1109 : memref<32xf32, #tpu.memory_space<hbm>>) target_semaphore(%run_scoped3A_1104 : memref<!tpu.dma_semaphore, #tpu.memory_space<semaphore_mem>>)
      %dma_wait3A = arith.constant 0 : i32
      %dma_wait3A_1110 = tpu.memref_slice %arg6[%add3A, %run_scoped3A_926, %dma_wait3A] : memref<32x4x32xf32, #tpu.memory_space<hbm>> -> memref<1x1x32xf32, #tpu.memory_space<hbm>>
      %dma_wait3A_1111 = tpu.memref_squeeze %dma_wait3A_1110 : memref<1x1x32xf32, #tpu.memory_space<hbm>> -> memref<32xf32, #tpu.memory_space<hbm>>
      %dma_wait3A_1112 = arith.constant 0 : i32
      %dma_wait3A_1113 = tpu.memref_slice %arg6[%add3A, %run_scoped3A_926, %dma_wait3A_1112] : memref<32x4x32xf32, #tpu.memory_space<hbm>> -> memref<1x1x32xf32, #tpu.memory_space<hbm>>
      %dma_wait3A_1114 = tpu.memref_squeeze %dma_wait3A_1113 : memref<1x1x32xf32, #tpu.memory_space<hbm>> -> memref<32xf32, #tpu.memory_space<hbm>>
      tpu.wait_dma2 semaphore(%run_scoped3A_1104 : memref<!tpu.dma_semaphore, #tpu.memory_space<semaphore_mem>>) src(%arg13 : memref<32xf32, #tpu.memory_space<vmem>>) dst(%dma_wait3A_1114 : memref<32xf32, #tpu.memory_space<hbm>>)
      tpu.yield
    }) : () -> ()
    %add3A_927 = arith.constant 0 : i32
    %add3A_928 = vector.broadcast %add3A_927 : i32 to vector<16xi32>
    %add3A_929 = arith.addi %iota3A, %add3A_928 : vector<16xi32>
    %mul3A_930 = arith.constant 16 : i32
    %mul3A_931 = vector.broadcast %mul3A_930 : i32 to vector<16xi32>
    %mul3A_932 = arith.muli %add3A_929, %mul3A_931 : vector<16xi32>
    %add3A_933 = arith.constant 0 : i32
    %add3A_934 = vector.broadcast %add3A_933 : i32 to vector<16xi32>
    %add3A_935 = arith.addi %mul3A_932, %add3A_934 : vector<16xi32>
    %gather3A_936 = tpu.vector_load_idx %arg12[%add3A_935] : memref<512xf32, #tpu.memory_space<vmem>>[vector<16xi32>], vector<16xf32>,
    %add3A_937 = arith.addf %broadcast_in_dim3A_33, %gather3A_936 : vector<16xf32>
    %add3A_938 = arith.constant 1 : i32
    %add3A_939 = vector.broadcast %add3A_938 : i32 to vector<16xi32>
    %add3A_940 = arith.addi %mul3A_932, %add3A_939 : vector<16xi32>
    %gather3A_941 = tpu.vector_load_idx %arg12[%add3A_940] : memref<512xf32, #tpu.memory_space<vmem>>[vector<16xi32>], vector<16xf32>,
    %add3A_942 = arith.addf %add3A_937, %gather3A_941 : vector<16xf32>
    %add3A_943 = arith.constant 2 : i32
    %add3A_944 = vector.broadcast %add3A_943 : i32 to vector<16xi32>
    %add3A_945 = arith.addi %mul3A_932, %add3A_944 : vector<16xi32>
    %gather3A_946 = tpu.vector_load_idx %arg12[%add3A_945] : memref<512xf32, #tpu.memory_space<vmem>>[vector<16xi32>], vector<16xf32>,
    %add3A_947 = arith.addf %add3A_942, %gather3A_946 : vector<16xf32>
    %add3A_948 = arith.constant 3 : i32
    %add3A_949 = vector.broadcast %add3A_948 : i32 to vector<16xi32>
    %add3A_950 = arith.addi %mul3A_932, %add3A_949 : vector<16xi32>
    %gather3A_951 = tpu.vector_load_idx %arg12[%add3A_950] : memref<512xf32, #tpu.memory_space<vmem>>[vector<16xi32>], vector<16xf32>,
    %add3A_952 = arith.addf %add3A_947, %gather3A_951 : vector<16xf32>
    %add3A_953 = arith.constant 4 : i32
    %add3A_954 = vector.broadcast %add3A_953 : i32 to vector<16xi32>
    %add3A_955 = arith.addi %mul3A_932, %add3A_954 : vector<16xi32>
    %gather3A_956 = tpu.vector_load_idx %arg12[%add3A_955] : memref<512xf32, #tpu.memory_space<vmem>>[vector<16xi32>], vector<16xf32>,
    %add3A_957 = arith.addf %add3A_952, %gather3A_956 : vector<16xf32>
    %add3A_958 = arith.constant 5 : i32
    %add3A_959 = vector.broadcast %add3A_958 : i32 to vector<16xi32>
    %add3A_960 = arith.addi %mul3A_932, %add3A_959 : vector<16xi32>
    %gather3A_961 = tpu.vector_load_idx %arg12[%add3A_960] : memref<512xf32, #tpu.memory_space<vmem>>[vector<16xi32>], vector<16xf32>,
    %add3A_962 = arith.addf %add3A_957, %gather3A_961 : vector<16xf32>
    %add3A_963 = arith.constant 6 : i32
    %add3A_964 = vector.broadcast %add3A_963 : i32 to vector<16xi32>
    %add3A_965 = arith.addi %mul3A_932, %add3A_964 : vector<16xi32>
    %gather3A_966 = tpu.vector_load_idx %arg12[%add3A_965] : memref<512xf32, #tpu.memory_space<vmem>>[vector<16xi32>], vector<16xf32>,
    %add3A_967 = arith.addf %add3A_962, %gather3A_966 : vector<16xf32>
    %add3A_968 = arith.constant 7 : i32
    %add3A_969 = vector.broadcast %add3A_968 : i32 to vector<16xi32>
    %add3A_970 = arith.addi %mul3A_932, %add3A_969 : vector<16xi32>
    %gather3A_971 = tpu.vector_load_idx %arg12[%add3A_970] : memref<512xf32, #tpu.memory_space<vmem>>[vector<16xi32>], vector<16xf32>,
    %add3A_972 = arith.addf %add3A_967, %gather3A_971 : vector<16xf32>
    %add3A_973 = arith.constant 8 : i32
    %add3A_974 = vector.broadcast %add3A_973 : i32 to vector<16xi32>
    %add3A_975 = arith.addi %mul3A_932, %add3A_974 : vector<16xi32>
    %gather3A_976 = tpu.vector_load_idx %arg12[%add3A_975] : memref<512xf32, #tpu.memory_space<vmem>>[vector<16xi32>], vector<16xf32>,
    %add3A_977 = arith.addf %add3A_972, %gather3A_976 : vector<16xf32>
    %add3A_978 = arith.constant 9 : i32
    %add3A_979 = vector.broadcast %add3A_978 : i32 to vector<16xi32>
    %add3A_980 = arith.addi %mul3A_932, %add3A_979 : vector<16xi32>
    %gather3A_981 = tpu.vector_load_idx %arg12[%add3A_980] : memref<512xf32, #tpu.memory_space<vmem>>[vector<16xi32>], vector<16xf32>,
    %add3A_982 = arith.addf %add3A_977, %gather3A_981 : vector<16xf32>
    %add3A_983 = arith.constant 10 : i32
    %add3A_984 = vector.broadcast %add3A_983 : i32 to vector<16xi32>
    %add3A_985 = arith.addi %mul3A_932, %add3A_984 : vector<16xi32>
    %gather3A_986 = tpu.vector_load_idx %arg12[%add3A_985] : memref<512xf32, #tpu.memory_space<vmem>>[vector<16xi32>], vector<16xf32>,
    %add3A_987 = arith.addf %add3A_982, %gather3A_986 : vector<16xf32>
    %add3A_988 = arith.constant 11 : i32
    %add3A_989 = vector.broadcast %add3A_988 : i32 to vector<16xi32>
    %add3A_990 = arith.addi %mul3A_932, %add3A_989 : vector<16xi32>
    %gather3A_991 = tpu.vector_load_idx %arg12[%add3A_990] : memref<512xf32, #tpu.memory_space<vmem>>[vector<16xi32>], vector<16xf32>,
    %add3A_992 = arith.addf %add3A_987, %gather3A_991 : vector<16xf32>
    %add3A_993 = arith.constant 12 : i32
    %add3A_994 = vector.broadcast %add3A_993 : i32 to vector<16xi32>
    %add3A_995 = arith.addi %mul3A_932, %add3A_994 : vector<16xi32>
    %gather3A_996 = tpu.vector_load_idx %arg12[%add3A_995] : memref<512xf32, #tpu.memory_space<vmem>>[vector<16xi32>], vector<16xf32>,
    %add3A_997 = arith.addf %add3A_992, %gather3A_996 : vector<16xf32>
    %add3A_998 = arith.constant 13 : i32
    %add3A_999 = vector.broadcast %add3A_998 : i32 to vector<16xi32>
    %add3A_1000 = arith.addi %mul3A_932, %add3A_999 : vector<16xi32>
    %gather3A_1001 = tpu.vector_load_idx %arg12[%add3A_1000] : memref<512xf32, #tpu.memory_space<vmem>>[vector<16xi32>], vector<16xf32>,
    %add3A_1002 = arith.addf %add3A_997, %gather3A_1001 : vector<16xf32>
    %add3A_1003 = arith.constant 14 : i32
    %add3A_1004 = vector.broadcast %add3A_1003 : i32 to vector<16xi32>
    %add3A_1005 = arith.addi %mul3A_932, %add3A_1004 : vector<16xi32>
    %gather3A_1006 = tpu.vector_load_idx %arg12[%add3A_1005] : memref<512xf32, #tpu.memory_space<vmem>>[vector<16xi32>], vector<16xf32>,
    %add3A_1007 = arith.addf %add3A_1002, %gather3A_1006 : vector<16xf32>
    %add3A_1008 = arith.constant 15 : i32
    %add3A_1009 = vector.broadcast %add3A_1008 : i32 to vector<16xi32>
    %add3A_1010 = arith.addi %mul3A_932, %add3A_1009 : vector<16xi32>
    %gather3A_1011 = tpu.vector_load_idx %arg12[%add3A_1010] : memref<512xf32, #tpu.memory_space<vmem>>[vector<16xi32>], vector<16xf32>,
    %add3A_1012 = arith.addf %add3A_1007, %gather3A_1011 : vector<16xf32>
    %swap3A_1013 = arith.constant 0 : index
    %swap3A_1014 = tpu.vector_load %arg13[%swap3A_1013] {strides = array<i32>} : memref<32xf32, #tpu.memory_space<vmem>>, vector<16xf32>,
    tpu.vector_store %arg13[%swap3A_1013], %add3A_1012 {strides = array<i32>} : memref<32xf32, #tpu.memory_space<vmem>>, vector<16xf32>,
    %add3A_1015 = arith.constant 16 : i32
    %add3A_1016 = vector.broadcast %add3A_1015 : i32 to vector<16xi32>
    %add3A_1017 = arith.addi %iota3A, %add3A_1016 : vector<16xi32>
    %mul3A_1018 = arith.constant 16 : i32
    %mul3A_1019 = vector.broadcast %mul3A_1018 : i32 to vector<16xi32>
    %mul3A_1020 = arith.muli %add3A_1017, %mul3A_1019 : vector<16xi32>
    %add3A_1021 = arith.constant 0 : i32
    %add3A_1022 = vector.broadcast %add3A_1021 : i32 to vector<16xi32>
    %add3A_1023 = arith.addi %mul3A_1020, %add3A_1022 : vector<16xi32>
    %gather3A_1024 = tpu.vector_load_idx %arg12[%add3A_1023] : memref<512xf32, #tpu.memory_space<vmem>>[vector<16xi32>], vector<16xf32>,
    %add3A_1025 = arith.addf %broadcast_in_dim3A_33, %gather3A_1024 : vector<16xf32>
    %add3A_1026 = arith.constant 1 : i32
    %add3A_1027 = vector.broadcast %add3A_1026 : i32 to vector<16xi32>
    %add3A_1028 = arith.addi %mul3A_1020, %add3A_1027 : vector<16xi32>
    %gather3A_1029 = tpu.vector_load_idx %arg12[%add3A_1028] : memref<512xf32, #tpu.memory_space<vmem>>[vector<16xi32>], vector<16xf32>,
    %add3A_1030 = arith.addf %add3A_1025, %gather3A_1029 : vector<16xf32>
    %add3A_1031 = arith.constant 2 : i32
    %add3A_1032 = vector.broadcast %add3A_1031 : i32 to vector<16xi32>
    %add3A_1033 = arith.addi %mul3A_1020, %add3A_1032 : vector<16xi32>
    %gather3A_1034 = tpu.vector_load_idx %arg12[%add3A_1033] : memref<512xf32, #tpu.memory_space<vmem>>[vector<16xi32>], vector<16xf32>,
    %add3A_1035 = arith.addf %add3A_1030, %gather3A_1034 : vector<16xf32>
    %add3A_1036 = arith.constant 3 : i32
    %add3A_1037 = vector.broadcast %add3A_1036 : i32 to vector<16xi32>
    %add3A_1038 = arith.addi %mul3A_1020, %add3A_1037 : vector<16xi32>
    %gather3A_1039 = tpu.vector_load_idx %arg12[%add3A_1038] : memref<512xf32, #tpu.memory_space<vmem>>[vector<16xi32>], vector<16xf32>,
    %add3A_1040 = arith.addf %add3A_1035, %gather3A_1039 : vector<16xf32>
    %add3A_1041 = arith.constant 4 : i32
    %add3A_1042 = vector.broadcast %add3A_1041 : i32 to vector<16xi32>
    %add3A_1043 = arith.addi %mul3A_1020, %add3A_1042 : vector<16xi32>
    %gather3A_1044 = tpu.vector_load_idx %arg12[%add3A_1043] : memref<512xf32, #tpu.memory_space<vmem>>[vector<16xi32>], vector<16xf32>,
    %add3A_1045 = arith.addf %add3A_1040, %gather3A_1044 : vector<16xf32>
    %add3A_1046 = arith.constant 5 : i32
    %add3A_1047 = vector.broadcast %add3A_1046 : i32 to vector<16xi32>
    %add3A_1048 = arith.addi %mul3A_1020, %add3A_1047 : vector<16xi32>
    %gather3A_1049 = tpu.vector_load_idx %arg12[%add3A_1048] : memref<512xf32, #tpu.memory_space<vmem>>[vector<16xi32>], vector<16xf32>,
    %add3A_1050 = arith.addf %add3A_1045, %gather3A_1049 : vector<16xf32>
    %add3A_1051 = arith.constant 6 : i32
    %add3A_1052 = vector.broadcast %add3A_1051 : i32 to vector<16xi32>
    %add3A_1053 = arith.addi %mul3A_1020, %add3A_1052 : vector<16xi32>
    %gather3A_1054 = tpu.vector_load_idx %arg12[%add3A_1053] : memref<512xf32, #tpu.memory_space<vmem>>[vector<16xi32>], vector<16xf32>,
    %add3A_1055 = arith.addf %add3A_1050, %gather3A_1054 : vector<16xf32>
    %add3A_1056 = arith.constant 7 : i32
    %add3A_1057 = vector.broadcast %add3A_1056 : i32 to vector<16xi32>
    %add3A_1058 = arith.addi %mul3A_1020, %add3A_1057 : vector<16xi32>
    %gather3A_1059 = tpu.vector_load_idx %arg12[%add3A_1058] : memref<512xf32, #tpu.memory_space<vmem>>[vector<16xi32>], vector<16xf32>,
    %add3A_1060 = arith.addf %add3A_1055, %gather3A_1059 : vector<16xf32>
    %add3A_1061 = arith.constant 8 : i32
    %add3A_1062 = vector.broadcast %add3A_1061 : i32 to vector<16xi32>
    %add3A_1063 = arith.addi %mul3A_1020, %add3A_1062 : vector<16xi32>
    %gather3A_1064 = tpu.vector_load_idx %arg12[%add3A_1063] : memref<512xf32, #tpu.memory_space<vmem>>[vector<16xi32>], vector<16xf32>,
    %add3A_1065 = arith.addf %add3A_1060, %gather3A_1064 : vector<16xf32>
    %add3A_1066 = arith.constant 9 : i32
    %add3A_1067 = vector.broadcast %add3A_1066 : i32 to vector<16xi32>
    %add3A_1068 = arith.addi %mul3A_1020, %add3A_1067 : vector<16xi32>
    %gather3A_1069 = tpu.vector_load_idx %arg12[%add3A_1068] : memref<512xf32, #tpu.memory_space<vmem>>[vector<16xi32>], vector<16xf32>,
    %add3A_1070 = arith.addf %add3A_1065, %gather3A_1069 : vector<16xf32>
    %add3A_1071 = arith.constant 10 : i32
    %add3A_1072 = vector.broadcast %add3A_1071 : i32 to vector<16xi32>
    %add3A_1073 = arith.addi %mul3A_1020, %add3A_1072 : vector<16xi32>
    %gather3A_1074 = tpu.vector_load_idx %arg12[%add3A_1073] : memref<512xf32, #tpu.memory_space<vmem>>[vector<16xi32>], vector<16xf32>,
    %add3A_1075 = arith.addf %add3A_1070, %gather3A_1074 : vector<16xf32>
    %add3A_1076 = arith.constant 11 : i32
    %add3A_1077 = vector.broadcast %add3A_1076 : i32 to vector<16xi32>
    %add3A_1078 = arith.addi %mul3A_1020, %add3A_1077 : vector<16xi32>
    %gather3A_1079 = tpu.vector_load_idx %arg12[%add3A_1078] : memref<512xf32, #tpu.memory_space<vmem>>[vector<16xi32>], vector<16xf32>,
    %add3A_1080 = arith.addf %add3A_1075, %gather3A_1079 : vector<16xf32>
    %add3A_1081 = arith.constant 12 : i32
    %add3A_1082 = vector.broadcast %add3A_1081 : i32 to vector<16xi32>
    %add3A_1083 = arith.addi %mul3A_1020, %add3A_1082 : vector<16xi32>
    %gather3A_1084 = tpu.vector_load_idx %arg12[%add3A_1083] : memref<512xf32, #tpu.memory_space<vmem>>[vector<16xi32>], vector<16xf32>,
    %add3A_1085 = arith.addf %add3A_1080, %gather3A_1084 : vector<16xf32>
    %add3A_1086 = arith.constant 13 : i32
    %add3A_1087 = vector.broadcast %add3A_1086 : i32 to vector<16xi32>
    %add3A_1088 = arith.addi %mul3A_1020, %add3A_1087 : vector<16xi32>
    %gather3A_1089 = tpu.vector_load_idx %arg12[%add3A_1088] : memref<512xf32, #tpu.memory_space<vmem>>[vector<16xi32>], vector<16xf32>,
    %add3A_1090 = arith.addf %add3A_1085, %gather3A_1089 : vector<16xf32>
    %add3A_1091 = arith.constant 14 : i32
    %add3A_1092 = vector.broadcast %add3A_1091 : i32 to vector<16xi32>
    %add3A_1093 = arith.addi %mul3A_1020, %add3A_1092 : vector<16xi32>
    %gather3A_1094 = tpu.vector_load_idx %arg12[%add3A_1093] : memref<512xf32, #tpu.memory_space<vmem>>[vector<16xi32>], vector<16xf32>,
    %add3A_1095 = arith.addf %add3A_1090, %gather3A_1094 : vector<16xf32>
    %add3A_1096 = arith.constant 15 : i32
    %add3A_1097 = vector.broadcast %add3A_1096 : i32 to vector<16xi32>
    %add3A_1098 = arith.addi %mul3A_1020, %add3A_1097 : vector<16xi32>
    %gather3A_1099 = tpu.vector_load_idx %arg12[%add3A_1098] : memref<512xf32, #tpu.memory_space<vmem>>[vector<16xi32>], vector<16xf32>,
    %add3A_1100 = arith.addf %add3A_1095, %gather3A_1099 : vector<16xf32>
    %swap3A_1101 = arith.constant 16 : index
    %swap3A_1102 = tpu.vector_load %arg13[%swap3A_1101] {strides = array<i32>} : memref<32xf32, #tpu.memory_space<vmem>>, vector<16xf32>,
    tpu.vector_store %arg13[%swap3A_1101], %add3A_1100 {strides = array<i32>} : memref<32xf32, #tpu.memory_space<vmem>>, vector<16xf32>,
    %run_scoped3A_1103 = arith.constant 3 : i32
    "tpu.region"() ({
      %run_scoped3A_1104 = tpu.sem_alloc : memref<!tpu.dma_semaphore, #tpu.memory_space<semaphore_mem>>
      %dma_start3A = arith.constant 0 : i32
      %dma_start3A_1105 = tpu.memref_slice %arg6[%add3A, %run_scoped3A_1103, %dma_start3A] : memref<32x4x32xf32, #tpu.memory_space<hbm>> -> memref<1x1x32xf32, #tpu.memory_space<hbm>>
      %dma_start3A_1106 = tpu.memref_squeeze %dma_start3A_1105 : memref<1x1x32xf32, #tpu.memory_space<hbm>> -> memref<32xf32, #tpu.memory_space<hbm>>
      %dma_start3A_1107 = arith.constant 0 : i32
      %dma_start3A_1108 = tpu.memref_slice %arg6[%add3A, %run_scoped3A_1103, %dma_start3A_1107] : memref<32x4x32xf32, #tpu.memory_space<hbm>> -> memref<1x1x32xf32, #tpu.memory_space<hbm>>
      %dma_start3A_1109 = tpu.memref_squeeze %dma_start3A_1108 : memref<1x1x32xf32, #tpu.memory_space<hbm>> -> memref<32xf32, #tpu.memory_space<hbm>>
      tpu.enqueue_dma source(%arg13 : memref<32xf32, #tpu.memory_space<vmem>>) target(%dma_start3A_1109 : memref<32xf32, #tpu.memory_space<hbm>>) target_semaphore(%run_scoped3A_1104 : memref<!tpu.dma_semaphore, #tpu.memory_space<semaphore_mem>>)
      %dma_wait3A = arith.constant 0 : i32
      %dma_wait3A_1110 = tpu.memref_slice %arg6[%add3A, %run_scoped3A_1103, %dma_wait3A] : memref<32x4x32xf32, #tpu.memory_space<hbm>> -> memref<1x1x32xf32, #tpu.memory_space<hbm>>
      %dma_wait3A_1111 = tpu.memref_squeeze %dma_wait3A_1110 : memref<1x1x32xf32, #tpu.memory_space<hbm>> -> memref<32xf32, #tpu.memory_space<hbm>>
      %dma_wait3A_1112 = arith.constant 0 : i32
      %dma_wait3A_1113 = tpu.memref_slice %arg6[%add3A, %run_scoped3A_1103, %dma_wait3A_1112] : memref<32x4x32xf32, #tpu.memory_space<hbm>> -> memref<1x1x32xf32, #tpu.memory_space<hbm>>
      %dma_wait3A_1114 = tpu.memref_squeeze %dma_wait3A_1113 : memref<1x1x32xf32, #tpu.memory_space<hbm>> -> memref<32xf32, #tpu.memory_space<hbm>>
      tpu.wait_dma2 semaphore(%run_scoped3A_1104 : memref<!tpu.dma_semaphore, #tpu.memory_space<semaphore_mem>>) src(%arg13 : memref<32xf32, #tpu.memory_space<vmem>>) dst(%dma_wait3A_1114 : memref<32xf32, #tpu.memory_space<hbm>>)
      tpu.yield
    }) : () -> ()
    return
  }
}

#map = affine_map<(d0, d1) -> (0, 0)>
#map1 = affine_map<(d0, d1) -> (0, 0, 0)>
module attributes {stable_mosaic.version = 14 : i64} {
  func.func @_sc_pull(%arg0: i32, %arg1: i32, %arg2: memref<8x262144xf32, #tpu.memory_space<hbm>>, %arg3: memref<8x262144xi32, #tpu.memory_space<hbm>>, %arg4: memref<8x65536xf32, #tpu.memory_space<hbm>>, %arg5: memref<8x65536xi32, #tpu.memory_space<hbm>>, %arg6: memref<4x8x32xf32, #tpu.memory_space<hbm>>, %arg7: memref<32x16xf32, #tpu.memory_space<hbm>>, %arg8: memref<8192xf32, #tpu.memory_space<vmem>>, %arg9: memref<8192xi32, #tpu.memory_space<vmem>>, %arg10: memref<32xf32, #tpu.memory_space<vmem>>, %arg11: memref<32xf32, #tpu.memory_space<vmem>>, %arg12: memref<32xf32, #tpu.memory_space<vmem>>, %arg13: memref<16xf32, #tpu.memory_space<vmem>>) attributes {dimension_semantics = [#tpu.dimension_semantics<core_parallel>, #tpu.dimension_semantics<subcore_parallel>], iteration_bounds = array<i64: 2, 16>, scalar_prefetch = 0 : i64, scratch_operands = 6 : i64, tpu.core_type = #tpu.core_type<sc_vector_subcore>, window_params = [{transform_indices = #map}, {transform_indices = #map}, {transform_indices = #map}, {transform_indices = #map}, {transform_indices = #map1}, {transform_indices = #map}]} {
    %mul3A = arith.constant 2 : i32
    %mul3A_0 = arith.muli %arg1, %mul3A : i32
    %add3A = arith.addi %mul3A_0, %arg0 : i32
    %jit3A = arith.constant 4 : i32
    %div3A = arith.divsi %add3A, %jit3A : i32
    %sign3A = arith.constant 0 : i32
    %sign3A_1 = arith.cmpi sgt, %add3A, %sign3A : i32
    %sign3A_2 = arith.extui %sign3A_1 : i1 to i32
    %sign3A_3 = arith.constant 0 : i32
    %sign3A_4 = arith.cmpi slt, %add3A, %sign3A_3 : i32
    %sign3A_5 = arith.extui %sign3A_4 : i1 to i32
    %sign3A_6 = arith.subi %sign3A_2, %sign3A_5 : i32
    %sign3A_7 = arith.constant 0 : i32
    %sign3A_8 = arith.cmpi sgt, %jit3A, %sign3A_7 : i32
    %sign3A_9 = arith.extui %sign3A_8 : i1 to i32
    %sign3A_10 = arith.constant 0 : i32
    %sign3A_11 = arith.cmpi slt, %jit3A, %sign3A_10 : i32
    %sign3A_12 = arith.extui %sign3A_11 : i1 to i32
    %sign3A_13 = arith.subi %sign3A_9, %sign3A_12 : i32
    %ne3A = arith.cmpi ne, %sign3A_6, %sign3A_13 : i32
    %rem3A = arith.remsi %add3A, %jit3A : i32
    %ne3A_14 = arith.constant 0 : i32
    %ne3A_15 = arith.cmpi ne, %rem3A, %ne3A_14 : i32
    %and3A = arith.andi %ne3A, %ne3A_15 : i1
    %sub3A = arith.constant 1 : i32
    %sub3A_16 = arith.subi %div3A, %sub3A : i32
    %select_n3A = arith.select %and3A, %sub3A_16, %div3A : i32
    %jit3A_17 = arith.constant 4 : i32
    %eq3A = arith.constant 0 : i32
    %eq3A_18 = arith.cmpi eq, %jit3A_17, %eq3A : i32
    %jit3A_19 = arith.constant 1 : i32
    %select_n3A_20 = arith.select %eq3A_18, %jit3A_19, %jit3A_17 : i32
    %rem3A_21 = arith.remsi %add3A, %select_n3A_20 : i32
    %ne3A_22 = arith.constant 0 : i32
    %ne3A_23 = arith.cmpi ne, %rem3A_21, %ne3A_22 : i32
    %lt3A = arith.constant 0 : i32
    %lt3A_24 = arith.cmpi slt, %rem3A_21, %lt3A : i32
    %lt3A_25 = arith.constant 0 : i32
    %lt3A_26 = arith.cmpi slt, %select_n3A_20, %lt3A_25 : i32
    %ne3A_27 = arith.xori %lt3A_24, %lt3A_26 : i1
    %and3A_28 = arith.andi %ne3A_27, %ne3A_23 : i1
    %add3A_29 = arith.addi %rem3A_21, %select_n3A_20 : i32
    %select_n3A_30 = arith.select %and3A_28, %add3A_29, %rem3A_21 : i32
    %run_scoped3A = arith.constant 0 : i32
    "tpu.region"() ({
      %run_scoped3A_134 = tpu.sem_alloc : memref<!tpu.dma_semaphore, #tpu.memory_space<semaphore_mem>>
      %dma_start3A = arith.constant 0 : i32
      %dma_start3A_135 = tpu.memref_slice %arg6[%run_scoped3A, %select_n3A, %dma_start3A] : memref<4x8x32xf32, #tpu.memory_space<hbm>> -> memref<1x1x32xf32, #tpu.memory_space<hbm>>
      %dma_start3A_136 = tpu.memref_squeeze %dma_start3A_135 : memref<1x1x32xf32, #tpu.memory_space<hbm>> -> memref<32xf32, #tpu.memory_space<hbm>>
      %dma_start3A_137 = arith.constant 0 : i32
      %dma_start3A_138 = tpu.memref_slice %arg6[%run_scoped3A, %select_n3A, %dma_start3A_137] : memref<4x8x32xf32, #tpu.memory_space<hbm>> -> memref<1x1x32xf32, #tpu.memory_space<hbm>>
      %dma_start3A_139 = tpu.memref_squeeze %dma_start3A_138 : memref<1x1x32xf32, #tpu.memory_space<hbm>> -> memref<32xf32, #tpu.memory_space<hbm>>
      tpu.enqueue_dma source(%dma_start3A_139 : memref<32xf32, #tpu.memory_space<hbm>>) target(%arg10 : memref<32xf32, #tpu.memory_space<vmem>>) target_semaphore(%run_scoped3A_134 : memref<!tpu.dma_semaphore, #tpu.memory_space<semaphore_mem>>)
      %dma_wait3A = arith.constant 0 : i32
      %dma_wait3A_140 = tpu.memref_slice %arg6[%run_scoped3A, %select_n3A, %dma_wait3A] : memref<4x8x32xf32, #tpu.memory_space<hbm>> -> memref<1x1x32xf32, #tpu.memory_space<hbm>>
      %dma_wait3A_141 = tpu.memref_squeeze %dma_wait3A_140 : memref<1x1x32xf32, #tpu.memory_space<hbm>> -> memref<32xf32, #tpu.memory_space<hbm>>
      %dma_wait3A_142 = arith.constant 0 : i32
      %dma_wait3A_143 = tpu.memref_slice %arg6[%run_scoped3A, %select_n3A, %dma_wait3A_142] : memref<4x8x32xf32, #tpu.memory_space<hbm>> -> memref<1x1x32xf32, #tpu.memory_space<hbm>>
      %dma_wait3A_144 = tpu.memref_squeeze %dma_wait3A_143 : memref<1x1x32xf32, #tpu.memory_space<hbm>> -> memref<32xf32, #tpu.memory_space<hbm>>
      tpu.wait_dma2 semaphore(%run_scoped3A_134 : memref<!tpu.dma_semaphore, #tpu.memory_space<semaphore_mem>>) src(%dma_wait3A_144 : memref<32xf32, #tpu.memory_space<hbm>>) dst(%arg10 : memref<32xf32, #tpu.memory_space<vmem>>)
      tpu.yield
    }) : () -> ()
    %run_scoped3A_31 = arith.constant 1 : i32
    "tpu.region"() ({
      %run_scoped3A_134 = tpu.sem_alloc : memref<!tpu.dma_semaphore, #tpu.memory_space<semaphore_mem>>
      %dma_start3A = arith.constant 0 : i32
      %dma_start3A_135 = tpu.memref_slice %arg6[%run_scoped3A_31, %select_n3A, %dma_start3A] : memref<4x8x32xf32, #tpu.memory_space<hbm>> -> memref<1x1x32xf32, #tpu.memory_space<hbm>>
      %dma_start3A_136 = tpu.memref_squeeze %dma_start3A_135 : memref<1x1x32xf32, #tpu.memory_space<hbm>> -> memref<32xf32, #tpu.memory_space<hbm>>
      %dma_start3A_137 = arith.constant 0 : i32
      %dma_start3A_138 = tpu.memref_slice %arg6[%run_scoped3A_31, %select_n3A, %dma_start3A_137] : memref<4x8x32xf32, #tpu.memory_space<hbm>> -> memref<1x1x32xf32, #tpu.memory_space<hbm>>
      %dma_start3A_139 = tpu.memref_squeeze %dma_start3A_138 : memref<1x1x32xf32, #tpu.memory_space<hbm>> -> memref<32xf32, #tpu.memory_space<hbm>>
      tpu.enqueue_dma source(%dma_start3A_139 : memref<32xf32, #tpu.memory_space<hbm>>) target(%arg11 : memref<32xf32, #tpu.memory_space<vmem>>) target_semaphore(%run_scoped3A_134 : memref<!tpu.dma_semaphore, #tpu.memory_space<semaphore_mem>>)
      %dma_wait3A = arith.constant 0 : i32
      %dma_wait3A_140 = tpu.memref_slice %arg6[%run_scoped3A_31, %select_n3A, %dma_wait3A] : memref<4x8x32xf32, #tpu.memory_space<hbm>> -> memref<1x1x32xf32, #tpu.memory_space<hbm>>
      %dma_wait3A_141 = tpu.memref_squeeze %dma_wait3A_140 : memref<1x1x32xf32, #tpu.memory_space<hbm>> -> memref<32xf32, #tpu.memory_space<hbm>>
      %dma_wait3A_142 = arith.constant 0 : i32
      %dma_wait3A_143 = tpu.memref_slice %arg6[%run_scoped3A_31, %select_n3A, %dma_wait3A_142] : memref<4x8x32xf32, #tpu.memory_space<hbm>> -> memref<1x1x32xf32, #tpu.memory_space<hbm>>
      %dma_wait3A_144 = tpu.memref_squeeze %dma_wait3A_143 : memref<1x1x32xf32, #tpu.memory_space<hbm>> -> memref<32xf32, #tpu.memory_space<hbm>>
      tpu.wait_dma2 semaphore(%run_scoped3A_134 : memref<!tpu.dma_semaphore, #tpu.memory_space<semaphore_mem>>) src(%dma_wait3A_144 : memref<32xf32, #tpu.memory_space<hbm>>) dst(%arg11 : memref<32xf32, #tpu.memory_space<vmem>>)
      tpu.yield
    }) : () -> ()
    %run_scoped3A_32 = arith.constant 2 : i32
    "tpu.region"() ({
      %run_scoped3A_134 = tpu.sem_alloc : memref<!tpu.dma_semaphore, #tpu.memory_space<semaphore_mem>>
      %dma_start3A = arith.constant 0 : i32
      %dma_start3A_135 = tpu.memref_slice %arg6[%run_scoped3A_32, %select_n3A, %dma_start3A] : memref<4x8x32xf32, #tpu.memory_space<hbm>> -> memref<1x1x32xf32, #tpu.memory_space<hbm>>
      %dma_start3A_136 = tpu.memref_squeeze %dma_start3A_135 : memref<1x1x32xf32, #tpu.memory_space<hbm>> -> memref<32xf32, #tpu.memory_space<hbm>>
      %dma_start3A_137 = arith.constant 0 : i32
      %dma_start3A_138 = tpu.memref_slice %arg6[%run_scoped3A_32, %select_n3A, %dma_start3A_137] : memref<4x8x32xf32, #tpu.memory_space<hbm>> -> memref<1x1x32xf32, #tpu.memory_space<hbm>>
      %dma_start3A_139 = tpu.memref_squeeze %dma_start3A_138 : memref<1x1x32xf32, #tpu.memory_space<hbm>> -> memref<32xf32, #tpu.memory_space<hbm>>
      tpu.enqueue_dma source(%dma_start3A_139 : memref<32xf32, #tpu.memory_space<hbm>>) target(%arg12 : memref<32xf32, #tpu.memory_space<vmem>>) target_semaphore(%run_scoped3A_134 : memref<!tpu.dma_semaphore, #tpu.memory_space<semaphore_mem>>)
      %dma_wait3A = arith.constant 0 : i32
      %dma_wait3A_140 = tpu.memref_slice %arg6[%run_scoped3A_32, %select_n3A, %dma_wait3A] : memref<4x8x32xf32, #tpu.memory_space<hbm>> -> memref<1x1x32xf32, #tpu.memory_space<hbm>>
      %dma_wait3A_141 = tpu.memref_squeeze %dma_wait3A_140 : memref<1x1x32xf32, #tpu.memory_space<hbm>> -> memref<32xf32, #tpu.memory_space<hbm>>
      %dma_wait3A_142 = arith.constant 0 : i32
      %dma_wait3A_143 = tpu.memref_slice %arg6[%run_scoped3A_32, %select_n3A, %dma_wait3A_142] : memref<4x8x32xf32, #tpu.memory_space<hbm>> -> memref<1x1x32xf32, #tpu.memory_space<hbm>>
      %dma_wait3A_144 = tpu.memref_squeeze %dma_wait3A_143 : memref<1x1x32xf32, #tpu.memory_space<hbm>> -> memref<32xf32, #tpu.memory_space<hbm>>
      tpu.wait_dma2 semaphore(%run_scoped3A_134 : memref<!tpu.dma_semaphore, #tpu.memory_space<semaphore_mem>>) src(%dma_wait3A_144 : memref<32xf32, #tpu.memory_space<hbm>>) dst(%arg12 : memref<32xf32, #tpu.memory_space<vmem>>)
      tpu.yield
    }) : () -> ()
    %broadcast_in_dim3A = arith.constant 0.000000e+00 : f32
    %broadcast_in_dim3A_33 = vector.broadcast %broadcast_in_dim3A : f32 to vector<16xf32>
    %mul3A_34 = arith.constant 65536 : i32
    %mul3A_35 = arith.muli %select_n3A_30, %mul3A_34 : i32
    %add3A_36 = arith.constant 0 : i32
    %add3A_37 = arith.addi %mul3A_35, %add3A_36 : i32
    "tpu.region"() ({
      %run_scoped3A_134 = tpu.sem_alloc : memref<!tpu.dma_semaphore, #tpu.memory_space<semaphore_mem>>
      %dma_start3A = tpu.memref_slice %arg2[%select_n3A, %add3A_37] : memref<8x262144xf32, #tpu.memory_space<hbm>> -> memref<1x8192xf32, #tpu.memory_space<hbm>>
      %dma_start3A_135 = tpu.memref_squeeze %dma_start3A : memref<1x8192xf32, #tpu.memory_space<hbm>> -> memref<8192xf32, #tpu.memory_space<hbm>>
      %dma_start3A_136 = tpu.memref_slice %arg2[%select_n3A, %add3A_37] : memref<8x262144xf32, #tpu.memory_space<hbm>> -> memref<1x8192xf32, #tpu.memory_space<hbm>>
      %dma_start3A_137 = tpu.memref_squeeze %dma_start3A_136 : memref<1x8192xf32, #tpu.memory_space<hbm>> -> memref<8192xf32, #tpu.memory_space<hbm>>
      tpu.enqueue_dma source(%dma_start3A_137 : memref<8192xf32, #tpu.memory_space<hbm>>) target(%arg8 : memref<8192xf32, #tpu.memory_space<vmem>>) target_semaphore(%run_scoped3A_134 : memref<!tpu.dma_semaphore, #tpu.memory_space<semaphore_mem>>)
      %dma_wait3A = tpu.memref_slice %arg2[%select_n3A, %add3A_37] : memref<8x262144xf32, #tpu.memory_space<hbm>> -> memref<1x8192xf32, #tpu.memory_space<hbm>>
      %dma_wait3A_138 = tpu.memref_squeeze %dma_wait3A : memref<1x8192xf32, #tpu.memory_space<hbm>> -> memref<8192xf32, #tpu.memory_space<hbm>>
      %dma_wait3A_139 = tpu.memref_slice %arg2[%select_n3A, %add3A_37] : memref<8x262144xf32, #tpu.memory_space<hbm>> -> memref<1x8192xf32, #tpu.memory_space<hbm>>
      %dma_wait3A_140 = tpu.memref_squeeze %dma_wait3A_139 : memref<1x8192xf32, #tpu.memory_space<hbm>> -> memref<8192xf32, #tpu.memory_space<hbm>>
      tpu.wait_dma2 semaphore(%run_scoped3A_134 : memref<!tpu.dma_semaphore, #tpu.memory_space<semaphore_mem>>) src(%dma_wait3A_140 : memref<8192xf32, #tpu.memory_space<hbm>>) dst(%arg8 : memref<8192xf32, #tpu.memory_space<vmem>>)
      tpu.yield
    }) : () -> ()
    "tpu.region"() ({
      %run_scoped3A_134 = tpu.sem_alloc : memref<!tpu.dma_semaphore, #tpu.memory_space<semaphore_mem>>
      %dma_start3A = tpu.memref_slice %arg3[%select_n3A, %add3A_37] : memref<8x262144xi32, #tpu.memory_space<hbm>> -> memref<1x8192xi32, #tpu.memory_space<hbm>>
      %dma_start3A_135 = tpu.memref_squeeze %dma_start3A : memref<1x8192xi32, #tpu.memory_space<hbm>> -> memref<8192xi32, #tpu.memory_space<hbm>>
      %dma_start3A_136 = tpu.memref_slice %arg3[%select_n3A, %add3A_37] : memref<8x262144xi32, #tpu.memory_space<hbm>> -> memref<1x8192xi32, #tpu.memory_space<hbm>>
      %dma_start3A_137 = tpu.memref_squeeze %dma_start3A_136 : memref<1x8192xi32, #tpu.memory_space<hbm>> -> memref<8192xi32, #tpu.memory_space<hbm>>
      tpu.enqueue_dma source(%dma_start3A_137 : memref<8192xi32, #tpu.memory_space<hbm>>) target(%arg9 : memref<8192xi32, #tpu.memory_space<vmem>>) target_semaphore(%run_scoped3A_134 : memref<!tpu.dma_semaphore, #tpu.memory_space<semaphore_mem>>)
      %dma_wait3A = tpu.memref_slice %arg3[%select_n3A, %add3A_37] : memref<8x262144xi32, #tpu.memory_space<hbm>> -> memref<1x8192xi32, #tpu.memory_space<hbm>>
      %dma_wait3A_138 = tpu.memref_squeeze %dma_wait3A : memref<1x8192xi32, #tpu.memory_space<hbm>> -> memref<8192xi32, #tpu.memory_space<hbm>>
      %dma_wait3A_139 = tpu.memref_slice %arg3[%select_n3A, %add3A_37] : memref<8x262144xi32, #tpu.memory_space<hbm>> -> memref<1x8192xi32, #tpu.memory_space<hbm>>
      %dma_wait3A_140 = tpu.memref_squeeze %dma_wait3A_139 : memref<1x8192xi32, #tpu.memory_space<hbm>> -> memref<8192xi32, #tpu.memory_space<hbm>>
      tpu.wait_dma2 semaphore(%run_scoped3A_134 : memref<!tpu.dma_semaphore, #tpu.memory_space<semaphore_mem>>) src(%dma_wait3A_140 : memref<8192xi32, #tpu.memory_space<hbm>>) dst(%arg9 : memref<8192xi32, #tpu.memory_space<vmem>>)
      tpu.yield
    }) : () -> ()
    %scan3A = arith.constant 0 : i32
    %scan3A_38 = arith.constant 512 : i32
    %scan3A_39 = arith.addi %scan3A, %scan3A_38 : i32
    %scan3A_40 = arith.constant 1 : i32
    %scan3A_41 = scf.for %scan3A_134 = %scan3A to %scan3A_39 step %scan3A_40 iter_args(%scan3A_135 = %broadcast_in_dim3A_33) -> (vector<16xf32>)  : i32 {
      %mul3A_136 = arith.constant 16 : i32
      %mul3A_137 = arith.muli %scan3A_134, %mul3A_136 : i32
      %multiple_of3A = tpu.assume_multiple %mul3A_137, 16 : i32
      %get3A = arith.index_cast %multiple_of3A : i32 to index
      %get3A_138 = tpu.vector_load %arg8[%get3A] {strides = array<i32>} : memref<8192xf32, #tpu.memory_space<vmem>>, vector<16xf32>,
      %get3A_139 = arith.index_cast %multiple_of3A : i32 to index
      %get3A_140 = tpu.vector_load %arg9[%get3A_139] {strides = array<i32>} : memref<8192xi32, #tpu.memory_space<vmem>>, vector<16xi32>,
      %gather3A = tpu.vector_load_idx %arg10[%get3A_140] : memref<32xf32, #tpu.memory_space<vmem>>[vector<16xi32>], vector<16xf32>,
      %gather3A_141 = tpu.vector_load_idx %arg11[%get3A_140] : memref<32xf32, #tpu.memory_space<vmem>>[vector<16xi32>], vector<16xf32>,
      %sub3A_142 = arith.subf %get3A_138, %gather3A : vector<16xf32>
      %abs3A = math.absf %sub3A_142 : vector<16xf32>
      %sub3A_143 = arith.constant 1.000000e-01 : f32
      %sub3A_144 = vector.broadcast %sub3A_143 : f32 to vector<16xf32>
      %sub3A_145 = arith.subf %abs3A, %sub3A_144 : vector<16xf32>
      %max3A = arith.constant 0.000000e+00 : f32
      %max3A_146 = vector.broadcast %max3A : f32 to vector<16xf32>
      %max3A_147 = arith.maximumf %sub3A_145, %max3A_146 : vector<16xf32>
      %mul3A_148 = arith.mulf %max3A_147, %max3A_147 : vector<16xf32>
      %mul3A_149 = arith.mulf %mul3A_148, %gather3A_141 : vector<16xf32>
      %add3A_150 = arith.addf %scan3A_135, %mul3A_149 : vector<16xf32>
      scf.yield %add3A_150 : vector<16xf32>
    }
    %scan3A_42 = arith.constant 512 : i32
    %mul3A_43 = arith.constant 65536 : i32
    %mul3A_44 = arith.muli %select_n3A_30, %mul3A_43 : i32
    %add3A_45 = arith.constant 8192 : i32
    %add3A_46 = arith.addi %mul3A_44, %add3A_45 : i32
    "tpu.region"() ({
      %run_scoped3A_134 = tpu.sem_alloc : memref<!tpu.dma_semaphore, #tpu.memory_space<semaphore_mem>>
      %dma_start3A = tpu.memref_slice %arg2[%select_n3A, %add3A_46] : memref<8x262144xf32, #tpu.memory_space<hbm>> -> memref<1x8192xf32, #tpu.memory_space<hbm>>
      %dma_start3A_135 = tpu.memref_squeeze %dma_start3A : memref<1x8192xf32, #tpu.memory_space<hbm>> -> memref<8192xf32, #tpu.memory_space<hbm>>
      %dma_start3A_136 = tpu.memref_slice %arg2[%select_n3A, %add3A_46] : memref<8x262144xf32, #tpu.memory_space<hbm>> -> memref<1x8192xf32, #tpu.memory_space<hbm>>
      %dma_start3A_137 = tpu.memref_squeeze %dma_start3A_136 : memref<1x8192xf32, #tpu.memory_space<hbm>> -> memref<8192xf32, #tpu.memory_space<hbm>>
      tpu.enqueue_dma source(%dma_start3A_137 : memref<8192xf32, #tpu.memory_space<hbm>>) target(%arg8 : memref<8192xf32, #tpu.memory_space<vmem>>) target_semaphore(%run_scoped3A_134 : memref<!tpu.dma_semaphore, #tpu.memory_space<semaphore_mem>>)
      %dma_wait3A = tpu.memref_slice %arg2[%select_n3A, %add3A_46] : memref<8x262144xf32, #tpu.memory_space<hbm>> -> memref<1x8192xf32, #tpu.memory_space<hbm>>
      %dma_wait3A_138 = tpu.memref_squeeze %dma_wait3A : memref<1x8192xf32, #tpu.memory_space<hbm>> -> memref<8192xf32, #tpu.memory_space<hbm>>
      %dma_wait3A_139 = tpu.memref_slice %arg2[%select_n3A, %add3A_46] : memref<8x262144xf32, #tpu.memory_space<hbm>> -> memref<1x8192xf32, #tpu.memory_space<hbm>>
      %dma_wait3A_140 = tpu.memref_squeeze %dma_wait3A_139 : memref<1x8192xf32, #tpu.memory_space<hbm>> -> memref<8192xf32, #tpu.memory_space<hbm>>
      tpu.wait_dma2 semaphore(%run_scoped3A_134 : memref<!tpu.dma_semaphore, #tpu.memory_space<semaphore_mem>>) src(%dma_wait3A_140 : memref<8192xf32, #tpu.memory_space<hbm>>) dst(%arg8 : memref<8192xf32, #tpu.memory_space<vmem>>)
      tpu.yield
    }) : () -> ()
    "tpu.region"() ({
      %run_scoped3A_134 = tpu.sem_alloc : memref<!tpu.dma_semaphore, #tpu.memory_space<semaphore_mem>>
      %dma_start3A = tpu.memref_slice %arg3[%select_n3A, %add3A_46] : memref<8x262144xi32, #tpu.memory_space<hbm>> -> memref<1x8192xi32, #tpu.memory_space<hbm>>
      %dma_start3A_135 = tpu.memref_squeeze %dma_start3A : memref<1x8192xi32, #tpu.memory_space<hbm>> -> memref<8192xi32, #tpu.memory_space<hbm>>
      %dma_start3A_136 = tpu.memref_slice %arg3[%select_n3A, %add3A_46] : memref<8x262144xi32, #tpu.memory_space<hbm>> -> memref<1x8192xi32, #tpu.memory_space<hbm>>
      %dma_start3A_137 = tpu.memref_squeeze %dma_start3A_136 : memref<1x8192xi32, #tpu.memory_space<hbm>> -> memref<8192xi32, #tpu.memory_space<hbm>>
      tpu.enqueue_dma source(%dma_start3A_137 : memref<8192xi32, #tpu.memory_space<hbm>>) target(%arg9 : memref<8192xi32, #tpu.memory_space<vmem>>) target_semaphore(%run_scoped3A_134 : memref<!tpu.dma_semaphore, #tpu.memory_space<semaphore_mem>>)
      %dma_wait3A = tpu.memref_slice %arg3[%select_n3A, %add3A_46] : memref<8x262144xi32, #tpu.memory_space<hbm>> -> memref<1x8192xi32, #tpu.memory_space<hbm>>
      %dma_wait3A_138 = tpu.memref_squeeze %dma_wait3A : memref<1x8192xi32, #tpu.memory_space<hbm>> -> memref<8192xi32, #tpu.memory_space<hbm>>
      %dma_wait3A_139 = tpu.memref_slice %arg3[%select_n3A, %add3A_46] : memref<8x262144xi32, #tpu.memory_space<hbm>> -> memref<1x8192xi32, #tpu.memory_space<hbm>>
      %dma_wait3A_140 = tpu.memref_squeeze %dma_wait3A_139 : memref<1x8192xi32, #tpu.memory_space<hbm>> -> memref<8192xi32, #tpu.memory_space<hbm>>
      tpu.wait_dma2 semaphore(%run_scoped3A_134 : memref<!tpu.dma_semaphore, #tpu.memory_space<semaphore_mem>>) src(%dma_wait3A_140 : memref<8192xi32, #tpu.memory_space<hbm>>) dst(%arg9 : memref<8192xi32, #tpu.memory_space<vmem>>)
      tpu.yield
    }) : () -> ()
    %scan3A_47 = arith.constant 0 : i32
    %scan3A_48 = arith.constant 512 : i32
    %scan3A_49 = arith.addi %scan3A_47, %scan3A_48 : i32
    %scan3A_50 = arith.constant 1 : i32
    %scan3A_51 = scf.for %scan3A_134 = %scan3A_47 to %scan3A_49 step %scan3A_50 iter_args(%scan3A_135 = %scan3A_41) -> (vector<16xf32>)  : i32 {
      %mul3A_136 = arith.constant 16 : i32
      %mul3A_137 = arith.muli %scan3A_134, %mul3A_136 : i32
      %multiple_of3A = tpu.assume_multiple %mul3A_137, 16 : i32
      %get3A = arith.index_cast %multiple_of3A : i32 to index
      %get3A_138 = tpu.vector_load %arg8[%get3A] {strides = array<i32>} : memref<8192xf32, #tpu.memory_space<vmem>>, vector<16xf32>,
      %get3A_139 = arith.index_cast %multiple_of3A : i32 to index
      %get3A_140 = tpu.vector_load %arg9[%get3A_139] {strides = array<i32>} : memref<8192xi32, #tpu.memory_space<vmem>>, vector<16xi32>,
      %gather3A = tpu.vector_load_idx %arg10[%get3A_140] : memref<32xf32, #tpu.memory_space<vmem>>[vector<16xi32>], vector<16xf32>,
      %gather3A_141 = tpu.vector_load_idx %arg11[%get3A_140] : memref<32xf32, #tpu.memory_space<vmem>>[vector<16xi32>], vector<16xf32>,
      %sub3A_142 = arith.subf %get3A_138, %gather3A : vector<16xf32>
      %abs3A = math.absf %sub3A_142 : vector<16xf32>
      %sub3A_143 = arith.constant 1.000000e-01 : f32
      %sub3A_144 = vector.broadcast %sub3A_143 : f32 to vector<16xf32>
      %sub3A_145 = arith.subf %abs3A, %sub3A_144 : vector<16xf32>
      %max3A = arith.constant 0.000000e+00 : f32
      %max3A_146 = vector.broadcast %max3A : f32 to vector<16xf32>
      %max3A_147 = arith.maximumf %sub3A_145, %max3A_146 : vector<16xf32>
      %mul3A_148 = arith.mulf %max3A_147, %max3A_147 : vector<16xf32>
      %mul3A_149 = arith.mulf %mul3A_148, %gather3A_141 : vector<16xf32>
      %add3A_150 = arith.addf %scan3A_135, %mul3A_149 : vector<16xf32>
      scf.yield %add3A_150 : vector<16xf32>
    }
    %scan3A_52 = arith.constant 512 : i32
    %mul3A_53 = arith.constant 65536 : i32
    %mul3A_54 = arith.muli %select_n3A_30, %mul3A_53 : i32
    %add3A_55 = arith.constant 16384 : i32
    %add3A_56 = arith.addi %mul3A_54, %add3A_55 : i32
    "tpu.region"() ({
      %run_scoped3A_134 = tpu.sem_alloc : memref<!tpu.dma_semaphore, #tpu.memory_space<semaphore_mem>>
      %dma_start3A = tpu.memref_slice %arg2[%select_n3A, %add3A_56] : memref<8x262144xf32, #tpu.memory_space<hbm>> -> memref<1x8192xf32, #tpu.memory_space<hbm>>
      %dma_start3A_135 = tpu.memref_squeeze %dma_start3A : memref<1x8192xf32, #tpu.memory_space<hbm>> -> memref<8192xf32, #tpu.memory_space<hbm>>
      %dma_start3A_136 = tpu.memref_slice %arg2[%select_n3A, %add3A_56] : memref<8x262144xf32, #tpu.memory_space<hbm>> -> memref<1x8192xf32, #tpu.memory_space<hbm>>
      %dma_start3A_137 = tpu.memref_squeeze %dma_start3A_136 : memref<1x8192xf32, #tpu.memory_space<hbm>> -> memref<8192xf32, #tpu.memory_space<hbm>>
      tpu.enqueue_dma source(%dma_start3A_137 : memref<8192xf32, #tpu.memory_space<hbm>>) target(%arg8 : memref<8192xf32, #tpu.memory_space<vmem>>) target_semaphore(%run_scoped3A_134 : memref<!tpu.dma_semaphore, #tpu.memory_space<semaphore_mem>>)
      %dma_wait3A = tpu.memref_slice %arg2[%select_n3A, %add3A_56] : memref<8x262144xf32, #tpu.memory_space<hbm>> -> memref<1x8192xf32, #tpu.memory_space<hbm>>
      %dma_wait3A_138 = tpu.memref_squeeze %dma_wait3A : memref<1x8192xf32, #tpu.memory_space<hbm>> -> memref<8192xf32, #tpu.memory_space<hbm>>
      %dma_wait3A_139 = tpu.memref_slice %arg2[%select_n3A, %add3A_56] : memref<8x262144xf32, #tpu.memory_space<hbm>> -> memref<1x8192xf32, #tpu.memory_space<hbm>>
      %dma_wait3A_140 = tpu.memref_squeeze %dma_wait3A_139 : memref<1x8192xf32, #tpu.memory_space<hbm>> -> memref<8192xf32, #tpu.memory_space<hbm>>
      tpu.wait_dma2 semaphore(%run_scoped3A_134 : memref<!tpu.dma_semaphore, #tpu.memory_space<semaphore_mem>>) src(%dma_wait3A_140 : memref<8192xf32, #tpu.memory_space<hbm>>) dst(%arg8 : memref<8192xf32, #tpu.memory_space<vmem>>)
      tpu.yield
    }) : () -> ()
    "tpu.region"() ({
      %run_scoped3A_134 = tpu.sem_alloc : memref<!tpu.dma_semaphore, #tpu.memory_space<semaphore_mem>>
      %dma_start3A = tpu.memref_slice %arg3[%select_n3A, %add3A_56] : memref<8x262144xi32, #tpu.memory_space<hbm>> -> memref<1x8192xi32, #tpu.memory_space<hbm>>
      %dma_start3A_135 = tpu.memref_squeeze %dma_start3A : memref<1x8192xi32, #tpu.memory_space<hbm>> -> memref<8192xi32, #tpu.memory_space<hbm>>
      %dma_start3A_136 = tpu.memref_slice %arg3[%select_n3A, %add3A_56] : memref<8x262144xi32, #tpu.memory_space<hbm>> -> memref<1x8192xi32, #tpu.memory_space<hbm>>
      %dma_start3A_137 = tpu.memref_squeeze %dma_start3A_136 : memref<1x8192xi32, #tpu.memory_space<hbm>> -> memref<8192xi32, #tpu.memory_space<hbm>>
      tpu.enqueue_dma source(%dma_start3A_137 : memref<8192xi32, #tpu.memory_space<hbm>>) target(%arg9 : memref<8192xi32, #tpu.memory_space<vmem>>) target_semaphore(%run_scoped3A_134 : memref<!tpu.dma_semaphore, #tpu.memory_space<semaphore_mem>>)
      %dma_wait3A = tpu.memref_slice %arg3[%select_n3A, %add3A_56] : memref<8x262144xi32, #tpu.memory_space<hbm>> -> memref<1x8192xi32, #tpu.memory_space<hbm>>
      %dma_wait3A_138 = tpu.memref_squeeze %dma_wait3A : memref<1x8192xi32, #tpu.memory_space<hbm>> -> memref<8192xi32, #tpu.memory_space<hbm>>
      %dma_wait3A_139 = tpu.memref_slice %arg3[%select_n3A, %add3A_56] : memref<8x262144xi32, #tpu.memory_space<hbm>> -> memref<1x8192xi32, #tpu.memory_space<hbm>>
      %dma_wait3A_140 = tpu.memref_squeeze %dma_wait3A_139 : memref<1x8192xi32, #tpu.memory_space<hbm>> -> memref<8192xi32, #tpu.memory_space<hbm>>
      tpu.wait_dma2 semaphore(%run_scoped3A_134 : memref<!tpu.dma_semaphore, #tpu.memory_space<semaphore_mem>>) src(%dma_wait3A_140 : memref<8192xi32, #tpu.memory_space<hbm>>) dst(%arg9 : memref<8192xi32, #tpu.memory_space<vmem>>)
      tpu.yield
    }) : () -> ()
    %scan3A_57 = arith.constant 0 : i32
    %scan3A_58 = arith.constant 512 : i32
    %scan3A_59 = arith.addi %scan3A_57, %scan3A_58 : i32
    %scan3A_60 = arith.constant 1 : i32
    %scan3A_61 = scf.for %scan3A_134 = %scan3A_57 to %scan3A_59 step %scan3A_60 iter_args(%scan3A_135 = %scan3A_51) -> (vector<16xf32>)  : i32 {
      %mul3A_136 = arith.constant 16 : i32
      %mul3A_137 = arith.muli %scan3A_134, %mul3A_136 : i32
      %multiple_of3A = tpu.assume_multiple %mul3A_137, 16 : i32
      %get3A = arith.index_cast %multiple_of3A : i32 to index
      %get3A_138 = tpu.vector_load %arg8[%get3A] {strides = array<i32>} : memref<8192xf32, #tpu.memory_space<vmem>>, vector<16xf32>,
      %get3A_139 = arith.index_cast %multiple_of3A : i32 to index
      %get3A_140 = tpu.vector_load %arg9[%get3A_139] {strides = array<i32>} : memref<8192xi32, #tpu.memory_space<vmem>>, vector<16xi32>,
      %gather3A = tpu.vector_load_idx %arg10[%get3A_140] : memref<32xf32, #tpu.memory_space<vmem>>[vector<16xi32>], vector<16xf32>,
      %gather3A_141 = tpu.vector_load_idx %arg11[%get3A_140] : memref<32xf32, #tpu.memory_space<vmem>>[vector<16xi32>], vector<16xf32>,
      %sub3A_142 = arith.subf %get3A_138, %gather3A : vector<16xf32>
      %abs3A = math.absf %sub3A_142 : vector<16xf32>
      %sub3A_143 = arith.constant 1.000000e-01 : f32
      %sub3A_144 = vector.broadcast %sub3A_143 : f32 to vector<16xf32>
      %sub3A_145 = arith.subf %abs3A, %sub3A_144 : vector<16xf32>
      %max3A = arith.constant 0.000000e+00 : f32
      %max3A_146 = vector.broadcast %max3A : f32 to vector<16xf32>
      %max3A_147 = arith.maximumf %sub3A_145, %max3A_146 : vector<16xf32>
      %mul3A_148 = arith.mulf %max3A_147, %max3A_147 : vector<16xf32>
      %mul3A_149 = arith.mulf %mul3A_148, %gather3A_141 : vector<16xf32>
      %add3A_150 = arith.addf %scan3A_135, %mul3A_149 : vector<16xf32>
      scf.yield %add3A_150 : vector<16xf32>
    }
    %scan3A_62 = arith.constant 512 : i32
    %mul3A_63 = arith.constant 65536 : i32
    %mul3A_64 = arith.muli %select_n3A_30, %mul3A_63 : i32
    %add3A_65 = arith.constant 24576 : i32
    %add3A_66 = arith.addi %mul3A_64, %add3A_65 : i32
    "tpu.region"() ({
      %run_scoped3A_134 = tpu.sem_alloc : memref<!tpu.dma_semaphore, #tpu.memory_space<semaphore_mem>>
      %dma_start3A = tpu.memref_slice %arg2[%select_n3A, %add3A_66] : memref<8x262144xf32, #tpu.memory_space<hbm>> -> memref<1x8192xf32, #tpu.memory_space<hbm>>
      %dma_start3A_135 = tpu.memref_squeeze %dma_start3A : memref<1x8192xf32, #tpu.memory_space<hbm>> -> memref<8192xf32, #tpu.memory_space<hbm>>
      %dma_start3A_136 = tpu.memref_slice %arg2[%select_n3A, %add3A_66] : memref<8x262144xf32, #tpu.memory_space<hbm>> -> memref<1x8192xf32, #tpu.memory_space<hbm>>
      %dma_start3A_137 = tpu.memref_squeeze %dma_start3A_136 : memref<1x8192xf32, #tpu.memory_space<hbm>> -> memref<8192xf32, #tpu.memory_space<hbm>>
      tpu.enqueue_dma source(%dma_start3A_137 : memref<8192xf32, #tpu.memory_space<hbm>>) target(%arg8 : memref<8192xf32, #tpu.memory_space<vmem>>) target_semaphore(%run_scoped3A_134 : memref<!tpu.dma_semaphore, #tpu.memory_space<semaphore_mem>>)
      %dma_wait3A = tpu.memref_slice %arg2[%select_n3A, %add3A_66] : memref<8x262144xf32, #tpu.memory_space<hbm>> -> memref<1x8192xf32, #tpu.memory_space<hbm>>
      %dma_wait3A_138 = tpu.memref_squeeze %dma_wait3A : memref<1x8192xf32, #tpu.memory_space<hbm>> -> memref<8192xf32, #tpu.memory_space<hbm>>
      %dma_wait3A_139 = tpu.memref_slice %arg2[%select_n3A, %add3A_66] : memref<8x262144xf32, #tpu.memory_space<hbm>> -> memref<1x8192xf32, #tpu.memory_space<hbm>>
      %dma_wait3A_140 = tpu.memref_squeeze %dma_wait3A_139 : memref<1x8192xf32, #tpu.memory_space<hbm>> -> memref<8192xf32, #tpu.memory_space<hbm>>
      tpu.wait_dma2 semaphore(%run_scoped3A_134 : memref<!tpu.dma_semaphore, #tpu.memory_space<semaphore_mem>>) src(%dma_wait3A_140 : memref<8192xf32, #tpu.memory_space<hbm>>) dst(%arg8 : memref<8192xf32, #tpu.memory_space<vmem>>)
      tpu.yield
    }) : () -> ()
    "tpu.region"() ({
      %run_scoped3A_134 = tpu.sem_alloc : memref<!tpu.dma_semaphore, #tpu.memory_space<semaphore_mem>>
      %dma_start3A = tpu.memref_slice %arg3[%select_n3A, %add3A_66] : memref<8x262144xi32, #tpu.memory_space<hbm>> -> memref<1x8192xi32, #tpu.memory_space<hbm>>
      %dma_start3A_135 = tpu.memref_squeeze %dma_start3A : memref<1x8192xi32, #tpu.memory_space<hbm>> -> memref<8192xi32, #tpu.memory_space<hbm>>
      %dma_start3A_136 = tpu.memref_slice %arg3[%select_n3A, %add3A_66] : memref<8x262144xi32, #tpu.memory_space<hbm>> -> memref<1x8192xi32, #tpu.memory_space<hbm>>
      %dma_start3A_137 = tpu.memref_squeeze %dma_start3A_136 : memref<1x8192xi32, #tpu.memory_space<hbm>> -> memref<8192xi32, #tpu.memory_space<hbm>>
      tpu.enqueue_dma source(%dma_start3A_137 : memref<8192xi32, #tpu.memory_space<hbm>>) target(%arg9 : memref<8192xi32, #tpu.memory_space<vmem>>) target_semaphore(%run_scoped3A_134 : memref<!tpu.dma_semaphore, #tpu.memory_space<semaphore_mem>>)
      %dma_wait3A = tpu.memref_slice %arg3[%select_n3A, %add3A_66] : memref<8x262144xi32, #tpu.memory_space<hbm>> -> memref<1x8192xi32, #tpu.memory_space<hbm>>
      %dma_wait3A_138 = tpu.memref_squeeze %dma_wait3A : memref<1x8192xi32, #tpu.memory_space<hbm>> -> memref<8192xi32, #tpu.memory_space<hbm>>
      %dma_wait3A_139 = tpu.memref_slice %arg3[%select_n3A, %add3A_66] : memref<8x262144xi32, #tpu.memory_space<hbm>> -> memref<1x8192xi32, #tpu.memory_space<hbm>>
      %dma_wait3A_140 = tpu.memref_squeeze %dma_wait3A_139 : memref<1x8192xi32, #tpu.memory_space<hbm>> -> memref<8192xi32, #tpu.memory_space<hbm>>
      tpu.wait_dma2 semaphore(%run_scoped3A_134 : memref<!tpu.dma_semaphore, #tpu.memory_space<semaphore_mem>>) src(%dma_wait3A_140 : memref<8192xi32, #tpu.memory_space<hbm>>) dst(%arg9 : memref<8192xi32, #tpu.memory_space<vmem>>)
      tpu.yield
    }) : () -> ()
    %scan3A_67 = arith.constant 0 : i32
    %scan3A_68 = arith.constant 512 : i32
    %scan3A_69 = arith.addi %scan3A_67, %scan3A_68 : i32
    %scan3A_70 = arith.constant 1 : i32
    %scan3A_71 = scf.for %scan3A_134 = %scan3A_67 to %scan3A_69 step %scan3A_70 iter_args(%scan3A_135 = %scan3A_61) -> (vector<16xf32>)  : i32 {
      %mul3A_136 = arith.constant 16 : i32
      %mul3A_137 = arith.muli %scan3A_134, %mul3A_136 : i32
      %multiple_of3A = tpu.assume_multiple %mul3A_137, 16 : i32
      %get3A = arith.index_cast %multiple_of3A : i32 to index
      %get3A_138 = tpu.vector_load %arg8[%get3A] {strides = array<i32>} : memref<8192xf32, #tpu.memory_space<vmem>>, vector<16xf32>,
      %get3A_139 = arith.index_cast %multiple_of3A : i32 to index
      %get3A_140 = tpu.vector_load %arg9[%get3A_139] {strides = array<i32>} : memref<8192xi32, #tpu.memory_space<vmem>>, vector<16xi32>,
      %gather3A = tpu.vector_load_idx %arg10[%get3A_140] : memref<32xf32, #tpu.memory_space<vmem>>[vector<16xi32>], vector<16xf32>,
      %gather3A_141 = tpu.vector_load_idx %arg11[%get3A_140] : memref<32xf32, #tpu.memory_space<vmem>>[vector<16xi32>], vector<16xf32>,
      %sub3A_142 = arith.subf %get3A_138, %gather3A : vector<16xf32>
      %abs3A = math.absf %sub3A_142 : vector<16xf32>
      %sub3A_143 = arith.constant 1.000000e-01 : f32
      %sub3A_144 = vector.broadcast %sub3A_143 : f32 to vector<16xf32>
      %sub3A_145 = arith.subf %abs3A, %sub3A_144 : vector<16xf32>
      %max3A = arith.constant 0.000000e+00 : f32
      %max3A_146 = vector.broadcast %max3A : f32 to vector<16xf32>
      %max3A_147 = arith.maximumf %sub3A_145, %max3A_146 : vector<16xf32>
      %mul3A_148 = arith.mulf %max3A_147, %max3A_147 : vector<16xf32>
      %mul3A_149 = arith.mulf %mul3A_148, %gather3A_141 : vector<16xf32>
      %add3A_150 = arith.addf %scan3A_135, %mul3A_149 : vector<16xf32>
      scf.yield %add3A_150 : vector<16xf32>
    }
    %scan3A_72 = arith.constant 512 : i32
    %mul3A_73 = arith.constant 65536 : i32
    %mul3A_74 = arith.muli %select_n3A_30, %mul3A_73 : i32
    %add3A_75 = arith.constant 32768 : i32
    %add3A_76 = arith.addi %mul3A_74, %add3A_75 : i32
    "tpu.region"() ({
      %run_scoped3A_134 = tpu.sem_alloc : memref<!tpu.dma_semaphore, #tpu.memory_space<semaphore_mem>>
      %dma_start3A = tpu.memref_slice %arg2[%select_n3A, %add3A_76] : memref<8x262144xf32, #tpu.memory_space<hbm>> -> memref<1x8192xf32, #tpu.memory_space<hbm>>
      %dma_start3A_135 = tpu.memref_squeeze %dma_start3A : memref<1x8192xf32, #tpu.memory_space<hbm>> -> memref<8192xf32, #tpu.memory_space<hbm>>
      %dma_start3A_136 = tpu.memref_slice %arg2[%select_n3A, %add3A_76] : memref<8x262144xf32, #tpu.memory_space<hbm>> -> memref<1x8192xf32, #tpu.memory_space<hbm>>
      %dma_start3A_137 = tpu.memref_squeeze %dma_start3A_136 : memref<1x8192xf32, #tpu.memory_space<hbm>> -> memref<8192xf32, #tpu.memory_space<hbm>>
      tpu.enqueue_dma source(%dma_start3A_137 : memref<8192xf32, #tpu.memory_space<hbm>>) target(%arg8 : memref<8192xf32, #tpu.memory_space<vmem>>) target_semaphore(%run_scoped3A_134 : memref<!tpu.dma_semaphore, #tpu.memory_space<semaphore_mem>>)
      %dma_wait3A = tpu.memref_slice %arg2[%select_n3A, %add3A_76] : memref<8x262144xf32, #tpu.memory_space<hbm>> -> memref<1x8192xf32, #tpu.memory_space<hbm>>
      %dma_wait3A_138 = tpu.memref_squeeze %dma_wait3A : memref<1x8192xf32, #tpu.memory_space<hbm>> -> memref<8192xf32, #tpu.memory_space<hbm>>
      %dma_wait3A_139 = tpu.memref_slice %arg2[%select_n3A, %add3A_76] : memref<8x262144xf32, #tpu.memory_space<hbm>> -> memref<1x8192xf32, #tpu.memory_space<hbm>>
      %dma_wait3A_140 = tpu.memref_squeeze %dma_wait3A_139 : memref<1x8192xf32, #tpu.memory_space<hbm>> -> memref<8192xf32, #tpu.memory_space<hbm>>
      tpu.wait_dma2 semaphore(%run_scoped3A_134 : memref<!tpu.dma_semaphore, #tpu.memory_space<semaphore_mem>>) src(%dma_wait3A_140 : memref<8192xf32, #tpu.memory_space<hbm>>) dst(%arg8 : memref<8192xf32, #tpu.memory_space<vmem>>)
      tpu.yield
    }) : () -> ()
    "tpu.region"() ({
      %run_scoped3A_134 = tpu.sem_alloc : memref<!tpu.dma_semaphore, #tpu.memory_space<semaphore_mem>>
      %dma_start3A = tpu.memref_slice %arg3[%select_n3A, %add3A_76] : memref<8x262144xi32, #tpu.memory_space<hbm>> -> memref<1x8192xi32, #tpu.memory_space<hbm>>
      %dma_start3A_135 = tpu.memref_squeeze %dma_start3A : memref<1x8192xi32, #tpu.memory_space<hbm>> -> memref<8192xi32, #tpu.memory_space<hbm>>
      %dma_start3A_136 = tpu.memref_slice %arg3[%select_n3A, %add3A_76] : memref<8x262144xi32, #tpu.memory_space<hbm>> -> memref<1x8192xi32, #tpu.memory_space<hbm>>
      %dma_start3A_137 = tpu.memref_squeeze %dma_start3A_136 : memref<1x8192xi32, #tpu.memory_space<hbm>> -> memref<8192xi32, #tpu.memory_space<hbm>>
      tpu.enqueue_dma source(%dma_start3A_137 : memref<8192xi32, #tpu.memory_space<hbm>>) target(%arg9 : memref<8192xi32, #tpu.memory_space<vmem>>) target_semaphore(%run_scoped3A_134 : memref<!tpu.dma_semaphore, #tpu.memory_space<semaphore_mem>>)
      %dma_wait3A = tpu.memref_slice %arg3[%select_n3A, %add3A_76] : memref<8x262144xi32, #tpu.memory_space<hbm>> -> memref<1x8192xi32, #tpu.memory_space<hbm>>
      %dma_wait3A_138 = tpu.memref_squeeze %dma_wait3A : memref<1x8192xi32, #tpu.memory_space<hbm>> -> memref<8192xi32, #tpu.memory_space<hbm>>
      %dma_wait3A_139 = tpu.memref_slice %arg3[%select_n3A, %add3A_76] : memref<8x262144xi32, #tpu.memory_space<hbm>> -> memref<1x8192xi32, #tpu.memory_space<hbm>>
      %dma_wait3A_140 = tpu.memref_squeeze %dma_wait3A_139 : memref<1x8192xi32, #tpu.memory_space<hbm>> -> memref<8192xi32, #tpu.memory_space<hbm>>
      tpu.wait_dma2 semaphore(%run_scoped3A_134 : memref<!tpu.dma_semaphore, #tpu.memory_space<semaphore_mem>>) src(%dma_wait3A_140 : memref<8192xi32, #tpu.memory_space<hbm>>) dst(%arg9 : memref<8192xi32, #tpu.memory_space<vmem>>)
      tpu.yield
    }) : () -> ()
    %scan3A_77 = arith.constant 0 : i32
    %scan3A_78 = arith.constant 512 : i32
    %scan3A_79 = arith.addi %scan3A_77, %scan3A_78 : i32
    %scan3A_80 = arith.constant 1 : i32
    %scan3A_81 = scf.for %scan3A_134 = %scan3A_77 to %scan3A_79 step %scan3A_80 iter_args(%scan3A_135 = %scan3A_71) -> (vector<16xf32>)  : i32 {
      %mul3A_136 = arith.constant 16 : i32
      %mul3A_137 = arith.muli %scan3A_134, %mul3A_136 : i32
      %multiple_of3A = tpu.assume_multiple %mul3A_137, 16 : i32
      %get3A = arith.index_cast %multiple_of3A : i32 to index
      %get3A_138 = tpu.vector_load %arg8[%get3A] {strides = array<i32>} : memref<8192xf32, #tpu.memory_space<vmem>>, vector<16xf32>,
      %get3A_139 = arith.index_cast %multiple_of3A : i32 to index
      %get3A_140 = tpu.vector_load %arg9[%get3A_139] {strides = array<i32>} : memref<8192xi32, #tpu.memory_space<vmem>>, vector<16xi32>,
      %gather3A = tpu.vector_load_idx %arg10[%get3A_140] : memref<32xf32, #tpu.memory_space<vmem>>[vector<16xi32>], vector<16xf32>,
      %gather3A_141 = tpu.vector_load_idx %arg11[%get3A_140] : memref<32xf32, #tpu.memory_space<vmem>>[vector<16xi32>], vector<16xf32>,
      %sub3A_142 = arith.subf %get3A_138, %gather3A : vector<16xf32>
      %abs3A = math.absf %sub3A_142 : vector<16xf32>
      %sub3A_143 = arith.constant 1.000000e-01 : f32
      %sub3A_144 = vector.broadcast %sub3A_143 : f32 to vector<16xf32>
      %sub3A_145 = arith.subf %abs3A, %sub3A_144 : vector<16xf32>
      %max3A = arith.constant 0.000000e+00 : f32
      %max3A_146 = vector.broadcast %max3A : f32 to vector<16xf32>
      %max3A_147 = arith.maximumf %sub3A_145, %max3A_146 : vector<16xf32>
      %mul3A_148 = arith.mulf %max3A_147, %max3A_147 : vector<16xf32>
      %mul3A_149 = arith.mulf %mul3A_148, %gather3A_141 : vector<16xf32>
      %add3A_150 = arith.addf %scan3A_135, %mul3A_149 : vector<16xf32>
      scf.yield %add3A_150 : vector<16xf32>
    }
    %scan3A_82 = arith.constant 512 : i32
    %mul3A_83 = arith.constant 65536 : i32
    %mul3A_84 = arith.muli %select_n3A_30, %mul3A_83 : i32
    %add3A_85 = arith.constant 40960 : i32
    %add3A_86 = arith.addi %mul3A_84, %add3A_85 : i32
    "tpu.region"() ({
      %run_scoped3A_134 = tpu.sem_alloc : memref<!tpu.dma_semaphore, #tpu.memory_space<semaphore_mem>>
      %dma_start3A = tpu.memref_slice %arg2[%select_n3A, %add3A_86] : memref<8x262144xf32, #tpu.memory_space<hbm>> -> memref<1x8192xf32, #tpu.memory_space<hbm>>
      %dma_start3A_135 = tpu.memref_squeeze %dma_start3A : memref<1x8192xf32, #tpu.memory_space<hbm>> -> memref<8192xf32, #tpu.memory_space<hbm>>
      %dma_start3A_136 = tpu.memref_slice %arg2[%select_n3A, %add3A_86] : memref<8x262144xf32, #tpu.memory_space<hbm>> -> memref<1x8192xf32, #tpu.memory_space<hbm>>
      %dma_start3A_137 = tpu.memref_squeeze %dma_start3A_136 : memref<1x8192xf32, #tpu.memory_space<hbm>> -> memref<8192xf32, #tpu.memory_space<hbm>>
      tpu.enqueue_dma source(%dma_start3A_137 : memref<8192xf32, #tpu.memory_space<hbm>>) target(%arg8 : memref<8192xf32, #tpu.memory_space<vmem>>) target_semaphore(%run_scoped3A_134 : memref<!tpu.dma_semaphore, #tpu.memory_space<semaphore_mem>>)
      %dma_wait3A = tpu.memref_slice %arg2[%select_n3A, %add3A_86] : memref<8x262144xf32, #tpu.memory_space<hbm>> -> memref<1x8192xf32, #tpu.memory_space<hbm>>
      %dma_wait3A_138 = tpu.memref_squeeze %dma_wait3A : memref<1x8192xf32, #tpu.memory_space<hbm>> -> memref<8192xf32, #tpu.memory_space<hbm>>
      %dma_wait3A_139 = tpu.memref_slice %arg2[%select_n3A, %add3A_86] : memref<8x262144xf32, #tpu.memory_space<hbm>> -> memref<1x8192xf32, #tpu.memory_space<hbm>>
      %dma_wait3A_140 = tpu.memref_squeeze %dma_wait3A_139 : memref<1x8192xf32, #tpu.memory_space<hbm>> -> memref<8192xf32, #tpu.memory_space<hbm>>
      tpu.wait_dma2 semaphore(%run_scoped3A_134 : memref<!tpu.dma_semaphore, #tpu.memory_space<semaphore_mem>>) src(%dma_wait3A_140 : memref<8192xf32, #tpu.memory_space<hbm>>) dst(%arg8 : memref<8192xf32, #tpu.memory_space<vmem>>)
      tpu.yield
    }) : () -> ()
    "tpu.region"() ({
      %run_scoped3A_134 = tpu.sem_alloc : memref<!tpu.dma_semaphore, #tpu.memory_space<semaphore_mem>>
      %dma_start3A = tpu.memref_slice %arg3[%select_n3A, %add3A_86] : memref<8x262144xi32, #tpu.memory_space<hbm>> -> memref<1x8192xi32, #tpu.memory_space<hbm>>
      %dma_start3A_135 = tpu.memref_squeeze %dma_start3A : memref<1x8192xi32, #tpu.memory_space<hbm>> -> memref<8192xi32, #tpu.memory_space<hbm>>
      %dma_start3A_136 = tpu.memref_slice %arg3[%select_n3A, %add3A_86] : memref<8x262144xi32, #tpu.memory_space<hbm>> -> memref<1x8192xi32, #tpu.memory_space<hbm>>
      %dma_start3A_137 = tpu.memref_squeeze %dma_start3A_136 : memref<1x8192xi32, #tpu.memory_space<hbm>> -> memref<8192xi32, #tpu.memory_space<hbm>>
      tpu.enqueue_dma source(%dma_start3A_137 : memref<8192xi32, #tpu.memory_space<hbm>>) target(%arg9 : memref<8192xi32, #tpu.memory_space<vmem>>) target_semaphore(%run_scoped3A_134 : memref<!tpu.dma_semaphore, #tpu.memory_space<semaphore_mem>>)
      %dma_wait3A = tpu.memref_slice %arg3[%select_n3A, %add3A_86] : memref<8x262144xi32, #tpu.memory_space<hbm>> -> memref<1x8192xi32, #tpu.memory_space<hbm>>
      %dma_wait3A_138 = tpu.memref_squeeze %dma_wait3A : memref<1x8192xi32, #tpu.memory_space<hbm>> -> memref<8192xi32, #tpu.memory_space<hbm>>
      %dma_wait3A_139 = tpu.memref_slice %arg3[%select_n3A, %add3A_86] : memref<8x262144xi32, #tpu.memory_space<hbm>> -> memref<1x8192xi32, #tpu.memory_space<hbm>>
      %dma_wait3A_140 = tpu.memref_squeeze %dma_wait3A_139 : memref<1x8192xi32, #tpu.memory_space<hbm>> -> memref<8192xi32, #tpu.memory_space<hbm>>
      tpu.wait_dma2 semaphore(%run_scoped3A_134 : memref<!tpu.dma_semaphore, #tpu.memory_space<semaphore_mem>>) src(%dma_wait3A_140 : memref<8192xi32, #tpu.memory_space<hbm>>) dst(%arg9 : memref<8192xi32, #tpu.memory_space<vmem>>)
      tpu.yield
    }) : () -> ()
    %scan3A_87 = arith.constant 0 : i32
    %scan3A_88 = arith.constant 512 : i32
    %scan3A_89 = arith.addi %scan3A_87, %scan3A_88 : i32
    %scan3A_90 = arith.constant 1 : i32
    %scan3A_91 = scf.for %scan3A_134 = %scan3A_87 to %scan3A_89 step %scan3A_90 iter_args(%scan3A_135 = %scan3A_81) -> (vector<16xf32>)  : i32 {
      %mul3A_136 = arith.constant 16 : i32
      %mul3A_137 = arith.muli %scan3A_134, %mul3A_136 : i32
      %multiple_of3A = tpu.assume_multiple %mul3A_137, 16 : i32
      %get3A = arith.index_cast %multiple_of3A : i32 to index
      %get3A_138 = tpu.vector_load %arg8[%get3A] {strides = array<i32>} : memref<8192xf32, #tpu.memory_space<vmem>>, vector<16xf32>,
      %get3A_139 = arith.index_cast %multiple_of3A : i32 to index
      %get3A_140 = tpu.vector_load %arg9[%get3A_139] {strides = array<i32>} : memref<8192xi32, #tpu.memory_space<vmem>>, vector<16xi32>,
      %gather3A = tpu.vector_load_idx %arg10[%get3A_140] : memref<32xf32, #tpu.memory_space<vmem>>[vector<16xi32>], vector<16xf32>,
      %gather3A_141 = tpu.vector_load_idx %arg11[%get3A_140] : memref<32xf32, #tpu.memory_space<vmem>>[vector<16xi32>], vector<16xf32>,
      %sub3A_142 = arith.subf %get3A_138, %gather3A : vector<16xf32>
      %abs3A = math.absf %sub3A_142 : vector<16xf32>
      %sub3A_143 = arith.constant 1.000000e-01 : f32
      %sub3A_144 = vector.broadcast %sub3A_143 : f32 to vector<16xf32>
      %sub3A_145 = arith.subf %abs3A, %sub3A_144 : vector<16xf32>
      %max3A = arith.constant 0.000000e+00 : f32
      %max3A_146 = vector.broadcast %max3A : f32 to vector<16xf32>
      %max3A_147 = arith.maximumf %sub3A_145, %max3A_146 : vector<16xf32>
      %mul3A_148 = arith.mulf %max3A_147, %max3A_147 : vector<16xf32>
      %mul3A_149 = arith.mulf %mul3A_148, %gather3A_141 : vector<16xf32>
      %add3A_150 = arith.addf %scan3A_135, %mul3A_149 : vector<16xf32>
      scf.yield %add3A_150 : vector<16xf32>
    }
    %scan3A_92 = arith.constant 512 : i32
    %mul3A_93 = arith.constant 65536 : i32
    %mul3A_94 = arith.muli %select_n3A_30, %mul3A_93 : i32
    %add3A_95 = arith.constant 49152 : i32
    %add3A_96 = arith.addi %mul3A_94, %add3A_95 : i32
    "tpu.region"() ({
      %run_scoped3A_134 = tpu.sem_alloc : memref<!tpu.dma_semaphore, #tpu.memory_space<semaphore_mem>>
      %dma_start3A = tpu.memref_slice %arg2[%select_n3A, %add3A_96] : memref<8x262144xf32, #tpu.memory_space<hbm>> -> memref<1x8192xf32, #tpu.memory_space<hbm>>
      %dma_start3A_135 = tpu.memref_squeeze %dma_start3A : memref<1x8192xf32, #tpu.memory_space<hbm>> -> memref<8192xf32, #tpu.memory_space<hbm>>
      %dma_start3A_136 = tpu.memref_slice %arg2[%select_n3A, %add3A_96] : memref<8x262144xf32, #tpu.memory_space<hbm>> -> memref<1x8192xf32, #tpu.memory_space<hbm>>
      %dma_start3A_137 = tpu.memref_squeeze %dma_start3A_136 : memref<1x8192xf32, #tpu.memory_space<hbm>> -> memref<8192xf32, #tpu.memory_space<hbm>>
      tpu.enqueue_dma source(%dma_start3A_137 : memref<8192xf32, #tpu.memory_space<hbm>>) target(%arg8 : memref<8192xf32, #tpu.memory_space<vmem>>) target_semaphore(%run_scoped3A_134 : memref<!tpu.dma_semaphore, #tpu.memory_space<semaphore_mem>>)
      %dma_wait3A = tpu.memref_slice %arg2[%select_n3A, %add3A_96] : memref<8x262144xf32, #tpu.memory_space<hbm>> -> memref<1x8192xf32, #tpu.memory_space<hbm>>
      %dma_wait3A_138 = tpu.memref_squeeze %dma_wait3A : memref<1x8192xf32, #tpu.memory_space<hbm>> -> memref<8192xf32, #tpu.memory_space<hbm>>
      %dma_wait3A_139 = tpu.memref_slice %arg2[%select_n3A, %add3A_96] : memref<8x262144xf32, #tpu.memory_space<hbm>> -> memref<1x8192xf32, #tpu.memory_space<hbm>>
      %dma_wait3A_140 = tpu.memref_squeeze %dma_wait3A_139 : memref<1x8192xf32, #tpu.memory_space<hbm>> -> memref<8192xf32, #tpu.memory_space<hbm>>
      tpu.wait_dma2 semaphore(%run_scoped3A_134 : memref<!tpu.dma_semaphore, #tpu.memory_space<semaphore_mem>>) src(%dma_wait3A_140 : memref<8192xf32, #tpu.memory_space<hbm>>) dst(%arg8 : memref<8192xf32, #tpu.memory_space<vmem>>)
      tpu.yield
    }) : () -> ()
    "tpu.region"() ({
      %run_scoped3A_134 = tpu.sem_alloc : memref<!tpu.dma_semaphore, #tpu.memory_space<semaphore_mem>>
      %dma_start3A = tpu.memref_slice %arg3[%select_n3A, %add3A_96] : memref<8x262144xi32, #tpu.memory_space<hbm>> -> memref<1x8192xi32, #tpu.memory_space<hbm>>
      %dma_start3A_135 = tpu.memref_squeeze %dma_start3A : memref<1x8192xi32, #tpu.memory_space<hbm>> -> memref<8192xi32, #tpu.memory_space<hbm>>
      %dma_start3A_136 = tpu.memref_slice %arg3[%select_n3A, %add3A_96] : memref<8x262144xi32, #tpu.memory_space<hbm>> -> memref<1x8192xi32, #tpu.memory_space<hbm>>
      %dma_start3A_137 = tpu.memref_squeeze %dma_start3A_136 : memref<1x8192xi32, #tpu.memory_space<hbm>> -> memref<8192xi32, #tpu.memory_space<hbm>>
      tpu.enqueue_dma source(%dma_start3A_137 : memref<8192xi32, #tpu.memory_space<hbm>>) target(%arg9 : memref<8192xi32, #tpu.memory_space<vmem>>) target_semaphore(%run_scoped3A_134 : memref<!tpu.dma_semaphore, #tpu.memory_space<semaphore_mem>>)
      %dma_wait3A = tpu.memref_slice %arg3[%select_n3A, %add3A_96] : memref<8x262144xi32, #tpu.memory_space<hbm>> -> memref<1x8192xi32, #tpu.memory_space<hbm>>
      %dma_wait3A_138 = tpu.memref_squeeze %dma_wait3A : memref<1x8192xi32, #tpu.memory_space<hbm>> -> memref<8192xi32, #tpu.memory_space<hbm>>
      %dma_wait3A_139 = tpu.memref_slice %arg3[%select_n3A, %add3A_96] : memref<8x262144xi32, #tpu.memory_space<hbm>> -> memref<1x8192xi32, #tpu.memory_space<hbm>>
      %dma_wait3A_140 = tpu.memref_squeeze %dma_wait3A_139 : memref<1x8192xi32, #tpu.memory_space<hbm>> -> memref<8192xi32, #tpu.memory_space<hbm>>
      tpu.wait_dma2 semaphore(%run_scoped3A_134 : memref<!tpu.dma_semaphore, #tpu.memory_space<semaphore_mem>>) src(%dma_wait3A_140 : memref<8192xi32, #tpu.memory_space<hbm>>) dst(%arg9 : memref<8192xi32, #tpu.memory_space<vmem>>)
      tpu.yield
    }) : () -> ()
    %scan3A_97 = arith.constant 0 : i32
    %scan3A_98 = arith.constant 512 : i32
    %scan3A_99 = arith.addi %scan3A_97, %scan3A_98 : i32
    %scan3A_100 = arith.constant 1 : i32
    %scan3A_101 = scf.for %scan3A_134 = %scan3A_97 to %scan3A_99 step %scan3A_100 iter_args(%scan3A_135 = %scan3A_91) -> (vector<16xf32>)  : i32 {
      %mul3A_136 = arith.constant 16 : i32
      %mul3A_137 = arith.muli %scan3A_134, %mul3A_136 : i32
      %multiple_of3A = tpu.assume_multiple %mul3A_137, 16 : i32
      %get3A = arith.index_cast %multiple_of3A : i32 to index
      %get3A_138 = tpu.vector_load %arg8[%get3A] {strides = array<i32>} : memref<8192xf32, #tpu.memory_space<vmem>>, vector<16xf32>,
      %get3A_139 = arith.index_cast %multiple_of3A : i32 to index
      %get3A_140 = tpu.vector_load %arg9[%get3A_139] {strides = array<i32>} : memref<8192xi32, #tpu.memory_space<vmem>>, vector<16xi32>,
      %gather3A = tpu.vector_load_idx %arg10[%get3A_140] : memref<32xf32, #tpu.memory_space<vmem>>[vector<16xi32>], vector<16xf32>,
      %gather3A_141 = tpu.vector_load_idx %arg11[%get3A_140] : memref<32xf32, #tpu.memory_space<vmem>>[vector<16xi32>], vector<16xf32>,
      %sub3A_142 = arith.subf %get3A_138, %gather3A : vector<16xf32>
      %abs3A = math.absf %sub3A_142 : vector<16xf32>
      %sub3A_143 = arith.constant 1.000000e-01 : f32
      %sub3A_144 = vector.broadcast %sub3A_143 : f32 to vector<16xf32>
      %sub3A_145 = arith.subf %abs3A, %sub3A_144 : vector<16xf32>
      %max3A = arith.constant 0.000000e+00 : f32
      %max3A_146 = vector.broadcast %max3A : f32 to vector<16xf32>
      %max3A_147 = arith.maximumf %sub3A_145, %max3A_146 : vector<16xf32>
      %mul3A_148 = arith.mulf %max3A_147, %max3A_147 : vector<16xf32>
      %mul3A_149 = arith.mulf %mul3A_148, %gather3A_141 : vector<16xf32>
      %add3A_150 = arith.addf %scan3A_135, %mul3A_149 : vector<16xf32>
      scf.yield %add3A_150 : vector<16xf32>
    }
    %scan3A_102 = arith.constant 512 : i32
    %mul3A_103 = arith.constant 65536 : i32
    %mul3A_104 = arith.muli %select_n3A_30, %mul3A_103 : i32
    %add3A_105 = arith.constant 57344 : i32
    %add3A_106 = arith.addi %mul3A_104, %add3A_105 : i32
    "tpu.region"() ({
      %run_scoped3A_134 = tpu.sem_alloc : memref<!tpu.dma_semaphore, #tpu.memory_space<semaphore_mem>>
      %dma_start3A = tpu.memref_slice %arg2[%select_n3A, %add3A_106] : memref<8x262144xf32, #tpu.memory_space<hbm>> -> memref<1x8192xf32, #tpu.memory_space<hbm>>
      %dma_start3A_135 = tpu.memref_squeeze %dma_start3A : memref<1x8192xf32, #tpu.memory_space<hbm>> -> memref<8192xf32, #tpu.memory_space<hbm>>
      %dma_start3A_136 = tpu.memref_slice %arg2[%select_n3A, %add3A_106] : memref<8x262144xf32, #tpu.memory_space<hbm>> -> memref<1x8192xf32, #tpu.memory_space<hbm>>
      %dma_start3A_137 = tpu.memref_squeeze %dma_start3A_136 : memref<1x8192xf32, #tpu.memory_space<hbm>> -> memref<8192xf32, #tpu.memory_space<hbm>>
      tpu.enqueue_dma source(%dma_start3A_137 : memref<8192xf32, #tpu.memory_space<hbm>>) target(%arg8 : memref<8192xf32, #tpu.memory_space<vmem>>) target_semaphore(%run_scoped3A_134 : memref<!tpu.dma_semaphore, #tpu.memory_space<semaphore_mem>>)
      %dma_wait3A = tpu.memref_slice %arg2[%select_n3A, %add3A_106] : memref<8x262144xf32, #tpu.memory_space<hbm>> -> memref<1x8192xf32, #tpu.memory_space<hbm>>
      %dma_wait3A_138 = tpu.memref_squeeze %dma_wait3A : memref<1x8192xf32, #tpu.memory_space<hbm>> -> memref<8192xf32, #tpu.memory_space<hbm>>
      %dma_wait3A_139 = tpu.memref_slice %arg2[%select_n3A, %add3A_106] : memref<8x262144xf32, #tpu.memory_space<hbm>> -> memref<1x8192xf32, #tpu.memory_space<hbm>>
      %dma_wait3A_140 = tpu.memref_squeeze %dma_wait3A_139 : memref<1x8192xf32, #tpu.memory_space<hbm>> -> memref<8192xf32, #tpu.memory_space<hbm>>
      tpu.wait_dma2 semaphore(%run_scoped3A_134 : memref<!tpu.dma_semaphore, #tpu.memory_space<semaphore_mem>>) src(%dma_wait3A_140 : memref<8192xf32, #tpu.memory_space<hbm>>) dst(%arg8 : memref<8192xf32, #tpu.memory_space<vmem>>)
      tpu.yield
    }) : () -> ()
    "tpu.region"() ({
      %run_scoped3A_134 = tpu.sem_alloc : memref<!tpu.dma_semaphore, #tpu.memory_space<semaphore_mem>>
      %dma_start3A = tpu.memref_slice %arg3[%select_n3A, %add3A_106] : memref<8x262144xi32, #tpu.memory_space<hbm>> -> memref<1x8192xi32, #tpu.memory_space<hbm>>
      %dma_start3A_135 = tpu.memref_squeeze %dma_start3A : memref<1x8192xi32, #tpu.memory_space<hbm>> -> memref<8192xi32, #tpu.memory_space<hbm>>
      %dma_start3A_136 = tpu.memref_slice %arg3[%select_n3A, %add3A_106] : memref<8x262144xi32, #tpu.memory_space<hbm>> -> memref<1x8192xi32, #tpu.memory_space<hbm>>
      %dma_start3A_137 = tpu.memref_squeeze %dma_start3A_136 : memref<1x8192xi32, #tpu.memory_space<hbm>> -> memref<8192xi32, #tpu.memory_space<hbm>>
      tpu.enqueue_dma source(%dma_start3A_137 : memref<8192xi32, #tpu.memory_space<hbm>>) target(%arg9 : memref<8192xi32, #tpu.memory_space<vmem>>) target_semaphore(%run_scoped3A_134 : memref<!tpu.dma_semaphore, #tpu.memory_space<semaphore_mem>>)
      %dma_wait3A = tpu.memref_slice %arg3[%select_n3A, %add3A_106] : memref<8x262144xi32, #tpu.memory_space<hbm>> -> memref<1x8192xi32, #tpu.memory_space<hbm>>
      %dma_wait3A_138 = tpu.memref_squeeze %dma_wait3A : memref<1x8192xi32, #tpu.memory_space<hbm>> -> memref<8192xi32, #tpu.memory_space<hbm>>
      %dma_wait3A_139 = tpu.memref_slice %arg3[%select_n3A, %add3A_106] : memref<8x262144xi32, #tpu.memory_space<hbm>> -> memref<1x8192xi32, #tpu.memory_space<hbm>>
      %dma_wait3A_140 = tpu.memref_squeeze %dma_wait3A_139 : memref<1x8192xi32, #tpu.memory_space<hbm>> -> memref<8192xi32, #tpu.memory_space<hbm>>
      tpu.wait_dma2 semaphore(%run_scoped3A_134 : memref<!tpu.dma_semaphore, #tpu.memory_space<semaphore_mem>>) src(%dma_wait3A_140 : memref<8192xi32, #tpu.memory_space<hbm>>) dst(%arg9 : memref<8192xi32, #tpu.memory_space<vmem>>)
      tpu.yield
    }) : () -> ()
    %scan3A_107 = arith.constant 0 : i32
    %scan3A_108 = arith.constant 512 : i32
    %scan3A_109 = arith.addi %scan3A_107, %scan3A_108 : i32
    %scan3A_110 = arith.constant 1 : i32
    %scan3A_111 = scf.for %scan3A_134 = %scan3A_107 to %scan3A_109 step %scan3A_110 iter_args(%scan3A_135 = %scan3A_101) -> (vector<16xf32>)  : i32 {
      %mul3A_136 = arith.constant 16 : i32
      %mul3A_137 = arith.muli %scan3A_134, %mul3A_136 : i32
      %multiple_of3A = tpu.assume_multiple %mul3A_137, 16 : i32
      %get3A = arith.index_cast %multiple_of3A : i32 to index
      %get3A_138 = tpu.vector_load %arg8[%get3A] {strides = array<i32>} : memref<8192xf32, #tpu.memory_space<vmem>>, vector<16xf32>,
      %get3A_139 = arith.index_cast %multiple_of3A : i32 to index
      %get3A_140 = tpu.vector_load %arg9[%get3A_139] {strides = array<i32>} : memref<8192xi32, #tpu.memory_space<vmem>>, vector<16xi32>,
      %gather3A = tpu.vector_load_idx %arg10[%get3A_140] : memref<32xf32, #tpu.memory_space<vmem>>[vector<16xi32>], vector<16xf32>,
      %gather3A_141 = tpu.vector_load_idx %arg11[%get3A_140] : memref<32xf32, #tpu.memory_space<vmem>>[vector<16xi32>], vector<16xf32>,
      %sub3A_142 = arith.subf %get3A_138, %gather3A : vector<16xf32>
      %abs3A = math.absf %sub3A_142 : vector<16xf32>
      %sub3A_143 = arith.constant 1.000000e-01 : f32
      %sub3A_144 = vector.broadcast %sub3A_143 : f32 to vector<16xf32>
      %sub3A_145 = arith.subf %abs3A, %sub3A_144 : vector<16xf32>
      %max3A = arith.constant 0.000000e+00 : f32
      %max3A_146 = vector.broadcast %max3A : f32 to vector<16xf32>
      %max3A_147 = arith.maximumf %sub3A_145, %max3A_146 : vector<16xf32>
      %mul3A_148 = arith.mulf %max3A_147, %max3A_147 : vector<16xf32>
      %mul3A_149 = arith.mulf %mul3A_148, %gather3A_141 : vector<16xf32>
      %add3A_150 = arith.addf %scan3A_135, %mul3A_149 : vector<16xf32>
      scf.yield %add3A_150 : vector<16xf32>
    }
    %scan3A_112 = arith.constant 512 : i32
    %mul3A_113 = arith.constant 16384 : i32
    %mul3A_114 = arith.muli %select_n3A_30, %mul3A_113 : i32
    %add3A_115 = arith.constant 0 : i32
    %add3A_116 = arith.addi %mul3A_114, %add3A_115 : i32
    "tpu.region"() ({
      %run_scoped3A_134 = tpu.sem_alloc : memref<!tpu.dma_semaphore, #tpu.memory_space<semaphore_mem>>
      %dma_start3A = tpu.memref_slice %arg4[%select_n3A, %add3A_116] : memref<8x65536xf32, #tpu.memory_space<hbm>> -> memref<1x8192xf32, #tpu.memory_space<hbm>>
      %dma_start3A_135 = tpu.memref_squeeze %dma_start3A : memref<1x8192xf32, #tpu.memory_space<hbm>> -> memref<8192xf32, #tpu.memory_space<hbm>>
      %dma_start3A_136 = tpu.memref_slice %arg4[%select_n3A, %add3A_116] : memref<8x65536xf32, #tpu.memory_space<hbm>> -> memref<1x8192xf32, #tpu.memory_space<hbm>>
      %dma_start3A_137 = tpu.memref_squeeze %dma_start3A_136 : memref<1x8192xf32, #tpu.memory_space<hbm>> -> memref<8192xf32, #tpu.memory_space<hbm>>
      tpu.enqueue_dma source(%dma_start3A_137 : memref<8192xf32, #tpu.memory_space<hbm>>) target(%arg8 : memref<8192xf32, #tpu.memory_space<vmem>>) target_semaphore(%run_scoped3A_134 : memref<!tpu.dma_semaphore, #tpu.memory_space<semaphore_mem>>)
      %dma_wait3A = tpu.memref_slice %arg4[%select_n3A, %add3A_116] : memref<8x65536xf32, #tpu.memory_space<hbm>> -> memref<1x8192xf32, #tpu.memory_space<hbm>>
      %dma_wait3A_138 = tpu.memref_squeeze %dma_wait3A : memref<1x8192xf32, #tpu.memory_space<hbm>> -> memref<8192xf32, #tpu.memory_space<hbm>>
      %dma_wait3A_139 = tpu.memref_slice %arg4[%select_n3A, %add3A_116] : memref<8x65536xf32, #tpu.memory_space<hbm>> -> memref<1x8192xf32, #tpu.memory_space<hbm>>
      %dma_wait3A_140 = tpu.memref_squeeze %dma_wait3A_139 : memref<1x8192xf32, #tpu.memory_space<hbm>> -> memref<8192xf32, #tpu.memory_space<hbm>>
      tpu.wait_dma2 semaphore(%run_scoped3A_134 : memref<!tpu.dma_semaphore, #tpu.memory_space<semaphore_mem>>) src(%dma_wait3A_140 : memref<8192xf32, #tpu.memory_space<hbm>>) dst(%arg8 : memref<8192xf32, #tpu.memory_space<vmem>>)
      tpu.yield
    }) : () -> ()
    "tpu.region"() ({
      %run_scoped3A_134 = tpu.sem_alloc : memref<!tpu.dma_semaphore, #tpu.memory_space<semaphore_mem>>
      %dma_start3A = tpu.memref_slice %arg5[%select_n3A, %add3A_116] : memref<8x65536xi32, #tpu.memory_space<hbm>> -> memref<1x8192xi32, #tpu.memory_space<hbm>>
      %dma_start3A_135 = tpu.memref_squeeze %dma_start3A : memref<1x8192xi32, #tpu.memory_space<hbm>> -> memref<8192xi32, #tpu.memory_space<hbm>>
      %dma_start3A_136 = tpu.memref_slice %arg5[%select_n3A, %add3A_116] : memref<8x65536xi32, #tpu.memory_space<hbm>> -> memref<1x8192xi32, #tpu.memory_space<hbm>>
      %dma_start3A_137 = tpu.memref_squeeze %dma_start3A_136 : memref<1x8192xi32, #tpu.memory_space<hbm>> -> memref<8192xi32, #tpu.memory_space<hbm>>
      tpu.enqueue_dma source(%dma_start3A_137 : memref<8192xi32, #tpu.memory_space<hbm>>) target(%arg9 : memref<8192xi32, #tpu.memory_space<vmem>>) target_semaphore(%run_scoped3A_134 : memref<!tpu.dma_semaphore, #tpu.memory_space<semaphore_mem>>)
      %dma_wait3A = tpu.memref_slice %arg5[%select_n3A, %add3A_116] : memref<8x65536xi32, #tpu.memory_space<hbm>> -> memref<1x8192xi32, #tpu.memory_space<hbm>>
      %dma_wait3A_138 = tpu.memref_squeeze %dma_wait3A : memref<1x8192xi32, #tpu.memory_space<hbm>> -> memref<8192xi32, #tpu.memory_space<hbm>>
      %dma_wait3A_139 = tpu.memref_slice %arg5[%select_n3A, %add3A_116] : memref<8x65536xi32, #tpu.memory_space<hbm>> -> memref<1x8192xi32, #tpu.memory_space<hbm>>
      %dma_wait3A_140 = tpu.memref_squeeze %dma_wait3A_139 : memref<1x8192xi32, #tpu.memory_space<hbm>> -> memref<8192xi32, #tpu.memory_space<hbm>>
      tpu.wait_dma2 semaphore(%run_scoped3A_134 : memref<!tpu.dma_semaphore, #tpu.memory_space<semaphore_mem>>) src(%dma_wait3A_140 : memref<8192xi32, #tpu.memory_space<hbm>>) dst(%arg9 : memref<8192xi32, #tpu.memory_space<vmem>>)
      tpu.yield
    }) : () -> ()
    %scan3A_117 = arith.constant 0 : i32
    %scan3A_118 = arith.constant 512 : i32
    %scan3A_119 = arith.addi %scan3A_117, %scan3A_118 : i32
    %scan3A_120 = arith.constant 1 : i32
    %scan3A_121 = scf.for %scan3A_134 = %scan3A_117 to %scan3A_119 step %scan3A_120 iter_args(%scan3A_135 = %scan3A_111) -> (vector<16xf32>)  : i32 {
      %mul3A_136 = arith.constant 16 : i32
      %mul3A_137 = arith.muli %scan3A_134, %mul3A_136 : i32
      %multiple_of3A = tpu.assume_multiple %mul3A_137, 16 : i32
      %get3A = arith.index_cast %multiple_of3A : i32 to index
      %get3A_138 = tpu.vector_load %arg8[%get3A] {strides = array<i32>} : memref<8192xf32, #tpu.memory_space<vmem>>, vector<16xf32>,
      %get3A_139 = arith.index_cast %multiple_of3A : i32 to index
      %get3A_140 = tpu.vector_load %arg9[%get3A_139] {strides = array<i32>} : memref<8192xi32, #tpu.memory_space<vmem>>, vector<16xi32>,
      %gather3A = tpu.vector_load_idx %arg10[%get3A_140] : memref<32xf32, #tpu.memory_space<vmem>>[vector<16xi32>], vector<16xf32>,
      %gather3A_141 = tpu.vector_load_idx %arg12[%get3A_140] : memref<32xf32, #tpu.memory_space<vmem>>[vector<16xi32>], vector<16xf32>,
      %sub3A_142 = arith.subf %get3A_138, %gather3A : vector<16xf32>
      %abs3A = math.absf %sub3A_142 : vector<16xf32>
      %sub3A_143 = arith.constant 1.000000e-01 : f32
      %sub3A_144 = vector.broadcast %sub3A_143 : f32 to vector<16xf32>
      %sub3A_145 = arith.subf %abs3A, %sub3A_144 : vector<16xf32>
      %max3A = arith.constant 0.000000e+00 : f32
      %max3A_146 = vector.broadcast %max3A : f32 to vector<16xf32>
      %max3A_147 = arith.maximumf %sub3A_145, %max3A_146 : vector<16xf32>
      %mul3A_148 = arith.mulf %max3A_147, %max3A_147 : vector<16xf32>
      %mul3A_149 = arith.mulf %mul3A_148, %gather3A_141 : vector<16xf32>
      %add3A_150 = arith.addf %scan3A_135, %mul3A_149 : vector<16xf32>
      scf.yield %add3A_150 : vector<16xf32>
    }
    %scan3A_122 = arith.constant 512 : i32
    %mul3A_123 = arith.constant 16384 : i32
    %mul3A_124 = arith.muli %select_n3A_30, %mul3A_123 : i32
    %add3A_125 = arith.constant 8192 : i32
    %add3A_126 = arith.addi %mul3A_124, %add3A_125 : i32
    "tpu.region"() ({
      %run_scoped3A_134 = tpu.sem_alloc : memref<!tpu.dma_semaphore, #tpu.memory_space<semaphore_mem>>
      %dma_start3A = tpu.memref_slice %arg4[%select_n3A, %add3A_126] : memref<8x65536xf32, #tpu.memory_space<hbm>> -> memref<1x8192xf32, #tpu.memory_space<hbm>>
      %dma_start3A_135 = tpu.memref_squeeze %dma_start3A : memref<1x8192xf32, #tpu.memory_space<hbm>> -> memref<8192xf32, #tpu.memory_space<hbm>>
      %dma_start3A_136 = tpu.memref_slice %arg4[%select_n3A, %add3A_126] : memref<8x65536xf32, #tpu.memory_space<hbm>> -> memref<1x8192xf32, #tpu.memory_space<hbm>>
      %dma_start3A_137 = tpu.memref_squeeze %dma_start3A_136 : memref<1x8192xf32, #tpu.memory_space<hbm>> -> memref<8192xf32, #tpu.memory_space<hbm>>
      tpu.enqueue_dma source(%dma_start3A_137 : memref<8192xf32, #tpu.memory_space<hbm>>) target(%arg8 : memref<8192xf32, #tpu.memory_space<vmem>>) target_semaphore(%run_scoped3A_134 : memref<!tpu.dma_semaphore, #tpu.memory_space<semaphore_mem>>)
      %dma_wait3A = tpu.memref_slice %arg4[%select_n3A, %add3A_126] : memref<8x65536xf32, #tpu.memory_space<hbm>> -> memref<1x8192xf32, #tpu.memory_space<hbm>>
      %dma_wait3A_138 = tpu.memref_squeeze %dma_wait3A : memref<1x8192xf32, #tpu.memory_space<hbm>> -> memref<8192xf32, #tpu.memory_space<hbm>>
      %dma_wait3A_139 = tpu.memref_slice %arg4[%select_n3A, %add3A_126] : memref<8x65536xf32, #tpu.memory_space<hbm>> -> memref<1x8192xf32, #tpu.memory_space<hbm>>
      %dma_wait3A_140 = tpu.memref_squeeze %dma_wait3A_139 : memref<1x8192xf32, #tpu.memory_space<hbm>> -> memref<8192xf32, #tpu.memory_space<hbm>>
      tpu.wait_dma2 semaphore(%run_scoped3A_134 : memref<!tpu.dma_semaphore, #tpu.memory_space<semaphore_mem>>) src(%dma_wait3A_140 : memref<8192xf32, #tpu.memory_space<hbm>>) dst(%arg8 : memref<8192xf32, #tpu.memory_space<vmem>>)
      tpu.yield
    }) : () -> ()
    "tpu.region"() ({
      %run_scoped3A_134 = tpu.sem_alloc : memref<!tpu.dma_semaphore, #tpu.memory_space<semaphore_mem>>
      %dma_start3A = tpu.memref_slice %arg5[%select_n3A, %add3A_126] : memref<8x65536xi32, #tpu.memory_space<hbm>> -> memref<1x8192xi32, #tpu.memory_space<hbm>>
      %dma_start3A_135 = tpu.memref_squeeze %dma_start3A : memref<1x8192xi32, #tpu.memory_space<hbm>> -> memref<8192xi32, #tpu.memory_space<hbm>>
      %dma_start3A_136 = tpu.memref_slice %arg5[%select_n3A, %add3A_126] : memref<8x65536xi32, #tpu.memory_space<hbm>> -> memref<1x8192xi32, #tpu.memory_space<hbm>>
      %dma_start3A_137 = tpu.memref_squeeze %dma_start3A_136 : memref<1x8192xi32, #tpu.memory_space<hbm>> -> memref<8192xi32, #tpu.memory_space<hbm>>
      tpu.enqueue_dma source(%dma_start3A_137 : memref<8192xi32, #tpu.memory_space<hbm>>) target(%arg9 : memref<8192xi32, #tpu.memory_space<vmem>>) target_semaphore(%run_scoped3A_134 : memref<!tpu.dma_semaphore, #tpu.memory_space<semaphore_mem>>)
      %dma_wait3A = tpu.memref_slice %arg5[%select_n3A, %add3A_126] : memref<8x65536xi32, #tpu.memory_space<hbm>> -> memref<1x8192xi32, #tpu.memory_space<hbm>>
      %dma_wait3A_138 = tpu.memref_squeeze %dma_wait3A : memref<1x8192xi32, #tpu.memory_space<hbm>> -> memref<8192xi32, #tpu.memory_space<hbm>>
      %dma_wait3A_139 = tpu.memref_slice %arg5[%select_n3A, %add3A_126] : memref<8x65536xi32, #tpu.memory_space<hbm>> -> memref<1x8192xi32, #tpu.memory_space<hbm>>
      %dma_wait3A_140 = tpu.memref_squeeze %dma_wait3A_139 : memref<1x8192xi32, #tpu.memory_space<hbm>> -> memref<8192xi32, #tpu.memory_space<hbm>>
      tpu.wait_dma2 semaphore(%run_scoped3A_134 : memref<!tpu.dma_semaphore, #tpu.memory_space<semaphore_mem>>) src(%dma_wait3A_140 : memref<8192xi32, #tpu.memory_space<hbm>>) dst(%arg9 : memref<8192xi32, #tpu.memory_space<vmem>>)
      tpu.yield
    }) : () -> ()
    %scan3A_127 = arith.constant 0 : i32
    %scan3A_128 = arith.constant 512 : i32
    %scan3A_129 = arith.addi %scan3A_127, %scan3A_128 : i32
    %scan3A_130 = arith.constant 1 : i32
    %scan3A_131 = scf.for %scan3A_134 = %scan3A_127 to %scan3A_129 step %scan3A_130 iter_args(%scan3A_135 = %scan3A_121) -> (vector<16xf32>)  : i32 {
      %mul3A_136 = arith.constant 16 : i32
      %mul3A_137 = arith.muli %scan3A_134, %mul3A_136 : i32
      %multiple_of3A = tpu.assume_multiple %mul3A_137, 16 : i32
      %get3A = arith.index_cast %multiple_of3A : i32 to index
      %get3A_138 = tpu.vector_load %arg8[%get3A] {strides = array<i32>} : memref<8192xf32, #tpu.memory_space<vmem>>, vector<16xf32>,
      %get3A_139 = arith.index_cast %multiple_of3A : i32 to index
      %get3A_140 = tpu.vector_load %arg9[%get3A_139] {strides = array<i32>} : memref<8192xi32, #tpu.memory_space<vmem>>, vector<16xi32>,
      %gather3A = tpu.vector_load_idx %arg10[%get3A_140] : memref<32xf32, #tpu.memory_space<vmem>>[vector<16xi32>], vector<16xf32>,
      %gather3A_141 = tpu.vector_load_idx %arg12[%get3A_140] : memref<32xf32, #tpu.memory_space<vmem>>[vector<16xi32>], vector<16xf32>,
      %sub3A_142 = arith.subf %get3A_138, %gather3A : vector<16xf32>
      %abs3A = math.absf %sub3A_142 : vector<16xf32>
      %sub3A_143 = arith.constant 1.000000e-01 : f32
      %sub3A_144 = vector.broadcast %sub3A_143 : f32 to vector<16xf32>
      %sub3A_145 = arith.subf %abs3A, %sub3A_144 : vector<16xf32>
      %max3A = arith.constant 0.000000e+00 : f32
      %max3A_146 = vector.broadcast %max3A : f32 to vector<16xf32>
      %max3A_147 = arith.maximumf %sub3A_145, %max3A_146 : vector<16xf32>
      %mul3A_148 = arith.mulf %max3A_147, %max3A_147 : vector<16xf32>
      %mul3A_149 = arith.mulf %mul3A_148, %gather3A_141 : vector<16xf32>
      %add3A_150 = arith.addf %scan3A_135, %mul3A_149 : vector<16xf32>
      scf.yield %add3A_150 : vector<16xf32>
    }
    %scan3A_132 = arith.constant 512 : i32
    %swap3A = arith.constant 0 : index
    %swap3A_133 = tpu.vector_load %arg13[%swap3A] {strides = array<i32>} : memref<16xf32, #tpu.memory_space<vmem>>, vector<16xf32>,
    tpu.vector_store %arg13[%swap3A], %scan3A_131 {strides = array<i32>} : memref<16xf32, #tpu.memory_space<vmem>>, vector<16xf32>,
    "tpu.region"() ({
      %run_scoped3A_134 = tpu.sem_alloc : memref<!tpu.dma_semaphore, #tpu.memory_space<semaphore_mem>>
      %dma_start3A = arith.constant 0 : i32
      %dma_start3A_135 = tpu.memref_slice %arg7[%add3A, %dma_start3A] : memref<32x16xf32, #tpu.memory_space<hbm>> -> memref<1x16xf32, #tpu.memory_space<hbm>>
      %dma_start3A_136 = tpu.memref_squeeze %dma_start3A_135 : memref<1x16xf32, #tpu.memory_space<hbm>> -> memref<16xf32, #tpu.memory_space<hbm>>
      %dma_start3A_137 = arith.constant 0 : i32
      %dma_start3A_138 = tpu.memref_slice %arg7[%add3A, %dma_start3A_137] : memref<32x16xf32, #tpu.memory_space<hbm>> -> memref<1x16xf32, #tpu.memory_space<hbm>>
      %dma_start3A_139 = tpu.memref_squeeze %dma_start3A_138 : memref<1x16xf32, #tpu.memory_space<hbm>> -> memref<16xf32, #tpu.memory_space<hbm>>
      tpu.enqueue_dma source(%arg13 : memref<16xf32, #tpu.memory_space<vmem>>) target(%dma_start3A_139 : memref<16xf32, #tpu.memory_space<hbm>>) target_semaphore(%run_scoped3A_134 : memref<!tpu.dma_semaphore, #tpu.memory_space<semaphore_mem>>)
      %dma_wait3A = arith.constant 0 : i32
      %dma_wait3A_140 = tpu.memref_slice %arg7[%add3A, %dma_wait3A] : memref<32x16xf32, #tpu.memory_space<hbm>> -> memref<1x16xf32, #tpu.memory_space<hbm>>
      %dma_wait3A_141 = tpu.memref_squeeze %dma_wait3A_140 : memref<1x16xf32, #tpu.memory_space<hbm>> -> memref<16xf32, #tpu.memory_space<hbm>>
      %dma_wait3A_142 = arith.constant 0 : i32
      %dma_wait3A_143 = tpu.memref_slice %arg7[%add3A, %dma_wait3A_142] : memref<32x16xf32, #tpu.memory_space<hbm>> -> memref<1x16xf32, #tpu.memory_space<hbm>>
      %dma_wait3A_144 = tpu.memref_squeeze %dma_wait3A_143 : memref<1x16xf32, #tpu.memory_space<hbm>> -> memref<16xf32, #tpu.memory_space<hbm>>
      tpu.wait_dma2 semaphore(%run_scoped3A_134 : memref<!tpu.dma_semaphore, #tpu.memory_space<semaphore_mem>>) src(%arg13 : memref<16xf32, #tpu.memory_space<vmem>>) dst(%dma_wait3A_144 : memref<16xf32, #tpu.memory_space<hbm>>)
      tpu.yield
    }) : () -> ()
    return
  }
}

module attributes {stable_mosaic.version = 14 : i64} {
  func.func @_tc_tables_body(%arg0: memref<32x4x32xf32, #tpu.memory_space<vmem>>, %arg1: memref<4x8x32xf32, #tpu.memory_space<vmem>>) attributes {dimension_semantics = [], scalar_prefetch = 0 : i64, scratch_operands = 0 : i64, tpu.core_type = #tpu.core_type<tc>} {
    %get3A = arith.constant 0 : index
    %get3A_0 = arith.constant 0 : index
    %get3A_1 = arith.constant 0 : index
    %get3A_2 = vector.load %arg0[%get3A, %get3A_0, %get3A_1] : memref<32x4x32xf32, #tpu.memory_space<vmem>>, vector<32x4x32xf32>
    %slice3A = vector.extract_strided_slice %get3A_2 {offsets = [0, 0, 0], sizes = [4, 4, 32], strides = [1, 1, 1]} : vector<32x4x32xf32> to vector<4x4x32xf32>
    %reduce_sum3A = arith.constant dense<0.000000e+00> : vector<4x32xf32>
    %reduce_sum3A_3 = vector.multi_reduction <add>, %slice3A, %reduce_sum3A [0] : vector<4x4x32xf32> to vector<4x32xf32>
    %slice3A_4 = vector.extract_strided_slice %get3A_2 {offsets = [4, 0, 0], sizes = [4, 4, 32], strides = [1, 1, 1]} : vector<32x4x32xf32> to vector<4x4x32xf32>
    %reduce_sum3A_5 = arith.constant dense<0.000000e+00> : vector<4x32xf32>
    %reduce_sum3A_6 = vector.multi_reduction <add>, %slice3A_4, %reduce_sum3A_5 [0] : vector<4x4x32xf32> to vector<4x32xf32>
    %slice3A_7 = vector.extract_strided_slice %get3A_2 {offsets = [8, 0, 0], sizes = [4, 4, 32], strides = [1, 1, 1]} : vector<32x4x32xf32> to vector<4x4x32xf32>
    %reduce_sum3A_8 = arith.constant dense<0.000000e+00> : vector<4x32xf32>
    %reduce_sum3A_9 = vector.multi_reduction <add>, %slice3A_7, %reduce_sum3A_8 [0] : vector<4x4x32xf32> to vector<4x32xf32>
    %slice3A_10 = vector.extract_strided_slice %get3A_2 {offsets = [12, 0, 0], sizes = [4, 4, 32], strides = [1, 1, 1]} : vector<32x4x32xf32> to vector<4x4x32xf32>
    %reduce_sum3A_11 = arith.constant dense<0.000000e+00> : vector<4x32xf32>
    %reduce_sum3A_12 = vector.multi_reduction <add>, %slice3A_10, %reduce_sum3A_11 [0] : vector<4x4x32xf32> to vector<4x32xf32>
    %slice3A_13 = vector.extract_strided_slice %get3A_2 {offsets = [16, 0, 0], sizes = [4, 4, 32], strides = [1, 1, 1]} : vector<32x4x32xf32> to vector<4x4x32xf32>
    %reduce_sum3A_14 = arith.constant dense<0.000000e+00> : vector<4x32xf32>
    %reduce_sum3A_15 = vector.multi_reduction <add>, %slice3A_13, %reduce_sum3A_14 [0] : vector<4x4x32xf32> to vector<4x32xf32>
    %slice3A_16 = vector.extract_strided_slice %get3A_2 {offsets = [20, 0, 0], sizes = [4, 4, 32], strides = [1, 1, 1]} : vector<32x4x32xf32> to vector<4x4x32xf32>
    %reduce_sum3A_17 = arith.constant dense<0.000000e+00> : vector<4x32xf32>
    %reduce_sum3A_18 = vector.multi_reduction <add>, %slice3A_16, %reduce_sum3A_17 [0] : vector<4x4x32xf32> to vector<4x32xf32>
    %slice3A_19 = vector.extract_strided_slice %get3A_2 {offsets = [24, 0, 0], sizes = [4, 4, 32], strides = [1, 1, 1]} : vector<32x4x32xf32> to vector<4x4x32xf32>
    %reduce_sum3A_20 = arith.constant dense<0.000000e+00> : vector<4x32xf32>
    %reduce_sum3A_21 = vector.multi_reduction <add>, %slice3A_19, %reduce_sum3A_20 [0] : vector<4x4x32xf32> to vector<4x32xf32>
    %slice3A_22 = vector.extract_strided_slice %get3A_2 {offsets = [28, 0, 0], sizes = [4, 4, 32], strides = [1, 1, 1]} : vector<32x4x32xf32> to vector<4x4x32xf32>
    %reduce_sum3A_23 = arith.constant dense<0.000000e+00> : vector<4x32xf32>
    %reduce_sum3A_24 = vector.multi_reduction <add>, %slice3A_22, %reduce_sum3A_23 [0] : vector<4x4x32xf32> to vector<4x32xf32>
    %slice3A_25 = vector.extract_strided_slice %reduce_sum3A_3 {offsets = [0, 0], sizes = [1, 32], strides = [1, 1]} : vector<4x32xf32> to vector<1x32xf32>
    %slice3A_26 = vector.extract_strided_slice %reduce_sum3A_6 {offsets = [0, 0], sizes = [1, 32], strides = [1, 1]} : vector<4x32xf32> to vector<1x32xf32>
    %slice3A_27 = vector.extract_strided_slice %reduce_sum3A_9 {offsets = [0, 0], sizes = [1, 32], strides = [1, 1]} : vector<4x32xf32> to vector<1x32xf32>
    %slice3A_28 = vector.extract_strided_slice %reduce_sum3A_12 {offsets = [0, 0], sizes = [1, 32], strides = [1, 1]} : vector<4x32xf32> to vector<1x32xf32>
    %slice3A_29 = vector.extract_strided_slice %reduce_sum3A_15 {offsets = [0, 0], sizes = [1, 32], strides = [1, 1]} : vector<4x32xf32> to vector<1x32xf32>
    %slice3A_30 = vector.extract_strided_slice %reduce_sum3A_18 {offsets = [0, 0], sizes = [1, 32], strides = [1, 1]} : vector<4x32xf32> to vector<1x32xf32>
    %slice3A_31 = vector.extract_strided_slice %reduce_sum3A_21 {offsets = [0, 0], sizes = [1, 32], strides = [1, 1]} : vector<4x32xf32> to vector<1x32xf32>
    %slice3A_32 = vector.extract_strided_slice %reduce_sum3A_24 {offsets = [0, 0], sizes = [1, 32], strides = [1, 1]} : vector<4x32xf32> to vector<1x32xf32>
    %concatenate3A = tpu.concatenate %slice3A_25, %slice3A_26, %slice3A_27, %slice3A_28, %slice3A_29, %slice3A_30, %slice3A_31, %slice3A_32 in 0 : vector<1x32xf32>, vector<1x32xf32>, vector<1x32xf32>, vector<1x32xf32>, vector<1x32xf32>, vector<1x32xf32>, vector<1x32xf32>, vector<1x32xf32> -> vector<8x32xf32>
    %slice3A_33 = vector.extract_strided_slice %reduce_sum3A_3 {offsets = [1, 0], sizes = [1, 32], strides = [1, 1]} : vector<4x32xf32> to vector<1x32xf32>
    %slice3A_34 = vector.extract_strided_slice %reduce_sum3A_6 {offsets = [1, 0], sizes = [1, 32], strides = [1, 1]} : vector<4x32xf32> to vector<1x32xf32>
    %slice3A_35 = vector.extract_strided_slice %reduce_sum3A_9 {offsets = [1, 0], sizes = [1, 32], strides = [1, 1]} : vector<4x32xf32> to vector<1x32xf32>
    %slice3A_36 = vector.extract_strided_slice %reduce_sum3A_12 {offsets = [1, 0], sizes = [1, 32], strides = [1, 1]} : vector<4x32xf32> to vector<1x32xf32>
    %slice3A_37 = vector.extract_strided_slice %reduce_sum3A_15 {offsets = [1, 0], sizes = [1, 32], strides = [1, 1]} : vector<4x32xf32> to vector<1x32xf32>
    %slice3A_38 = vector.extract_strided_slice %reduce_sum3A_18 {offsets = [1, 0], sizes = [1, 32], strides = [1, 1]} : vector<4x32xf32> to vector<1x32xf32>
    %slice3A_39 = vector.extract_strided_slice %reduce_sum3A_21 {offsets = [1, 0], sizes = [1, 32], strides = [1, 1]} : vector<4x32xf32> to vector<1x32xf32>
    %slice3A_40 = vector.extract_strided_slice %reduce_sum3A_24 {offsets = [1, 0], sizes = [1, 32], strides = [1, 1]} : vector<4x32xf32> to vector<1x32xf32>
    %concatenate3A_41 = tpu.concatenate %slice3A_33, %slice3A_34, %slice3A_35, %slice3A_36, %slice3A_37, %slice3A_38, %slice3A_39, %slice3A_40 in 0 : vector<1x32xf32>, vector<1x32xf32>, vector<1x32xf32>, vector<1x32xf32>, vector<1x32xf32>, vector<1x32xf32>, vector<1x32xf32>, vector<1x32xf32> -> vector<8x32xf32>
    %slice3A_42 = vector.extract_strided_slice %reduce_sum3A_3 {offsets = [2, 0], sizes = [1, 32], strides = [1, 1]} : vector<4x32xf32> to vector<1x32xf32>
    %slice3A_43 = vector.extract_strided_slice %reduce_sum3A_6 {offsets = [2, 0], sizes = [1, 32], strides = [1, 1]} : vector<4x32xf32> to vector<1x32xf32>
    %slice3A_44 = vector.extract_strided_slice %reduce_sum3A_9 {offsets = [2, 0], sizes = [1, 32], strides = [1, 1]} : vector<4x32xf32> to vector<1x32xf32>
    %slice3A_45 = vector.extract_strided_slice %reduce_sum3A_12 {offsets = [2, 0], sizes = [1, 32], strides = [1, 1]} : vector<4x32xf32> to vector<1x32xf32>
    %slice3A_46 = vector.extract_strided_slice %reduce_sum3A_15 {offsets = [2, 0], sizes = [1, 32], strides = [1, 1]} : vector<4x32xf32> to vector<1x32xf32>
    %slice3A_47 = vector.extract_strided_slice %reduce_sum3A_18 {offsets = [2, 0], sizes = [1, 32], strides = [1, 1]} : vector<4x32xf32> to vector<1x32xf32>
    %slice3A_48 = vector.extract_strided_slice %reduce_sum3A_21 {offsets = [2, 0], sizes = [1, 32], strides = [1, 1]} : vector<4x32xf32> to vector<1x32xf32>
    %slice3A_49 = vector.extract_strided_slice %reduce_sum3A_24 {offsets = [2, 0], sizes = [1, 32], strides = [1, 1]} : vector<4x32xf32> to vector<1x32xf32>
    %concatenate3A_50 = tpu.concatenate %slice3A_42, %slice3A_43, %slice3A_44, %slice3A_45, %slice3A_46, %slice3A_47, %slice3A_48, %slice3A_49 in 0 : vector<1x32xf32>, vector<1x32xf32>, vector<1x32xf32>, vector<1x32xf32>, vector<1x32xf32>, vector<1x32xf32>, vector<1x32xf32>, vector<1x32xf32> -> vector<8x32xf32>
    %slice3A_51 = vector.extract_strided_slice %reduce_sum3A_3 {offsets = [3, 0], sizes = [1, 32], strides = [1, 1]} : vector<4x32xf32> to vector<1x32xf32>
    %slice3A_52 = vector.extract_strided_slice %reduce_sum3A_6 {offsets = [3, 0], sizes = [1, 32], strides = [1, 1]} : vector<4x32xf32> to vector<1x32xf32>
    %slice3A_53 = vector.extract_strided_slice %reduce_sum3A_9 {offsets = [3, 0], sizes = [1, 32], strides = [1, 1]} : vector<4x32xf32> to vector<1x32xf32>
    %slice3A_54 = vector.extract_strided_slice %reduce_sum3A_12 {offsets = [3, 0], sizes = [1, 32], strides = [1, 1]} : vector<4x32xf32> to vector<1x32xf32>
    %slice3A_55 = vector.extract_strided_slice %reduce_sum3A_15 {offsets = [3, 0], sizes = [1, 32], strides = [1, 1]} : vector<4x32xf32> to vector<1x32xf32>
    %slice3A_56 = vector.extract_strided_slice %reduce_sum3A_18 {offsets = [3, 0], sizes = [1, 32], strides = [1, 1]} : vector<4x32xf32> to vector<1x32xf32>
    %slice3A_57 = vector.extract_strided_slice %reduce_sum3A_21 {offsets = [3, 0], sizes = [1, 32], strides = [1, 1]} : vector<4x32xf32> to vector<1x32xf32>
    %slice3A_58 = vector.extract_strided_slice %reduce_sum3A_24 {offsets = [3, 0], sizes = [1, 32], strides = [1, 1]} : vector<4x32xf32> to vector<1x32xf32>
    %concatenate3A_59 = tpu.concatenate %slice3A_51, %slice3A_52, %slice3A_53, %slice3A_54, %slice3A_55, %slice3A_56, %slice3A_57, %slice3A_58 in 0 : vector<1x32xf32>, vector<1x32xf32>, vector<1x32xf32>, vector<1x32xf32>, vector<1x32xf32>, vector<1x32xf32>, vector<1x32xf32>, vector<1x32xf32> -> vector<8x32xf32>
    %add3A = arith.addf %concatenate3A, %concatenate3A_50 : vector<8x32xf32>
    %add3A_60 = arith.addf %concatenate3A_41, %concatenate3A_59 : vector<8x32xf32>
    %max3A = arith.constant 1.000000e+00 : f32
    %max3A_61 = vector.broadcast %max3A : f32 to vector<8x32xf32>
    %max3A_62 = arith.maximumf %add3A, %max3A_61 : vector<8x32xf32>
    %div3A = arith.divf %add3A_60, %max3A_62 : vector<8x32xf32>
    %iota3A = tpu.iota {dimensions = array<i32: 1>} : vector<8x32xi32>
    %ge3A = arith.constant 1 : i32
    %ge3A_63 = vector.broadcast %ge3A : i32 to vector<8x32xi32>
    %ge3A_64 = arith.cmpi sge, %iota3A, %ge3A_63 : vector<8x32xi32>
    %le3A = arith.constant 16 : i32
    %le3A_65 = vector.broadcast %le3A : i32 to vector<8x32xi32>
    %le3A_66 = arith.cmpi sle, %iota3A, %le3A_65 : vector<8x32xi32>
    %and3A = arith.andi %ge3A_64, %le3A_66 : vector<8x32xi1>
    %gt3A = arith.constant 0.000000e+00 : f32
    %gt3A_67 = vector.broadcast %gt3A : f32 to vector<8x32xf32>
    %gt3A_68 = arith.cmpf ogt, %concatenate3A, %gt3A_67 : vector<8x32xf32>
    %and3A_69 = arith.andi %gt3A_68, %and3A : vector<8x32xi1>
    %jit3A = arith.constant 0 : i32
    %broadcast_in_dim3A = vector.broadcast %jit3A : i32 to vector<8x32xi32>
    %select_n3A = arith.select %and3A_69, %iota3A, %broadcast_in_dim3A : vector<8x32xi1>, vector<8x32xi32>
    %reduce_max3A = vector.shape_cast %select_n3A : vector<8x32xi32> to vector<1x8x32xi32>
    %reduce_max3A_70 = arith.constant dense<-2147483648> : vector<1xi32>
    %reduce_max3A_71 = vector.multi_reduction <maxsi>, %reduce_max3A, %reduce_max3A_70 [1, 2] : vector<1x8x32xi32> to vector<1xi32>
    %reduce_max3A_72 = vector.shape_cast %reduce_max3A_71 : vector<1xi32> to vector<1x1x1xi32>
    %reduce_max3A_73 = vector.extract %reduce_max3A_72[0, 0, 0] : i32 from vector<1x1x1xi32>
    %gt3A_74 = arith.constant 0.000000e+00 : f32
    %gt3A_75 = vector.broadcast %gt3A_74 : f32 to vector<8x32xf32>
    %gt3A_76 = arith.cmpf ogt, %add3A, %gt3A_75 : vector<8x32xf32>
    %le3A_77 = vector.broadcast %reduce_max3A_73 : i32 to vector<8x32xi32>
    %le3A_78 = arith.cmpi sle, %iota3A, %le3A_77 : vector<8x32xi32>
    %and3A_79 = arith.andi %gt3A_76, %le3A_78 : vector<8x32xi1>
    %and3A_80 = arith.andi %and3A_79, %and3A : vector<8x32xi1>
    %gt3A_81 = arith.constant 0.000000e+00 : f32
    %gt3A_82 = vector.broadcast %gt3A_81 : f32 to vector<8x32xf32>
    %gt3A_83 = arith.cmpf ogt, %concatenate3A, %gt3A_82 : vector<8x32xf32>
    %and3A_84 = arith.andi %and3A_80, %gt3A_83 : vector<8x32xi1>
    %max3A_85 = arith.constant 1.000000e+00 : f32
    %max3A_86 = vector.broadcast %max3A_85 : f32 to vector<8x32xf32>
    %max3A_87 = arith.maximumf %concatenate3A, %max3A_86 : vector<8x32xf32>
    %div3A_88 = arith.constant 1.000000e+00 : f32
    %div3A_89 = vector.broadcast %div3A_88 : f32 to vector<8x32xf32>
    %div3A_90 = arith.divf %div3A_89, %max3A_87 : vector<8x32xf32>
    %jit3A_91 = arith.constant 0.000000e+00 : f32
    %broadcast_in_dim3A_92 = vector.broadcast %jit3A_91 : f32 to vector<8x32xf32>
    %select_n3A_93 = arith.select %and3A_84, %div3A_90, %broadcast_in_dim3A_92 : vector<8x32xi1>, vector<8x32xf32>
    %gt3A_94 = arith.constant 0.000000e+00 : f32
    %gt3A_95 = vector.broadcast %gt3A_94 : f32 to vector<8x32xf32>
    %gt3A_96 = arith.cmpf ogt, %concatenate3A_50, %gt3A_95 : vector<8x32xf32>
    %and3A_97 = arith.andi %and3A_80, %gt3A_96 : vector<8x32xi1>
    %max3A_98 = arith.constant 1.000000e+00 : f32
    %max3A_99 = vector.broadcast %max3A_98 : f32 to vector<8x32xf32>
    %max3A_100 = arith.maximumf %concatenate3A_50, %max3A_99 : vector<8x32xf32>
    %div3A_101 = arith.constant 1.000000e+00 : f32
    %div3A_102 = vector.broadcast %div3A_101 : f32 to vector<8x32xf32>
    %div3A_103 = arith.divf %div3A_102, %max3A_100 : vector<8x32xf32>
    %jit3A_104 = arith.constant 0.000000e+00 : f32
    %broadcast_in_dim3A_105 = vector.broadcast %jit3A_104 : f32 to vector<8x32xf32>
    %select_n3A_106 = arith.select %and3A_97, %div3A_103, %broadcast_in_dim3A_105 : vector<8x32xi1>, vector<8x32xf32>
    %convert_element_type3A = arith.extui %and3A_80 : vector<8x32xi1> to vector<8x32xi32>
    %convert_element_type3A_107 = arith.sitofp %convert_element_type3A : vector<8x32xi32> to vector<8x32xf32>
    %reduce_sum3A_108 = vector.shape_cast %convert_element_type3A_107 : vector<8x32xf32> to vector<1x8x32xf32>
    %reduce_sum3A_109 = arith.constant dense<0.000000e+00> : vector<1xf32>
    %reduce_sum3A_110 = vector.multi_reduction <add>, %reduce_sum3A_108, %reduce_sum3A_109 [1, 2] : vector<1x8x32xf32> to vector<1xf32>
    %reduce_sum3A_111 = vector.shape_cast %reduce_sum3A_110 : vector<1xf32> to vector<1x1x1xf32>
    %reduce_sum3A_112 = vector.extract %reduce_sum3A_111[0, 0, 0] : f32 from vector<1x1x1xf32>
    %convert_element_type3A_113 = arith.extui %and3A_80 : vector<8x32xi1> to vector<8x32xi32>
    %convert_element_type3A_114 = arith.sitofp %convert_element_type3A_113 : vector<8x32xi32> to vector<8x32xf32>
    %broadcast_in_dim3A_115 = vector.shape_cast %div3A : vector<8x32xf32> to vector<8x32x1xf32>
    %broadcast_in_dim3A_116 = vector.broadcast %broadcast_in_dim3A_115 : vector<8x32x1xf32> to vector<8x32x32xf32>
    %broadcast_in_dim3A_117 = vector.shape_cast %div3A : vector<8x32xf32> to vector<8x1x32xf32>
    %broadcast_in_dim3A_118 = vector.broadcast %broadcast_in_dim3A_117 : vector<8x1x32xf32> to vector<8x32x32xf32>
    %broadcast_in_dim3A_119 = vector.shape_cast %convert_element_type3A_114 : vector<8x32xf32> to vector<8x32x1xf32>
    %broadcast_in_dim3A_120 = vector.broadcast %broadcast_in_dim3A_119 : vector<8x32x1xf32> to vector<8x32x32xf32>
    %broadcast_in_dim3A_121 = vector.shape_cast %convert_element_type3A_114 : vector<8x32xf32> to vector<8x1x32xf32>
    %broadcast_in_dim3A_122 = vector.broadcast %broadcast_in_dim3A_121 : vector<8x1x32xf32> to vector<8x32x32xf32>
    %iota3A_123 = tpu.iota {dimensions = array<i32: 1>} : vector<8x32x32xi32>
    %iota3A_124 = tpu.iota {dimensions = array<i32: 2>} : vector<8x32x32xi32>
    %mul3A = arith.mulf %broadcast_in_dim3A_120, %broadcast_in_dim3A_122 : vector<8x32x32xf32>
    %ne3A = arith.cmpi ne, %iota3A_123, %iota3A_124 : vector<8x32x32xi32>
    %convert_element_type3A_125 = arith.extui %ne3A : vector<8x32x32xi1> to vector<8x32x32xi32>
    %convert_element_type3A_126 = arith.sitofp %convert_element_type3A_125 : vector<8x32x32xi32> to vector<8x32x32xf32>
    %mul3A_127 = arith.mulf %mul3A, %convert_element_type3A_126 : vector<8x32x32xf32>
    %sub3A = arith.subf %broadcast_in_dim3A_116, %broadcast_in_dim3A_118 : vector<8x32x32xf32>
    %abs3A = math.absf %sub3A : vector<8x32x32xf32>
    %sub3A_128 = arith.constant 3.000000e+00 : f32
    %sub3A_129 = vector.broadcast %sub3A_128 : f32 to vector<8x32x32xf32>
    %sub3A_130 = arith.subf %sub3A_129, %abs3A : vector<8x32x32xf32>
    %max3A_131 = arith.constant 0.000000e+00 : f32
    %max3A_132 = vector.broadcast %max3A_131 : f32 to vector<8x32x32xf32>
    %max3A_133 = arith.maximumf %sub3A_130, %max3A_132 : vector<8x32x32xf32>
    %integer_pow3A = arith.mulf %max3A_133, %max3A_133 : vector<8x32x32xf32>
    %mul3A_134 = arith.mulf %integer_pow3A, %mul3A_127 : vector<8x32x32xf32>
    %reduce_sum3A_135 = vector.shape_cast %mul3A_134 : vector<8x32x32xf32> to vector<1x8x32x32xf32>
    %reduce_sum3A_136 = arith.constant dense<0.000000e+00> : vector<1xf32>
    %reduce_sum3A_137 = vector.multi_reduction <add>, %reduce_sum3A_135, %reduce_sum3A_136 [1, 2, 3] : vector<1x8x32x32xf32> to vector<1xf32>
    %reduce_sum3A_138 = vector.shape_cast %reduce_sum3A_137 : vector<1xf32> to vector<1x1x1x1xf32>
    %reduce_sum3A_139 = vector.extract %reduce_sum3A_138[0, 0, 0, 0] : f32 from vector<1x1x1x1xf32>
    %reduce_sum3A_140 = vector.shape_cast %mul3A_127 : vector<8x32x32xf32> to vector<1x8x32x32xf32>
    %reduce_sum3A_141 = arith.constant dense<0.000000e+00> : vector<1xf32>
    %reduce_sum3A_142 = vector.multi_reduction <add>, %reduce_sum3A_140, %reduce_sum3A_141 [1, 2, 3] : vector<1x8x32x32xf32> to vector<1xf32>
    %reduce_sum3A_143 = vector.shape_cast %reduce_sum3A_142 : vector<1xf32> to vector<1x1x1x1xf32>
    %reduce_sum3A_144 = vector.extract %reduce_sum3A_143[0, 0, 0, 0] : f32 from vector<1x1x1x1xf32>
    %gt3A_145 = arith.constant 0.000000e+00 : f32
    %gt3A_146 = arith.cmpf ogt, %reduce_sum3A_144, %gt3A_145 : f32
    %div3A_147 = arith.divf %reduce_sum3A_139, %reduce_sum3A_144 : f32
    %mul3A_148 = arith.constant 1.000000e+00 : f32
    %mul3A_149 = arith.mulf %div3A_147, %mul3A_148 : f32
    %jit3A_150 = arith.constant 0.000000e+00 : f32
    %select_n3A_151 = arith.select %gt3A_146, %mul3A_149, %jit3A_150 : f32
    %iota3A_152 = tpu.iota {dimensions = array<i32: 1>} : vector<1x32xi32>
    %eq3A = arith.constant 0 : i32
    %eq3A_153 = vector.broadcast %eq3A : i32 to vector<1x32xi32>
    %eq3A_154 = arith.cmpi eq, %iota3A_152, %eq3A_153 : vector<1x32xi32>
    %eq3A_155 = arith.constant 1 : i32
    %eq3A_156 = vector.broadcast %eq3A_155 : i32 to vector<1x32xi32>
    %eq3A_157 = arith.cmpi eq, %iota3A_152, %eq3A_156 : vector<1x32xi32>
    %jit3A_158 = arith.constant 0.000000e+00 : f32
    %broadcast_in_dim3A_159 = vector.broadcast %reduce_sum3A_112 : f32 to vector<1x32xf32>
    %broadcast_in_dim3A_160 = vector.broadcast %jit3A_158 : f32 to vector<1x32xf32>
    %select_n3A_161 = arith.select %eq3A_157, %broadcast_in_dim3A_159, %broadcast_in_dim3A_160 : vector<1x32xi1>, vector<1x32xf32>
    %broadcast_in_dim3A_162 = vector.broadcast %select_n3A_151 : f32 to vector<1x32xf32>
    %select_n3A_163 = arith.select %eq3A_154, %broadcast_in_dim3A_162, %select_n3A_161 : vector<1x32xi1>, vector<1x32xf32>
    %swap3A = arith.constant 0 : index
    %swap3A_164 = arith.constant 0 : index
    %swap3A_165 = arith.constant 0 : index
    %swap3A_166 = vector.load %arg1[%swap3A, %swap3A_164, %swap3A_165] : memref<4x8x32xf32, #tpu.memory_space<vmem>>, vector<1x8x32xf32>
    %swap3A_167 = vector.shape_cast %swap3A_166 : vector<1x8x32xf32> to vector<8x32xf32>
    %swap3A_168 = vector.shape_cast %div3A : vector<8x32xf32> to vector<1x8x32xf32>
    tpu.vector_store %arg1[%swap3A, %swap3A_164, %swap3A_165], %swap3A_168 {strides = array<i32>} : memref<4x8x32xf32, #tpu.memory_space<vmem>>, vector<1x8x32xf32>,
    %swap3A_169 = arith.constant 1 : index
    %swap3A_170 = arith.constant 0 : index
    %swap3A_171 = arith.constant 0 : index
    %swap3A_172 = vector.load %arg1[%swap3A_169, %swap3A_170, %swap3A_171] : memref<4x8x32xf32, #tpu.memory_space<vmem>>, vector<1x8x32xf32>
    %swap3A_173 = vector.shape_cast %swap3A_172 : vector<1x8x32xf32> to vector<8x32xf32>
    %swap3A_174 = vector.shape_cast %select_n3A_93 : vector<8x32xf32> to vector<1x8x32xf32>
    tpu.vector_store %arg1[%swap3A_169, %swap3A_170, %swap3A_171], %swap3A_174 {strides = array<i32>} : memref<4x8x32xf32, #tpu.memory_space<vmem>>, vector<1x8x32xf32>,
    %swap3A_175 = arith.constant 2 : index
    %swap3A_176 = arith.constant 0 : index
    %swap3A_177 = arith.constant 0 : index
    %swap3A_178 = vector.load %arg1[%swap3A_175, %swap3A_176, %swap3A_177] : memref<4x8x32xf32, #tpu.memory_space<vmem>>, vector<1x8x32xf32>
    %swap3A_179 = vector.shape_cast %swap3A_178 : vector<1x8x32xf32> to vector<8x32xf32>
    %swap3A_180 = vector.shape_cast %select_n3A_106 : vector<8x32xf32> to vector<1x8x32xf32>
    tpu.vector_store %arg1[%swap3A_175, %swap3A_176, %swap3A_177], %swap3A_180 {strides = array<i32>} : memref<4x8x32xf32, #tpu.memory_space<vmem>>, vector<1x8x32xf32>,
    %broadcast_in_dim3A_181 = vector.shape_cast %select_n3A_163 : vector<1x32xf32> to vector<1x32xf32>
    %broadcast_in_dim3A_182 = vector.broadcast %broadcast_in_dim3A_181 : vector<1x32xf32> to vector<8x32xf32>
    %swap3A_183 = arith.constant 3 : index
    %swap3A_184 = arith.constant 0 : index
    %swap3A_185 = arith.constant 0 : index
    %swap3A_186 = vector.load %arg1[%swap3A_183, %swap3A_184, %swap3A_185] : memref<4x8x32xf32, #tpu.memory_space<vmem>>, vector<1x8x32xf32>
    %swap3A_187 = vector.shape_cast %swap3A_186 : vector<1x8x32xf32> to vector<8x32xf32>
    %swap3A_188 = vector.shape_cast %broadcast_in_dim3A_182 : vector<8x32xf32> to vector<1x8x32xf32>
    tpu.vector_store %arg1[%swap3A_183, %swap3A_184, %swap3A_185], %swap3A_188 {strides = array<i32>} : memref<4x8x32xf32, #tpu.memory_space<vmem>>, vector<1x8x32xf32>,
    return
  }
}

module attributes {stable_mosaic.version = 14 : i64} {
  func.func @_tc_final_body(%arg0: memref<32x16xf32, #tpu.memory_space<vmem>>, %arg1: memref<4x8x32xf32, #tpu.memory_space<vmem>>, %arg2: memref<1x1xf32, #tpu.memory_space<vmem>>) attributes {dimension_semantics = [], scalar_prefetch = 0 : i64, scratch_operands = 0 : i64, tpu.core_type = #tpu.core_type<tc>} {
    %get3A = arith.constant 0 : index
    %get3A_0 = arith.constant 0 : index
    %get3A_1 = vector.load %arg0[%get3A, %get3A_0] : memref<32x16xf32, #tpu.memory_space<vmem>>, vector<32x16xf32>
    %reduce_sum3A = vector.shape_cast %get3A_1 : vector<32x16xf32> to vector<1x32x16xf32>
    %reduce_sum3A_2 = arith.constant dense<0.000000e+00> : vector<1xf32>
    %reduce_sum3A_3 = vector.multi_reduction <add>, %reduce_sum3A, %reduce_sum3A_2 [1, 2] : vector<1x32x16xf32> to vector<1xf32>
    %reduce_sum3A_4 = vector.shape_cast %reduce_sum3A_3 : vector<1xf32> to vector<1x1x1xf32>
    %reduce_sum3A_5 = vector.extract %reduce_sum3A_4[0, 0, 0] : f32 from vector<1x1x1xf32>
    %get3A_6 = arith.constant 3 : index
    %get3A_7 = arith.constant 0 : index
    %get3A_8 = arith.constant 0 : index
    %get3A_9 = vector.load %arg1[%get3A_6, %get3A_7, %get3A_8] : memref<4x8x32xf32, #tpu.memory_space<vmem>>, vector<1x1x32xf32>
    %get3A_10 = vector.shape_cast %get3A_9 : vector<1x1x32xf32> to vector<1x32xf32>
    %iota3A = tpu.iota {dimensions = array<i32: 1>} : vector<1x32xi32>
    %eq3A = arith.constant 0 : i32
    %eq3A_11 = vector.broadcast %eq3A : i32 to vector<1x32xi32>
    %eq3A_12 = arith.cmpi eq, %iota3A, %eq3A_11 : vector<1x32xi32>
    %jit3A = arith.constant 0.000000e+00 : f32
    %broadcast_in_dim3A = vector.broadcast %jit3A : f32 to vector<1x32xf32>
    %select_n3A = arith.select %eq3A_12, %get3A_10, %broadcast_in_dim3A : vector<1x32xi1>, vector<1x32xf32>
    %reduce_sum3A_13 = vector.shape_cast %select_n3A : vector<1x32xf32> to vector<1x1x32xf32>
    %reduce_sum3A_14 = arith.constant dense<0.000000e+00> : vector<1xf32>
    %reduce_sum3A_15 = vector.multi_reduction <add>, %reduce_sum3A_13, %reduce_sum3A_14 [1, 2] : vector<1x1x32xf32> to vector<1xf32>
    %reduce_sum3A_16 = vector.shape_cast %reduce_sum3A_15 : vector<1xf32> to vector<1x1x1xf32>
    %reduce_sum3A_17 = vector.extract %reduce_sum3A_16[0, 0, 0] : f32 from vector<1x1x1xf32>
    %eq3A_18 = arith.constant 1 : i32
    %eq3A_19 = vector.broadcast %eq3A_18 : i32 to vector<1x32xi32>
    %eq3A_20 = arith.cmpi eq, %iota3A, %eq3A_19 : vector<1x32xi32>
    %jit3A_21 = arith.constant 0.000000e+00 : f32
    %broadcast_in_dim3A_22 = vector.broadcast %jit3A_21 : f32 to vector<1x32xf32>
    %select_n3A_23 = arith.select %eq3A_20, %get3A_10, %broadcast_in_dim3A_22 : vector<1x32xi1>, vector<1x32xf32>
    %reduce_sum3A_24 = vector.shape_cast %select_n3A_23 : vector<1x32xf32> to vector<1x1x32xf32>
    %reduce_sum3A_25 = arith.constant dense<0.000000e+00> : vector<1xf32>
    %reduce_sum3A_26 = vector.multi_reduction <add>, %reduce_sum3A_24, %reduce_sum3A_25 [1, 2] : vector<1x1x32xf32> to vector<1xf32>
    %reduce_sum3A_27 = vector.shape_cast %reduce_sum3A_26 : vector<1xf32> to vector<1x1x1xf32>
    %reduce_sum3A_28 = vector.extract %reduce_sum3A_27[0, 0, 0] : f32 from vector<1x1x1xf32>
    %gt3A = arith.constant 0.000000e+00 : f32
    %gt3A_29 = arith.cmpf ogt, %reduce_sum3A_28, %gt3A : f32
    %div3A = arith.divf %reduce_sum3A_5, %reduce_sum3A_28 : f32
    %mul3A = arith.constant 1.000000e+00 : f32
    %mul3A_30 = arith.mulf %div3A, %mul3A : f32
    %jit3A_31 = arith.constant 0.000000e+00 : f32
    %select_n3A_32 = arith.select %gt3A_29, %mul3A_30, %jit3A_31 : f32
    %add3A = arith.addf %reduce_sum3A_17, %select_n3A_32 : f32
    %reshape3A = vector.broadcast %add3A : f32 to vector<1x1xf32>
    %swap3A = arith.constant 0 : index
    %swap3A_33 = arith.constant 0 : index
    %swap3A_34 = vector.load %arg2[%swap3A, %swap3A_33] : memref<1x1xf32, #tpu.memory_space<vmem>>, vector<1x1xf32>
    tpu.vector_store %arg2[%swap3A, %swap3A_33], %reshape3A {strides = array<i32>} : memref<1x1xf32, #tpu.memory_space<vmem>>, vector<1x1xf32>,
    return
  }
}

</mosaic_0001>

<sc_bundles>
// kernel: kernel.6.cloned.1.call-start
scs
__scs_entry_jumppad:
0x0: {  	(pc) =	sbr.rel $0x88, $3  }
0x1: {  	(tag) =	ssettag $0x0;
	lr =	simm.s32 $0x1  }
0x2: {  	[smem:$0x3F9D] =	sst lr;
	_ =	strace $0xD0000000  }
0x3: {  	_ = 	snop  }
0x4: {  	_ = 	snop  }
0x5: {  	_ = 	snop  }
0x6: {  	_ = 	snop  }
0x7: {  	_ = 	snop  }
__scs_overlays_trampoline_lowered:
0x8: {  	[smem:$0x3FAC] =	sst s0  }
0x9: {  	[smem:$0x3FAD] =	sst s1  }
0xa: {  	[smem:$0x3FAE] =	sst s2  }
0xb: {  	[smem:$0x3FAF] =	sst s3  }
0xc: {  	[smem:$0x3FB0] =	sst s4  }
0xd: {  	[smem:$0x3FB1] =	sst s5  }
0xe: {  	[smem:$0x3FB2] =	sst s6  }
0xf: {  	[smem:$0x3FB3] =	sst s7  }
0x10: {  	[smem:$0x3FB4] =	sst s8  }
0x11: {  	[smem:$0x3FB5] =	sst s9;
	s0 =	simm.s32 @!p0 $0x0  }
0x12: {  	s1 =	sld [smem:$0x3F9B];
	s0 =	simm.s32 @p0 $0x1  }
0x13: {  	[smem:$0x3FB6] =	sst s0;
	s0 =	simm.s32 @!p1 $0x0  }
0x14: {  	s2 =	sld [smem:$0x3F9A];
	s0 =	simm.s32 @p1 $0x1  }
0x15: {  	[smem:$0x3FB7] =	sst s0;
	s0 =	simm.s32 @!p2 $0x0  }
0x16: {  	s3 =	sld [smem:$0x3FDB];
	s0 =	simm.s32 @p2 $0x1  }
0x17: {  	s4 =	simm.s32 $0x1BF5;
	[smem:$0x3FB9] =	sst s0  }
0x18: {  	s0 =	sld [smem:$0x3F9C];
	_ =	swait.ge [sflag:s4], $0x0  }
0x19: {  	s7 =	sld [smem:$0x3F9D]  }
0x1a: {  	s8 =	sadd.s32 $0xFFFFE003, lr  }
0x1b: {  	s9 =	sadd.s32 $0xFFFFFEF7, lr;
	s5 =	simm.s32 $0xFFFFFFFF;
	p2 =	slt.u32 s8, $0xFFFFF086  }
0x1c: {  	p1 =	slt.u32 s9, $0xF7A;
	s5 =	simm.s32 @!p2 $0x0  }
0x1d: {  	s5 =	simm.s32 @p1 $0x1;
	p0 =	seq.s32 s7, s2  }
0x1e: {  	s7 =	smul.u32 @!p0 $0xF7A, s2;
	p2 =	seq.s32 @!p0 s5, $0x0  }
0x1f: {  	s9 =	smul.u32 $0xF7A, s1;
	s8 =	simm.s32 @!p0 $0x1BF5;
	p2 =	por !p2, p0  }
0x20: {  	[sflag:s8] =	ssyncset.s32 @!p0 $0xFFFFF086;
	s6 =	sadd.s32 @!p0 s3, s7;
	s7 =	simm.s32 @!p0 $0x108  }
0x21: {  	s3 =	sadd.s32 s3, s9;
	s6 =	sadd.s32 @!p0 $0x88, s6;
	s7 =	simm.s32 @p2 $0x1082  }
0x22: {  	[simem:s7], [sflag:s8] =	dma.local @!p0 [hbm:s6], $0xF7A  }
0x23: {  	s9 =	sor.u32 $0xD0000000, s2;
	s6 =	simm.s32 $0x108;
	_ =	swait.ge @!p0 [sflag:s8], $0x0  }
0x24: {  	s3 =	sadd.s32 $0x88, s3;
	s6 =	simm.s32 @!p1 $0x1082;
	[sflag:s4] =	ssyncset.s32 $0xFFFFF086  }
0x25: {  	[simem:s6], [sflag:s4] =	dma.local [hbm:s3], $0xF7A  }
0x26: {  	[smem:$0x3F9D] =	sst s1;
	(tag) =	ssettag s2;
	_ =	strace s9  }
0x27: {  	s1 =	sld [smem:$0x3FAD]  }
0x28: {  	s2 =	sld [smem:$0x3FAE]  }
0x29: {  	s4 =	sld [smem:$0x3FB0]  }
0x2a: {  	p0 =	seq.s32 s5, $0x0;
	s5 =	sld [smem:$0x3FB1]  }
0x2b: {  	s6 =	sld [smem:$0x3FB2]  }
0x2c: {  	s7 =	sld [smem:$0x3FB3]  }
0x2d: {  	s3 =	simm.s32 $0x108;
	s8 =	sld [smem:$0x3FB4]  }
0x2e: {  	s3 =	simm.s32 @!p0 $0x1082;
	s9 =	sld [smem:$0x3FB5]  }
0x2f: {  	lr =	sadd.s32 s0, s3;
	s0 =	sld [smem:$0x3FAC]  }
0x30: {  	s3 =	sld [smem:$0x3FAF]  }
0x31: {  	[smem:$0x3FB8] =	sst s10  }
0x32: {  	s10 =	sld [smem:$0x3FB6];
	_ =	sdelay $0x3  }
0x33: {  	p0 =	seq.s32 s10, $0x1;
	s10 =	sld [smem:$0x3FB8];
	_ =	sdelay $0x3  }
0x34: {  	[smem:$0x3FB8] =	sst s10  }
0x35: {  	s10 =	sld [smem:$0x3FB7];
	_ =	sdelay $0x3  }
0x36: {  	p1 =	seq.s32 s10, $0x1;
	s10 =	sld [smem:$0x3FB8];
	_ =	sdelay $0x3  }
0x37: {  	[smem:$0x3FB8] =	sst s10  }
0x38: {  	s10 =	sld [smem:$0x3FB9]  }
0x39: {  	_ = 	snop;
	(pc) =	sbr.ind lr, $3  }
0x3a: {  	_ = 	snop  }
0x3b: {  	_ = 	snop  }
0x3c: {  	p2 =	seq.s32 s10, $0x1;
	s10 =	sld [smem:$0x3FB8]  }
0x3d: {  	_ =	shalt  }
0x3e: {  	_ =	shalt  }
0x3f: {  	_ =	shalt  }
0x40: {  	_ =	shalt  }
0x41: {  	_ =	shalt  }
0x42: {  	_ =	shalt  }
0x43: {  	_ =	shalt  }
0x44: {  	_ =	shalt  }
0x45: {  	_ =	shalt  }
0x46: {  	_ =	shalt  }
0x47: {  	_ =	shalt  }
0x48: {  	_ =	shalt  }
0x49: {  	_ =	shalt  }
0x4a: {  	_ =	shalt  }
0x4b: {  	_ =	shalt  }
0x4c: {  	_ =	shalt  }
0x4d: {  	_ =	shalt  }
0x4e: {  	_ =	shalt  }
0x4f: {  	_ =	shalt  }
0x50: {  	_ =	shalt  }
0x51: {  	_ =	shalt  }
0x52: {  	_ =	shalt  }
0x53: {  	_ =	shalt  }
0x54: {  	_ =	shalt  }
0x55: {  	_ =	shalt  }
0x56: {  	_ =	shalt  }
0x57: {  	_ =	shalt  }
0x58: {  	_ =	shalt  }
0x59: {  	_ =	shalt  }
0x5a: {  	_ =	shalt  }
0x5b: {  	_ =	shalt  }
0x5c: {  	_ =	shalt  }
0x5d: {  	_ =	shalt  }
0x5e: {  	_ =	shalt  }
0x5f: {  	_ =	shalt  }
0x60: {  	_ =	shalt  }
0x61: {  	_ =	shalt  }
0x62: {  	_ =	shalt  }
0x63: {  	_ =	shalt  }
0x64: {  	_ =	shalt  }
0x65: {  	_ =	shalt  }
0x66: {  	_ =	shalt  }
0x67: {  	_ =	shalt  }
0x68: {  	_ =	shalt  }
0x69: {  	_ =	shalt  }
0x6a: {  	_ =	shalt  }
0x6b: {  	_ =	shalt  }
0x6c: {  	_ =	shalt  }
0x6d: {  	_ =	shalt  }
0x6e: {  	_ =	shalt  }
0x6f: {  	_ =	shalt  }
0x70: {  	_ =	shalt  }
0x71: {  	_ =	shalt  }
0x72: {  	_ =	shalt  }
0x73: {  	_ =	shalt  }
0x74: {  	_ =	shalt  }
0x75: {  	_ =	shalt  }
0x76: {  	_ =	shalt  }
0x77: {  	_ =	shalt  }
0x78: {  	_ =	shalt  }
0x79: {  	_ =	shalt  }
0x7a: {  	_ =	shalt  }
0x7b: {  	_ =	shalt  }
0x7c: {  	_ =	shalt  }
0x7d: {  	_ =	shalt  }
0x7e: {  	_ =	shalt  }
0x7f: {  	_ =	shalt  }
0x80: {  	_ =	shalt  }
0x81: {  	_ =	shalt  }
0x82: {  	_ =	shalt  }
0x83: {  	_ =	shalt  }
0x84: {  	_ =	shalt  }
0x85: {  	_ =	shalt  }
0x86: {  	_ =	shalt  }
0x87: {  	_ =	shalt  }
.Lfunc_end0:
.L_simem_size_0:
called_computation_lowered:
.L_overlay_start_0:
0x88: {  	s2 =	sld [smem:$0x3FD9]  }
0x89: {  	s3 =	sld [smem:$0x3FFE];
	_ =	sdelay $0x1  }
0x8a: {  	s1 =	srdreg.scid  }
0x8b: {  	s0 =	sand.u32 $0x1, s1  }
0x8c: {  	s16 =	sshll.u32 s0, $0xA;
	s2 =	sadd.s32 s3, s2  }
0x8d: {  	s2 =	sadd.s32 s2, s16  }
0x8e: {  	[smem:$0x3FC4] =	sst s2  }
0x8f: {  	_ = 	snop  }
0x90: {  	(tm) =	ssettm $0x1  }
0x91: {  	s17 =	sld [smem:$0x3FFB];
	_ =	sdelay $0x3  }
0x92: {  	_ =	strace s17  }
0x93: {  	s2 =	sld [smem:$0x3FFC];
	_ =	sdelay $0x3  }
0x94: {  	_ =	strace s2  }
0x95: {  	s2 =	sld [smem:$0x3FFD];
	_ =	sdelay $0x3  }
0x96: {  	_ =	strace s2  }
0x97: {  	_ =	strace $0x8FFFFFFF  }
0x98: {  	s18 =	sld [smem:$0x3FDB];
	_ =	sdelay $0x1  }
0x99: {  	s19 =	simm.s32 $_scs_section_size  }
0x9a: {  	s4 =	simm.s32 $_size__tile_overlayer_lowered;
	s5 =	simm.s32 $_tile_overlayer_lowered  }
0x9b: {  	s22 =	simm.s32 $0x1BFF;
	s21 =	sshll.u32 s5, $0x1;
	s2 =	sadd.s32 s19, s18  }
0x9c: {  	s6 =	simm.s32 $0x0;
	s20 =	sshll.u32 s4, $0x1;
	s4 =	sadd.s32 s21, s2  }
0x9d: {  	[timem:s6], [sflag:s22] =	dma.local [hbm:s4], s20  }
0x9e: {  	_ =	swait.ge [sflag:s22], s20  }
0x9f: {  	s3 =	ssub.s32 $0x0, s20;
	[sflag:s22] =	ssyncset.done $0x0  }
0xa0: {  	[sflag:s22] =	ssyncadd.s32 s3;
	_ =	sdelay $0x1  }
0xa1: {  	s23 =	simm.s32 $0x1B8B  }
0xa2: {  	_ =	swait.ge [sflag:s23], $0x1  }
0xa3: {  	[sflag:s23] =	ssyncset.done $0x0  }
0xa4: {  	s25 =	simm.s32 $0x1B8E;
	s24 =	sld [smem:$0x3FFE];
	[sflag:s23] =	ssyncadd.s32 $0xFFFFFFFF  }
0xa5: {  	s26 =	simm.s32 $execute0_lowered;
	[smem:$0x3FD2] =	sst s25  }
0xa6: {  	s4 =	sshll.u32 s26, $0x1;
	_ =	strace $0x80000046;
	[dreg:$0x1] =	wrdreg $0xFFFFFFFF  }
0xa7: {  	s28 =	simm.s32 $_size_execute0_lowered;
	s2 =	sadd.s32 s2, s4;
	[dreg:$0x0] =	wrdreg $0x0  }
0xa8: {  	s4 =	sshll.u32 s28, $0x1;
	[dreg:$0x2] =	wrdreg s2  }
0xa9: {  	[dreg:$0x3] =	wrdreg s4  }
0xaa: {  	[dreg:$0x4] =	wrdreg $0xC0  }
0xab: {  	_ =	task [dreg:s6], $0x5FFFF  }
0xac: {  	[dreg:$0x1] =	wrdreg $0xFFFFFFFF  }
0xad: {  	[dreg:$0x0] =	wrdreg $0x60  }
0xae: {  	[dreg:$0x2] =	wrdreg s24  }
0xaf: {  	[dreg:$0x3] =	wrdreg $0x9  }
0xb0: {  	_ =	task.clear_ibuf [dreg:s6], $0x4FFFF;
	_ =	strace $0x90000046  }
0xb1: {  	s29 =	simm.s32 $0x9;
	_ =	strace $0x80000048  }
0xb2: {  	_ =	swait.ge [sflag:s29], $0x1  }
0xb3: {  	[sflag:s29] =	ssyncadd.s32 $0xFFFFFFFF  }
0xb4: {  	_ =	strace $0x90000048  }
0xb5: {  	_ =	sfence  }
0xb6: {  	s30 =	sld [smem:$0x0];
	_ =	sdelay $0x2  }
0xb7: {  	s31 =	sshll.u32 s1, $0xD;
	s1 =	sshrl.u32 s1, $0x2  }
0xb8: {  	s3 =	sand.u32 $0x4000, s31;
	s1 =	sadd.s32 s1, s30  }
0xb9: {  	s0 =	sor.u32 s3, s0;
	s1 =	sshll.u32 s1, $0x11  }
0xba: {  	s0 =	sor.u32 s1, s0  }
0xbb: {  	s0 =	sadd.s32 $0x8F2B, s0  }
0xbc: {  	[sflag:s0] =	ssyncadd.remote.s32 $0x1  }
0xbd: {  	_ =	sfence.sel $0xFFFF  }
0xbe: {  	[dreg:$0x0] =	wrdreg $0xFFFFFFFF;
	(pc) =	sbr.abs _section_cstart, $3  }
0xbf: {  	[dreg:$0x1] =	wrdreg $0xFFFFFFFF  }
0xc0: {  	_ =	task.clear_ibuf [dreg:s6], $0x2FFFF;
	_ =	strace $0x9FFFFFFF  }
0xc1: {  	(tm) =	ssettm $0x7FFFFFFF  }
tec
execute0_lowered:
.L_overlay_start_1:
0x0: {  	(tag) =	ssettag $0x1  }
0x1: {  	s0 =	rddreg [dreg:$0x0];
	s2 =	simm.s32 $0x0  }
0x2: {  	s1 =	srdreg.scid;
	s7 =	stileid.u32;
	s29 =	simm.s32 $0x80  }
0x3: {  	s30 =	simm.s32 $0x400;
	s31 =	simm.s32 $0x1;
	[smem:$0x7FF] =	sst s2  }
0x4: {  	s1 =	sand.u32 $0x1, s1;
	s3 =	sshll.u32 s7, $0x1;
	s4 =	sadd.s32 $0x21A00, s0  }
0x5: {  	s5 =	sadd.s32 $0x61A00, s0;
	s7 =	sshll.u32 s7, $0x6;
	s8 =	sadd.s32 $0x1A00, s0  }
0x6: {  	s22 =	sadd.s32 $0x11A00, s0;
	_ =	strace $0x80000047;
	s3 =	sor.u32 s1, s3  }
0x7: {  	s7 =	sand.u32 $0x380, s7;
	s1 =	ssub.s32 $0x2, s1;
	s6 =	sand.u32 $0x3, s3  }
0x8: {  	s3 =	sshll.u32 s3, $0x6;
	s10 =	sshrl.u32 s1, $0x1;
	s9 =	sshll.u32 s6, $0x13  }
0x9: {  	s0 =	sadd.s32 s3, s0;
	s1 =	ssub.s32 s1, s10;
	s6 =	sshll.u32 s6, $0x11  }
0xa: {  	s9 =	sor.u32 s7, s9;
	s6 =	sor.u32 s7, s6;
	s28 =	smax.u32 s1, $0x1  }
0xb: {  	s1 =	simm.s32 $0x4200;
	s7 =	simm.s32 $0x0;
	s9 =	sshrl.u32 s9, $0x3  }
0xc: {  	s25 =	sshrl.u32 s6, $0x3;
	s6 =	simm.s32 $0x4800;
	s15 =	sor.u32 $0x2000, s9  }
0xd: {  	v0 =	vlaneseq.u32;
	s16 =	sadd.s32 s4, s9;
	s17 =	sadd.s32 s5, s9;
	s19 =	sor.u32 $0x4000, s9  }
0xe: {  	v1 =	vmul.u32 $0x10, v0;
	s20 =	sor.u32 $0x6000, s9;
	s23 =	sor.u32 $0x8000, s9;
	s14 =	sor.u32 $0xA000, s9  }
0xf: {  	s24 =	sor.u32 $0xC000, s9;
	s9 =	sor.u32 $0xE000, s9;
	[dreg:$0x2] =	wrdreg s16  }
0x10: {  	v2 =	vimm.f32 $0.0e+00;
	v3 =	vimm.f32 $1.000000000e+00;
	v4 =	vor.u32 $0x1, v1;
	s26 =	sor.u32 $0x2000, s25;
	[dreg:$0x3] =	wrdreg s17;
	s18 =	sadd.s32 s4, s15  }
0x11: {  	v5 =	vor.u32 $0x2, v1;
	v6 =	vor.u32 $0x3, v1;
	v7 =	vor.u32 $0x4, v1;
	s3 =	sadd.s32 s5, s15;
	s11 =	sadd.s32 s4, s19;
	s21 =	sadd.s32 s4, s20  }
0x12: {  	v8 =	vor.u32 $0x5, v1;
	v9 =	vor.u32 $0x6, v1;
	v10 =	vor.u32 $0x7, v1;
	s10 =	sadd.s32 s5, s20;
	s12 =	sadd.s32 s5, s23;
	s13 =	sadd.s32 s4, s14  }
0x13: {  	v11 =	vor.u32 $0x8, v1;
	v12 =	vor.u32 $0x9, v1;
	v13 =	vor.u32 $0xA, v1;
	s14 =	sadd.s32 s5, s14;
	s15 =	sadd.s32 s4, s24;
	[dreg:$0x4] =	wrdreg s18  }
0x14: {  	v14 =	vor.u32 $0xB, v1;
	v15 =	vor.u32 $0xC, v1;
	v16 =	vor.u32 $0xD, v1;
	s16 =	sadd.s32 s5, s24;
	s17 =	sadd.s32 s4, s9;
	[dreg:$0x5] =	wrdreg s3  }
0x15: {  	v17 =	vor.u32 $0xE, v1;
	v18 =	vor.u32 $0xF, v1;
	v19 =	vor.u32 $0x100, v1;
	s20 =	sadd.s32 s22, s25;
	s22 =	sadd.s32 s22, s26;
	[dreg:$0x6] =	wrdreg s11  }
0x16: {  	v20 =	vor.u32 $0x101, v1;
	v21 =	vor.u32 $0x102, v1;
	v22 =	vor.u32 $0x103, v1;
	s24 =	sadd.s32 $0xA1A10, s0;
	s3 =	sadd.s32 s5, s19;
	[dreg:$0x8] =	wrdreg s21  }
0x17: {  	v23 =	vor.u32 $0x104, v1;
	v24 =	vor.u32 $0x105, v1;
	v25 =	vor.u32 $0x106, v1;
	s11 =	sadd.s32 s4, s23;
	s18 =	sadd.s32 s5, s9;
	s19 =	sadd.s32 s8, s25  }
0x18: {  	v26 =	vor.u32 $0x107, v1;
	v27 =	vor.u32 $0x108, v1;
	v28 =	vor.u32 $0x109, v1;
	s21 =	sadd.s32 s8, s26;
	s23 =	sadd.s32 $0xA1A00, s0;
	s25 =	sadd.s32 $0xA1A20, s0  }
0x19: {  	v29 =	vor.u32 $0x10A, v1;
	v30 =	vor.u32 $0x10B, v1;
	v31 =	vor.u32 $0x10C, v1;
	s26 =	sadd.s32 $0xA1A30, s0;
	s0 =	simm.s32 $0x2000;
	s4 =	simm.s32 $0x4600  }
0x1a: {  	v32 =	vor.u32 $0x10D, v1;
	v33 =	vor.u32 $0x10E, v1;
	v34 =	vor.u32 $0x10F, v1;
	s5 =	simm.s32 $0x4400;
	[dreg:$0x7] =	wrdreg s3;
	s3 =	simm.s32 $0x4000  }
.LBB2_1:
0x1b: {  	[tilespmem:$0x4000] =	vst v2  }
0x1c: {  	[tilespmem:$0x4200] =	vst v2  }
0x1d: {  	[tilespmem:$0x4400] =	vst v2  }
0x1e: {  	[tilespmem:$0x4600] =	vst v2  }
0x1f: {  	[tilespmem:$0x4010] =	vst v2  }
0x20: {  	[tilespmem:$0x4210] =	vst v2  }
0x21: {  	[tilespmem:$0x4410] =	vst v2  }
0x22: {  	[tilespmem:$0x4610] =	vst v2  }
0x23: {  	[tilespmem:$0x4020] =	vst v2  }
0x24: {  	[tilespmem:$0x4220] =	vst v2  }
0x25: {  	[tilespmem:$0x4420] =	vst v2  }
0x26: {  	[tilespmem:$0x4620] =	vst v2  }
0x27: {  	[tilespmem:$0x4030] =	vst v2  }
0x28: {  	[tilespmem:$0x4230] =	vst v2  }
0x29: {  	[tilespmem:$0x4430] =	vst v2  }
0x2a: {  	[tilespmem:$0x4630] =	vst v2  }
0x2b: {  	[tilespmem:$0x4040] =	vst v2  }
0x2c: {  	[tilespmem:$0x4240] =	vst v2  }
0x2d: {  	[tilespmem:$0x4440] =	vst v2  }
0x2e: {  	[tilespmem:$0x4640] =	vst v2  }
0x2f: {  	[tilespmem:$0x4050] =	vst v2  }
0x30: {  	[tilespmem:$0x4250] =	vst v2  }
0x31: {  	[tilespmem:$0x4450] =	vst v2  }
0x32: {  	[tilespmem:$0x4650] =	vst v2  }
0x33: {  	[tilespmem:$0x4060] =	vst v2  }
0x34: {  	[tilespmem:$0x4260] =	vst v2  }
0x35: {  	[tilespmem:$0x4460] =	vst v2  }
0x36: {  	[tilespmem:$0x4660] =	vst v2  }
0x37: {  	[tilespmem:$0x4070] =	vst v2  }
0x38: {  	[tilespmem:$0x4270] =	vst v2  }
0x39: {  	[tilespmem:$0x4470] =	vst v2  }
0x3a: {  	[tilespmem:$0x4670] =	vst v2  }
0x3b: {  	[tilespmem:$0x4080] =	vst v2  }
0x3c: {  	[tilespmem:$0x4280] =	vst v2  }
0x3d: {  	[tilespmem:$0x4480] =	vst v2  }
0x3e: {  	[tilespmem:$0x4680] =	vst v2  }
0x3f: {  	[tilespmem:$0x4090] =	vst v2  }
0x40: {  	[tilespmem:$0x4290] =	vst v2  }
0x41: {  	[tilespmem:$0x4490] =	vst v2  }
0x42: {  	[tilespmem:$0x4690] =	vst v2  }
0x43: {  	[tilespmem:$0x40A0] =	vst v2  }
0x44: {  	[tilespmem:$0x42A0] =	vst v2  }
0x45: {  	[tilespmem:$0x44A0] =	vst v2  }
0x46: {  	[tilespmem:$0x46A0] =	vst v2  }
0x47: {  	[tilespmem:$0x40B0] =	vst v2  }
0x48: {  	[tilespmem:$0x42B0] =	vst v2  }
0x49: {  	[tilespmem:$0x44B0] =	vst v2  }
0x4a: {  	[tilespmem:$0x46B0] =	vst v2  }
0x4b: {  	[tilespmem:$0x40C0] =	vst v2  }
0x4c: {  	[tilespmem:$0x42C0] =	vst v2  }
0x4d: {  	[tilespmem:$0x44C0] =	vst v2  }
0x4e: {  	[tilespmem:$0x46C0] =	vst v2  }
0x4f: {  	[tilespmem:$0x40D0] =	vst v2  }
0x50: {  	[tilespmem:$0x42D0] =	vst v2  }
0x51: {  	[tilespmem:$0x44D0] =	vst v2  }
0x52: {  	[tilespmem:$0x46D0] =	vst v2  }
0x53: {  	[tilespmem:$0x40E0] =	vst v2  }
0x54: {  	[tilespmem:$0x42E0] =	vst v2  }
0x55: {  	[tilespmem:$0x44E0] =	vst v2  }
0x56: {  	[tilespmem:$0x46E0] =	vst v2  }
0x57: {  	[tilespmem:$0x40F0] =	vst v2  }
0x58: {  	[tilespmem:$0x42F0] =	vst v2  }
0x59: {  	[tilespmem:$0x44F0] =	vst v2  }
0x5a: {  	[tilespmem:$0x46F0] =	vst v2  }
0x5b: {  	[tilespmem:$0x4100] =	vst v2  }
0x5c: {  	[tilespmem:$0x4300] =	vst v2  }
0x5d: {  	[tilespmem:$0x4500] =	vst v2  }
0x5e: {  	[tilespmem:$0x4700] =	vst v2  }
0x5f: {  	[tilespmem:$0x4110] =	vst v2  }
0x60: {  	[tilespmem:$0x4310] =	vst v2  }
0x61: {  	[tilespmem:$0x4510] =	vst v2  }
0x62: {  	[tilespmem:$0x4710] =	vst v2  }
0x63: {  	[tilespmem:$0x4120] =	vst v2  }
0x64: {  	[tilespmem:$0x4320] =	vst v2  }
0x65: {  	[tilespmem:$0x4520] =	vst v2  }
0x66: {  	[tilespmem:$0x4720] =	vst v2  }
0x67: {  	[tilespmem:$0x4130] =	vst v2  }
0x68: {  	[tilespmem:$0x4330] =	vst v2  }
0x69: {  	[tilespmem:$0x4530] =	vst v2  }
0x6a: {  	[tilespmem:$0x4730] =	vst v2  }
0x6b: {  	[tilespmem:$0x4140] =	vst v2  }
0x6c: {  	[tilespmem:$0x4340] =	vst v2  }
0x6d: {  	[tilespmem:$0x4540] =	vst v2  }
0x6e: {  	[tilespmem:$0x4740] =	vst v2  }
0x6f: {  	[tilespmem:$0x4150] =	vst v2  }
0x70: {  	[tilespmem:$0x4350] =	vst v2  }
0x71: {  	[tilespmem:$0x4550] =	vst v2  }
0x72: {  	[tilespmem:$0x4750] =	vst v2  }
0x73: {  	[tilespmem:$0x4160] =	vst v2  }
0x74: {  	[tilespmem:$0x4360] =	vst v2  }
0x75: {  	[tilespmem:$0x4560] =	vst v2  }
0x76: {  	[tilespmem:$0x4760] =	vst v2  }
0x77: {  	[tilespmem:$0x4170] =	vst v2  }
0x78: {  	[tilespmem:$0x4370] =	vst v2  }
0x79: {  	[tilespmem:$0x4570] =	vst v2  }
0x7a: {  	[tilespmem:$0x4770] =	vst v2  }
0x7b: {  	[tilespmem:$0x4180] =	vst v2  }
0x7c: {  	[tilespmem:$0x4380] =	vst v2  }
0x7d: {  	[tilespmem:$0x4580] =	vst v2  }
0x7e: {  	[tilespmem:$0x4780] =	vst v2  }
0x7f: {  	[tilespmem:$0x4190] =	vst v2  }
0x80: {  	[tilespmem:$0x4390] =	vst v2  }
0x81: {  	[tilespmem:$0x4590] =	vst v2  }
0x82: {  	[tilespmem:$0x4790] =	vst v2  }
0x83: {  	[tilespmem:$0x41A0] =	vst v2  }
0x84: {  	[tilespmem:$0x43A0] =	vst v2  }
0x85: {  	[tilespmem:$0x45A0] =	vst v2  }
0x86: {  	[tilespmem:$0x47A0] =	vst v2  }
0x87: {  	[tilespmem:$0x41B0] =	vst v2  }
0x88: {  	[tilespmem:$0x43B0] =	vst v2  }
0x89: {  	[tilespmem:$0x45B0] =	vst v2  }
0x8a: {  	[tilespmem:$0x47B0] =	vst v2  }
0x8b: {  	[tilespmem:$0x41C0] =	vst v2  }
0x8c: {  	[tilespmem:$0x43C0] =	vst v2  }
0x8d: {  	[tilespmem:$0x45C0] =	vst v2  }
0x8e: {  	[tilespmem:$0x47C0] =	vst v2  }
0x8f: {  	[tilespmem:$0x41D0] =	vst v2  }
0x90: {  	[tilespmem:$0x43D0] =	vst v2  }
0x91: {  	[tilespmem:$0x45D0] =	vst v2  }
0x92: {  	[tilespmem:$0x47D0] =	vst v2  }
0x93: {  	[tilespmem:$0x41E0] =	vst v2  }
0x94: {  	[tilespmem:$0x43E0] =	vst v2  }
0x95: {  	[tilespmem:$0x45E0] =	vst v2  }
0x96: {  	[tilespmem:$0x47E0] =	vst v2  }
0x97: {  	[tilespmem:$0x41F0] =	vst v2  }
0x98: {  	[tilespmem:$0x43F0] =	vst v2  }
0x99: {  	[tilespmem:$0x45F0] =	vst v2  }
0x9a: {  	[tilespmem:$0x47F0] =	vst v2;
	s8 =	rddreg [dreg:$0x2]  }
0x9b: {  	[tilespmem:s2], [sflag:$0x1] =	stream.strided.gather [hbm4b:s8+s29], $0x2000, s30, s29, $0x38;
	[tilespmem:$0x4880] =	vst v63  }
0x9c: {  	_ =	swait.ge [sflag:s31], $0x2000  }
0x9d: {  	[sflag:s31] =	ssyncset.done $0x0  }
0x9e: {  	s9 =	rddreg [dreg:$0x3];
	[sflag:s31] =	ssyncadd.s32 $0xFFFFE000  }
0x9f: {  	[tilespmem:s0], [sflag:$0x1] =	stream.strided.gather [hbm4b:s9+s29], $0x2000, s30, s29, $0x38;
	[tilespmem:$0x4880] =	vst v63  }
0xa0: {  	_ =	swait.ge [sflag:s31], $0x2000  }
0xa1: {  	[sflag:s31] =	ssyncset.done $0x0  }
0xa2: {  	s9 =	simm.s32 $0x0;
	[sflag:s31] =	ssyncadd.s32 $0xFFFFE000  }
0xa3: {  	s8 =	simm.s32 $0x40;
	v35 =	vld [tilespmem:s9+$0x2000]  }
.LBB2_2:
0xa4: {  	p0 =	sne.s32 s8, $0x7FC0;
	_ =	sdelay $0x3  }
0xa5: {  	v35 =	vshll.u32 v35, $0x4  }
0xa6: {  	v36 =	vld [tilespmem:s9+$0x0];
	v35 =	vor.u32 v0, v35;
	_ =	sdelay $0x2  }
.Ltmp0:
0xa7: {  	(pc) =	sbr.rel @p0 .LBB2_2-.Ltmp0, $4  }
0xa8: {  	_ = 	snop  }
0xa9: {  	[tilespmem:v35+s1+$0x0] =	vst.idx.add.f32.msk $0xffff, v36  }
0xaa: {  	s9 =	sshra.s32 s8, $0x2;
	[tilespmem:v35+s3+$0x0] =	vst.idx.add.f32.msk $0xffff, v3  }
0xab: {  	s8 =	sadd.s32 $0x40, s8;
	v35 =	vld [tilespmem:s9+$0x2000]  }
0xac: {  	_ =	sdelay $0x3  }
0xad: {  	v35 =	vshll.u32 v35, $0x4  }
0xae: {  	v36 =	vld [tilespmem:s9+$0x0];
	v35 =	vor.u32 v0, v35;
	_ =	sdelay $0x4  }
0xaf: {  	[tilespmem:v35+s1+$0x0] =	vst.idx.add.f32.msk $0xffff, v36  }
0xb0: {  	s8 =	simm.s32 $0x0;
	s9 =	rddreg [dreg:$0x4];
	[tilespmem:v35+s3+$0x0] =	vst.idx.add.f32.msk $0xffff, v3  }
0xb1: {  	[tilespmem:s8], [sflag:$0x1] =	stream.strided.gather [hbm4b:s9+s29], $0x2000, s30, s29, $0x38;
	[tilespmem:$0x4880] =	vst v63  }
0xb2: {  	_ =	swait.ge [sflag:s31], $0x2000  }
0xb3: {  	[sflag:s31] =	ssyncset.done $0x0  }
0xb4: {  	s9 =	rddreg [dreg:$0x5];
	[sflag:s31] =	ssyncadd.s32 $0xFFFFE000  }
0xb5: {  	[tilespmem:s0], [sflag:$0x1] =	stream.strided.gather [hbm4b:s9+s29], $0x2000, s30, s29, $0x38;
	[tilespmem:$0x4880] =	vst v63  }
0xb6: {  	_ =	swait.ge [sflag:s31], $0x2000  }
0xb7: {  	[sflag:s31] =	ssyncset.done $0x0  }
0xb8: {  	s9 =	simm.s32 $0x0;
	[sflag:s31] =	ssyncadd.s32 $0xFFFFE000  }
0xb9: {  	s8 =	simm.s32 $0x40;
	v35 =	vld [tilespmem:s9+$0x2000]  }
.LBB2_4:
0xba: {  	p0 =	sne.s32 s8, $0x7FC0;
	_ =	sdelay $0x3  }
0xbb: {  	v35 =	vshll.u32 v35, $0x4  }
0xbc: {  	v36 =	vld [tilespmem:s9+$0x0];
	v35 =	vor.u32 v0, v35;
	_ =	sdelay $0x2  }
.Ltmp1:
0xbd: {  	(pc) =	sbr.rel @p0 .LBB2_4-.Ltmp1, $4  }
0xbe: {  	_ = 	snop  }
0xbf: {  	[tilespmem:v35+s1+$0x0] =	vst.idx.add.f32.msk $0xffff, v36  }
0xc0: {  	s9 =	sshra.s32 s8, $0x2;
	[tilespmem:v35+s3+$0x0] =	vst.idx.add.f32.msk $0xffff, v3  }
0xc1: {  	s8 =	sadd.s32 $0x40, s8;
	v35 =	vld [tilespmem:s9+$0x2000]  }
0xc2: {  	_ =	sdelay $0x3  }
0xc3: {  	v35 =	vshll.u32 v35, $0x4  }
0xc4: {  	v36 =	vld [tilespmem:s9+$0x0];
	v35 =	vor.u32 v0, v35;
	_ =	sdelay $0x4  }
0xc5: {  	[tilespmem:v35+s1+$0x0] =	vst.idx.add.f32.msk $0xffff, v36  }
0xc6: {  	s8 =	simm.s32 $0x0;
	s9 =	rddreg [dreg:$0x6];
	[tilespmem:v35+s3+$0x0] =	vst.idx.add.f32.msk $0xffff, v3  }
0xc7: {  	[tilespmem:s8], [sflag:$0x1] =	stream.strided.gather [hbm4b:s9+s29], $0x2000, s30, s29, $0x38;
	[tilespmem:$0x4880] =	vst v63  }
0xc8: {  	_ =	swait.ge [sflag:s31], $0x2000  }
0xc9: {  	[sflag:s31] =	ssyncset.done $0x0  }
0xca: {  	s9 =	rddreg [dreg:$0x7];
	[sflag:s31] =	ssyncadd.s32 $0xFFFFE000  }
0xcb: {  	[tilespmem:s0], [sflag:$0x1] =	stream.strided.gather [hbm4b:s9+s29], $0x2000, s30, s29, $0x38;
	[tilespmem:$0x4880] =	vst v63  }
0xcc: {  	_ =	swait.ge [sflag:s31], $0x2000  }
0xcd: {  	[sflag:s31] =	ssyncset.done $0x0  }
0xce: {  	s9 =	simm.s32 $0x0;
	[sflag:s31] =	ssyncadd.s32 $0xFFFFE000  }
0xcf: {  	s8 =	simm.s32 $0x40;
	v35 =	vld [tilespmem:s9+$0x2000]  }
.LBB2_6:
0xd0: {  	p0 =	sne.s32 s8, $0x7FC0;
	_ =	sdelay $0x3  }
0xd1: {  	v35 =	vshll.u32 v35, $0x4  }
0xd2: {  	v36 =	vld [tilespmem:s9+$0x0];
	v35 =	vor.u32 v0, v35;
	_ =	sdelay $0x2  }
.Ltmp2:
0xd3: {  	(pc) =	sbr.rel @p0 .LBB2_6-.Ltmp2, $4  }
0xd4: {  	_ = 	snop  }
0xd5: {  	[tilespmem:v35+s1+$0x0] =	vst.idx.add.f32.msk $0xffff, v36  }
0xd6: {  	s9 =	sshra.s32 s8, $0x2;
	[tilespmem:v35+s3+$0x0] =	vst.idx.add.f32.msk $0xffff, v3  }
0xd7: {  	s8 =	sadd.s32 $0x40, s8;
	v35 =	vld [tilespmem:s9+$0x2000]  }
0xd8: {  	_ =	sdelay $0x3  }
0xd9: {  	v35 =	vshll.u32 v35, $0x4  }
0xda: {  	v36 =	vld [tilespmem:s9+$0x0];
	v35 =	vor.u32 v0, v35;
	_ =	sdelay $0x4  }
0xdb: {  	[tilespmem:v35+s1+$0x0] =	vst.idx.add.f32.msk $0xffff, v36  }
0xdc: {  	s8 =	simm.s32 $0x0;
	s9 =	rddreg [dreg:$0x8];
	[tilespmem:v35+s3+$0x0] =	vst.idx.add.f32.msk $0xffff, v3  }
0xdd: {  	[tilespmem:s8], [sflag:$0x1] =	stream.strided.gather [hbm4b:s9+s29], $0x2000, s30, s29, $0x38;
	[tilespmem:$0x4880] =	vst v63  }
0xde: {  	_ =	swait.ge [sflag:s31], $0x2000  }
0xdf: {  	[sflag:s31] =	ssyncset.done $0x0  }
0xe0: {  	[sflag:s31] =	ssyncadd.s32 $0xFFFFE000  }
0xe1: {  	[tilespmem:s0], [sflag:$0x1] =	stream.strided.gather [hbm4b:s10+s29], $0x2000, s30, s29, $0x38;
	[tilespmem:$0x4880] =	vst v63  }
0xe2: {  	_ =	swait.ge [sflag:s31], $0x2000  }
0xe3: {  	[sflag:s31] =	ssyncset.done $0x0  }
0xe4: {  	s9 =	simm.s32 $0x0;
	[sflag:s31] =	ssyncadd.s32 $0xFFFFE000  }
0xe5: {  	s8 =	simm.s32 $0x40;
	v35 =	vld [tilespmem:s9+$0x2000]  }
.LBB2_8:
0xe6: {  	p0 =	sne.s32 s8, $0x7FC0;
	_ =	sdelay $0x3  }
0xe7: {  	v35 =	vshll.u32 v35, $0x4  }
0xe8: {  	v36 =	vld [tilespmem:s9+$0x0];
	v35 =	vor.u32 v0, v35;
	_ =	sdelay $0x2  }
.Ltmp3:
0xe9: {  	(pc) =	sbr.rel @p0 .LBB2_8-.Ltmp3, $4  }
0xea: {  	_ = 	snop  }
0xeb: {  	[tilespmem:v35+s1+$0x0] =	vst.idx.add.f32.msk $0xffff, v36  }
0xec: {  	s9 =	sshra.s32 s8, $0x2;
	[tilespmem:v35+s3+$0x0] =	vst.idx.add.f32.msk $0xffff, v3  }
0xed: {  	s8 =	sadd.s32 $0x40, s8;
	v35 =	vld [tilespmem:s9+$0x2000]  }
0xee: {  	_ =	sdelay $0x3  }
0xef: {  	v35 =	vshll.u32 v35, $0x4  }
0xf0: {  	v36 =	vld [tilespmem:s9+$0x0];
	v35 =	vor.u32 v0, v35;
	_ =	sdelay $0x4  }
0xf1: {  	[tilespmem:v35+s1+$0x0] =	vst.idx.add.f32.msk $0xffff, v36  }
0xf2: {  	s8 =	simm.s32 $0x0;
	[tilespmem:v35+s3+$0x0] =	vst.idx.add.f32.msk $0xffff, v3  }
0xf3: {  	[tilespmem:s8], [sflag:$0x1] =	stream.strided.gather [hbm4b:s11+s29], $0x2000, s30, s29, $0x38;
	[tilespmem:$0x4880] =	vst v63  }
0xf4: {  	_ =	swait.ge [sflag:s31], $0x2000  }
0xf5: {  	[sflag:s31] =	ssyncset.done $0x0  }
0xf6: {  	[sflag:s31] =	ssyncadd.s32 $0xFFFFE000  }
0xf7: {  	[tilespmem:s0], [sflag:$0x1] =	stream.strided.gather [hbm4b:s12+s29], $0x2000, s30, s29, $0x38;
	[tilespmem:$0x4880] =	vst v63  }
0xf8: {  	_ =	swait.ge [sflag:s31], $0x2000  }
0xf9: {  	[sflag:s31] =	ssyncset.done $0x0  }
0xfa: {  	s9 =	simm.s32 $0x0;
	[sflag:s31] =	ssyncadd.s32 $0xFFFFE000  }
0xfb: {  	s8 =	simm.s32 $0x40;
	v35 =	vld [tilespmem:s9+$0x2000]  }
.LBB2_10:
0xfc: {  	p0 =	sne.s32 s8, $0x7FC0;
	_ =	sdelay $0x3  }
0xfd: {  	v35 =	vshll.u32 v35, $0x4  }
0xfe: {  	v36 =	vld [tilespmem:s9+$0x0];
	v35 =	vor.u32 v0, v35;
	_ =	sdelay $0x2  }
.Ltmp4:
0xff: {  	(pc) =	sbr.rel @p0 .LBB2_10-.Ltmp4, $4  }
0x100: {  	_ = 	snop  }
0x101: {  	[tilespmem:v35+s1+$0x0] =	vst.idx.add.f32.msk $0xffff, v36  }
0x102: {  	s9 =	sshra.s32 s8, $0x2;
	[tilespmem:v35+s3+$0x0] =	vst.idx.add.f32.msk $0xffff, v3  }
0x103: {  	s8 =	sadd.s32 $0x40, s8;
	v35 =	vld [tilespmem:s9+$0x2000]  }
0x104: {  	_ =	sdelay $0x3  }
0x105: {  	v35 =	vshll.u32 v35, $0x4  }
0x106: {  	v36 =	vld [tilespmem:s9+$0x0];
	v35 =	vor.u32 v0, v35;
	_ =	sdelay $0x4  }
0x107: {  	[tilespmem:v35+s1+$0x0] =	vst.idx.add.f32.msk $0xffff, v36  }
0x108: {  	s8 =	simm.s32 $0x0;
	[tilespmem:v35+s3+$0x0] =	vst.idx.add.f32.msk $0xffff, v3  }
0x109: {  	[tilespmem:s8], [sflag:$0x1] =	stream.strided.gather [hbm4b:s13+s29], $0x2000, s30, s29, $0x38;
	[tilespmem:$0x4880] =	vst v63  }
0x10a: {  	_ =	swait.ge [sflag:s31], $0x2000  }
0x10b: {  	[sflag:s31] =	ssyncset.done $0x0  }
0x10c: {  	[sflag:s31] =	ssyncadd.s32 $0xFFFFE000  }
0x10d: {  	[tilespmem:s0], [sflag:$0x1] =	stream.strided.gather [hbm4b:s14+s29], $0x2000, s30, s29, $0x38;
	[tilespmem:$0x4880] =	vst v63  }
0x10e: {  	_ =	swait.ge [sflag:s31], $0x2000  }
0x10f: {  	[sflag:s31] =	ssyncset.done $0x0  }
0x110: {  	s9 =	simm.s32 $0x0;
	[sflag:s31] =	ssyncadd.s32 $0xFFFFE000  }
0x111: {  	s8 =	simm.s32 $0x40;
	v35 =	vld [tilespmem:s9+$0x2000]  }
.LBB2_12:
0x112: {  	p0 =	sne.s32 s8, $0x7FC0;
	_ =	sdelay $0x3  }
0x113: {  	v35 =	vshll.u32 v35, $0x4  }
0x114: {  	v36 =	vld [tilespmem:s9+$0x0];
	v35 =	vor.u32 v0, v35;
	_ =	sdelay $0x2  }
.Ltmp5:
0x115: {  	(pc) =	sbr.rel @p0 .LBB2_12-.Ltmp5, $4  }
0x116: {  	_ = 	snop  }
0x117: {  	[tilespmem:v35+s1+$0x0] =	vst.idx.add.f32.msk $0xffff, v36  }
0x118: {  	s9 =	sshra.s32 s8, $0x2;
	[tilespmem:v35+s3+$0x0] =	vst.idx.add.f32.msk $0xffff, v3  }
0x119: {  	s8 =	sadd.s32 $0x40, s8;
	v35 =	vld [tilespmem:s9+$0x2000]  }
0x11a: {  	_ =	sdelay $0x3  }
0x11b: {  	v35 =	vshll.u32 v35, $0x4  }
0x11c: {  	v36 =	vld [tilespmem:s9+$0x0];
	v35 =	vor.u32 v0, v35;
	_ =	sdelay $0x4  }
0x11d: {  	[tilespmem:v35+s1+$0x0] =	vst.idx.add.f32.msk $0xffff, v36  }
0x11e: {  	s8 =	simm.s32 $0x0;
	[tilespmem:v35+s3+$0x0] =	vst.idx.add.f32.msk $0xffff, v3  }
0x11f: {  	[tilespmem:s8], [sflag:$0x1] =	stream.strided.gather [hbm4b:s15+s29], $0x2000, s30, s29, $0x38;
	[tilespmem:$0x4880] =	vst v63  }
0x120: {  	_ =	swait.ge [sflag:s31], $0x2000  }
0x121: {  	[sflag:s31] =	ssyncset.done $0x0  }
0x122: {  	[sflag:s31] =	ssyncadd.s32 $0xFFFFE000  }
0x123: {  	[tilespmem:s0], [sflag:$0x1] =	stream.strided.gather [hbm4b:s16+s29], $0x2000, s30, s29, $0x38;
	[tilespmem:$0x4880] =	vst v63  }
0x124: {  	_ =	swait.ge [sflag:s31], $0x2000  }
0x125: {  	[sflag:s31] =	ssyncset.done $0x0  }
0x126: {  	s9 =	simm.s32 $0x0;
	[sflag:s31] =	ssyncadd.s32 $0xFFFFE000  }
0x127: {  	s8 =	simm.s32 $0x40;
	v35 =	vld [tilespmem:s9+$0x2000]  }
.LBB2_14:
0x128: {  	p0 =	sne.s32 s8, $0x7FC0;
	_ =	sdelay $0x3  }
0x129: {  	v35 =	vshll.u32 v35, $0x4  }
0x12a: {  	v36 =	vld [tilespmem:s9+$0x0];
	v35 =	vor.u32 v0, v35;
	_ =	sdelay $0x2  }
.Ltmp6:
0x12b: {  	(pc) =	sbr.rel @p0 .LBB2_14-.Ltmp6, $4  }
0x12c: {  	_ = 	snop  }
0x12d: {  	[tilespmem:v35+s1+$0x0] =	vst.idx.add.f32.msk $0xffff, v36  }
0x12e: {  	s9 =	sshra.s32 s8, $0x2;
	[tilespmem:v35+s3+$0x0] =	vst.idx.add.f32.msk $0xffff, v3  }
0x12f: {  	s8 =	sadd.s32 $0x40, s8;
	v35 =	vld [tilespmem:s9+$0x2000]  }
0x130: {  	_ =	sdelay $0x3  }
0x131: {  	v35 =	vshll.u32 v35, $0x4  }
0x132: {  	v36 =	vld [tilespmem:s9+$0x0];
	v35 =	vor.u32 v0, v35;
	_ =	sdelay $0x4  }
0x133: {  	[tilespmem:v35+s1+$0x0] =	vst.idx.add.f32.msk $0xffff, v36  }
0x134: {  	s8 =	simm.s32 $0x0;
	[tilespmem:v35+s3+$0x0] =	vst.idx.add.f32.msk $0xffff, v3  }
0x135: {  	[tilespmem:s8], [sflag:$0x1] =	stream.strided.gather [hbm4b:s17+s29], $0x2000, s30, s29, $0x38;
	[tilespmem:$0x4880] =	vst v63  }
0x136: {  	_ =	swait.ge [sflag:s31], $0x2000  }
0x137: {  	[sflag:s31] =	ssyncset.done $0x0  }
0x138: {  	[sflag:s31] =	ssyncadd.s32 $0xFFFFE000  }
0x139: {  	[tilespmem:s0], [sflag:$0x1] =	stream.strided.gather [hbm4b:s18+s29], $0x2000, s30, s29, $0x38;
	[tilespmem:$0x4880] =	vst v63  }
0x13a: {  	_ =	swait.ge [sflag:s31], $0x2000  }
0x13b: {  	[sflag:s31] =	ssyncset.done $0x0  }
0x13c: {  	s9 =	simm.s32 $0x0;
	[sflag:s31] =	ssyncadd.s32 $0xFFFFE000  }
0x13d: {  	s8 =	simm.s32 $0x40;
	v35 =	vld [tilespmem:s9+$0x2000]  }
.LBB2_16:
0x13e: {  	p0 =	sne.s32 s8, $0x7FC0;
	_ =	sdelay $0x3  }
0x13f: {  	v35 =	vshll.u32 v35, $0x4  }
0x140: {  	v36 =	vld [tilespmem:s9+$0x0];
	v35 =	vor.u32 v0, v35;
	_ =	sdelay $0x2  }
.Ltmp7:
0x141: {  	(pc) =	sbr.rel @p0 .LBB2_16-.Ltmp7, $4  }
0x142: {  	_ = 	snop  }
0x143: {  	[tilespmem:v35+s1+$0x0] =	vst.idx.add.f32.msk $0xffff, v36  }
0x144: {  	s9 =	sshra.s32 s8, $0x2;
	[tilespmem:v35+s3+$0x0] =	vst.idx.add.f32.msk $0xffff, v3  }
0x145: {  	s8 =	sadd.s32 $0x40, s8;
	v35 =	vld [tilespmem:s9+$0x2000]  }
0x146: {  	_ =	sdelay $0x3  }
0x147: {  	v35 =	vshll.u32 v35, $0x4  }
0x148: {  	v36 =	vld [tilespmem:s9+$0x0];
	v35 =	vor.u32 v0, v35;
	_ =	sdelay $0x4  }
0x149: {  	[tilespmem:v35+s1+$0x0] =	vst.idx.add.f32.msk $0xffff, v36  }
0x14a: {  	s8 =	simm.s32 $0x0;
	[tilespmem:v35+s3+$0x0] =	vst.idx.add.f32.msk $0xffff, v3  }
0x14b: {  	[tilespmem:s8], [sflag:$0x1] =	stream.strided.gather [hbm4b:s19+s29], $0x2000, s30, s29, $0x38;
	[tilespmem:$0x4880] =	vst v63  }
0x14c: {  	_ =	swait.ge [sflag:s31], $0x2000  }
0x14d: {  	[sflag:s31] =	ssyncset.done $0x0  }
0x14e: {  	[sflag:s31] =	ssyncadd.s32 $0xFFFFE000  }
0x14f: {  	[tilespmem:s0], [sflag:$0x1] =	stream.strided.gather [hbm4b:s20+s29], $0x2000, s30, s29, $0x38;
	[tilespmem:$0x4880] =	vst v63  }
0x150: {  	_ =	swait.ge [sflag:s31], $0x2000  }
0x151: {  	[sflag:s31] =	ssyncset.done $0x0  }
0x152: {  	s9 =	simm.s32 $0x0;
	[sflag:s31] =	ssyncadd.s32 $0xFFFFE000  }
0x153: {  	s8 =	simm.s32 $0x40;
	v35 =	vld [tilespmem:s9+$0x2000]  }
.LBB2_18:
0x154: {  	p0 =	sne.s32 s8, $0x7FC0;
	_ =	sdelay $0x3  }
0x155: {  	v35 =	vshll.u32 v35, $0x4  }
0x156: {  	v36 =	vld [tilespmem:s9+$0x0];
	v35 =	vor.u32 v0, v35;
	_ =	sdelay $0x2  }
.Ltmp8:
0x157: {  	(pc) =	sbr.rel @p0 .LBB2_18-.Ltmp8, $4  }
0x158: {  	_ = 	snop  }
0x159: {  	[tilespmem:v35+s4+$0x0] =	vst.idx.add.f32.msk $0xffff, v36  }
0x15a: {  	s9 =	sshra.s32 s8, $0x2;
	[tilespmem:v35+s5+$0x0] =	vst.idx.add.f32.msk $0xffff, v3  }
0x15b: {  	s8 =	sadd.s32 $0x40, s8;
	v35 =	vld [tilespmem:s9+$0x2000]  }
0x15c: {  	_ =	sdelay $0x3  }
0x15d: {  	v35 =	vshll.u32 v35, $0x4  }
0x15e: {  	v36 =	vld [tilespmem:s9+$0x0];
	v35 =	vor.u32 v0, v35;
	_ =	sdelay $0x4  }
0x15f: {  	[tilespmem:v35+s4+$0x0] =	vst.idx.add.f32.msk $0xffff, v36  }
0x160: {  	s8 =	simm.s32 $0x0;
	[tilespmem:v35+s5+$0x0] =	vst.idx.add.f32.msk $0xffff, v3  }
0x161: {  	[tilespmem:s8], [sflag:$0x1] =	stream.strided.gather [hbm4b:s21+s29], $0x2000, s30, s29, $0x38;
	[tilespmem:$0x4880] =	vst v63  }
0x162: {  	_ =	swait.ge [sflag:s31], $0x2000  }
0x163: {  	[sflag:s31] =	ssyncset.done $0x0  }
0x164: {  	[sflag:s31] =	ssyncadd.s32 $0xFFFFE000  }
0x165: {  	[tilespmem:s0], [sflag:$0x1] =	stream.strided.gather [hbm4b:s22+s29], $0x2000, s30, s29, $0x38;
	[tilespmem:$0x4880] =	vst v63  }
0x166: {  	_ =	swait.ge [sflag:s31], $0x2000  }
0x167: {  	[sflag:s31] =	ssyncset.done $0x0  }
0x168: {  	s9 =	simm.s32 $0x0;
	[sflag:s31] =	ssyncadd.s32 $0xFFFFE000  }
0x169: {  	s8 =	simm.s32 $0x40;
	v35 =	vld [tilespmem:s9+$0x2000]  }
.LBB2_20:
0x16a: {  	p0 =	sne.s32 s8, $0x7FC0;
	_ =	sdelay $0x3  }
0x16b: {  	v35 =	vshll.u32 v35, $0x4  }
0x16c: {  	v36 =	vld [tilespmem:s9+$0x0];
	v35 =	vor.u32 v0, v35;
	_ =	sdelay $0x2  }
.Ltmp9:
0x16d: {  	(pc) =	sbr.rel @p0 .LBB2_20-.Ltmp9, $4  }
0x16e: {  	_ = 	snop  }
0x16f: {  	[tilespmem:v35+s4+$0x0] =	vst.idx.add.f32.msk $0xffff, v36  }
0x170: {  	s9 =	sshra.s32 s8, $0x2;
	[tilespmem:v35+s5+$0x0] =	vst.idx.add.f32.msk $0xffff, v3  }
0x171: {  	s8 =	sadd.s32 $0x40, s8;
	v35 =	vld [tilespmem:s9+$0x2000]  }
0x172: {  	_ =	sdelay $0x3  }
0x173: {  	v35 =	vshll.u32 v35, $0x4  }
0x174: {  	v36 =	vld [tilespmem:s9+$0x0];
	v35 =	vor.u32 v0, v35;
	_ =	sdelay $0x4  }
0x175: {  	[tilespmem:v35+s4+$0x0] =	vst.idx.add.f32.msk $0xffff, v36  }
0x176: {  	[tilespmem:v35+s5+$0x0] =	vst.idx.add.f32.msk $0xffff, v3  }
0x177: {  	v35 =	vld.idx.msk [tilespmem:v1+s3+$0x0], $0xffff;
	_ =	sdelay $0x1  }
0x178: {  	v36 =	vld.idx.msk [tilespmem:v4+s3+$0x0], $0xffff;
	_ =	sdelay $0x1  }
0x179: {  	v37 =	vld.idx.msk [tilespmem:v5+s3+$0x0], $0xffff  }
0x17a: {  	v35 =	vadd.f32 $0.0e+00, v35  }
0x17b: {  	v38 =	vld.idx.msk [tilespmem:v6+s3+$0x0], $0xffff  }
0x17c: {  	v35 =	vadd.f32 v36, v35  }
0x17d: {  	v40 =	vld.idx.msk [tilespmem:v7+s3+$0x0], $0xffff  }
0x17e: {  	v35 =	vadd.f32 v37, v35  }
0x17f: {  	v41 =	vld.idx.msk [tilespmem:v8+s3+$0x0], $0xffff  }
0x180: {  	v35 =	vadd.f32 v38, v35  }
0x181: {  	v42 =	vld.idx.msk [tilespmem:v9+s3+$0x0], $0xffff  }
0x182: {  	v35 =	vadd.f32 v40, v35  }
0x183: {  	v43 =	vld.idx.msk [tilespmem:v10+s3+$0x0], $0xffff  }
0x184: {  	v35 =	vadd.f32 v41, v35  }
0x185: {  	v44 =	vld.idx.msk [tilespmem:v11+s3+$0x0], $0xffff  }
0x186: {  	v35 =	vadd.f32 v42, v35  }
0x187: {  	v45 =	vld.idx.msk [tilespmem:v12+s3+$0x0], $0xffff  }
0x188: {  	v35 =	vadd.f32 v43, v35  }
0x189: {  	v46 =	vld.idx.msk [tilespmem:v13+s3+$0x0], $0xffff  }
0x18a: {  	v35 =	vadd.f32 v44, v35  }
0x18b: {  	v47 =	vld.idx.msk [tilespmem:v14+s3+$0x0], $0xffff  }
0x18c: {  	v35 =	vadd.f32 v45, v35  }
0x18d: {  	v48 =	vld.idx.msk [tilespmem:v15+s3+$0x0], $0xffff  }
0x18e: {  	v35 =	vadd.f32 v46, v35  }
0x18f: {  	v49 =	vld.idx.msk [tilespmem:v16+s3+$0x0], $0xffff  }
0x190: {  	v35 =	vadd.f32 v47, v35  }
0x191: {  	v50 =	vld.idx.msk [tilespmem:v17+s3+$0x0], $0xffff  }
0x192: {  	v35 =	vadd.f32 v48, v35  }
0x193: {  	v51 =	vld.idx.msk [tilespmem:v18+s3+$0x0], $0xffff  }
0x194: {  	v35 =	vadd.f32 v49, v35;
	_ =	sdelay $0x1  }
0x195: {  	v35 =	vadd.f32 v50, v35;
	_ =	sdelay $0x1  }
0x196: {  	v35 =	vadd.f32 v51, v35;
	_ =	sdelay $0x1  }
0x197: {  	[tilespmem:$0x4800] =	vst v35  }
0x198: {  	v35 =	vld.idx.msk [tilespmem:v19+s3+$0x0], $0xffff;
	_ =	sdelay $0x1  }
0x199: {  	v52 =	vld.idx.msk [tilespmem:v20+s3+$0x0], $0xffff;
	_ =	sdelay $0x1  }
0x19a: {  	v53 =	vld.idx.msk [tilespmem:v21+s3+$0x0], $0xffff  }
0x19b: {  	v35 =	vadd.f32 $0.0e+00, v35  }
0x19c: {  	v54 =	vld.idx.msk [tilespmem:v22+s3+$0x0], $0xffff  }
0x19d: {  	v35 =	vadd.f32 v52, v35  }
0x19e: {  	v55 =	vld.idx.msk [tilespmem:v23+s3+$0x0], $0xffff  }
0x19f: {  	v35 =	vadd.f32 v53, v35  }
0x1a0: {  	v56 =	vld.idx.msk [tilespmem:v24+s3+$0x0], $0xffff  }
0x1a1: {  	v35 =	vadd.f32 v54, v35  }
0x1a2: {  	v57 =	vld.idx.msk [tilespmem:v25+s3+$0x0], $0xffff  }
0x1a3: {  	v35 =	vadd.f32 v55, v35  }
0x1a4: {  	v58 =	vld.idx.msk [tilespmem:v26+s3+$0x0], $0xffff  }
0x1a5: {  	v35 =	vadd.f32 v56, v35  }
0x1a6: {  	v59 =	vld.idx.msk [tilespmem:v27+s3+$0x0], $0xffff  }
0x1a7: {  	v35 =	vadd.f32 v57, v35  }
0x1a8: {  	v60 =	vld.idx.msk [tilespmem:v28+s3+$0x0], $0xffff  }
0x1a9: {  	v35 =	vadd.f32 v58, v35  }
0x1aa: {  	v61 =	vld.idx.msk [tilespmem:v29+s3+$0x0], $0xffff  }
0x1ab: {  	v35 =	vadd.f32 v59, v35  }
0x1ac: {  	v62 =	vld.idx.msk [tilespmem:v30+s3+$0x0], $0xffff  }
0x1ad: {  	v35 =	vadd.f32 v60, v35  }
0x1ae: {  	v63 =	vld.idx.msk [tilespmem:v31+s3+$0x0], $0xffff  }
0x1af: {  	v35 =	vadd.f32 v61, v35  }
0x1b0: {  	v40 =	vld.idx.msk [tilespmem:v32+s3+$0x0], $0xffff  }
0x1b1: {  	v35 =	vadd.f32 v62, v35  }
0x1b2: {  	v41 =	vld.idx.msk [tilespmem:v33+s3+$0x0], $0xffff  }
0x1b3: {  	v35 =	vadd.f32 v63, v35  }
0x1b4: {  	v42 =	vld.idx.msk [tilespmem:v34+s3+$0x0], $0xffff  }
0x1b5: {  	v35 =	vadd.f32 v40, v35;
	_ =	sdelay $0x1  }
0x1b6: {  	v35 =	vadd.f32 v41, v35;
	_ =	sdelay $0x1  }
0x1b7: {  	v35 =	vadd.f32 v42, v35;
	_ =	sdelay $0x1  }
0x1b8: {  	[tilespmem:$0x4810] =	vst v35  }
0x1b9: {  	[hbm4b:s23+s2] =	stream.linear.scatter [tilespmem:s6], [sflag:$0x1], $0x80, $0x38;
	[tilespmem:$0x4880] =	vst v63  }
0x1ba: {  	_ =	swait.ge [sflag:s31], $0x80  }
0x1bb: {  	[sflag:s31] =	ssyncset.done $0x0  }
0x1bc: {  	[sflag:s31] =	ssyncadd.s32 $0xFFFFFF80  }
0x1bd: {  	v43 =	vld.idx.msk [tilespmem:v1+s1+$0x0], $0xffff;
	_ =	sdelay $0x1  }
0x1be: {  	v44 =	vld.idx.msk [tilespmem:v4+s1+$0x0], $0xffff;
	_ =	sdelay $0x1  }
0x1bf: {  	v45 =	vld.idx.msk [tilespmem:v5+s1+$0x0], $0xffff  }
0x1c0: {  	v35 =	vadd.f32 $0.0e+00, v43  }
0x1c1: {  	v46 =	vld.idx.msk [tilespmem:v6+s1+$0x0], $0xffff  }
0x1c2: {  	v35 =	vadd.f32 v44, v35  }
0x1c3: {  	v47 =	vld.idx.msk [tilespmem:v7+s1+$0x0], $0xffff  }
0x1c4: {  	v35 =	vadd.f32 v45, v35  }
0x1c5: {  	v48 =	vld.idx.msk [tilespmem:v8+s1+$0x0], $0xffff  }
0x1c6: {  	v35 =	vadd.f32 v46, v35  }
0x1c7: {  	v49 =	vld.idx.msk [tilespmem:v9+s1+$0x0], $0xffff  }
0x1c8: {  	v35 =	vadd.f32 v47, v35  }
0x1c9: {  	v50 =	vld.idx.msk [tilespmem:v10+s1+$0x0], $0xffff  }
0x1ca: {  	v35 =	vadd.f32 v48, v35  }
0x1cb: {  	v51 =	vld.idx.msk [tilespmem:v11+s1+$0x0], $0xffff  }
0x1cc: {  	v35 =	vadd.f32 v49, v35  }
0x1cd: {  	v52 =	vld.idx.msk [tilespmem:v12+s1+$0x0], $0xffff  }
0x1ce: {  	v35 =	vadd.f32 v50, v35  }
0x1cf: {  	v53 =	vld.idx.msk [tilespmem:v13+s1+$0x0], $0xffff  }
0x1d0: {  	v35 =	vadd.f32 v51, v35  }
0x1d1: {  	v54 =	vld.idx.msk [tilespmem:v14+s1+$0x0], $0xffff  }
0x1d2: {  	v35 =	vadd.f32 v52, v35  }
0x1d3: {  	v55 =	vld.idx.msk [tilespmem:v15+s1+$0x0], $0xffff  }
0x1d4: {  	v35 =	vadd.f32 v53, v35  }
0x1d5: {  	v56 =	vld.idx.msk [tilespmem:v16+s1+$0x0], $0xffff  }
0x1d6: {  	v35 =	vadd.f32 v54, v35  }
0x1d7: {  	v57 =	vld.idx.msk [tilespmem:v17+s1+$0x0], $0xffff  }
0x1d8: {  	v35 =	vadd.f32 v55, v35  }
0x1d9: {  	v58 =	vld.idx.msk [tilespmem:v18+s1+$0x0], $0xffff  }
0x1da: {  	v35 =	vadd.f32 v56, v35;
	_ =	sdelay $0x1  }
0x1db: {  	v35 =	vadd.f32 v57, v35;
	_ =	sdelay $0x1  }
0x1dc: {  	v35 =	vadd.f32 v58, v35;
	_ =	sdelay $0x1  }
0x1dd: {  	[tilespmem:$0x4800] =	vst v35  }
0x1de: {  	v35 =	vld.idx.msk [tilespmem:v19+s1+$0x0], $0xffff;
	_ =	sdelay $0x1  }
0x1df: {  	v59 =	vld.idx.msk [tilespmem:v20+s1+$0x0], $0xffff;
	_ =	sdelay $0x1  }
0x1e0: {  	v60 =	vld.idx.msk [tilespmem:v21+s1+$0x0], $0xffff  }
0x1e1: {  	v35 =	vadd.f32 $0.0e+00, v35  }
0x1e2: {  	v61 =	vld.idx.msk [tilespmem:v22+s1+$0x0], $0xffff  }
0x1e3: {  	v35 =	vadd.f32 v59, v35  }
0x1e4: {  	v62 =	vld.idx.msk [tilespmem:v23+s1+$0x0], $0xffff  }
0x1e5: {  	v35 =	vadd.f32 v60, v35  }
0x1e6: {  	v63 =	vld.idx.msk [tilespmem:v24+s1+$0x0], $0xffff  }
0x1e7: {  	v35 =	vadd.f32 v61, v35  }
0x1e8: {  	v40 =	vld.idx.msk [tilespmem:v25+s1+$0x0], $0xffff  }
0x1e9: {  	v35 =	vadd.f32 v62, v35  }
0x1ea: {  	v41 =	vld.idx.msk [tilespmem:v26+s1+$0x0], $0xffff  }
0x1eb: {  	v35 =	vadd.f32 v63, v35  }
0x1ec: {  	v42 =	vld.idx.msk [tilespmem:v27+s1+$0x0], $0xffff  }
0x1ed: {  	v35 =	vadd.f32 v40, v35  }
0x1ee: {  	v43 =	vld.idx.msk [tilespmem:v28+s1+$0x0], $0xffff  }
0x1ef: {  	v35 =	vadd.f32 v41, v35  }
0x1f0: {  	v44 =	vld.idx.msk [tilespmem:v29+s1+$0x0], $0xffff  }
0x1f1: {  	v35 =	vadd.f32 v42, v35  }
0x1f2: {  	v45 =	vld.idx.msk [tilespmem:v30+s1+$0x0], $0xffff  }
0x1f3: {  	v35 =	vadd.f32 v43, v35  }
0x1f4: {  	v46 =	vld.idx.msk [tilespmem:v31+s1+$0x0], $0xffff  }
0x1f5: {  	v35 =	vadd.f32 v44, v35  }
0x1f6: {  	v47 =	vld.idx.msk [tilespmem:v32+s1+$0x0], $0xffff  }
0x1f7: {  	v35 =	vadd.f32 v45, v35  }
0x1f8: {  	v48 =	vld.idx.msk [tilespmem:v33+s1+$0x0], $0xffff  }
0x1f9: {  	v35 =	vadd.f32 v46, v35  }
0x1fa: {  	v49 =	vld.idx.msk [tilespmem:v34+s1+$0x0], $0xffff  }
0x1fb: {  	v35 =	vadd.f32 v47, v35;
	_ =	sdelay $0x1  }
0x1fc: {  	v35 =	vadd.f32 v48, v35;
	_ =	sdelay $0x1  }
0x1fd: {  	v35 =	vadd.f32 v49, v35;
	_ =	sdelay $0x1  }
0x1fe: {  	[tilespmem:$0x4810] =	vst v35  }
0x1ff: {  	[hbm4b:s24+s2] =	stream.linear.scatter [tilespmem:s6], [sflag:$0x1], $0x80, $0x38;
	[tilespmem:$0x4880] =	vst v63  }
0x200: {  	_ =	swait.ge [sflag:s31], $0x80  }
0x201: {  	[sflag:s31] =	ssyncset.done $0x0  }
0x202: {  	[sflag:s31] =	ssyncadd.s32 $0xFFFFFF80  }
0x203: {  	v50 =	vld.idx.msk [tilespmem:v1+s5+$0x0], $0xffff;
	_ =	sdelay $0x1  }
0x204: {  	v51 =	vld.idx.msk [tilespmem:v4+s5+$0x0], $0xffff;
	_ =	sdelay $0x1  }
0x205: {  	v52 =	vld.idx.msk [tilespmem:v5+s5+$0x0], $0xffff  }
0x206: {  	v35 =	vadd.f32 $0.0e+00, v50  }
0x207: {  	v53 =	vld.idx.msk [tilespmem:v6+s5+$0x0], $0xffff  }
0x208: {  	v35 =	vadd.f32 v51, v35  }
0x209: {  	v54 =	vld.idx.msk [tilespmem:v7+s5+$0x0], $0xffff  }
0x20a: {  	v35 =	vadd.f32 v52, v35  }
0x20b: {  	v55 =	vld.idx.msk [tilespmem:v8+s5+$0x0], $0xffff  }
0x20c: {  	v35 =	vadd.f32 v53, v35  }
0x20d: {  	v56 =	vld.idx.msk [tilespmem:v9+s5+$0x0], $0xffff  }
0x20e: {  	v35 =	vadd.f32 v54, v35  }
0x20f: {  	v57 =	vld.idx.msk [tilespmem:v10+s5+$0x0], $0xffff  }
0x210: {  	v35 =	vadd.f32 v55, v35  }
0x211: {  	v58 =	vld.idx.msk [tilespmem:v11+s5+$0x0], $0xffff  }
0x212: {  	v35 =	vadd.f32 v56, v35  }
0x213: {  	v59 =	vld.idx.msk [tilespmem:v12+s5+$0x0], $0xffff  }
0x214: {  	v35 =	vadd.f32 v57, v35  }
0x215: {  	v60 =	vld.idx.msk [tilespmem:v13+s5+$0x0], $0xffff  }
0x216: {  	v35 =	vadd.f32 v58, v35  }
0x217: {  	v61 =	vld.idx.msk [tilespmem:v14+s5+$0x0], $0xffff  }
0x218: {  	v35 =	vadd.f32 v59, v35  }
0x219: {  	v62 =	vld.idx.msk [tilespmem:v15+s5+$0x0], $0xffff  }
0x21a: {  	v35 =	vadd.f32 v60, v35  }
0x21b: {  	v63 =	vld.idx.msk [tilespmem:v16+s5+$0x0], $0xffff  }
0x21c: {  	v35 =	vadd.f32 v61, v35  }
0x21d: {  	v40 =	vld.idx.msk [tilespmem:v17+s5+$0x0], $0xffff  }
0x21e: {  	v35 =	vadd.f32 v62, v35  }
0x21f: {  	v41 =	vld.idx.msk [tilespmem:v18+s5+$0x0], $0xffff  }
0x220: {  	v35 =	vadd.f32 v63, v35;
	_ =	sdelay $0x1  }
0x221: {  	v35 =	vadd.f32 v40, v35;
	_ =	sdelay $0x1  }
0x222: {  	v35 =	vadd.f32 v41, v35;
	_ =	sdelay $0x1  }
0x223: {  	[tilespmem:$0x4800] =	vst v35  }
0x224: {  	v35 =	vld.idx.msk [tilespmem:v19+s5+$0x0], $0xffff;
	_ =	sdelay $0x1  }
0x225: {  	v42 =	vld.idx.msk [tilespmem:v20+s5+$0x0], $0xffff;
	_ =	sdelay $0x1  }
0x226: {  	v43 =	vld.idx.msk [tilespmem:v21+s5+$0x0], $0xffff  }
0x227: {  	v35 =	vadd.f32 $0.0e+00, v35  }
0x228: {  	v44 =	vld.idx.msk [tilespmem:v22+s5+$0x0], $0xffff  }
0x229: {  	v35 =	vadd.f32 v42, v35  }
0x22a: {  	v45 =	vld.idx.msk [tilespmem:v23+s5+$0x0], $0xffff  }
0x22b: {  	v35 =	vadd.f32 v43, v35  }
0x22c: {  	v46 =	vld.idx.msk [tilespmem:v24+s5+$0x0], $0xffff  }
0x22d: {  	v35 =	vadd.f32 v44, v35  }
0x22e: {  	v47 =	vld.idx.msk [tilespmem:v25+s5+$0x0], $0xffff  }
0x22f: {  	v35 =	vadd.f32 v45, v35  }
0x230: {  	v48 =	vld.idx.msk [tilespmem:v26+s5+$0x0], $0xffff  }
0x231: {  	v35 =	vadd.f32 v46, v35  }
0x232: {  	v49 =	vld.idx.msk [tilespmem:v27+s5+$0x0], $0xffff  }
0x233: {  	v35 =	vadd.f32 v47, v35  }
0x234: {  	v50 =	vld.idx.msk [tilespmem:v28+s5+$0x0], $0xffff  }
0x235: {  	v35 =	vadd.f32 v48, v35  }
0x236: {  	v51 =	vld.idx.msk [tilespmem:v29+s5+$0x0], $0xffff  }
0x237: {  	v35 =	vadd.f32 v49, v35  }
0x238: {  	v52 =	vld.idx.msk [tilespmem:v30+s5+$0x0], $0xffff  }
0x239: {  	v35 =	vadd.f32 v50, v35  }
0x23a: {  	v53 =	vld.idx.msk [tilespmem:v31+s5+$0x0], $0xffff  }
0x23b: {  	v35 =	vadd.f32 v51, v35  }
0x23c: {  	v54 =	vld.idx.msk [tilespmem:v32+s5+$0x0], $0xffff  }
0x23d: {  	v35 =	vadd.f32 v52, v35  }
0x23e: {  	v55 =	vld.idx.msk [tilespmem:v33+s5+$0x0], $0xffff  }
0x23f: {  	v35 =	vadd.f32 v53, v35  }
0x240: {  	v56 =	vld.idx.msk [tilespmem:v34+s5+$0x0], $0xffff  }
0x241: {  	v35 =	vadd.f32 v54, v35;
	_ =	sdelay $0x1  }
0x242: {  	v35 =	vadd.f32 v55, v35;
	_ =	sdelay $0x1  }
0x243: {  	v35 =	vadd.f32 v56, v35;
	_ =	sdelay $0x1  }
0x244: {  	[tilespmem:$0x4810] =	vst v35  }
0x245: {  	[hbm4b:s25+s2] =	stream.linear.scatter [tilespmem:s6], [sflag:$0x1], $0x80, $0x38;
	[tilespmem:$0x4880] =	vst v63  }
0x246: {  	_ =	swait.ge [sflag:s31], $0x80  }
0x247: {  	[sflag:s31] =	ssyncset.done $0x0  }
0x248: {  	[sflag:s31] =	ssyncadd.s32 $0xFFFFFF80  }
0x249: {  	v57 =	vld.idx.msk [tilespmem:v1+s4+$0x0], $0xffff;
	_ =	sdelay $0x1  }
0x24a: {  	v58 =	vld.idx.msk [tilespmem:v4+s4+$0x0], $0xffff;
	_ =	sdelay $0x1  }
0x24b: {  	v59 =	vld.idx.msk [tilespmem:v5+s4+$0x0], $0xffff  }
0x24c: {  	v35 =	vadd.f32 $0.0e+00, v57  }
0x24d: {  	v60 =	vld.idx.msk [tilespmem:v6+s4+$0x0], $0xffff  }
0x24e: {  	v35 =	vadd.f32 v58, v35  }
0x24f: {  	v61 =	vld.idx.msk [tilespmem:v7+s4+$0x0], $0xffff  }
0x250: {  	v35 =	vadd.f32 v59, v35  }
0x251: {  	v62 =	vld.idx.msk [tilespmem:v8+s4+$0x0], $0xffff  }
0x252: {  	v35 =	vadd.f32 v60, v35  }
0x253: {  	v63 =	vld.idx.msk [tilespmem:v9+s4+$0x0], $0xffff  }
0x254: {  	v35 =	vadd.f32 v61, v35  }
0x255: {  	v40 =	vld.idx.msk [tilespmem:v10+s4+$0x0], $0xffff  }
0x256: {  	v35 =	vadd.f32 v62, v35  }
0x257: {  	v41 =	vld.idx.msk [tilespmem:v11+s4+$0x0], $0xffff  }
0x258: {  	v35 =	vadd.f32 v63, v35  }
0x259: {  	v42 =	vld.idx.msk [tilespmem:v12+s4+$0x0], $0xffff  }
0x25a: {  	v35 =	vadd.f32 v40, v35  }
0x25b: {  	v43 =	vld.idx.msk [tilespmem:v13+s4+$0x0], $0xffff  }
0x25c: {  	v35 =	vadd.f32 v41, v35  }
0x25d: {  	v44 =	vld.idx.msk [tilespmem:v14+s4+$0x0], $0xffff  }
0x25e: {  	v35 =	vadd.f32 v42, v35  }
0x25f: {  	v45 =	vld.idx.msk [tilespmem:v15+s4+$0x0], $0xffff  }
0x260: {  	v35 =	vadd.f32 v43, v35  }
0x261: {  	v46 =	vld.idx.msk [tilespmem:v16+s4+$0x0], $0xffff  }
0x262: {  	v35 =	vadd.f32 v44, v35  }
0x263: {  	v47 =	vld.idx.msk [tilespmem:v17+s4+$0x0], $0xffff  }
0x264: {  	v35 =	vadd.f32 v45, v35  }
0x265: {  	v48 =	vld.idx.msk [tilespmem:v18+s4+$0x0], $0xffff  }
0x266: {  	v35 =	vadd.f32 v46, v35;
	_ =	sdelay $0x1  }
0x267: {  	v35 =	vadd.f32 v47, v35;
	_ =	sdelay $0x1  }
0x268: {  	v35 =	vadd.f32 v48, v35;
	_ =	sdelay $0x1  }
0x269: {  	[tilespmem:$0x4800] =	vst v35  }
0x26a: {  	v35 =	vld.idx.msk [tilespmem:v19+s4+$0x0], $0xffff;
	_ =	sdelay $0x1  }
0x26b: {  	v49 =	vld.idx.msk [tilespmem:v20+s4+$0x0], $0xffff;
	_ =	sdelay $0x1  }
0x26c: {  	v50 =	vld.idx.msk [tilespmem:v21+s4+$0x0], $0xffff  }
0x26d: {  	v35 =	vadd.f32 $0.0e+00, v35  }
0x26e: {  	v51 =	vld.idx.msk [tilespmem:v22+s4+$0x0], $0xffff  }
0x26f: {  	v35 =	vadd.f32 v49, v35  }
0x270: {  	v52 =	vld.idx.msk [tilespmem:v23+s4+$0x0], $0xffff  }
0x271: {  	v35 =	vadd.f32 v50, v35  }
0x272: {  	v53 =	vld.idx.msk [tilespmem:v24+s4+$0x0], $0xffff  }
0x273: {  	v35 =	vadd.f32 v51, v35  }
0x274: {  	v54 =	vld.idx.msk [tilespmem:v25+s4+$0x0], $0xffff  }
0x275: {  	v35 =	vadd.f32 v52, v35  }
0x276: {  	v55 =	vld.idx.msk [tilespmem:v26+s4+$0x0], $0xffff  }
0x277: {  	v35 =	vadd.f32 v53, v35  }
0x278: {  	v56 =	vld.idx.msk [tilespmem:v27+s4+$0x0], $0xffff  }
0x279: {  	v35 =	vadd.f32 v54, v35  }
0x27a: {  	v57 =	vld.idx.msk [tilespmem:v28+s4+$0x0], $0xffff  }
0x27b: {  	v35 =	vadd.f32 v55, v35  }
0x27c: {  	v58 =	vld.idx.msk [tilespmem:v29+s4+$0x0], $0xffff  }
0x27d: {  	v35 =	vadd.f32 v56, v35  }
0x27e: {  	v59 =	vld.idx.msk [tilespmem:v30+s4+$0x0], $0xffff  }
0x27f: {  	v35 =	vadd.f32 v57, v35  }
0x280: {  	v60 =	vld.idx.msk [tilespmem:v31+s4+$0x0], $0xffff  }
0x281: {  	v35 =	vadd.f32 v58, v35  }
0x282: {  	v61 =	vld.idx.msk [tilespmem:v32+s4+$0x0], $0xffff  }
0x283: {  	v35 =	vadd.f32 v59, v35  }
0x284: {  	v62 =	vld.idx.msk [tilespmem:v33+s4+$0x0], $0xffff  }
0x285: {  	v35 =	vadd.f32 v60, v35  }
0x286: {  	v63 =	vld.idx.msk [tilespmem:v34+s4+$0x0], $0xffff  }
0x287: {  	v35 =	vadd.f32 v61, v35;
	_ =	sdelay $0x1  }
0x288: {  	v35 =	vadd.f32 v62, v35;
	_ =	sdelay $0x1  }
0x289: {  	s7 =	sadd.s32 $0x1, s7;
	v35 =	vadd.f32 v63, v35  }
0x28a: {  	p0 =	sne.s32 s7, s28  }
.Ltmp10:
0x28b: {  	[tilespmem:$0x4810] =	vst v35;
	(pc) =	sbr.rel @p0 .LBB2_1-.Ltmp10, $4  }
0x28c: {  	[hbm4b:s26+s2] =	stream.linear.scatter [tilespmem:s6], [sflag:$0x1], $0x80, $0x38;
	[tilespmem:$0x4880] =	vst v63  }
0x28d: {  	_ =	swait.ge [sflag:s31], $0x80  }
0x28e: {  	[sflag:s31] =	ssyncset.done $0x0  }
0x28f: {  	[sflag:s31] =	ssyncadd.s32 $0xFFFFFF80  }
0x290: {  	_ =	sfence.sel $0x180000  }
0x291: {  	[bflag:$0x0] =	sbarrier.arrive $0xFFFF  }
0x292: {  	_ =	strace $0x90000047  }
0x293: {  	s0 =	stileid.u32;
	[bflag:$0x2] =	sbarrier.arrive $0xFFFF  }
0x294: {  	p0 =	sne.s32 s0, $0x0;
	s0 =	rddreg [dreg:$0x1]  }
0x295: {  	s0 =	sadd.s32 @!p0 $0x100000, s0  }
0x296: {  	[sflag:s0] =	ssyncadd.tile.s32 @!p0 $0x1;
	_ =	shalt  }
.Lfunc_end2:
_tile_overlayer_lowered:
.L_overlay_start_2:
0x297: {  	(tag) =	ssettag $0x2  }
0x298: {  	s0 =	rddreg [dreg:$0x0];
	s2 =	stileid.u32  }
0x299: {  	s1 =	rddreg [dreg:$0x1];
	p0 =	sne.s32 s2, $0x0  }
0x29a: {  	s3 =	rddreg [dreg:$0x2];
	[bflag:$0x3] =	sbarrier.arrive $0xFFFF;
	s2 =	simm.s32 @!p0 $0x1C01  }
0x29b: {  	[timem:s3], [sflag:s2] =	dma.local @!p0 [hbm:s0], s1  }
0x29c: {  	s0 =	simm.s32 @!p0 $0x1  }
0x29d: {  	_ =	swait.ge @!p0 [sflag:s0], s1  }
0x29e: {  	s1 =	ssub.s32 @!p0 $0x0, s1;
	[sflag:s0] =	ssyncset.done @!p0 $0x0  }
0x29f: {  	[sflag:s0] =	ssyncadd.s32 @!p0 s1  }
0x2a0: {  	[bflag:$0x3] =	sbarrier.arrive $0xFFFF  }
0x2a1: {  	_ =	shalt  }

// kernel: kernel.9.cloned.1.call-start
scs
__scs_entry_jumppad:
0x0: {  	(pc) =	sbr.rel $0x88, $3  }
0x1: {  	(tag) =	ssettag $0x0;
	lr =	simm.s32 $0x1  }
0x2: {  	[smem:$0x3F9D] =	sst lr;
	_ =	strace $0xD0000000  }
0x3: {  	_ = 	snop  }
0x4: {  	_ = 	snop  }
0x5: {  	_ = 	snop  }
0x6: {  	_ = 	snop  }
0x7: {  	_ = 	snop  }
__scs_overlays_trampoline_lowered:
0x8: {  	[smem:$0x3FAC] =	sst s0  }
0x9: {  	[smem:$0x3FAD] =	sst s1  }
0xa: {  	[smem:$0x3FAE] =	sst s2  }
0xb: {  	[smem:$0x3FAF] =	sst s3  }
0xc: {  	[smem:$0x3FB0] =	sst s4  }
0xd: {  	[smem:$0x3FB1] =	sst s5  }
0xe: {  	[smem:$0x3FB2] =	sst s6  }
0xf: {  	[smem:$0x3FB3] =	sst s7  }
0x10: {  	[smem:$0x3FB4] =	sst s8  }
0x11: {  	[smem:$0x3FB5] =	sst s9;
	s0 =	simm.s32 @!p0 $0x0  }
0x12: {  	s1 =	sld [smem:$0x3F9B];
	s0 =	simm.s32 @p0 $0x1  }
0x13: {  	[smem:$0x3FB6] =	sst s0;
	s0 =	simm.s32 @!p1 $0x0  }
0x14: {  	s2 =	sld [smem:$0x3F9A];
	s0 =	simm.s32 @p1 $0x1  }
0x15: {  	[smem:$0x3FB7] =	sst s0;
	s0 =	simm.s32 @!p2 $0x0  }
0x16: {  	s3 =	sld [smem:$0x3FDB];
	s0 =	simm.s32 @p2 $0x1  }
0x17: {  	s4 =	simm.s32 $0x1BF5;
	[smem:$0x3FB9] =	sst s0  }
0x18: {  	s0 =	sld [smem:$0x3F9C];
	_ =	swait.ge [sflag:s4], $0x0  }
0x19: {  	s7 =	sld [smem:$0x3F9D]  }
0x1a: {  	s8 =	sadd.s32 $0xFFFFE003, lr  }
0x1b: {  	s9 =	sadd.s32 $0xFFFFFEF7, lr;
	s5 =	simm.s32 $0xFFFFFFFF;
	p2 =	slt.u32 s8, $0xFFFFF086  }
0x1c: {  	p1 =	slt.u32 s9, $0xF7A;
	s5 =	simm.s32 @!p2 $0x0  }
0x1d: {  	s5 =	simm.s32 @p1 $0x1;
	p0 =	seq.s32 s7, s2  }
0x1e: {  	s7 =	smul.u32 @!p0 $0xF7A, s2;
	p2 =	seq.s32 @!p0 s5, $0x0  }
0x1f: {  	s9 =	smul.u32 $0xF7A, s1;
	s8 =	simm.s32 @!p0 $0x1BF5;
	p2 =	por !p2, p0  }
0x20: {  	[sflag:s8] =	ssyncset.s32 @!p0 $0xFFFFF086;
	s6 =	sadd.s32 @!p0 s3, s7;
	s7 =	simm.s32 @!p0 $0x108  }
0x21: {  	s3 =	sadd.s32 s3, s9;
	s6 =	sadd.s32 @!p0 $0x88, s6;
	s7 =	simm.s32 @p2 $0x1082  }
0x22: {  	[simem:s7], [sflag:s8] =	dma.local @!p0 [hbm:s6], $0xF7A  }
0x23: {  	s9 =	sor.u32 $0xD0000000, s2;
	s6 =	simm.s32 $0x108;
	_ =	swait.ge @!p0 [sflag:s8], $0x0  }
0x24: {  	s3 =	sadd.s32 $0x88, s3;
	s6 =	simm.s32 @!p1 $0x1082;
	[sflag:s4] =	ssyncset.s32 $0xFFFFF086  }
0x25: {  	[simem:s6], [sflag:s4] =	dma.local [hbm:s3], $0xF7A  }
0x26: {  	[smem:$0x3F9D] =	sst s1;
	(tag) =	ssettag s2;
	_ =	strace s9  }
0x27: {  	s1 =	sld [smem:$0x3FAD]  }
0x28: {  	s2 =	sld [smem:$0x3FAE]  }
0x29: {  	s4 =	sld [smem:$0x3FB0]  }
0x2a: {  	p0 =	seq.s32 s5, $0x0;
	s5 =	sld [smem:$0x3FB1]  }
0x2b: {  	s6 =	sld [smem:$0x3FB2]  }
0x2c: {  	s7 =	sld [smem:$0x3FB3]  }
0x2d: {  	s3 =	simm.s32 $0x108;
	s8 =	sld [smem:$0x3FB4]  }
0x2e: {  	s3 =	simm.s32 @!p0 $0x1082;
	s9 =	sld [smem:$0x3FB5]  }
0x2f: {  	lr =	sadd.s32 s0, s3;
	s0 =	sld [smem:$0x3FAC]  }
0x30: {  	s3 =	sld [smem:$0x3FAF]  }
0x31: {  	[smem:$0x3FB8] =	sst s10  }
0x32: {  	s10 =	sld [smem:$0x3FB6];
	_ =	sdelay $0x3  }
0x33: {  	p0 =	seq.s32 s10, $0x1;
	s10 =	sld [smem:$0x3FB8];
	_ =	sdelay $0x3  }
0x34: {  	[smem:$0x3FB8] =	sst s10  }
0x35: {  	s10 =	sld [smem:$0x3FB7];
	_ =	sdelay $0x3  }
0x36: {  	p1 =	seq.s32 s10, $0x1;
	s10 =	sld [smem:$0x3FB8];
	_ =	sdelay $0x3  }
0x37: {  	[smem:$0x3FB8] =	sst s10  }
0x38: {  	s10 =	sld [smem:$0x3FB9]  }
0x39: {  	_ = 	snop;
	(pc) =	sbr.ind lr, $3  }
0x3a: {  	_ = 	snop  }
0x3b: {  	_ = 	snop  }
0x3c: {  	p2 =	seq.s32 s10, $0x1;
	s10 =	sld [smem:$0x3FB8]  }
0x3d: {  	_ =	shalt  }
0x3e: {  	_ =	shalt  }
0x3f: {  	_ =	shalt  }
0x40: {  	_ =	shalt  }
0x41: {  	_ =	shalt  }
0x42: {  	_ =	shalt  }
0x43: {  	_ =	shalt  }
0x44: {  	_ =	shalt  }
0x45: {  	_ =	shalt  }
0x46: {  	_ =	shalt  }
0x47: {  	_ =	shalt  }
0x48: {  	_ =	shalt  }
0x49: {  	_ =	shalt  }
0x4a: {  	_ =	shalt  }
0x4b: {  	_ =	shalt  }
0x4c: {  	_ =	shalt  }
0x4d: {  	_ =	shalt  }
0x4e: {  	_ =	shalt  }
0x4f: {  	_ =	shalt  }
0x50: {  	_ =	shalt  }
0x51: {  	_ =	shalt  }
0x52: {  	_ =	shalt  }
0x53: {  	_ =	shalt  }
0x54: {  	_ =	shalt  }
0x55: {  	_ =	shalt  }
0x56: {  	_ =	shalt  }
0x57: {  	_ =	shalt  }
0x58: {  	_ =	shalt  }
0x59: {  	_ =	shalt  }
0x5a: {  	_ =	shalt  }
0x5b: {  	_ =	shalt  }
0x5c: {  	_ =	shalt  }
0x5d: {  	_ =	shalt  }
0x5e: {  	_ =	shalt  }
0x5f: {  	_ =	shalt  }
0x60: {  	_ =	shalt  }
0x61: {  	_ =	shalt  }
0x62: {  	_ =	shalt  }
0x63: {  	_ =	shalt  }
0x64: {  	_ =	shalt  }
0x65: {  	_ =	shalt  }
0x66: {  	_ =	shalt  }
0x67: {  	_ =	shalt  }
0x68: {  	_ =	shalt  }
0x69: {  	_ =	shalt  }
0x6a: {  	_ =	shalt  }
0x6b: {  	_ =	shalt  }
0x6c: {  	_ =	shalt  }
0x6d: {  	_ =	shalt  }
0x6e: {  	_ =	shalt  }
0x6f: {  	_ =	shalt  }
0x70: {  	_ =	shalt  }
0x71: {  	_ =	shalt  }
0x72: {  	_ =	shalt  }
0x73: {  	_ =	shalt  }
0x74: {  	_ =	shalt  }
0x75: {  	_ =	shalt  }
0x76: {  	_ =	shalt  }
0x77: {  	_ =	shalt  }
0x78: {  	_ =	shalt  }
0x79: {  	_ =	shalt  }
0x7a: {  	_ =	shalt  }
0x7b: {  	_ =	shalt  }
0x7c: {  	_ =	shalt  }
0x7d: {  	_ =	shalt  }
0x7e: {  	_ =	shalt  }
0x7f: {  	_ =	shalt  }
0x80: {  	_ =	shalt  }
0x81: {  	_ =	shalt  }
0x82: {  	_ =	shalt  }
0x83: {  	_ =	shalt  }
0x84: {  	_ =	shalt  }
0x85: {  	_ =	shalt  }
0x86: {  	_ =	shalt  }
0x87: {  	_ =	shalt  }
.Lfunc_end0:
.L_simem_size_0:
called_computation.1_lowered:
.L_overlay_start_0:
0x88: {  	s2 =	sld [smem:$0x3FD9]  }
0x89: {  	s3 =	sld [smem:$0x3FFE];
	_ =	sdelay $0x1  }
0x8a: {  	s1 =	srdreg.scid  }
0x8b: {  	s0 =	sand.u32 $0x1, s1  }
0x8c: {  	s16 =	sshll.u32 s0, $0xA;
	s2 =	sadd.s32 s3, s2  }
0x8d: {  	s2 =	sadd.s32 s2, s16  }
0x8e: {  	[smem:$0x3FC4] =	sst s2  }
0x8f: {  	_ = 	snop  }
0x90: {  	(tm) =	ssettm $0x1  }
0x91: {  	s17 =	sld [smem:$0x3FFB];
	_ =	sdelay $0x3  }
0x92: {  	_ =	strace s17  }
0x93: {  	s2 =	sld [smem:$0x3FFC];
	_ =	sdelay $0x3  }
0x94: {  	_ =	strace s2  }
0x95: {  	s2 =	sld [smem:$0x3FFD];
	_ =	sdelay $0x3  }
0x96: {  	_ =	strace s2  }
0x97: {  	_ =	strace $0x8FFFFFFF  }
0x98: {  	s18 =	sld [smem:$0x3FDB];
	_ =	sdelay $0x1  }
0x99: {  	s19 =	simm.s32 $_scs_section_size  }
0x9a: {  	s4 =	simm.s32 $_size__tile_overlayer_lowered;
	s5 =	simm.s32 $_tile_overlayer_lowered  }
0x9b: {  	s22 =	simm.s32 $0x1BFF;
	s21 =	sshll.u32 s5, $0x1;
	s2 =	sadd.s32 s19, s18  }
0x9c: {  	s6 =	simm.s32 $0x0;
	s20 =	sshll.u32 s4, $0x1;
	s4 =	sadd.s32 s21, s2  }
0x9d: {  	[timem:s6], [sflag:s22] =	dma.local [hbm:s4], s20  }
0x9e: {  	_ =	swait.ge [sflag:s22], s20  }
0x9f: {  	s3 =	ssub.s32 $0x0, s20;
	[sflag:s22] =	ssyncset.done $0x0  }
0xa0: {  	[sflag:s22] =	ssyncadd.s32 s3;
	_ =	sdelay $0x1  }
0xa1: {  	s23 =	simm.s32 $0x1B8B  }
0xa2: {  	_ =	swait.ge [sflag:s23], $0x1  }
0xa3: {  	[sflag:s23] =	ssyncset.done $0x0  }
0xa4: {  	s25 =	simm.s32 $0x1B8E;
	s24 =	sld [smem:$0x3FFE];
	[sflag:s23] =	ssyncadd.s32 $0xFFFFFFFF  }
0xa5: {  	s26 =	simm.s32 $execute0_lowered;
	[smem:$0x3FD2] =	sst s25  }
0xa6: {  	s4 =	sshll.u32 s26, $0x1;
	_ =	strace $0x80000049;
	[dreg:$0x1] =	wrdreg $0xFFFFFFFF  }
0xa7: {  	s28 =	simm.s32 $_size_execute0_lowered;
	s2 =	sadd.s32 s2, s4;
	[dreg:$0x0] =	wrdreg $0x0  }
0xa8: {  	s4 =	sshll.u32 s28, $0x1;
	[dreg:$0x2] =	wrdreg s2  }
0xa9: {  	[dreg:$0x3] =	wrdreg s4  }
0xaa: {  	[dreg:$0x4] =	wrdreg $0xC0  }
0xab: {  	_ =	task [dreg:s6], $0x5FFFF  }
0xac: {  	[dreg:$0x1] =	wrdreg $0xFFFFFFFF  }
0xad: {  	[dreg:$0x0] =	wrdreg $0x60  }
0xae: {  	[dreg:$0x2] =	wrdreg s24  }
0xaf: {  	[dreg:$0x3] =	wrdreg $0x9  }
0xb0: {  	_ =	task.clear_ibuf [dreg:s6], $0x4FFFF;
	_ =	strace $0x90000049  }
0xb1: {  	s29 =	simm.s32 $0x9;
	_ =	strace $0x8000004B  }
0xb2: {  	_ =	swait.ge [sflag:s29], $0x1  }
0xb3: {  	[sflag:s29] =	ssyncadd.s32 $0xFFFFFFFF  }
0xb4: {  	_ =	strace $0x9000004B  }
0xb5: {  	_ =	sfence  }
0xb6: {  	s30 =	sld [smem:$0x0];
	_ =	sdelay $0x2  }
0xb7: {  	s31 =	sshll.u32 s1, $0xD;
	s1 =	sshrl.u32 s1, $0x2  }
0xb8: {  	s3 =	sand.u32 $0x4000, s31;
	s1 =	sadd.s32 s1, s30  }
0xb9: {  	s0 =	sor.u32 s3, s0;
	s1 =	sshll.u32 s1, $0x11  }
0xba: {  	s0 =	sor.u32 s1, s0  }
0xbb: {  	s0 =	sadd.s32 $0x8F2B, s0  }
0xbc: {  	[sflag:s0] =	ssyncadd.remote.s32 $0x1  }
0xbd: {  	_ =	sfence.sel $0xFFFF  }
0xbe: {  	[dreg:$0x0] =	wrdreg $0xFFFFFFFF;
	(pc) =	sbr.abs _section_cstart, $3  }
0xbf: {  	[dreg:$0x1] =	wrdreg $0xFFFFFFFF  }
0xc0: {  	_ =	task.clear_ibuf [dreg:s6], $0x2FFFF;
	_ =	strace $0x9FFFFFFF  }
0xc1: {  	(tm) =	ssettm $0x7FFFFFFF  }
tec
execute0_lowered:
.L_overlay_start_1:
0x0: {  	(tag) =	ssettag $0x1  }
0x1: {  	s0 =	rddreg [dreg:$0x0]  }
0x2: {  	s5 =	stileid.u32;
	s3 =	srdreg.scid;
	s29 =	simm.s32 $0x4000  }
0x3: {  	s30 =	simm.s32 $0x1;
	s31 =	simm.s32 $0x4080;
	s1 =	sadd.s32 $0x21A00, s0  }
0x4: {  	s2 =	sadd.s32 $0x61A00, s0;
	s4 =	sshll.u32 s5, $0x6;
	s3 =	sand.u32 $0x1, s3  }
0x5: {  	s5 =	sshll.u32 s5, $0x1;
	s6 =	sadd.s32 $0x1A00, s0;
	s7 =	sadd.s32 $0x11A00, s0  }
0x6: {  	s4 =	sand.u32 $0x380, s4;
	s5 =	sor.u32 s3, s5;
	s3 =	ssub.s32 $0x2, s3  }
0x7: {  	s8 =	sshrl.u32 s4, $0x3;
	s13 =	sand.u32 $0x3, s5;
	s5 =	sshll.u32 s5, $0x4  }
0x8: {  	s9 =	sshrl.u32 s3, $0x1;
	s25 =	sadd.s32 s8, s0;
	s17 =	sshll.u32 s13, $0x13  }
0x9: {  	s0 =	sadd.s32 s5, s0;
	s3 =	ssub.s32 s3, s9;
	s16 =	sshll.u32 s13, $0x11  }
0xa: {  	s8 =	sor.u32 s4, s17;
	s4 =	sor.u32 s4, s16;
	s28 =	smax.u32 s3, $0x1  }
0xb: {  	s3 =	simm.s32 $0x2000;
	s18 =	sshrl.u32 s8, $0x3;
	s4 =	sshrl.u32 s4, $0x3  }
0xc: {  	s8 =	sadd.s32 s1, s18;
	s19 =	sadd.s32 s2, s18;
	s20 =	sor.u32 $0x2000, s18  }
0xd: {  	s22 =	sor.u32 $0x4000, s18;
	s24 =	sor.u32 $0x6000, s18;
	s11 =	sor.u32 $0x8000, s18  }
0xe: {  	s14 =	sor.u32 $0xA000, s18;
	s15 =	sor.u32 $0xC000, s18;
	s5 =	sor.u32 $0xE000, s18  }
0xf: {  	s18 =	sadd.s32 s6, s4;
	s26 =	sor.u32 $0x2000, s4;
	[dreg:$0x2] =	wrdreg s8  }
0x10: {  	[dreg:$0x3] =	wrdreg s19;
	s21 =	sadd.s32 s1, s20;
	s8 =	sadd.s32 s2, s20  }
0x11: {  	s23 =	sadd.s32 s1, s22;
	s9 =	sadd.s32 s2, s24;
	s10 =	sadd.s32 s1, s11  }
0x12: {  	s11 =	sadd.s32 s2, s11;
	s12 =	sadd.s32 s1, s14;
	s13 =	sadd.s32 s2, s14  }
0x13: {  	s14 =	sadd.s32 s1, s15;
	s15 =	sadd.s32 s2, s15;
	s16 =	sadd.s32 s1, s5  }
0x14: {  	s17 =	sadd.s32 s2, s5;
	s19 =	sadd.s32 s7, s4;
	[dreg:$0x4] =	wrdreg s21  }
0x15: {  	s20 =	simm.s32 $0x0;
	s4 =	simm.s32 $0x0;
	[dreg:$0x5] =	wrdreg s8  }
0x16: {  	[dreg:$0x6] =	wrdreg s23;
	s8 =	sadd.s32 s2, s22;
	s21 =	sadd.s32 s6, s26  }
0x17: {  	s22 =	sadd.s32 s7, s26;
	[smem:$0x7FF] =	sst s20;
	s23 =	sadd.s32 $0xA1A00, s25  }
0x18: {  	s26 =	sadd.s32 $0xA1C00, s0;
	s0 =	simm.s32 $0x4100;
	s2 =	simm.s32 $0x400  }
0x19: {  	[dreg:$0x7] =	wrdreg s8;
	s8 =	sadd.s32 s1, s24;
	s24 =	sadd.s32 $0xA1A80, s25  }
0x1a: {  	s25 =	sadd.s32 $0xA1B00, s25;
	s1 =	simm.s32 $0x80;
	_ =	strace $0x8000004A  }
.LBB2_1:
0x1b: {  	[tilespmem:s29], [sflag:$0x1] =	stream.linear.gather [hbm4b:s23+s20], $0x80, $0x38;
	[tilespmem:$0x4200] =	vst v63  }
0x1c: {  	_ =	swait.ge [sflag:s30], $0x80  }
0x1d: {  	[sflag:s30] =	ssyncset.done $0x0  }
0x1e: {  	[sflag:s30] =	ssyncadd.s32 $0xFFFFFF80  }
0x1f: {  	[tilespmem:s31], [sflag:$0x1] =	stream.linear.gather [hbm4b:s24+s20], $0x80, $0x38;
	[tilespmem:$0x4200] =	vst v63  }
0x20: {  	_ =	swait.ge [sflag:s30], $0x80  }
0x21: {  	[sflag:s30] =	ssyncset.done $0x0  }
0x22: {  	[sflag:s30] =	ssyncadd.s32 $0xFFFFFF80  }
0x23: {  	[tilespmem:s0], [sflag:$0x1] =	stream.linear.gather [hbm4b:s25+s20], $0x80, $0x38;
	[tilespmem:$0x4200] =	vst v63  }
0x24: {  	_ =	swait.ge [sflag:s30], $0x80  }
0x25: {  	[sflag:s30] =	ssyncset.done $0x0  }
0x26: {  	s5 =	rddreg [dreg:$0x2];
	[sflag:s30] =	ssyncadd.s32 $0xFFFFFF80  }
0x27: {  	[tilespmem:s20], [sflag:$0x1] =	stream.strided.gather [hbm4b:s5+s1], $0x2000, s2, s1, $0x38;
	[tilespmem:$0x4200] =	vst v63  }
0x28: {  	_ =	swait.ge [sflag:s30], $0x2000  }
0x29: {  	[sflag:s30] =	ssyncset.done $0x0  }
0x2a: {  	s6 =	rddreg [dreg:$0x3];
	[sflag:s30] =	ssyncadd.s32 $0xFFFFE000  }
0x2b: {  	[tilespmem:s3], [sflag:$0x1] =	stream.strided.gather [hbm4b:s6+s1], $0x2000, s2, s1, $0x38;
	[tilespmem:$0x4200] =	vst v63  }
0x2c: {  	_ =	swait.ge [sflag:s30], $0x2000  }
0x2d: {  	[sflag:s30] =	ssyncset.done $0x0  }
0x2e: {  	s7 =	simm.s32 $0x0;
	[sflag:s30] =	ssyncadd.s32 $0xFFFFE000  }
0x2f: {  	v0 =	vld [tilespmem:s7+$0x2000];
	_ =	sdelay $0x4  }
0x30: {  	s6 =	simm.s32 $0x10  }
0x31: {  	v1 =	vld [tilespmem:s6+$0x2000]  }
0x32: {  	v3 =	vld [tilespmem:s7+$0x0]  }
0x33: {  	v2 =	vld.idx.msk [tilespmem:v0+s29+$0x0], $0xffff;
	_ =	sdelay $0x3  }
0x34: {  	s5 =	simm.s32 $0x20  }
0x35: {  	v4 =	vld [tilespmem:s5+$0x2000];
	v2 =	vsub.f32 v3, v2  }
0x36: {  	v6 =	vld.idx.msk [tilespmem:v0+s31+$0x0], $0xffff  }
0x37: {  	v3 =	vld.idx.msk [tilespmem:v1+s29+$0x0], $0xffff;
	v0 =	vand.u32 $0x7FFFFFFF, v2  }
0x38: {  	v2 =	vld [tilespmem:s6+$0x0];
	v0 =	vadd.f32 $-1.000000010e-01, v0;
	_ =	sdelay $0x1  }
0x39: {  	v0 =	vmax.f32 v0, $0.0e+00  }
0x3a: {  	v7 =	vmul.f32 v0, v0  }
0x3b: {  	s6 =	simm.s32 $0x30  }
0x3c: {  	v5 =	vld [tilespmem:s6+$0x2000];
	v3 =	vsub.f32 v2, v3;
	v2 =	vmul.f32 v7, v6  }
0x3d: {  	s7 =	simm.s32 $0x100;
	v1 =	vld.idx.msk [tilespmem:v1+s31+$0x0], $0xffff;
	v0 =	vimm.f32 $0.0e+00;
	v6 =	vmov v4  }
.LBB2_2:
0x3e: {  	p0 =	sne.s32 s7, $0x7FC0;
	v7 =	vld.idx.msk [tilespmem:v4+s29+$0x0], $0xffff;
	v3 =	vand.u32 $0x7FFFFFFF, v3;
	v0 =	vadd.f32 v2, v0  }
0x3f: {  	v2 =	vld [tilespmem:s5+$0x0];
	v3 =	vadd.f32 $-1.000000010e-01, v3;
	s5 =	smov.u32 s6;
	_ =	sdelay $0x1  }
.Ltmp0:
0x40: {  	v3 =	vmax.f32 v3, $0.0e+00;
	v4 =	vmov v5;
	(pc) =	sbr.rel @p0 .LBB2_2-.Ltmp0, $4  }
0x41: {  	v8 =	vmul.f32 v3, v3  }
0x42: {  	s6 =	sshra.s32 s7, $0x2  }
0x43: {  	v5 =	vld [tilespmem:s6+$0x2000];
	v3 =	vsub.f32 v2, v7;
	v2 =	vmul.f32 v8, v1  }
0x44: {  	s7 =	sadd.s32 $0x40, s7;
	v1 =	vld.idx.msk [tilespmem:v6+s31+$0x0], $0xffff;
	v6 =	vmov v4  }
0x45: {  	_ =	sdelay $0x3  }
0x46: {  	v4 =	vld.idx.msk [tilespmem:v4+s29+$0x0], $0xffff  }
0x47: {  	v7 =	vld [tilespmem:s5+$0x0]  }
0x48: {  	v6 =	vld.idx.msk [tilespmem:v6+s31+$0x0], $0xffff  }
0x49: {  	v9 =	vld [tilespmem:s6+$0x0]  }
0x4a: {  	s6 =	simm.s32 $0x0;
	s7 =	rddreg [dreg:$0x4];
	v8 =	vld.idx.msk [tilespmem:v5+s29+$0x0], $0xffff  }
0x4b: {  	v5 =	vld.idx.msk [tilespmem:v5+s31+$0x0], $0xffff;
	[tilespmem:s6], [sflag:$0x1] =	stream.strided.gather [hbm4b:s7+s1], $0x2000, s2, s1, $0x38  }
0x4c: {  	_ =	swait.ge [sflag:s30], $0x2000  }
0x4d: {  	[sflag:s30] =	ssyncset.done $0x0  }
0x4e: {  	s7 =	rddreg [dreg:$0x5];
	[sflag:s30] =	ssyncadd.s32 $0xFFFFE000  }
0x4f: {  	[tilespmem:s3], [sflag:$0x1] =	stream.strided.gather [hbm4b:s7+s1], $0x2000, s2, s1, $0x38;
	[tilespmem:$0x4200] =	vst v63  }
0x50: {  	_ =	swait.ge [sflag:s30], $0x2000  }
0x51: {  	[sflag:s30] =	ssyncset.done $0x0  }
0x52: {  	s6 =	simm.s32 $0x0;
	[sflag:s30] =	ssyncadd.s32 $0xFFFFE000  }
0x53: {  	v10 =	vld [tilespmem:s6+$0x2000];
	_ =	sdelay $0x4  }
0x54: {  	s7 =	simm.s32 $0x10  }
0x55: {  	v11 =	vld [tilespmem:s7+$0x2000]  }
0x56: {  	v13 =	vld [tilespmem:s6+$0x0]  }
0x57: {  	v12 =	vld.idx.msk [tilespmem:v10+s29+$0x0], $0xffff  }
0x58: {  	v3 =	vand.u32 $0x7FFFFFFF, v3;
	v4 =	vsub.f32 v7, v4  }
0x59: {  	v3 =	vadd.f32 $-1.000000010e-01, v3  }
0x5a: {  	v4 =	vand.u32 $0x7FFFFFFF, v4;
	v7 =	vsub.f32 v9, v8  }
0x5b: {  	s5 =	simm.s32 $0x20;
	v3 =	vmax.f32 v3, $0.0e+00;
	v4 =	vadd.f32 $-1.000000010e-01, v4  }
0x5c: {  	v8 =	vmul.f32 v3, v3;
	v7 =	vand.u32 $0x7FFFFFFF, v7;
	v3 =	vld [tilespmem:s5+$0x2000];
	v62 =	vsub.f32 v13, v12  }
0x5d: {  	v0 =	vadd.f32 v2, v0;
	v2 =	vmax.f32 v4, $0.0e+00;
	v4 =	vadd.f32 $-1.000000010e-01, v7;
	v63 =	vld [tilespmem:s7+$0x0]  }
0x5e: {  	v1 =	vmul.f32 v8, v1;
	v2 =	vmul.f32 v2, v2;
	v7 =	vld.idx.msk [tilespmem:v10+s31+$0x0], $0xffff;
	v9 =	vand.u32 $0x7FFFFFFF, v62  }
0x5f: {  	v4 =	vmax.f32 v4, $0.0e+00;
	v8 =	vld.idx.msk [tilespmem:v11+s29+$0x0], $0xffff;
	v9 =	vadd.f32 $-1.000000010e-01, v9  }
0x60: {  	v0 =	vadd.f32 v1, v0;
	v1 =	vmul.f32 v2, v6;
	v2 =	vmul.f32 v4, v4  }
0x61: {  	v4 =	vmax.f32 v9, $0.0e+00  }
0x62: {  	v0 =	vadd.f32 v1, v0;
	v1 =	vmul.f32 v2, v5;
	v2 =	vmul.f32 v4, v4  }
0x63: {  	s6 =	simm.s32 $0x30  }
0x64: {  	v5 =	vld [tilespmem:s6+$0x2000];
	v0 =	vadd.f32 v1, v0;
	v4 =	vsub.f32 v63, v8;
	v2 =	vmul.f32 v2, v7  }
0x65: {  	s7 =	simm.s32 $0x100;
	v6 =	vmov v3;
	v1 =	vld.idx.msk [tilespmem:v11+s31+$0x0], $0xffff  }
.LBB2_4:
0x66: {  	p0 =	sne.s32 s7, $0x7FC0;
	v7 =	vld.idx.msk [tilespmem:v3+s29+$0x0], $0xffff;
	v3 =	vand.u32 $0x7FFFFFFF, v4;
	v0 =	vadd.f32 v2, v0  }
0x67: {  	v2 =	vld [tilespmem:s5+$0x0];
	v8 =	vadd.f32 $-1.000000010e-01, v3;
	s5 =	smov.u32 s6;
	_ =	sdelay $0x1  }
.Ltmp1:
0x68: {  	v4 =	vmax.f32 v8, $0.0e+00;
	v3 =	vmov v5;
	(pc) =	sbr.rel @p0 .LBB2_4-.Ltmp1, $4  }
0x69: {  	v8 =	vmul.f32 v4, v4  }
0x6a: {  	s6 =	sshra.s32 s7, $0x2  }
0x6b: {  	v5 =	vld [tilespmem:s6+$0x2000];
	v4 =	vsub.f32 v2, v7;
	v2 =	vmul.f32 v8, v1  }
0x6c: {  	s7 =	sadd.s32 $0x40, s7;
	v1 =	vld.idx.msk [tilespmem:v6+s31+$0x0], $0xffff;
	v6 =	vmov v3  }
0x6d: {  	_ =	sdelay $0x3  }
0x6e: {  	v3 =	vld.idx.msk [tilespmem:v3+s29+$0x0], $0xffff  }
0x6f: {  	v7 =	vld [tilespmem:s5+$0x0]  }
0x70: {  	v6 =	vld.idx.msk [tilespmem:v6+s31+$0x0], $0xffff  }
0x71: {  	v9 =	vld [tilespmem:s6+$0x0]  }
0x72: {  	s6 =	simm.s32 $0x0;
	s7 =	rddreg [dreg:$0x6];
	v8 =	vld.idx.msk [tilespmem:v5+s29+$0x0], $0xffff  }
0x73: {  	v5 =	vld.idx.msk [tilespmem:v5+s31+$0x0], $0xffff;
	[tilespmem:s6], [sflag:$0x1] =	stream.strided.gather [hbm4b:s7+s1], $0x2000, s2, s1, $0x38  }
0x74: {  	_ =	swait.ge [sflag:s30], $0x2000  }
0x75: {  	[sflag:s30] =	ssyncset.done $0x0  }
0x76: {  	s7 =	rddreg [dreg:$0x7];
	[sflag:s30] =	ssyncadd.s32 $0xFFFFE000  }
0x77: {  	[tilespmem:s3], [sflag:$0x1] =	stream.strided.gather [hbm4b:s7+s1], $0x2000, s2, s1, $0x38;
	[tilespmem:$0x4200] =	vst v63  }
0x78: {  	_ =	swait.ge [sflag:s30], $0x2000  }
0x79: {  	[sflag:s30] =	ssyncset.done $0x0  }
0x7a: {  	s6 =	simm.s32 $0x0;
	[sflag:s30] =	ssyncadd.s32 $0xFFFFE000  }
0x7b: {  	v10 =	vld [tilespmem:s6+$0x2000];
	_ =	sdelay $0x4  }
0x7c: {  	s7 =	simm.s32 $0x10  }
0x7d: {  	v11 =	vld [tilespmem:s7+$0x2000]  }
0x7e: {  	v13 =	vld [tilespmem:s6+$0x0]  }
0x7f: {  	v12 =	vld.idx.msk [tilespmem:v10+s29+$0x0], $0xffff  }
0x80: {  	v4 =	vand.u32 $0x7FFFFFFF, v4;
	v3 =	vsub.f32 v7, v3  }
0x81: {  	v4 =	vadd.f32 $-1.000000010e-01, v4  }
0x82: {  	v3 =	vand.u32 $0x7FFFFFFF, v3;
	v7 =	vsub.f32 v9, v8  }
0x83: {  	s5 =	simm.s32 $0x20;
	v4 =	vmax.f32 v4, $0.0e+00;
	v8 =	vadd.f32 $-1.000000010e-01, v3  }
0x84: {  	v4 =	vmul.f32 v4, v4;
	v7 =	vand.u32 $0x7FFFFFFF, v7;
	v3 =	vld [tilespmem:s5+$0x2000];
	v62 =	vsub.f32 v13, v12  }
0x85: {  	v0 =	vadd.f32 v2, v0;
	v2 =	vmax.f32 v8, $0.0e+00;
	v7 =	vadd.f32 $-1.000000010e-01, v7;
	v63 =	vld [tilespmem:s7+$0x0]  }
0x86: {  	v1 =	vmul.f32 v4, v1;
	v2 =	vmul.f32 v2, v2;
	v8 =	vld.idx.msk [tilespmem:v10+s31+$0x0], $0xffff;
	v9 =	vand.u32 $0x7FFFFFFF, v62  }
0x87: {  	v7 =	vmax.f32 v7, $0.0e+00;
	v4 =	vld.idx.msk [tilespmem:v11+s29+$0x0], $0xffff;
	v9 =	vadd.f32 $-1.000000010e-01, v9  }
0x88: {  	v0 =	vadd.f32 v1, v0;
	v1 =	vmul.f32 v2, v6;
	v2 =	vmul.f32 v7, v7  }
0x89: {  	v6 =	vmax.f32 v9, $0.0e+00  }
0x8a: {  	v0 =	vadd.f32 v1, v0;
	v1 =	vmul.f32 v2, v5;
	v2 =	vmul.f32 v6, v6  }
0x8b: {  	s6 =	simm.s32 $0x30  }
0x8c: {  	v5 =	vld [tilespmem:s6+$0x2000];
	v0 =	vadd.f32 v1, v0;
	v4 =	vsub.f32 v63, v4;
	v2 =	vmul.f32 v2, v8  }
0x8d: {  	s7 =	simm.s32 $0x100;
	v1 =	vld.idx.msk [tilespmem:v11+s31+$0x0], $0xffff;
	v6 =	vmov v3  }
.LBB2_6:
0x8e: {  	p0 =	sne.s32 s7, $0x7FC0;
	v7 =	vld.idx.msk [tilespmem:v3+s29+$0x0], $0xffff;
	v3 =	vand.u32 $0x7FFFFFFF, v4;
	v0 =	vadd.f32 v2, v0  }
0x8f: {  	v2 =	vld [tilespmem:s5+$0x0];
	v8 =	vadd.f32 $-1.000000010e-01, v3;
	s5 =	smov.u32 s6;
	_ =	sdelay $0x1  }
.Ltmp2:
0x90: {  	v4 =	vmax.f32 v8, $0.0e+00;
	v3 =	vmov v5;
	(pc) =	sbr.rel @p0 .LBB2_6-.Ltmp2, $4  }
0x91: {  	v8 =	vmul.f32 v4, v4  }
0x92: {  	s6 =	sshra.s32 s7, $0x2  }
0x93: {  	v5 =	vld [tilespmem:s6+$0x2000];
	v4 =	vsub.f32 v2, v7;
	v2 =	vmul.f32 v8, v1  }
0x94: {  	s7 =	sadd.s32 $0x40, s7;
	v1 =	vld.idx.msk [tilespmem:v6+s31+$0x0], $0xffff;
	v6 =	vmov v3  }
0x95: {  	_ =	sdelay $0x3  }
0x96: {  	v3 =	vld.idx.msk [tilespmem:v3+s29+$0x0], $0xffff  }
0x97: {  	v7 =	vld [tilespmem:s5+$0x0]  }
0x98: {  	v6 =	vld.idx.msk [tilespmem:v6+s31+$0x0], $0xffff  }
0x99: {  	v9 =	vld [tilespmem:s6+$0x0]  }
0x9a: {  	s7 =	simm.s32 $0x0;
	v8 =	vld.idx.msk [tilespmem:v5+s29+$0x0], $0xffff  }
0x9b: {  	v5 =	vld.idx.msk [tilespmem:v5+s31+$0x0], $0xffff;
	[tilespmem:s7], [sflag:$0x1] =	stream.strided.gather [hbm4b:s8+s1], $0x2000, s2, s1, $0x38  }
0x9c: {  	_ =	swait.ge [sflag:s30], $0x2000  }
0x9d: {  	[sflag:s30] =	ssyncset.done $0x0  }
0x9e: {  	[sflag:s30] =	ssyncadd.s32 $0xFFFFE000  }
0x9f: {  	[tilespmem:s3], [sflag:$0x1] =	stream.strided.gather [hbm4b:s9+s1], $0x2000, s2, s1, $0x38;
	[tilespmem:$0x4200] =	vst v63  }
0xa0: {  	_ =	swait.ge [sflag:s30], $0x2000  }
0xa1: {  	[sflag:s30] =	ssyncset.done $0x0  }
0xa2: {  	s6 =	simm.s32 $0x0;
	[sflag:s30] =	ssyncadd.s32 $0xFFFFE000  }
0xa3: {  	v10 =	vld [tilespmem:s6+$0x2000];
	_ =	sdelay $0x4  }
0xa4: {  	s7 =	simm.s32 $0x10  }
0xa5: {  	v11 =	vld [tilespmem:s7+$0x2000]  }
0xa6: {  	v13 =	vld [tilespmem:s6+$0x0]  }
0xa7: {  	v12 =	vld.idx.msk [tilespmem:v10+s29+$0x0], $0xffff  }
0xa8: {  	v4 =	vand.u32 $0x7FFFFFFF, v4;
	v3 =	vsub.f32 v7, v3  }
0xa9: {  	v4 =	vadd.f32 $-1.000000010e-01, v4  }
0xaa: {  	v3 =	vand.u32 $0x7FFFFFFF, v3;
	v7 =	vsub.f32 v9, v8  }
0xab: {  	s5 =	simm.s32 $0x20;
	v4 =	vmax.f32 v4, $0.0e+00;
	v8 =	vadd.f32 $-1.000000010e-01, v3  }
0xac: {  	v4 =	vmul.f32 v4, v4;
	v7 =	vand.u32 $0x7FFFFFFF, v7;
	v3 =	vld [tilespmem:s5+$0x2000];
	v62 =	vsub.f32 v13, v12  }
0xad: {  	v0 =	vadd.f32 v2, v0;
	v2 =	vmax.f32 v8, $0.0e+00;
	v7 =	vadd.f32 $-1.000000010e-01, v7;
	v63 =	vld [tilespmem:s7+$0x0]  }
0xae: {  	v1 =	vmul.f32 v4, v1;
	v2 =	vmul.f32 v2, v2;
	v8 =	vld.idx.msk [tilespmem:v10+s31+$0x0], $0xffff;
	v9 =	vand.u32 $0x7FFFFFFF, v62  }
0xaf: {  	v7 =	vmax.f32 v7, $0.0e+00;
	v4 =	vld.idx.msk [tilespmem:v11+s29+$0x0], $0xffff;
	v9 =	vadd.f32 $-1.000000010e-01, v9  }
0xb0: {  	v0 =	vadd.f32 v1, v0;
	v1 =	vmul.f32 v2, v6;
	v2 =	vmul.f32 v7, v7  }
0xb1: {  	v6 =	vmax.f32 v9, $0.0e+00  }
0xb2: {  	v0 =	vadd.f32 v1, v0;
	v1 =	vmul.f32 v2, v5;
	v2 =	vmul.f32 v6, v6  }
0xb3: {  	s6 =	simm.s32 $0x30  }
0xb4: {  	v5 =	vld [tilespmem:s6+$0x2000];
	v0 =	vadd.f32 v1, v0;
	v4 =	vsub.f32 v63, v4;
	v2 =	vmul.f32 v2, v8  }
0xb5: {  	s7 =	simm.s32 $0x100;
	v1 =	vld.idx.msk [tilespmem:v11+s31+$0x0], $0xffff;
	v6 =	vmov v3  }
.LBB2_8:
0xb6: {  	p0 =	sne.s32 s7, $0x7FC0;
	v7 =	vld.idx.msk [tilespmem:v3+s29+$0x0], $0xffff;
	v3 =	vand.u32 $0x7FFFFFFF, v4;
	v0 =	vadd.f32 v2, v0  }
0xb7: {  	v2 =	vld [tilespmem:s5+$0x0];
	v8 =	vadd.f32 $-1.000000010e-01, v3;
	s5 =	smov.u32 s6;
	_ =	sdelay $0x1  }
.Ltmp3:
0xb8: {  	v4 =	vmax.f32 v8, $0.0e+00;
	v3 =	vmov v5;
	(pc) =	sbr.rel @p0 .LBB2_8-.Ltmp3, $4  }
0xb9: {  	v8 =	vmul.f32 v4, v4  }
0xba: {  	s6 =	sshra.s32 s7, $0x2  }
0xbb: {  	v5 =	vld [tilespmem:s6+$0x2000];
	v4 =	vsub.f32 v2, v7;
	v2 =	vmul.f32 v8, v1  }
0xbc: {  	s7 =	sadd.s32 $0x40, s7;
	v1 =	vld.idx.msk [tilespmem:v6+s31+$0x0], $0xffff;
	v6 =	vmov v3  }
0xbd: {  	_ =	sdelay $0x3  }
0xbe: {  	v3 =	vld.idx.msk [tilespmem:v3+s29+$0x0], $0xffff  }
0xbf: {  	v7 =	vld [tilespmem:s5+$0x0]  }
0xc0: {  	v6 =	vld.idx.msk [tilespmem:v6+s31+$0x0], $0xffff  }
0xc1: {  	v9 =	vld [tilespmem:s6+$0x0]  }
0xc2: {  	s7 =	simm.s32 $0x0;
	v8 =	vld.idx.msk [tilespmem:v5+s29+$0x0], $0xffff  }
0xc3: {  	v5 =	vld.idx.msk [tilespmem:v5+s31+$0x0], $0xffff;
	[tilespmem:s7], [sflag:$0x1] =	stream.strided.gather [hbm4b:s10+s1], $0x2000, s2, s1, $0x38  }
0xc4: {  	_ =	swait.ge [sflag:s30], $0x2000  }
0xc5: {  	[sflag:s30] =	ssyncset.done $0x0  }
0xc6: {  	[sflag:s30] =	ssyncadd.s32 $0xFFFFE000  }
0xc7: {  	[tilespmem:s3], [sflag:$0x1] =	stream.strided.gather [hbm4b:s11+s1], $0x2000, s2, s1, $0x38;
	[tilespmem:$0x4200] =	vst v63  }
0xc8: {  	_ =	swait.ge [sflag:s30], $0x2000  }
0xc9: {  	[sflag:s30] =	ssyncset.done $0x0  }
0xca: {  	s6 =	simm.s32 $0x0;
	[sflag:s30] =	ssyncadd.s32 $0xFFFFE000  }
0xcb: {  	v10 =	vld [tilespmem:s6+$0x2000];
	_ =	sdelay $0x4  }
0xcc: {  	s7 =	simm.s32 $0x10  }
0xcd: {  	v11 =	vld [tilespmem:s7+$0x2000]  }
0xce: {  	v13 =	vld [tilespmem:s6+$0x0]  }
0xcf: {  	v12 =	vld.idx.msk [tilespmem:v10+s29+$0x0], $0xffff  }
0xd0: {  	v4 =	vand.u32 $0x7FFFFFFF, v4;
	v3 =	vsub.f32 v7, v3  }
0xd1: {  	v4 =	vadd.f32 $-1.000000010e-01, v4  }
0xd2: {  	v3 =	vand.u32 $0x7FFFFFFF, v3;
	v7 =	vsub.f32 v9, v8  }
0xd3: {  	s5 =	simm.s32 $0x20;
	v4 =	vmax.f32 v4, $0.0e+00;
	v8 =	vadd.f32 $-1.000000010e-01, v3  }
0xd4: {  	v4 =	vmul.f32 v4, v4;
	v7 =	vand.u32 $0x7FFFFFFF, v7;
	v3 =	vld [tilespmem:s5+$0x2000];
	v62 =	vsub.f32 v13, v12  }
0xd5: {  	v0 =	vadd.f32 v2, v0;
	v2 =	vmax.f32 v8, $0.0e+00;
	v7 =	vadd.f32 $-1.000000010e-01, v7;
	v63 =	vld [tilespmem:s7+$0x0]  }
0xd6: {  	v1 =	vmul.f32 v4, v1;
	v2 =	vmul.f32 v2, v2;
	v8 =	vld.idx.msk [tilespmem:v10+s31+$0x0], $0xffff;
	v9 =	vand.u32 $0x7FFFFFFF, v62  }
0xd7: {  	v7 =	vmax.f32 v7, $0.0e+00;
	v4 =	vld.idx.msk [tilespmem:v11+s29+$0x0], $0xffff;
	v9 =	vadd.f32 $-1.000000010e-01, v9  }
0xd8: {  	v0 =	vadd.f32 v1, v0;
	v1 =	vmul.f32 v2, v6;
	v2 =	vmul.f32 v7, v7  }
0xd9: {  	v6 =	vmax.f32 v9, $0.0e+00  }
0xda: {  	v0 =	vadd.f32 v1, v0;
	v1 =	vmul.f32 v2, v5;
	v2 =	vmul.f32 v6, v6  }
0xdb: {  	s6 =	simm.s32 $0x30  }
0xdc: {  	v5 =	vld [tilespmem:s6+$0x2000];
	v0 =	vadd.f32 v1, v0;
	v4 =	vsub.f32 v63, v4;
	v2 =	vmul.f32 v2, v8  }
0xdd: {  	s7 =	simm.s32 $0x100;
	v1 =	vld.idx.msk [tilespmem:v11+s31+$0x0], $0xffff;
	v6 =	vmov v3  }
.LBB2_10:
0xde: {  	p0 =	sne.s32 s7, $0x7FC0;
	v7 =	vld.idx.msk [tilespmem:v3+s29+$0x0], $0xffff;
	v3 =	vand.u32 $0x7FFFFFFF, v4;
	v0 =	vadd.f32 v2, v0  }
0xdf: {  	v2 =	vld [tilespmem:s5+$0x0];
	v8 =	vadd.f32 $-1.000000010e-01, v3;
	s5 =	smov.u32 s6;
	_ =	sdelay $0x1  }
.Ltmp4:
0xe0: {  	v4 =	vmax.f32 v8, $0.0e+00;
	v3 =	vmov v5;
	(pc) =	sbr.rel @p0 .LBB2_10-.Ltmp4, $4  }
0xe1: {  	v8 =	vmul.f32 v4, v4  }
0xe2: {  	s6 =	sshra.s32 s7, $0x2  }
0xe3: {  	v5 =	vld [tilespmem:s6+$0x2000];
	v4 =	vsub.f32 v2, v7;
	v2 =	vmul.f32 v8, v1  }
0xe4: {  	s7 =	sadd.s32 $0x40, s7;
	v1 =	vld.idx.msk [tilespmem:v6+s31+$0x0], $0xffff;
	v6 =	vmov v3  }
0xe5: {  	_ =	sdelay $0x3  }
0xe6: {  	v3 =	vld.idx.msk [tilespmem:v3+s29+$0x0], $0xffff  }
0xe7: {  	v7 =	vld [tilespmem:s5+$0x0]  }
0xe8: {  	v6 =	vld.idx.msk [tilespmem:v6+s31+$0x0], $0xffff  }
0xe9: {  	v9 =	vld [tilespmem:s6+$0x0]  }
0xea: {  	s7 =	simm.s32 $0x0;
	v8 =	vld.idx.msk [tilespmem:v5+s29+$0x0], $0xffff  }
0xeb: {  	v5 =	vld.idx.msk [tilespmem:v5+s31+$0x0], $0xffff;
	[tilespmem:s7], [sflag:$0x1] =	stream.strided.gather [hbm4b:s12+s1], $0x2000, s2, s1, $0x38  }
0xec: {  	_ =	swait.ge [sflag:s30], $0x2000  }
0xed: {  	[sflag:s30] =	ssyncset.done $0x0  }
0xee: {  	[sflag:s30] =	ssyncadd.s32 $0xFFFFE000  }
0xef: {  	[tilespmem:s3], [sflag:$0x1] =	stream.strided.gather [hbm4b:s13+s1], $0x2000, s2, s1, $0x38;
	[tilespmem:$0x4200] =	vst v63  }
0xf0: {  	_ =	swait.ge [sflag:s30], $0x2000  }
0xf1: {  	[sflag:s30] =	ssyncset.done $0x0  }
0xf2: {  	s6 =	simm.s32 $0x0;
	[sflag:s30] =	ssyncadd.s32 $0xFFFFE000  }
0xf3: {  	v10 =	vld [tilespmem:s6+$0x2000];
	_ =	sdelay $0x4  }
0xf4: {  	s7 =	simm.s32 $0x10  }
0xf5: {  	v11 =	vld [tilespmem:s7+$0x2000]  }
0xf6: {  	v13 =	vld [tilespmem:s6+$0x0]  }
0xf7: {  	v12 =	vld.idx.msk [tilespmem:v10+s29+$0x0], $0xffff  }
0xf8: {  	v4 =	vand.u32 $0x7FFFFFFF, v4;
	v3 =	vsub.f32 v7, v3  }
0xf9: {  	v4 =	vadd.f32 $-1.000000010e-01, v4  }
0xfa: {  	v3 =	vand.u32 $0x7FFFFFFF, v3;
	v7 =	vsub.f32 v9, v8  }
0xfb: {  	s5 =	simm.s32 $0x20;
	v4 =	vmax.f32 v4, $0.0e+00;
	v8 =	vadd.f32 $-1.000000010e-01, v3  }
0xfc: {  	v4 =	vmul.f32 v4, v4;
	v7 =	vand.u32 $0x7FFFFFFF, v7;
	v3 =	vld [tilespmem:s5+$0x2000];
	v62 =	vsub.f32 v13, v12  }
0xfd: {  	v0 =	vadd.f32 v2, v0;
	v2 =	vmax.f32 v8, $0.0e+00;
	v7 =	vadd.f32 $-1.000000010e-01, v7;
	v63 =	vld [tilespmem:s7+$0x0]  }
0xfe: {  	v1 =	vmul.f32 v4, v1;
	v2 =	vmul.f32 v2, v2;
	v8 =	vld.idx.msk [tilespmem:v10+s31+$0x0], $0xffff;
	v9 =	vand.u32 $0x7FFFFFFF, v62  }
0xff: {  	v7 =	vmax.f32 v7, $0.0e+00;
	v4 =	vld.idx.msk [tilespmem:v11+s29+$0x0], $0xffff;
	v9 =	vadd.f32 $-1.000000010e-01, v9  }
0x100: {  	v0 =	vadd.f32 v1, v0;
	v1 =	vmul.f32 v2, v6;
	v2 =	vmul.f32 v7, v7  }
0x101: {  	v6 =	vmax.f32 v9, $0.0e+00  }
0x102: {  	v0 =	vadd.f32 v1, v0;
	v1 =	vmul.f32 v2, v5;
	v2 =	vmul.f32 v6, v6  }
0x103: {  	s6 =	simm.s32 $0x30  }
0x104: {  	v5 =	vld [tilespmem:s6+$0x2000];
	v0 =	vadd.f32 v1, v0;
	v4 =	vsub.f32 v63, v4;
	v2 =	vmul.f32 v2, v8  }
0x105: {  	s7 =	simm.s32 $0x100;
	v1 =	vld.idx.msk [tilespmem:v11+s31+$0x0], $0xffff;
	v6 =	vmov v3  }
.LBB2_12:
0x106: {  	p0 =	sne.s32 s7, $0x7FC0;
	v7 =	vld.idx.msk [tilespmem:v3+s29+$0x0], $0xffff;
	v3 =	vand.u32 $0x7FFFFFFF, v4;
	v0 =	vadd.f32 v2, v0  }
0x107: {  	v2 =	vld [tilespmem:s5+$0x0];
	v8 =	vadd.f32 $-1.000000010e-01, v3;
	s5 =	smov.u32 s6;
	_ =	sdelay $0x1  }
.Ltmp5:
0x108: {  	v4 =	vmax.f32 v8, $0.0e+00;
	v3 =	vmov v5;
	(pc) =	sbr.rel @p0 .LBB2_12-.Ltmp5, $4  }
0x109: {  	v8 =	vmul.f32 v4, v4  }
0x10a: {  	s6 =	sshra.s32 s7, $0x2  }
0x10b: {  	v5 =	vld [tilespmem:s6+$0x2000];
	v4 =	vsub.f32 v2, v7;
	v2 =	vmul.f32 v8, v1  }
0x10c: {  	s7 =	sadd.s32 $0x40, s7;
	v1 =	vld.idx.msk [tilespmem:v6+s31+$0x0], $0xffff;
	v6 =	vmov v3  }
0x10d: {  	_ =	sdelay $0x3  }
0x10e: {  	v3 =	vld.idx.msk [tilespmem:v3+s29+$0x0], $0xffff  }
0x10f: {  	v7 =	vld [tilespmem:s5+$0x0]  }
0x110: {  	v6 =	vld.idx.msk [tilespmem:v6+s31+$0x0], $0xffff  }
0x111: {  	v9 =	vld [tilespmem:s6+$0x0]  }
0x112: {  	s7 =	simm.s32 $0x0;
	v8 =	vld.idx.msk [tilespmem:v5+s29+$0x0], $0xffff  }
0x113: {  	v5 =	vld.idx.msk [tilespmem:v5+s31+$0x0], $0xffff;
	[tilespmem:s7], [sflag:$0x1] =	stream.strided.gather [hbm4b:s14+s1], $0x2000, s2, s1, $0x38  }
0x114: {  	_ =	swait.ge [sflag:s30], $0x2000  }
0x115: {  	[sflag:s30] =	ssyncset.done $0x0  }
0x116: {  	[sflag:s30] =	ssyncadd.s32 $0xFFFFE000  }
0x117: {  	[tilespmem:s3], [sflag:$0x1] =	stream.strided.gather [hbm4b:s15+s1], $0x2000, s2, s1, $0x38;
	[tilespmem:$0x4200] =	vst v63  }
0x118: {  	_ =	swait.ge [sflag:s30], $0x2000  }
0x119: {  	[sflag:s30] =	ssyncset.done $0x0  }
0x11a: {  	s6 =	simm.s32 $0x0;
	[sflag:s30] =	ssyncadd.s32 $0xFFFFE000  }
0x11b: {  	v10 =	vld [tilespmem:s6+$0x2000];
	_ =	sdelay $0x4  }
0x11c: {  	s7 =	simm.s32 $0x10  }
0x11d: {  	v11 =	vld [tilespmem:s7+$0x2000]  }
0x11e: {  	v13 =	vld [tilespmem:s6+$0x0]  }
0x11f: {  	v12 =	vld.idx.msk [tilespmem:v10+s29+$0x0], $0xffff  }
0x120: {  	v4 =	vand.u32 $0x7FFFFFFF, v4;
	v3 =	vsub.f32 v7, v3  }
0x121: {  	v4 =	vadd.f32 $-1.000000010e-01, v4  }
0x122: {  	v3 =	vand.u32 $0x7FFFFFFF, v3;
	v7 =	vsub.f32 v9, v8  }
0x123: {  	s5 =	simm.s32 $0x20;
	v4 =	vmax.f32 v4, $0.0e+00;
	v8 =	vadd.f32 $-1.000000010e-01, v3  }
0x124: {  	v4 =	vmul.f32 v4, v4;
	v7 =	vand.u32 $0x7FFFFFFF, v7;
	v3 =	vld [tilespmem:s5+$0x2000];
	v62 =	vsub.f32 v13, v12  }
0x125: {  	v0 =	vadd.f32 v2, v0;
	v2 =	vmax.f32 v8, $0.0e+00;
	v7 =	vadd.f32 $-1.000000010e-01, v7;
	v63 =	vld [tilespmem:s7+$0x0]  }
0x126: {  	v1 =	vmul.f32 v4, v1;
	v2 =	vmul.f32 v2, v2;
	v8 =	vld.idx.msk [tilespmem:v10+s31+$0x0], $0xffff;
	v9 =	vand.u32 $0x7FFFFFFF, v62  }
0x127: {  	v7 =	vmax.f32 v7, $0.0e+00;
	v4 =	vld.idx.msk [tilespmem:v11+s29+$0x0], $0xffff;
	v9 =	vadd.f32 $-1.000000010e-01, v9  }
0x128: {  	v0 =	vadd.f32 v1, v0;
	v1 =	vmul.f32 v2, v6;
	v2 =	vmul.f32 v7, v7  }
0x129: {  	v6 =	vmax.f32 v9, $0.0e+00  }
0x12a: {  	v0 =	vadd.f32 v1, v0;
	v1 =	vmul.f32 v2, v5;
	v2 =	vmul.f32 v6, v6  }
0x12b: {  	s6 =	simm.s32 $0x30  }
0x12c: {  	v5 =	vld [tilespmem:s6+$0x2000];
	v0 =	vadd.f32 v1, v0;
	v4 =	vsub.f32 v63, v4;
	v2 =	vmul.f32 v2, v8  }
0x12d: {  	s7 =	simm.s32 $0x100;
	v1 =	vld.idx.msk [tilespmem:v11+s31+$0x0], $0xffff;
	v6 =	vmov v3  }
.LBB2_14:
0x12e: {  	p0 =	sne.s32 s7, $0x7FC0;
	v7 =	vld.idx.msk [tilespmem:v3+s29+$0x0], $0xffff;
	v3 =	vand.u32 $0x7FFFFFFF, v4;
	v0 =	vadd.f32 v2, v0  }
0x12f: {  	v2 =	vld [tilespmem:s5+$0x0];
	v8 =	vadd.f32 $-1.000000010e-01, v3;
	s5 =	smov.u32 s6;
	_ =	sdelay $0x1  }
.Ltmp6:
0x130: {  	v4 =	vmax.f32 v8, $0.0e+00;
	v3 =	vmov v5;
	(pc) =	sbr.rel @p0 .LBB2_14-.Ltmp6, $4  }
0x131: {  	v8 =	vmul.f32 v4, v4  }
0x132: {  	s6 =	sshra.s32 s7, $0x2  }
0x133: {  	v5 =	vld [tilespmem:s6+$0x2000];
	v4 =	vsub.f32 v2, v7;
	v2 =	vmul.f32 v8, v1  }
0x134: {  	s7 =	sadd.s32 $0x40, s7;
	v1 =	vld.idx.msk [tilespmem:v6+s31+$0x0], $0xffff;
	v6 =	vmov v3  }
0x135: {  	_ =	sdelay $0x3  }
0x136: {  	v3 =	vld.idx.msk [tilespmem:v3+s29+$0x0], $0xffff  }
0x137: {  	v7 =	vld [tilespmem:s5+$0x0]  }
0x138: {  	v6 =	vld.idx.msk [tilespmem:v6+s31+$0x0], $0xffff  }
0x139: {  	v9 =	vld [tilespmem:s6+$0x0]  }
0x13a: {  	s7 =	simm.s32 $0x0;
	v8 =	vld.idx.msk [tilespmem:v5+s29+$0x0], $0xffff  }
0x13b: {  	v5 =	vld.idx.msk [tilespmem:v5+s31+$0x0], $0xffff;
	[tilespmem:s7], [sflag:$0x1] =	stream.strided.gather [hbm4b:s16+s1], $0x2000, s2, s1, $0x38  }
0x13c: {  	_ =	swait.ge [sflag:s30], $0x2000  }
0x13d: {  	[sflag:s30] =	ssyncset.done $0x0  }
0x13e: {  	[sflag:s30] =	ssyncadd.s32 $0xFFFFE000  }
0x13f: {  	[tilespmem:s3], [sflag:$0x1] =	stream.strided.gather [hbm4b:s17+s1], $0x2000, s2, s1, $0x38;
	[tilespmem:$0x4200] =	vst v63  }
0x140: {  	_ =	swait.ge [sflag:s30], $0x2000  }
0x141: {  	[sflag:s30] =	ssyncset.done $0x0  }
0x142: {  	s6 =	simm.s32 $0x0;
	[sflag:s30] =	ssyncadd.s32 $0xFFFFE000  }
0x143: {  	v10 =	vld [tilespmem:s6+$0x2000];
	_ =	sdelay $0x4  }
0x144: {  	s7 =	simm.s32 $0x10  }
0x145: {  	v11 =	vld [tilespmem:s7+$0x2000]  }
0x146: {  	v13 =	vld [tilespmem:s6+$0x0]  }
0x147: {  	v12 =	vld.idx.msk [tilespmem:v10+s29+$0x0], $0xffff  }
0x148: {  	v4 =	vand.u32 $0x7FFFFFFF, v4;
	v3 =	vsub.f32 v7, v3  }
0x149: {  	v4 =	vadd.f32 $-1.000000010e-01, v4  }
0x14a: {  	v3 =	vand.u32 $0x7FFFFFFF, v3;
	v7 =	vsub.f32 v9, v8  }
0x14b: {  	s5 =	simm.s32 $0x20;
	v4 =	vmax.f32 v4, $0.0e+00;
	v8 =	vadd.f32 $-1.000000010e-01, v3  }
0x14c: {  	v4 =	vmul.f32 v4, v4;
	v7 =	vand.u32 $0x7FFFFFFF, v7;
	v3 =	vld [tilespmem:s5+$0x2000];
	v62 =	vsub.f32 v13, v12  }
0x14d: {  	v0 =	vadd.f32 v2, v0;
	v2 =	vmax.f32 v8, $0.0e+00;
	v7 =	vadd.f32 $-1.000000010e-01, v7;
	v63 =	vld [tilespmem:s7+$0x0]  }
0x14e: {  	v1 =	vmul.f32 v4, v1;
	v2 =	vmul.f32 v2, v2;
	v8 =	vld.idx.msk [tilespmem:v10+s31+$0x0], $0xffff;
	v9 =	vand.u32 $0x7FFFFFFF, v62  }
0x14f: {  	v7 =	vmax.f32 v7, $0.0e+00;
	v4 =	vld.idx.msk [tilespmem:v11+s29+$0x0], $0xffff;
	v9 =	vadd.f32 $-1.000000010e-01, v9  }
0x150: {  	v0 =	vadd.f32 v1, v0;
	v1 =	vmul.f32 v2, v6;
	v2 =	vmul.f32 v7, v7  }
0x151: {  	v6 =	vmax.f32 v9, $0.0e+00  }
0x152: {  	v0 =	vadd.f32 v1, v0;
	v1 =	vmul.f32 v2, v5;
	v2 =	vmul.f32 v6, v6  }
0x153: {  	s6 =	simm.s32 $0x30  }
0x154: {  	v5 =	vld [tilespmem:s6+$0x2000];
	v0 =	vadd.f32 v1, v0;
	v4 =	vsub.f32 v63, v4;
	v2 =	vmul.f32 v2, v8  }
0x155: {  	s7 =	simm.s32 $0x100;
	v1 =	vld.idx.msk [tilespmem:v11+s31+$0x0], $0xffff;
	v6 =	vmov v3  }
.LBB2_16:
0x156: {  	p0 =	sne.s32 s7, $0x7FC0;
	v7 =	vld.idx.msk [tilespmem:v3+s29+$0x0], $0xffff;
	v3 =	vand.u32 $0x7FFFFFFF, v4;
	v0 =	vadd.f32 v2, v0  }
0x157: {  	v2 =	vld [tilespmem:s5+$0x0];
	v8 =	vadd.f32 $-1.000000010e-01, v3;
	s5 =	smov.u32 s6;
	_ =	sdelay $0x1  }
.Ltmp7:
0x158: {  	v4 =	vmax.f32 v8, $0.0e+00;
	v3 =	vmov v5;
	(pc) =	sbr.rel @p0 .LBB2_16-.Ltmp7, $4  }
0x159: {  	v8 =	vmul.f32 v4, v4  }
0x15a: {  	s6 =	sshra.s32 s7, $0x2  }
0x15b: {  	v5 =	vld [tilespmem:s6+$0x2000];
	v4 =	vsub.f32 v2, v7;
	v2 =	vmul.f32 v8, v1  }
0x15c: {  	s7 =	sadd.s32 $0x40, s7;
	v1 =	vld.idx.msk [tilespmem:v6+s31+$0x0], $0xffff;
	v6 =	vmov v3  }
0x15d: {  	_ =	sdelay $0x3  }
0x15e: {  	v3 =	vld.idx.msk [tilespmem:v3+s29+$0x0], $0xffff  }
0x15f: {  	v7 =	vld [tilespmem:s5+$0x0]  }
0x160: {  	v6 =	vld.idx.msk [tilespmem:v6+s31+$0x0], $0xffff  }
0x161: {  	v9 =	vld [tilespmem:s6+$0x0]  }
0x162: {  	s7 =	simm.s32 $0x0;
	v8 =	vld.idx.msk [tilespmem:v5+s29+$0x0], $0xffff  }
0x163: {  	v5 =	vld.idx.msk [tilespmem:v5+s31+$0x0], $0xffff;
	[tilespmem:s7], [sflag:$0x1] =	stream.strided.gather [hbm4b:s18+s1], $0x2000, s2, s1, $0x38  }
0x164: {  	_ =	swait.ge [sflag:s30], $0x2000  }
0x165: {  	[sflag:s30] =	ssyncset.done $0x0  }
0x166: {  	[sflag:s30] =	ssyncadd.s32 $0xFFFFE000  }
0x167: {  	[tilespmem:s3], [sflag:$0x1] =	stream.strided.gather [hbm4b:s19+s1], $0x2000, s2, s1, $0x38;
	[tilespmem:$0x4200] =	vst v63  }
0x168: {  	_ =	swait.ge [sflag:s30], $0x2000  }
0x169: {  	[sflag:s30] =	ssyncset.done $0x0  }
0x16a: {  	s6 =	simm.s32 $0x0;
	[sflag:s30] =	ssyncadd.s32 $0xFFFFE000  }
0x16b: {  	v10 =	vld [tilespmem:s6+$0x2000];
	_ =	sdelay $0x4  }
0x16c: {  	s7 =	simm.s32 $0x10  }
0x16d: {  	v11 =	vld [tilespmem:s7+$0x2000]  }
0x16e: {  	v13 =	vld [tilespmem:s6+$0x0]  }
0x16f: {  	v12 =	vld.idx.msk [tilespmem:v10+s29+$0x0], $0xffff  }
0x170: {  	v4 =	vand.u32 $0x7FFFFFFF, v4;
	v3 =	vsub.f32 v7, v3  }
0x171: {  	v4 =	vadd.f32 $-1.000000010e-01, v4  }
0x172: {  	v3 =	vand.u32 $0x7FFFFFFF, v3;
	v7 =	vsub.f32 v9, v8  }
0x173: {  	s5 =	simm.s32 $0x20;
	v4 =	vmax.f32 v4, $0.0e+00;
	v8 =	vadd.f32 $-1.000000010e-01, v3  }
0x174: {  	v4 =	vmul.f32 v4, v4;
	v7 =	vand.u32 $0x7FFFFFFF, v7;
	v3 =	vld [tilespmem:s5+$0x2000];
	v62 =	vsub.f32 v13, v12  }
0x175: {  	v0 =	vadd.f32 v2, v0;
	v2 =	vmax.f32 v8, $0.0e+00;
	v7 =	vadd.f32 $-1.000000010e-01, v7;
	v63 =	vld [tilespmem:s7+$0x0]  }
0x176: {  	v1 =	vmul.f32 v4, v1;
	v2 =	vmul.f32 v2, v2;
	v8 =	vld.idx.msk [tilespmem:v10+s0+$0x0], $0xffff;
	v9 =	vand.u32 $0x7FFFFFFF, v62  }
0x177: {  	v7 =	vmax.f32 v7, $0.0e+00;
	v4 =	vld.idx.msk [tilespmem:v11+s29+$0x0], $0xffff;
	v9 =	vadd.f32 $-1.000000010e-01, v9  }
0x178: {  	v0 =	vadd.f32 v1, v0;
	v1 =	vmul.f32 v2, v6;
	v2 =	vmul.f32 v7, v7  }
0x179: {  	v6 =	vmax.f32 v9, $0.0e+00  }
0x17a: {  	v0 =	vadd.f32 v1, v0;
	v1 =	vmul.f32 v2, v5;
	v2 =	vmul.f32 v6, v6  }
0x17b: {  	s6 =	simm.s32 $0x30  }
0x17c: {  	v5 =	vld [tilespmem:s6+$0x2000];
	v0 =	vadd.f32 v1, v0;
	v4 =	vsub.f32 v63, v4;
	v2 =	vmul.f32 v2, v8  }
0x17d: {  	s7 =	simm.s32 $0x100;
	v1 =	vld.idx.msk [tilespmem:v11+s0+$0x0], $0xffff;
	v6 =	vmov v3  }
.LBB2_18:
0x17e: {  	p0 =	sne.s32 s7, $0x7FC0;
	v7 =	vld.idx.msk [tilespmem:v3+s29+$0x0], $0xffff;
	v3 =	vand.u32 $0x7FFFFFFF, v4;
	v0 =	vadd.f32 v2, v0  }
0x17f: {  	v2 =	vld [tilespmem:s5+$0x0];
	v8 =	vadd.f32 $-1.000000010e-01, v3;
	s5 =	smov.u32 s6;
	_ =	sdelay $0x1  }
.Ltmp8:
0x180: {  	v4 =	vmax.f32 v8, $0.0e+00;
	v3 =	vmov v5;
	(pc) =	sbr.rel @p0 .LBB2_18-.Ltmp8, $4  }
0x181: {  	v8 =	vmul.f32 v4, v4  }
0x182: {  	s6 =	sshra.s32 s7, $0x2  }
0x183: {  	v5 =	vld [tilespmem:s6+$0x2000];
	v4 =	vsub.f32 v2, v7;
	v2 =	vmul.f32 v8, v1  }
0x184: {  	s7 =	sadd.s32 $0x40, s7;
	v1 =	vld.idx.msk [tilespmem:v6+s0+$0x0], $0xffff;
	v6 =	vmov v3  }
0x185: {  	_ =	sdelay $0x3  }
0x186: {  	v3 =	vld.idx.msk [tilespmem:v3+s29+$0x0], $0xffff  }
0x187: {  	v7 =	vld [tilespmem:s5+$0x0]  }
0x188: {  	v6 =	vld.idx.msk [tilespmem:v6+s0+$0x0], $0xffff  }
0x189: {  	v9 =	vld [tilespmem:s6+$0x0]  }
0x18a: {  	s7 =	simm.s32 $0x0;
	v8 =	vld.idx.msk [tilespmem:v5+s29+$0x0], $0xffff  }
0x18b: {  	v5 =	vld.idx.msk [tilespmem:v5+s0+$0x0], $0xffff;
	[tilespmem:s7], [sflag:$0x1] =	stream.strided.gather [hbm4b:s21+s1], $0x2000, s2, s1, $0x38  }
0x18c: {  	_ =	swait.ge [sflag:s30], $0x2000  }
0x18d: {  	[sflag:s30] =	ssyncset.done $0x0  }
0x18e: {  	[sflag:s30] =	ssyncadd.s32 $0xFFFFE000  }
0x18f: {  	[tilespmem:s3], [sflag:$0x1] =	stream.strided.gather [hbm4b:s22+s1], $0x2000, s2, s1, $0x38;
	[tilespmem:$0x4200] =	vst v63  }
0x190: {  	_ =	swait.ge [sflag:s30], $0x2000  }
0x191: {  	[sflag:s30] =	ssyncset.done $0x0  }
0x192: {  	s6 =	simm.s32 $0x0;
	[sflag:s30] =	ssyncadd.s32 $0xFFFFE000  }
0x193: {  	v10 =	vld [tilespmem:s6+$0x2000];
	_ =	sdelay $0x4  }
0x194: {  	s7 =	simm.s32 $0x10  }
0x195: {  	v11 =	vld [tilespmem:s7+$0x2000]  }
0x196: {  	v13 =	vld [tilespmem:s6+$0x0]  }
0x197: {  	v12 =	vld.idx.msk [tilespmem:v10+s29+$0x0], $0xffff  }
0x198: {  	v4 =	vand.u32 $0x7FFFFFFF, v4;
	v3 =	vsub.f32 v7, v3  }
0x199: {  	v4 =	vadd.f32 $-1.000000010e-01, v4  }
0x19a: {  	v3 =	vand.u32 $0x7FFFFFFF, v3;
	v7 =	vsub.f32 v9, v8  }
0x19b: {  	s5 =	simm.s32 $0x20;
	v4 =	vmax.f32 v4, $0.0e+00;
	v8 =	vadd.f32 $-1.000000010e-01, v3  }
0x19c: {  	v4 =	vmul.f32 v4, v4;
	v7 =	vand.u32 $0x7FFFFFFF, v7;
	v3 =	vld [tilespmem:s5+$0x2000];
	v62 =	vsub.f32 v13, v12  }
0x19d: {  	v0 =	vadd.f32 v2, v0;
	v2 =	vmax.f32 v8, $0.0e+00;
	v7 =	vadd.f32 $-1.000000010e-01, v7;
	v63 =	vld [tilespmem:s7+$0x0]  }
0x19e: {  	v1 =	vmul.f32 v4, v1;
	v2 =	vmul.f32 v2, v2;
	v8 =	vld.idx.msk [tilespmem:v10+s0+$0x0], $0xffff;
	v9 =	vand.u32 $0x7FFFFFFF, v62  }
0x19f: {  	v7 =	vmax.f32 v7, $0.0e+00;
	v4 =	vld.idx.msk [tilespmem:v11+s29+$0x0], $0xffff;
	v9 =	vadd.f32 $-1.000000010e-01, v9  }
0x1a0: {  	v0 =	vadd.f32 v1, v0;
	v1 =	vmul.f32 v2, v6;
	v2 =	vmul.f32 v7, v7  }
0x1a1: {  	v6 =	vmax.f32 v9, $0.0e+00  }
0x1a2: {  	v0 =	vadd.f32 v1, v0;
	v1 =	vmul.f32 v2, v5;
	v5 =	vmul.f32 v6, v6  }
0x1a3: {  	s6 =	simm.s32 $0x30  }
0x1a4: {  	v2 =	vld [tilespmem:s6+$0x2000];
	v0 =	vadd.f32 v1, v0;
	v6 =	vsub.f32 v63, v4;
	v5 =	vmul.f32 v5, v8  }
0x1a5: {  	s7 =	simm.s32 $0x100;
	v1 =	vld.idx.msk [tilespmem:v11+s0+$0x0], $0xffff;
	v4 =	vmov v3  }
.LBB2_20:
0x1a6: {  	p0 =	sne.s32 s7, $0x7FC0;
	v7 =	vld.idx.msk [tilespmem:v3+s29+$0x0], $0xffff;
	v3 =	vand.u32 $0x7FFFFFFF, v6;
	v0 =	vadd.f32 v5, v0  }
0x1a7: {  	v5 =	vld [tilespmem:s5+$0x0];
	v8 =	vadd.f32 $-1.000000010e-01, v3;
	s5 =	smov.u32 s6;
	_ =	sdelay $0x1  }
.Ltmp9:
0x1a8: {  	v6 =	vmax.f32 v8, $0.0e+00;
	v3 =	vmov v2;
	(pc) =	sbr.rel @p0 .LBB2_20-.Ltmp9, $4  }
0x1a9: {  	v8 =	vmul.f32 v6, v6  }
0x1aa: {  	s6 =	sshra.s32 s7, $0x2  }
0x1ab: {  	v2 =	vld [tilespmem:s6+$0x2000];
	v6 =	vsub.f32 v5, v7;
	v5 =	vmul.f32 v8, v1  }
0x1ac: {  	s7 =	sadd.s32 $0x40, s7;
	v1 =	vld.idx.msk [tilespmem:v4+s0+$0x0], $0xffff;
	v4 =	vmov v3  }
0x1ad: {  	_ =	sdelay $0x3  }
0x1ae: {  	v3 =	vld.idx.msk [tilespmem:v3+s29+$0x0], $0xffff  }
0x1af: {  	v7 =	vld [tilespmem:s5+$0x0]  }
0x1b0: {  	v9 =	vld [tilespmem:s6+$0x0]  }
0x1b1: {  	v8 =	vld.idx.msk [tilespmem:v2+s29+$0x0], $0xffff;
	_ =	sdelay $0x2  }
0x1b2: {  	v6 =	vand.u32 $0x7FFFFFFF, v6;
	v3 =	vsub.f32 v7, v3  }
0x1b3: {  	v6 =	vadd.f32 $-1.000000010e-01, v6  }
0x1b4: {  	v3 =	vand.u32 $0x7FFFFFFF, v3;
	v58 =	vsub.f32 v9, v8  }
0x1b5: {  	v4 =	vld.idx.msk [tilespmem:v4+s0+$0x0], $0xffff;
	v6 =	vmax.f32 v6, $0.0e+00;
	v3 =	vadd.f32 $-1.000000010e-01, v3  }
0x1b6: {  	v6 =	vmul.f32 v6, v6;
	v7 =	vand.u32 $0x7FFFFFFF, v58  }
0x1b7: {  	v59 =	vld.idx.msk [tilespmem:v2+s0+$0x0], $0xffff;
	v3 =	vmax.f32 v3, $0.0e+00;
	v7 =	vadd.f32 $-1.000000010e-01, v7  }
0x1b8: {  	v0 =	vadd.f32 v5, v0;
	v1 =	vmul.f32 v6, v1;
	v3 =	vmul.f32 v3, v3  }
0x1b9: {  	v60 =	vmax.f32 v7, $0.0e+00  }
0x1ba: {  	v0 =	vadd.f32 v1, v0;
	v61 =	vmul.f32 v3, v4;
	v62 =	vmul.f32 v60, v60;
	_ =	sdelay $0x1  }
0x1bb: {  	v0 =	vadd.f32 v61, v0;
	v63 =	vmul.f32 v62, v59;
	_ =	sdelay $0x1  }
0x1bc: {  	s4 =	sadd.s32 $0x1, s4;
	v0 =	vadd.f32 v63, v0  }
0x1bd: {  	p0 =	sne.s32 s4, s28  }
.Ltmp10:
0x1be: {  	s7 =	simm.s32 $0x4180;
	[tilespmem:$0x4180] =	vst v0;
	(pc) =	sbr.rel @p0 .LBB2_1-.Ltmp10, $4  }
0x1bf: {  	[hbm4b:s26+s20] =	stream.linear.scatter [tilespmem:s7], [sflag:$0x1], $0x80, $0x38;
	[tilespmem:$0x4200] =	vst v63  }
0x1c0: {  	_ =	swait.ge [sflag:s30], $0x80  }
0x1c1: {  	[sflag:s30] =	ssyncset.done $0x0  }
0x1c2: {  	[sflag:s30] =	ssyncadd.s32 $0xFFFFFF80  }
0x1c3: {  	_ =	sfence.sel $0x180000  }
0x1c4: {  	[bflag:$0x0] =	sbarrier.arrive $0xFFFF  }
0x1c5: {  	_ =	strace $0x9000004A  }
0x1c6: {  	s0 =	stileid.u32;
	[bflag:$0x2] =	sbarrier.arrive $0xFFFF  }
0x1c7: {  	p0 =	sne.s32 s0, $0x0;
	s0 =	rddreg [dreg:$0x1]  }
0x1c8: {  	s0 =	sadd.s32 @!p0 $0x100000, s0  }
0x1c9: {  	[sflag:s0] =	ssyncadd.tile.s32 @!p0 $0x1;
	_ =	shalt  }
.Lfunc_end2:
_tile_overlayer_lowered:
.L_overlay_start_2:
0x1ca: {  	(tag) =	ssettag $0x2  }
0x1cb: {  	s0 =	rddreg [dreg:$0x0];
	s2 =	stileid.u32  }
0x1cc: {  	s1 =	rddreg [dreg:$0x1];
	p0 =	sne.s32 s2, $0x0  }
0x1cd: {  	s3 =	rddreg [dreg:$0x2];
	[bflag:$0x3] =	sbarrier.arrive $0xFFFF;
	s2 =	simm.s32 @!p0 $0x1C01  }
0x1ce: {  	[timem:s3], [sflag:s2] =	dma.local @!p0 [hbm:s0], s1  }
0x1cf: {  	s0 =	simm.s32 @!p0 $0x1  }
0x1d0: {  	_ =	swait.ge @!p0 [sflag:s0], s1  }
0x1d1: {  	s1 =	ssub.s32 @!p0 $0x0, s1;
	[sflag:s0] =	ssyncset.done @!p0 $0x0  }
0x1d2: {  	[sflag:s0] =	ssyncadd.s32 @!p0 s1  }
0x1d3: {  	[bflag:$0x3] =	sbarrier.arrive $0xFFFF  }
0x1d4: {  	_ =	shalt  }

</sc_bundles>
